<compile_context>
chip_gen: v7x
topology: tpu7x:2x2x1
jax: 0.10.2.dev20260603
libtpu: 0.0.44.dev20260713+nightly
codegen_flags: <defaults>
</compile_context>

<pallas_src>
import functools

import jax
import jax.numpy as jnp
from jax import lax
from jax.experimental import pallas as pl
from jax.experimental.pallas import tpu as pltpu
from jax.experimental.pallas import tpu_sc as plsc

NW = 32
EPS = 1e-5


def _node_body(G, H, x_ref, batch_ref, W1_ref, g1_ref, be1_ref, W2_ref,
               g2_ref, be2_ref, LW0_ref, Lb0_ref, EW1_ref,
               P_ref, Q_ref, z0_ref, out0_ref):
    def bn_relu(h, g, b):
        m = jnp.mean(h, axis=0, keepdims=True)
        v = jnp.mean((h - m) * (h - m), axis=0, keepdims=True)
        return jnp.maximum((h - m) * (g / jnp.sqrt(v + EPS)) + b, 0.0)

    x = x_ref[...]
    h = bn_relu(x @ W1_ref[...], g1_ref[...], be1_ref[...])
    h = bn_relu(h @ W2_ref[...], g2_ref[...], be2_ref[...])
    EW1 = EW1_ref[...]
    A = EW1[:H, :]
    B = EW1[H:, :]
    P_ref[...] = h @ (A - B)
    Q_ref[...] = h @ B
    z0 = h @ LW0_ref[...] + Lb0_ref[...]
    z0_ref[...] = z0
    ids = batch_ref[...]
    n = ids.shape[1]
    onehot = (lax.broadcasted_iota(jnp.int32, (G, n), 0) == ids
              ).astype(jnp.float32)
    sums = onehot @ z0
    cnt = jnp.sum(onehot, axis=1, keepdims=True)
    out0_ref[...] = sums / jnp.maximum(cnt, 1.0)


def _run_node(x, batch2d, W1, g1, be1, W2, g2, be2, LW0, Lb0, EW1, G):
    N, D = x.shape
    H = W1.shape[1]
    T = LW0.shape[1]
    return pl.pallas_call(
        functools.partial(_node_body, G, H),
        out_shape=(
            jax.ShapeDtypeStruct((N, H), jnp.float32),
            jax.ShapeDtypeStruct((N, H), jnp.float32),
            jax.ShapeDtypeStruct((N, T), jnp.float32),
            jax.ShapeDtypeStruct((G, T), jnp.float32),
        ),
    )(x, batch2d, W1, g1, be1, W2, g2, be2, LW0, Lb0, EW1)


GSZ = 128
GPS = 8


def _gather_body(nsup, ng_real, P_ref, Q_ref, dst2_ref, src2_ref,
                 U_ref, stats_ref, idxd, idxs, pd, qs, acc, sem):
    wid = lax.axis_index("c") * 16 + lax.axis_index("s")
    zero16 = jnp.zeros((16,), jnp.float32)
    for r0 in range(2):
        for c0 in range(2):
            acc[r0, pl.ds(c0 * 16, 16)] = zero16

    def super_body(sp, carry):
        gbase = wid * (nsup * GPS) + sp * GPS
        pltpu.sync_copy(dst2_ref.at[pl.ds(gbase, GPS)], idxd)
        pltpu.sync_copy(src2_ref.at[pl.ds(gbase, GPS)], idxs)
        cps = []
        for k in range(GPS):
            row = pl.ds(k * GSZ, GSZ)
            cps.append(pltpu.async_copy(P_ref.at[idxd.at[k]], pd.at[row], sem))
            cps.append(pltpu.async_copy(Q_ref.at[idxs.at[k]], qs.at[row], sem))
        for cp in cps:
            cp.wait()
        for k in range(GPS):
            @pl.when(gbase + k < ng_real)
            def _():
                def row_body(i, c2):
                    for j in range(2):
                        sl = pl.ds(j * 16, 16)
                        u = pd[i, sl] + qs[i, sl]
                        pd[i, sl] = u
                        plsc.addupdate(acc.at[0, sl], u)
                        plsc.addupdate(acc.at[1, sl], u * u)
                    return c2
                lax.fori_loop(k * GSZ, (k + 1) * GSZ, row_body, 0)
        pltpu.sync_copy(pd, U_ref.at[pl.ds(gbase * GSZ, GPS * GSZ)])
        return carry

    lax.fori_loop(0, nsup, super_body, 0)
    pltpu.sync_copy(acc, stats_ref.at[wid])


def _run_gather(P, Q, dst2, src2, ng_real, nsup):
    N, H = P.shape
    epad = dst2.shape[0] * GSZ
    mesh = plsc.VectorSubcoreMesh(core_axis_name="c", subcore_axis_name="s",
                                  num_cores=2, num_subcores=16)
    return pl.kernel(
        functools.partial(_gather_body, nsup, ng_real),
        out_type=(
            jax.ShapeDtypeStruct((epad, H), jnp.float32),
            jax.ShapeDtypeStruct((NW, 2, H), jnp.float32),
        ),
        mesh=mesh,
        compiler_params=pltpu.CompilerParams(use_tc_tiling_on_sc=False),
        scratch_types=[
            pltpu.VMEM((GPS, GSZ), jnp.int32),
            pltpu.VMEM((GPS, GSZ), jnp.int32),
            pltpu.VMEM((GPS * GSZ, H), jnp.float32),
            pltpu.VMEM((GPS * GSZ, H), jnp.float32),
            pltpu.VMEM((2, H), jnp.float32),
            pltpu.SemaphoreType.DMA,
        ],
    )(P, Q, dst2, src2)


def _emlp_body(nsteps, E, stats1_ref, eg1_ref, ebe1_ref, eg2_ref, ebe2_ref,
               EW2_ref, U_ref, W_ref, s2t2_ref, acc_ref):
    i = pl.program_id(0)
    sums = jnp.sum(stats1_ref[...], axis=0)
    mean1 = sums[0:1, :] / E
    var1 = sums[1:2, :] / E - mean1 * mean1
    s1 = eg1_ref[...] / jnp.sqrt(var1 + EPS)
    t1 = ebe1_ref[...] - mean1 * s1

    u = U_ref[...]
    v = jnp.maximum(u * s1 + t1, 0.0)
    w = v @ EW2_ref[...]
    W_ref[...] = w

    blk = jnp.concatenate(
        [jnp.sum(w, axis=0, keepdims=True),
         jnp.sum(w * w, axis=0, keepdims=True)], axis=0)

    @pl.when(i == 0)
    def _():
        acc_ref[...] = jnp.zeros_like(acc_ref)

    acc_ref[...] += blk

    @pl.when(i == nsteps - 1)
    def _():
        a = acc_ref[...]
        mean2 = a[0:1, :] / E
        var2 = a[1:2, :] / E - mean2 * mean2
        s2 = eg2_ref[...] / jnp.sqrt(var2 + EPS)
        t2 = ebe2_ref[...] - mean2 * s2
        s2t2_ref[...] = jnp.concatenate([s2, t2], axis=0)


def _run_emlp(stats1, eg1, ebe1, eg2, ebe2, EW2, U, E):
    epad, H = U.shape
    BLK = 4000
    nsteps = E // BLK
    return pl.pallas_call(
        functools.partial(_emlp_body, nsteps, float(E)),
        grid=(nsteps,),
        in_specs=[
            pl.BlockSpec((NW, 2, 32), lambda i: (0, 0, 0)),
            pl.BlockSpec((1, H), lambda i: (0, 0)),
            pl.BlockSpec((1, H), lambda i: (0, 0)),
            pl.BlockSpec((1, H), lambda i: (0, 0)),
            pl.BlockSpec((1, H), lambda i: (0, 0)),
            pl.BlockSpec((H, H), lambda i: (0, 0)),
            pl.BlockSpec((BLK, H), lambda i: (i, 0)),
        ],
        out_specs=[
            pl.BlockSpec((BLK, H), lambda i: (i, 0)),
            pl.BlockSpec((2, H), lambda i: (0, 0)),
        ],
        out_shape=[
            jax.ShapeDtypeStruct((epad, H), jnp.float32),
            jax.ShapeDtypeStruct((2, H), jnp.float32),
        ],
        scratch_shapes=[pltpu.VMEM((2, H), jnp.float32)],
    )(stats1, eg1, ebe1, eg2, ebe2, EW2, U)


def _scatter_body(nsup, ng_real, n_nodes, W_ref, dst2_ref, s2t2_ref,
                  agg_out, cnt_out, agg_sh, cnt_sh, wv, onesv, idxd,
                  s2t2_v, zb32, zb16, sem):
    cid = lax.axis_index("c")
    sid = lax.axis_index("s")
    rpt = n_nodes // 16

    pltpu.sync_copy(s2t2_ref, s2t2_v)

    zero16 = jnp.zeros((16,), jnp.float32)
    one16 = jnp.ones((16,), jnp.float32)

    def fill_rows(r, c2):
        for j in range(2):
            zb32[r, pl.ds(j * 16, 16)] = zero16
        zb16[r] = zero16
        return c2
    lax.fori_loop(0, 125, fill_rows, 0)

    def fill_ones(r, c2):
        onesv[r] = one16
        return c2
    lax.fori_loop(0, GSZ, fill_ones, 0)

    for q in range(5):
        off = sid * rpt + q * 125
        pltpu.sync_copy(zb32, agg_sh.at[pl.ds(off, 125)])
        pltpu.sync_copy(zb16, cnt_sh.at[pl.ds(off, 125)])
    plsc.subcore_barrier()

    def super_body(sp, carry):
        wid = cid * 16 + sid
        gbase = wid * (nsup * GPS) + sp * GPS
        pltpu.sync_copy(dst2_ref.at[pl.ds(gbase, GPS)], idxd)
        pltpu.sync_copy(W_ref.at[pl.ds(gbase * GSZ, GPS * GSZ)], wv)
        for k in range(GPS):
            @pl.when(gbase + k < ng_real)
            def _():
                def row_body(i, c2):
                    for j in range(2):
                        sl = pl.ds(j * 16, 16)
                        s2 = s2t2_v[0, sl]
                        t2 = s2t2_v[1, sl]
                        wv[i, sl] = jnp.maximum(wv[i, sl] * s2 + t2, 0.0)
                    return c2
                lax.fori_loop(k * GSZ, (k + 1) * GSZ, row_body, 0)
                pltpu.sync_copy(wv.at[pl.ds(k * GSZ, GSZ)],
                                agg_sh.at[idxd.at[k]], add=True)
                pltpu.sync_copy(onesv, cnt_sh.at[idxd.at[k]], add=True)
        return carry

    lax.fori_loop(0, nsup, super_body, 0)
    plsc.subcore_barrier()

    for q in range(5):
        off = sid * rpt + q * 125
        pltpu.sync_copy(agg_sh.at[pl.ds(off, 125)], wv.at[pl.ds(0, 125)])
        pltpu.sync_copy(wv.at[pl.ds(0, 125)], agg_out.at[cid, pl.ds(off, 125)])
        pltpu.sync_copy(cnt_sh.at[pl.ds(off, 125)], zb16)
        pltpu.sync_copy(zb16, cnt_out.at[cid, pl.ds(off, 125)])


def _run_scatter(Wm, dst2, s2t2, n_nodes, ng_real, nsup):
    H = Wm.shape[1]
    mesh = plsc.VectorSubcoreMesh(core_axis_name="c", subcore_axis_name="s",
                                  num_cores=2, num_subcores=16)
    return pl.kernel(
        functools.partial(_scatter_body, nsup, ng_real, n_nodes),
        out_type=(
            jax.ShapeDtypeStruct((2, n_nodes, H), jnp.float32),
            jax.ShapeDtypeStruct((2, n_nodes, 16), jnp.float32),
        ),
        mesh=mesh,
        compiler_params=pltpu.CompilerParams(use_tc_tiling_on_sc=False),
        scratch_types=[
            pltpu.VMEM_SHARED((n_nodes, H), jnp.float32),
            pltpu.VMEM_SHARED((n_nodes, 16), jnp.float32),
            pltpu.VMEM((GPS * GSZ, H), jnp.float32),
            pltpu.VMEM((GSZ, 16), jnp.float32),
            pltpu.VMEM((GPS, GSZ), jnp.int32),
            pltpu.VMEM((2, H), jnp.float32),
            pltpu.VMEM((125, H), jnp.float32),
            pltpu.VMEM((125, 16), jnp.float32),
            pltpu.SemaphoreType.DMA,
        ],
    )(Wm, dst2, s2t2)


def _final_body(G, aggp_ref, cntp_ref, z0_ref, batch_ref, LW1_ref, Lb1_ref,
                out0_ref, out_ref, Z_ref):
    agg = aggp_ref[0] + aggp_ref[1]
    cnt = cntp_ref[0, :, 0:1] + cntp_ref[1, :, 0:1]
    h2 = agg / jnp.maximum(cnt, 1.0)
    z1 = h2 @ LW1_ref[...] + Lb1_ref[...]
    Z_ref[...] = z0_ref[...] + z1
    ids = batch_ref[...]
    n = ids.shape[1]
    onehot = (lax.broadcasted_iota(jnp.int32, (G, n), 0) == ids
              ).astype(jnp.float32)
    sums = onehot @ z1
    cntg = jnp.sum(onehot, axis=1, keepdims=True)
    out_ref[...] = out0_ref[...] + sums / jnp.maximum(cntg, 1.0)


def _run_final(aggp, cntp, z0, batch2d, LW1, Lb1, out0, G):
    N, T = z0.shape
    return pl.pallas_call(
        functools.partial(_final_body, G),
        out_shape=(
            jax.ShapeDtypeStruct((G, T), jnp.float32),
            jax.ShapeDtypeStruct((N, T), jnp.float32),
        ),
    )(aggp, cntp, z0, batch2d, LW1, Lb1, out0)


def kernel(x, edge_index, batch, W1, b1, g1, be1, W2, b2, g2, be2, LW0, Lb0,
           EW1, Eb1, eg1, ebe1, EW2, Eb2, eg2, ebe2, LW1, Lb1):
    N, D = x.shape
    E = edge_index.shape[1]
    H = W1.shape[1]
    T = LW0.shape[1]
    G = 128

    r = lambda a: a.reshape(1, -1).astype(jnp.float32)
    batch2d = batch.reshape(1, N).astype(jnp.int32)
    src = edge_index[0].astype(jnp.int32)
    dst = edge_index[1].astype(jnp.int32)

    P, Q, z0, out0 = _run_node(x, batch2d, W1, r(g1), r(be1), W2, r(g2),
                               r(be2), LW0, r(Lb0), EW1, G)

    ng_real = -(-E // GSZ)
    gpt = -(-ng_real // NW)
    nsup = -(-gpt // GPS)
    ngpad = NW * nsup * GPS
    epad = ngpad * GSZ
    padi = jnp.zeros((epad - E,), jnp.int32)
    dst2 = jnp.concatenate([dst, padi]).reshape(ngpad, GSZ)
    src2 = jnp.concatenate([src, padi]).reshape(ngpad, GSZ)

    U, stats1 = _run_gather(P, Q, dst2, src2, ng_real, nsup)
    Wm, s2t2 = _run_emlp(stats1, r(eg1), r(ebe1), r(eg2), r(ebe2), EW2, U, E)
    aggp, cntp = _run_scatter(Wm, dst2, s2t2, N, ng_real, nsup)
    out, Z = _run_final(aggp, cntp, z0, batch2d, LW1, r(Lb1), out0, G)
    return (out, Z)

# --- scband reference (transcript-rebuilt; emitter-appended) ---
"""Pipeline reference for scband-gin-5325759447357 (READ-ONLY COPY).

The authoritative reference and input builder live on the scoring server;
editing this copy changes nothing except your own understanding.
"""

import jax, jax.numpy as jnp
import numpy as np

N = 10000
E = 320000
D = 128
H = 32
T = 16
G = 128

def _bn(x, g, b):
    m = jnp.mean(x, axis=0)
    v = jnp.var(x, axis=0)
    return (x - m) / jnp.sqrt(v + 1e-5) * g + b

def _mean_pool(z, ids, num):
    s = jax.ops.segment_sum(z, ids, num_segments=num)
    c = jax.ops.segment_sum(jnp.ones((z.shape[0],), dtype=z.dtype), ids, num_segments=num)
    return s / jnp.clip(c, 1.0)[:, None]

def setup_inputs(seed: int = 0):
    key = jax.random.key(seed)
    ks = jax.random.split(key, 16)
    def p(i, shape):
        return jax.random.normal(ks[i], shape, dtype=jnp.float32) * 0.05
    inp = {}
    inp['x'] = jax.random.normal(ks[0], (N, D), dtype=jnp.float32)
    inp['edge_index'] = jax.random.randint(ks[1], (2, E), 0, N)
    inp['batch'] = jnp.sort(jax.random.randint(ks[2], (N,), 0, G))
    inp['W1'] = p(3, (D, H)); inp['b1'] = jnp.zeros((H,), jnp.float32)
    inp['g1'] = jnp.ones((H,), jnp.float32); inp['be1'] = jnp.zeros((H,), jnp.float32)
    inp['W2'] = p(4, (H, H)); inp['b2'] = jnp.zeros((H,), jnp.float32)
    inp['g2'] = jnp.ones((H,), jnp.float32); inp['be2'] = jnp.zeros((H,), jnp.float32)
    inp['LW0'] = p(5, (H, T)); inp['Lb0'] = jnp.zeros((T,), jnp.float32)
    inp['EW1'] = p(6, (2 * H, H)); inp['Eb1'] = jnp.zeros((H,), jnp.float32)
    inp['eg1'] = jnp.ones((H,), jnp.float32); inp['ebe1'] = jnp.zeros((H,), jnp.float32)
    inp['EW2'] = p(7, (H, H)); inp['Eb2'] = jnp.zeros((H,), jnp.float32)
    inp['eg2'] = jnp.ones((H,), jnp.float32); inp['ebe2'] = jnp.zeros((H,), jnp.float32)
    inp['LW1'] = p(8, (H, T)); inp['Lb1'] = jnp.zeros((T,), jnp.float32)
    return inp

def reference(x, edge_index, batch, W1, b1, g1, be1, W2, b2, g2, be2, LW0, Lb0, EW1, Eb1, eg1, ebe1, EW2, Eb2, eg2, ebe2, LW1, Lb1):
    # Layer 0: first_h MLP (Linear-BN-ReLU-Linear-BN-ReLU), training-mode BN
    h = jax.nn.relu(_bn(x @ W1 + b1, g1, be1))
    h = jax.nn.relu(_bn(h @ W2 + b2, g2, be2))
    z0 = h @ LW0 + Lb0
    Z = z0
    out = _mean_pool(z0, batch, G)  # global_mean_pool; dropout p=0 is identity
    # Layer 1: EdgeConv with aggr='mean' (PyG semantics: i=target=edge_index[1], j=source=edge_index[0])
    src = edge_index[0]
    dst = edge_index[1]
    xi = h[dst]
    xj = h[src]
    m = jnp.concatenate([xi, xj - xi], axis=-1)
    m = jax.nn.relu(_bn(m @ EW1 + Eb1, eg1, ebe1))
    m = jax.nn.relu(_bn(m @ EW2 + Eb2, eg2, ebe2))
    agg = jax.ops.segment_sum(m, dst, num_segments=N)
    cnt = jax.ops.segment_sum(jnp.ones((E,), m.dtype), dst, num_segments=N)
    h2 = agg / jnp.clip(cnt, 1.0)[:, None]
    z1 = h2 @ LW1 + Lb1
    Z = Z + z1
    out = out + _mean_pool(z1, batch, G)
    return (out, Z)

if __name__ == "__main__":
    import jax
    _d = setup_inputs()
    print(jax.jit(kernel)(*tuple(_d.values())))

</pallas_src>

<mosaic_0001>
#map = affine_map<(d0, d1) -> (0, 0)>
#map1 = affine_map<(d0, d1) -> (0, 0, 0)>
module attributes {stable_mosaic.version = 14 : i64} {
  func.func @_gather_body(%arg0: i32, %arg1: i32, %arg2: memref<10000x32xf32, #tpu.memory_space<hbm>>, %arg3: memref<10000x32xf32, #tpu.memory_space<hbm>>, %arg4: memref<2560x128xi32, #tpu.memory_space<hbm>>, %arg5: memref<2560x128xi32, #tpu.memory_space<hbm>>, %arg6: memref<327680x32xf32, #tpu.memory_space<hbm>>, %arg7: memref<32x2x32xf32, #tpu.memory_space<hbm>>, %arg8: memref<8x128xi32, #tpu.memory_space<vmem>>, %arg9: memref<8x128xi32, #tpu.memory_space<vmem>>, %arg10: memref<1024x32xf32, #tpu.memory_space<vmem>>, %arg11: memref<1024x32xf32, #tpu.memory_space<vmem>>, %arg12: memref<2x32xf32, #tpu.memory_space<vmem>>, %arg13: memref<!tpu.dma_semaphore, #tpu.memory_space<semaphore_mem>>) attributes {dimension_semantics = [#tpu.dimension_semantics<core_parallel>, #tpu.dimension_semantics<subcore_parallel>], iteration_bounds = array<i64: 2, 16>, scalar_prefetch = 0 : i64, scratch_operands = 6 : i64, tpu.core_type = #tpu.core_type<sc_vector_subcore>, window_params = [{transform_indices = #map}, {transform_indices = #map}, {transform_indices = #map}, {transform_indices = #map}, {transform_indices = #map}, {transform_indices = #map1}]} {
    %mul3A = arith.constant 16 : i32
    %mul3A_0 = arith.muli %arg0, %mul3A : i32
    %add3A = arith.addi %mul3A_0, %arg1 : i32
    %broadcast_in_dim3A = arith.constant 0.000000e+00 : f32
    %broadcast_in_dim3A_1 = vector.broadcast %broadcast_in_dim3A : f32 to vector<16xf32>
    %swap3A = arith.constant 0 : i32
    %swap3A_2 = arith.index_cast %swap3A : i32 to index
    %swap3A_3 = arith.constant 0 : index
    %swap3A_4 = tpu.vector_load %arg12[%swap3A_2, %swap3A_3] {strides = array<i32>} : memref<2x32xf32, #tpu.memory_space<vmem>>, vector<1x16xf32>,
    %swap3A_5 = vector.shape_cast %swap3A_4 : vector<1x16xf32> to vector<16xf32>
    %swap3A_6 = vector.shape_cast %broadcast_in_dim3A_1 : vector<16xf32> to vector<1x16xf32>
    tpu.vector_store %arg12[%swap3A_2, %swap3A_3], %swap3A_6 {strides = array<i32>} : memref<2x32xf32, #tpu.memory_space<vmem>>, vector<1x16xf32>,
    %swap3A_7 = arith.constant 0 : i32
    %swap3A_8 = arith.index_cast %swap3A_7 : i32 to index
    %swap3A_9 = arith.constant 16 : index
    %swap3A_10 = tpu.vector_load %arg12[%swap3A_8, %swap3A_9] {strides = array<i32>} : memref<2x32xf32, #tpu.memory_space<vmem>>, vector<1x16xf32>,
    %swap3A_11 = vector.shape_cast %swap3A_10 : vector<1x16xf32> to vector<16xf32>
    %swap3A_12 = vector.shape_cast %broadcast_in_dim3A_1 : vector<16xf32> to vector<1x16xf32>
    tpu.vector_store %arg12[%swap3A_8, %swap3A_9], %swap3A_12 {strides = array<i32>} : memref<2x32xf32, #tpu.memory_space<vmem>>, vector<1x16xf32>,
    %swap3A_13 = arith.constant 1 : i32
    %swap3A_14 = arith.index_cast %swap3A_13 : i32 to index
    %swap3A_15 = arith.constant 0 : index
    %swap3A_16 = tpu.vector_load %arg12[%swap3A_14, %swap3A_15] {strides = array<i32>} : memref<2x32xf32, #tpu.memory_space<vmem>>, vector<1x16xf32>,
    %swap3A_17 = vector.shape_cast %swap3A_16 : vector<1x16xf32> to vector<16xf32>
    %swap3A_18 = vector.shape_cast %broadcast_in_dim3A_1 : vector<16xf32> to vector<1x16xf32>
    tpu.vector_store %arg12[%swap3A_14, %swap3A_15], %swap3A_18 {strides = array<i32>} : memref<2x32xf32, #tpu.memory_space<vmem>>, vector<1x16xf32>,
    %swap3A_19 = arith.constant 1 : i32
    %swap3A_20 = arith.index_cast %swap3A_19 : i32 to index
    %swap3A_21 = arith.constant 16 : index
    %swap3A_22 = tpu.vector_load %arg12[%swap3A_20, %swap3A_21] {strides = array<i32>} : memref<2x32xf32, #tpu.memory_space<vmem>>, vector<1x16xf32>,
    %swap3A_23 = vector.shape_cast %swap3A_22 : vector<1x16xf32> to vector<16xf32>
    %swap3A_24 = vector.shape_cast %broadcast_in_dim3A_1 : vector<16xf32> to vector<1x16xf32>
    tpu.vector_store %arg12[%swap3A_20, %swap3A_21], %swap3A_24 {strides = array<i32>} : memref<2x32xf32, #tpu.memory_space<vmem>>, vector<1x16xf32>,
    %scan3A = arith.constant 0 : i32
    %scan3A_25 = arith.constant 0 : i32
    %scan3A_26 = arith.constant 10 : i32
    %scan3A_27 = arith.addi %scan3A_25, %scan3A_26 : i32
    %scan3A_28 = arith.constant 1 : i32
    scf.for %scan3A_30 = %scan3A_25 to %scan3A_27 step %scan3A_28  : i32 {
      %mul3A_31 = arith.constant 80 : i32
      %mul3A_32 = arith.muli %add3A, %mul3A_31 : i32
      %mul3A_33 = arith.constant 8 : i32
      %mul3A_34 = arith.muli %scan3A_30, %mul3A_33 : i32
      %add3A_35 = arith.addi %mul3A_32, %mul3A_34 : i32
      "tpu.region"() ({
        %run_scoped3A = tpu.sem_alloc : memref<!tpu.dma_semaphore, #tpu.memory_space<semaphore_mem>>
        %dma_start3A_409 = arith.constant 0 : i32
        %dma_start3A_410 = tpu.memref_slice %arg4[%add3A_35, %dma_start3A_409] : memref<2560x128xi32, #tpu.memory_space<hbm>> -> memref<8x128xi32, #tpu.memory_space<hbm>>
        %dma_start3A_411 = arith.constant 0 : i32
        %dma_start3A_412 = tpu.memref_slice %arg4[%add3A_35, %dma_start3A_411] : memref<2560x128xi32, #tpu.memory_space<hbm>> -> memref<8x128xi32, #tpu.memory_space<hbm>>
        tpu.enqueue_dma source(%dma_start3A_412 : memref<8x128xi32, #tpu.memory_space<hbm>>) target(%arg8 : memref<8x128xi32, #tpu.memory_space<vmem>>) target_semaphore(%run_scoped3A : memref<!tpu.dma_semaphore, #tpu.memory_space<semaphore_mem>>)
        %dma_wait3A_413 = arith.constant 0 : i32
        %dma_wait3A_414 = tpu.memref_slice %arg4[%add3A_35, %dma_wait3A_413] : memref<2560x128xi32, #tpu.memory_space<hbm>> -> memref<8x128xi32, #tpu.memory_space<hbm>>
        %dma_wait3A_415 = arith.constant 0 : i32
        %dma_wait3A_416 = tpu.memref_slice %arg4[%add3A_35, %dma_wait3A_415] : memref<2560x128xi32, #tpu.memory_space<hbm>> -> memref<8x128xi32, #tpu.memory_space<hbm>>
        tpu.wait_dma2 semaphore(%run_scoped3A : memref<!tpu.dma_semaphore, #tpu.memory_space<semaphore_mem>>) src(%dma_wait3A_416 : memref<8x128xi32, #tpu.memory_space<hbm>>) dst(%arg8 : memref<8x128xi32, #tpu.memory_space<vmem>>)
        tpu.yield
      }) : () -> ()
      "tpu.region"() ({
        %run_scoped3A = tpu.sem_alloc : memref<!tpu.dma_semaphore, #tpu.memory_space<semaphore_mem>>
        %dma_start3A_409 = arith.constant 0 : i32
        %dma_start3A_410 = tpu.memref_slice %arg5[%add3A_35, %dma_start3A_409] : memref<2560x128xi32, #tpu.memory_space<hbm>> -> memref<8x128xi32, #tpu.memory_space<hbm>>
        %dma_start3A_411 = arith.constant 0 : i32
        %dma_start3A_412 = tpu.memref_slice %arg5[%add3A_35, %dma_start3A_411] : memref<2560x128xi32, #tpu.memory_space<hbm>> -> memref<8x128xi32, #tpu.memory_space<hbm>>
        tpu.enqueue_dma source(%dma_start3A_412 : memref<8x128xi32, #tpu.memory_space<hbm>>) target(%arg9 : memref<8x128xi32, #tpu.memory_space<vmem>>) target_semaphore(%run_scoped3A : memref<!tpu.dma_semaphore, #tpu.memory_space<semaphore_mem>>)
        %dma_wait3A_413 = arith.constant 0 : i32
        %dma_wait3A_414 = tpu.memref_slice %arg5[%add3A_35, %dma_wait3A_413] : memref<2560x128xi32, #tpu.memory_space<hbm>> -> memref<8x128xi32, #tpu.memory_space<hbm>>
        %dma_wait3A_415 = arith.constant 0 : i32
        %dma_wait3A_416 = tpu.memref_slice %arg5[%add3A_35, %dma_wait3A_415] : memref<2560x128xi32, #tpu.memory_space<hbm>> -> memref<8x128xi32, #tpu.memory_space<hbm>>
        tpu.wait_dma2 semaphore(%run_scoped3A : memref<!tpu.dma_semaphore, #tpu.memory_space<semaphore_mem>>) src(%dma_wait3A_416 : memref<8x128xi32, #tpu.memory_space<hbm>>) dst(%arg9 : memref<8x128xi32, #tpu.memory_space<vmem>>)
        tpu.yield
      }) : () -> ()
      %dma_start3A = arith.constant 0 : i32
      %dma_start3A_36 = arith.constant 0 : i32
      %dma_start3A_37 = arith.constant 0 : i32
      %dma_start3A_38 = tpu.memref_slice %arg10[%dma_start3A_36, %dma_start3A_37] : memref<1024x32xf32, #tpu.memory_space<vmem>> -> memref<128x32xf32, #tpu.memory_space<vmem>>
      %dma_start3A_39 = arith.constant 0 : i32
      %dma_start3A_40 = tpu.memref_slice %arg8[%dma_start3A, %dma_start3A_39] : memref<8x128xi32, #tpu.memory_space<vmem>> -> memref<1x128xi32, #tpu.memory_space<vmem>>
      %dma_start3A_41 = tpu.memref_squeeze %dma_start3A_40 : memref<1x128xi32, #tpu.memory_space<vmem>> -> memref<128xi32, #tpu.memory_space<vmem>>
      %dma_start3A_42 = arith.constant 0 : i32
      %dma_start3A_43 = arith.constant 0 : i32
      %dma_start3A_44 = tpu.memref_slice %arg2[%dma_start3A_42, %dma_start3A_43] : memref<10000x32xf32, #tpu.memory_space<hbm>> -> memref<10000x32xf32, #tpu.memory_space<hbm>>
      tpu.enqueue_indirect_dma source(%dma_start3A_44 : memref<10000x32xf32, #tpu.memory_space<hbm>>) target(%dma_start3A_38 : memref<128x32xf32, #tpu.memory_space<vmem>>) offsets(%dma_start3A_41 : memref<128xi32, #tpu.memory_space<vmem>>) semaphore(%arg13 : memref<!tpu.dma_semaphore, #tpu.memory_space<semaphore_mem>>)
      %dma_start3A_45 = arith.constant 0 : i32
      %dma_start3A_46 = arith.constant 0 : i32
      %dma_start3A_47 = arith.constant 0 : i32
      %dma_start3A_48 = tpu.memref_slice %arg11[%dma_start3A_46, %dma_start3A_47] : memref<1024x32xf32, #tpu.memory_space<vmem>> -> memref<128x32xf32, #tpu.memory_space<vmem>>
      %dma_start3A_49 = arith.constant 0 : i32
      %dma_start3A_50 = tpu.memref_slice %arg9[%dma_start3A_45, %dma_start3A_49] : memref<8x128xi32, #tpu.memory_space<vmem>> -> memref<1x128xi32, #tpu.memory_space<vmem>>
      %dma_start3A_51 = tpu.memref_squeeze %dma_start3A_50 : memref<1x128xi32, #tpu.memory_space<vmem>> -> memref<128xi32, #tpu.memory_space<vmem>>
      %dma_start3A_52 = arith.constant 0 : i32
      %dma_start3A_53 = arith.constant 0 : i32
      %dma_start3A_54 = tpu.memref_slice %arg3[%dma_start3A_52, %dma_start3A_53] : memref<10000x32xf32, #tpu.memory_space<hbm>> -> memref<10000x32xf32, #tpu.memory_space<hbm>>
      tpu.enqueue_indirect_dma source(%dma_start3A_54 : memref<10000x32xf32, #tpu.memory_space<hbm>>) target(%dma_start3A_48 : memref<128x32xf32, #tpu.memory_space<vmem>>) offsets(%dma_start3A_51 : memref<128xi32, #tpu.memory_space<vmem>>) semaphore(%arg13 : memref<!tpu.dma_semaphore, #tpu.memory_space<semaphore_mem>>)
      %dma_start3A_55 = arith.constant 1 : i32
      %dma_start3A_56 = arith.constant 128 : i32
      %dma_start3A_57 = arith.constant 0 : i32
      %dma_start3A_58 = tpu.memref_slice %arg10[%dma_start3A_56, %dma_start3A_57] : memref<1024x32xf32, #tpu.memory_space<vmem>> -> memref<128x32xf32, #tpu.memory_space<vmem>>
      %dma_start3A_59 = arith.constant 0 : i32
      %dma_start3A_60 = tpu.memref_slice %arg8[%dma_start3A_55, %dma_start3A_59] : memref<8x128xi32, #tpu.memory_space<vmem>> -> memref<1x128xi32, #tpu.memory_space<vmem>>
      %dma_start3A_61 = tpu.memref_squeeze %dma_start3A_60 : memref<1x128xi32, #tpu.memory_space<vmem>> -> memref<128xi32, #tpu.memory_space<vmem>>
      %dma_start3A_62 = arith.constant 0 : i32
      %dma_start3A_63 = arith.constant 0 : i32
      %dma_start3A_64 = tpu.memref_slice %arg2[%dma_start3A_62, %dma_start3A_63] : memref<10000x32xf32, #tpu.memory_space<hbm>> -> memref<10000x32xf32, #tpu.memory_space<hbm>>
      tpu.enqueue_indirect_dma source(%dma_start3A_64 : memref<10000x32xf32, #tpu.memory_space<hbm>>) target(%dma_start3A_58 : memref<128x32xf32, #tpu.memory_space<vmem>>) offsets(%dma_start3A_61 : memref<128xi32, #tpu.memory_space<vmem>>) semaphore(%arg13 : memref<!tpu.dma_semaphore, #tpu.memory_space<semaphore_mem>>)
      %dma_start3A_65 = arith.constant 1 : i32
      %dma_start3A_66 = arith.constant 128 : i32
      %dma_start3A_67 = arith.constant 0 : i32
      %dma_start3A_68 = tpu.memref_slice %arg11[%dma_start3A_66, %dma_start3A_67] : memref<1024x32xf32, #tpu.memory_space<vmem>> -> memref<128x32xf32, #tpu.memory_space<vmem>>
      %dma_start3A_69 = arith.constant 0 : i32
      %dma_start3A_70 = tpu.memref_slice %arg9[%dma_start3A_65, %dma_start3A_69] : memref<8x128xi32, #tpu.memory_space<vmem>> -> memref<1x128xi32, #tpu.memory_space<vmem>>
      %dma_start3A_71 = tpu.memref_squeeze %dma_start3A_70 : memref<1x128xi32, #tpu.memory_space<vmem>> -> memref<128xi32, #tpu.memory_space<vmem>>
      %dma_start3A_72 = arith.constant 0 : i32
      %dma_start3A_73 = arith.constant 0 : i32
      %dma_start3A_74 = tpu.memref_slice %arg3[%dma_start3A_72, %dma_start3A_73] : memref<10000x32xf32, #tpu.memory_space<hbm>> -> memref<10000x32xf32, #tpu.memory_space<hbm>>
      tpu.enqueue_indirect_dma source(%dma_start3A_74 : memref<10000x32xf32, #tpu.memory_space<hbm>>) target(%dma_start3A_68 : memref<128x32xf32, #tpu.memory_space<vmem>>) offsets(%dma_start3A_71 : memref<128xi32, #tpu.memory_space<vmem>>) semaphore(%arg13 : memref<!tpu.dma_semaphore, #tpu.memory_space<semaphore_mem>>)
      %dma_start3A_75 = arith.constant 2 : i32
      %dma_start3A_76 = arith.constant 256 : i32
      %dma_start3A_77 = arith.constant 0 : i32
      %dma_start3A_78 = tpu.memref_slice %arg10[%dma_start3A_76, %dma_start3A_77] : memref<1024x32xf32, #tpu.memory_space<vmem>> -> memref<128x32xf32, #tpu.memory_space<vmem>>
      %dma_start3A_79 = arith.constant 0 : i32
      %dma_start3A_80 = tpu.memref_slice %arg8[%dma_start3A_75, %dma_start3A_79] : memref<8x128xi32, #tpu.memory_space<vmem>> -> memref<1x128xi32, #tpu.memory_space<vmem>>
      %dma_start3A_81 = tpu.memref_squeeze %dma_start3A_80 : memref<1x128xi32, #tpu.memory_space<vmem>> -> memref<128xi32, #tpu.memory_space<vmem>>
      %dma_start3A_82 = arith.constant 0 : i32
      %dma_start3A_83 = arith.constant 0 : i32
      %dma_start3A_84 = tpu.memref_slice %arg2[%dma_start3A_82, %dma_start3A_83] : memref<10000x32xf32, #tpu.memory_space<hbm>> -> memref<10000x32xf32, #tpu.memory_space<hbm>>
      tpu.enqueue_indirect_dma source(%dma_start3A_84 : memref<10000x32xf32, #tpu.memory_space<hbm>>) target(%dma_start3A_78 : memref<128x32xf32, #tpu.memory_space<vmem>>) offsets(%dma_start3A_81 : memref<128xi32, #tpu.memory_space<vmem>>) semaphore(%arg13 : memref<!tpu.dma_semaphore, #tpu.memory_space<semaphore_mem>>)
      %dma_start3A_85 = arith.constant 2 : i32
      %dma_start3A_86 = arith.constant 256 : i32
      %dma_start3A_87 = arith.constant 0 : i32
      %dma_start3A_88 = tpu.memref_slice %arg11[%dma_start3A_86, %dma_start3A_87] : memref<1024x32xf32, #tpu.memory_space<vmem>> -> memref<128x32xf32, #tpu.memory_space<vmem>>
      %dma_start3A_89 = arith.constant 0 : i32
      %dma_start3A_90 = tpu.memref_slice %arg9[%dma_start3A_85, %dma_start3A_89] : memref<8x128xi32, #tpu.memory_space<vmem>> -> memref<1x128xi32, #tpu.memory_space<vmem>>
      %dma_start3A_91 = tpu.memref_squeeze %dma_start3A_90 : memref<1x128xi32, #tpu.memory_space<vmem>> -> memref<128xi32, #tpu.memory_space<vmem>>
      %dma_start3A_92 = arith.constant 0 : i32
      %dma_start3A_93 = arith.constant 0 : i32
      %dma_start3A_94 = tpu.memref_slice %arg3[%dma_start3A_92, %dma_start3A_93] : memref<10000x32xf32, #tpu.memory_space<hbm>> -> memref<10000x32xf32, #tpu.memory_space<hbm>>
      tpu.enqueue_indirect_dma source(%dma_start3A_94 : memref<10000x32xf32, #tpu.memory_space<hbm>>) target(%dma_start3A_88 : memref<128x32xf32, #tpu.memory_space<vmem>>) offsets(%dma_start3A_91 : memref<128xi32, #tpu.memory_space<vmem>>) semaphore(%arg13 : memref<!tpu.dma_semaphore, #tpu.memory_space<semaphore_mem>>)
      %dma_start3A_95 = arith.constant 3 : i32
      %dma_start3A_96 = arith.constant 384 : i32
      %dma_start3A_97 = arith.constant 0 : i32
      %dma_start3A_98 = tpu.memref_slice %arg10[%dma_start3A_96, %dma_start3A_97] : memref<1024x32xf32, #tpu.memory_space<vmem>> -> memref<128x32xf32, #tpu.memory_space<vmem>>
      %dma_start3A_99 = arith.constant 0 : i32
      %dma_start3A_100 = tpu.memref_slice %arg8[%dma_start3A_95, %dma_start3A_99] : memref<8x128xi32, #tpu.memory_space<vmem>> -> memref<1x128xi32, #tpu.memory_space<vmem>>
      %dma_start3A_101 = tpu.memref_squeeze %dma_start3A_100 : memref<1x128xi32, #tpu.memory_space<vmem>> -> memref<128xi32, #tpu.memory_space<vmem>>
      %dma_start3A_102 = arith.constant 0 : i32
      %dma_start3A_103 = arith.constant 0 : i32
      %dma_start3A_104 = tpu.memref_slice %arg2[%dma_start3A_102, %dma_start3A_103] : memref<10000x32xf32, #tpu.memory_space<hbm>> -> memref<10000x32xf32, #tpu.memory_space<hbm>>
      tpu.enqueue_indirect_dma source(%dma_start3A_104 : memref<10000x32xf32, #tpu.memory_space<hbm>>) target(%dma_start3A_98 : memref<128x32xf32, #tpu.memory_space<vmem>>) offsets(%dma_start3A_101 : memref<128xi32, #tpu.memory_space<vmem>>) semaphore(%arg13 : memref<!tpu.dma_semaphore, #tpu.memory_space<semaphore_mem>>)
      %dma_start3A_105 = arith.constant 3 : i32
      %dma_start3A_106 = arith.constant 384 : i32
      %dma_start3A_107 = arith.constant 0 : i32
      %dma_start3A_108 = tpu.memref_slice %arg11[%dma_start3A_106, %dma_start3A_107] : memref<1024x32xf32, #tpu.memory_space<vmem>> -> memref<128x32xf32, #tpu.memory_space<vmem>>
      %dma_start3A_109 = arith.constant 0 : i32
      %dma_start3A_110 = tpu.memref_slice %arg9[%dma_start3A_105, %dma_start3A_109] : memref<8x128xi32, #tpu.memory_space<vmem>> -> memref<1x128xi32, #tpu.memory_space<vmem>>
      %dma_start3A_111 = tpu.memref_squeeze %dma_start3A_110 : memref<1x128xi32, #tpu.memory_space<vmem>> -> memref<128xi32, #tpu.memory_space<vmem>>
      %dma_start3A_112 = arith.constant 0 : i32
      %dma_start3A_113 = arith.constant 0 : i32
      %dma_start3A_114 = tpu.memref_slice %arg3[%dma_start3A_112, %dma_start3A_113] : memref<10000x32xf32, #tpu.memory_space<hbm>> -> memref<10000x32xf32, #tpu.memory_space<hbm>>
      tpu.enqueue_indirect_dma source(%dma_start3A_114 : memref<10000x32xf32, #tpu.memory_space<hbm>>) target(%dma_start3A_108 : memref<128x32xf32, #tpu.memory_space<vmem>>) offsets(%dma_start3A_111 : memref<128xi32, #tpu.memory_space<vmem>>) semaphore(%arg13 : memref<!tpu.dma_semaphore, #tpu.memory_space<semaphore_mem>>)
      %dma_start3A_115 = arith.constant 4 : i32
      %dma_start3A_116 = arith.constant 512 : i32
      %dma_start3A_117 = arith.constant 0 : i32
      %dma_start3A_118 = tpu.memref_slice %arg10[%dma_start3A_116, %dma_start3A_117] : memref<1024x32xf32, #tpu.memory_space<vmem>> -> memref<128x32xf32, #tpu.memory_space<vmem>>
      %dma_start3A_119 = arith.constant 0 : i32
      %dma_start3A_120 = tpu.memref_slice %arg8[%dma_start3A_115, %dma_start3A_119] : memref<8x128xi32, #tpu.memory_space<vmem>> -> memref<1x128xi32, #tpu.memory_space<vmem>>
      %dma_start3A_121 = tpu.memref_squeeze %dma_start3A_120 : memref<1x128xi32, #tpu.memory_space<vmem>> -> memref<128xi32, #tpu.memory_space<vmem>>
      %dma_start3A_122 = arith.constant 0 : i32
      %dma_start3A_123 = arith.constant 0 : i32
      %dma_start3A_124 = tpu.memref_slice %arg2[%dma_start3A_122, %dma_start3A_123] : memref<10000x32xf32, #tpu.memory_space<hbm>> -> memref<10000x32xf32, #tpu.memory_space<hbm>>
      tpu.enqueue_indirect_dma source(%dma_start3A_124 : memref<10000x32xf32, #tpu.memory_space<hbm>>) target(%dma_start3A_118 : memref<128x32xf32, #tpu.memory_space<vmem>>) offsets(%dma_start3A_121 : memref<128xi32, #tpu.memory_space<vmem>>) semaphore(%arg13 : memref<!tpu.dma_semaphore, #tpu.memory_space<semaphore_mem>>)
      %dma_start3A_125 = arith.constant 4 : i32
      %dma_start3A_126 = arith.constant 512 : i32
      %dma_start3A_127 = arith.constant 0 : i32
      %dma_start3A_128 = tpu.memref_slice %arg11[%dma_start3A_126, %dma_start3A_127] : memref<1024x32xf32, #tpu.memory_space<vmem>> -> memref<128x32xf32, #tpu.memory_space<vmem>>
      %dma_start3A_129 = arith.constant 0 : i32
      %dma_start3A_130 = tpu.memref_slice %arg9[%dma_start3A_125, %dma_start3A_129] : memref<8x128xi32, #tpu.memory_space<vmem>> -> memref<1x128xi32, #tpu.memory_space<vmem>>
      %dma_start3A_131 = tpu.memref_squeeze %dma_start3A_130 : memref<1x128xi32, #tpu.memory_space<vmem>> -> memref<128xi32, #tpu.memory_space<vmem>>
      %dma_start3A_132 = arith.constant 0 : i32
      %dma_start3A_133 = arith.constant 0 : i32
      %dma_start3A_134 = tpu.memref_slice %arg3[%dma_start3A_132, %dma_start3A_133] : memref<10000x32xf32, #tpu.memory_space<hbm>> -> memref<10000x32xf32, #tpu.memory_space<hbm>>
      tpu.enqueue_indirect_dma source(%dma_start3A_134 : memref<10000x32xf32, #tpu.memory_space<hbm>>) target(%dma_start3A_128 : memref<128x32xf32, #tpu.memory_space<vmem>>) offsets(%dma_start3A_131 : memref<128xi32, #tpu.memory_space<vmem>>) semaphore(%arg13 : memref<!tpu.dma_semaphore, #tpu.memory_space<semaphore_mem>>)
      %dma_start3A_135 = arith.constant 5 : i32
      %dma_start3A_136 = arith.constant 640 : i32
      %dma_start3A_137 = arith.constant 0 : i32
      %dma_start3A_138 = tpu.memref_slice %arg10[%dma_start3A_136, %dma_start3A_137] : memref<1024x32xf32, #tpu.memory_space<vmem>> -> memref<128x32xf32, #tpu.memory_space<vmem>>
      %dma_start3A_139 = arith.constant 0 : i32
      %dma_start3A_140 = tpu.memref_slice %arg8[%dma_start3A_135, %dma_start3A_139] : memref<8x128xi32, #tpu.memory_space<vmem>> -> memref<1x128xi32, #tpu.memory_space<vmem>>
      %dma_start3A_141 = tpu.memref_squeeze %dma_start3A_140 : memref<1x128xi32, #tpu.memory_space<vmem>> -> memref<128xi32, #tpu.memory_space<vmem>>
      %dma_start3A_142 = arith.constant 0 : i32
      %dma_start3A_143 = arith.constant 0 : i32
      %dma_start3A_144 = tpu.memref_slice %arg2[%dma_start3A_142, %dma_start3A_143] : memref<10000x32xf32, #tpu.memory_space<hbm>> -> memref<10000x32xf32, #tpu.memory_space<hbm>>
      tpu.enqueue_indirect_dma source(%dma_start3A_144 : memref<10000x32xf32, #tpu.memory_space<hbm>>) target(%dma_start3A_138 : memref<128x32xf32, #tpu.memory_space<vmem>>) offsets(%dma_start3A_141 : memref<128xi32, #tpu.memory_space<vmem>>) semaphore(%arg13 : memref<!tpu.dma_semaphore, #tpu.memory_space<semaphore_mem>>)
      %dma_start3A_145 = arith.constant 5 : i32
      %dma_start3A_146 = arith.constant 640 : i32
      %dma_start3A_147 = arith.constant 0 : i32
      %dma_start3A_148 = tpu.memref_slice %arg11[%dma_start3A_146, %dma_start3A_147] : memref<1024x32xf32, #tpu.memory_space<vmem>> -> memref<128x32xf32, #tpu.memory_space<vmem>>
      %dma_start3A_149 = arith.constant 0 : i32
      %dma_start3A_150 = tpu.memref_slice %arg9[%dma_start3A_145, %dma_start3A_149] : memref<8x128xi32, #tpu.memory_space<vmem>> -> memref<1x128xi32, #tpu.memory_space<vmem>>
      %dma_start3A_151 = tpu.memref_squeeze %dma_start3A_150 : memref<1x128xi32, #tpu.memory_space<vmem>> -> memref<128xi32, #tpu.memory_space<vmem>>
      %dma_start3A_152 = arith.constant 0 : i32
      %dma_start3A_153 = arith.constant 0 : i32
      %dma_start3A_154 = tpu.memref_slice %arg3[%dma_start3A_152, %dma_start3A_153] : memref<10000x32xf32, #tpu.memory_space<hbm>> -> memref<10000x32xf32, #tpu.memory_space<hbm>>
      tpu.enqueue_indirect_dma source(%dma_start3A_154 : memref<10000x32xf32, #tpu.memory_space<hbm>>) target(%dma_start3A_148 : memref<128x32xf32, #tpu.memory_space<vmem>>) offsets(%dma_start3A_151 : memref<128xi32, #tpu.memory_space<vmem>>) semaphore(%arg13 : memref<!tpu.dma_semaphore, #tpu.memory_space<semaphore_mem>>)
      %dma_start3A_155 = arith.constant 6 : i32
      %dma_start3A_156 = arith.constant 768 : i32
      %dma_start3A_157 = arith.constant 0 : i32
      %dma_start3A_158 = tpu.memref_slice %arg10[%dma_start3A_156, %dma_start3A_157] : memref<1024x32xf32, #tpu.memory_space<vmem>> -> memref<128x32xf32, #tpu.memory_space<vmem>>
      %dma_start3A_159 = arith.constant 0 : i32
      %dma_start3A_160 = tpu.memref_slice %arg8[%dma_start3A_155, %dma_start3A_159] : memref<8x128xi32, #tpu.memory_space<vmem>> -> memref<1x128xi32, #tpu.memory_space<vmem>>
      %dma_start3A_161 = tpu.memref_squeeze %dma_start3A_160 : memref<1x128xi32, #tpu.memory_space<vmem>> -> memref<128xi32, #tpu.memory_space<vmem>>
      %dma_start3A_162 = arith.constant 0 : i32
      %dma_start3A_163 = arith.constant 0 : i32
      %dma_start3A_164 = tpu.memref_slice %arg2[%dma_start3A_162, %dma_start3A_163] : memref<10000x32xf32, #tpu.memory_space<hbm>> -> memref<10000x32xf32, #tpu.memory_space<hbm>>
      tpu.enqueue_indirect_dma source(%dma_start3A_164 : memref<10000x32xf32, #tpu.memory_space<hbm>>) target(%dma_start3A_158 : memref<128x32xf32, #tpu.memory_space<vmem>>) offsets(%dma_start3A_161 : memref<128xi32, #tpu.memory_space<vmem>>) semaphore(%arg13 : memref<!tpu.dma_semaphore, #tpu.memory_space<semaphore_mem>>)
      %dma_start3A_165 = arith.constant 6 : i32
      %dma_start3A_166 = arith.constant 768 : i32
      %dma_start3A_167 = arith.constant 0 : i32
      %dma_start3A_168 = tpu.memref_slice %arg11[%dma_start3A_166, %dma_start3A_167] : memref<1024x32xf32, #tpu.memory_space<vmem>> -> memref<128x32xf32, #tpu.memory_space<vmem>>
      %dma_start3A_169 = arith.constant 0 : i32
      %dma_start3A_170 = tpu.memref_slice %arg9[%dma_start3A_165, %dma_start3A_169] : memref<8x128xi32, #tpu.memory_space<vmem>> -> memref<1x128xi32, #tpu.memory_space<vmem>>
      %dma_start3A_171 = tpu.memref_squeeze %dma_start3A_170 : memref<1x128xi32, #tpu.memory_space<vmem>> -> memref<128xi32, #tpu.memory_space<vmem>>
      %dma_start3A_172 = arith.constant 0 : i32
      %dma_start3A_173 = arith.constant 0 : i32
      %dma_start3A_174 = tpu.memref_slice %arg3[%dma_start3A_172, %dma_start3A_173] : memref<10000x32xf32, #tpu.memory_space<hbm>> -> memref<10000x32xf32, #tpu.memory_space<hbm>>
      tpu.enqueue_indirect_dma source(%dma_start3A_174 : memref<10000x32xf32, #tpu.memory_space<hbm>>) target(%dma_start3A_168 : memref<128x32xf32, #tpu.memory_space<vmem>>) offsets(%dma_start3A_171 : memref<128xi32, #tpu.memory_space<vmem>>) semaphore(%arg13 : memref<!tpu.dma_semaphore, #tpu.memory_space<semaphore_mem>>)
      %dma_start3A_175 = arith.constant 7 : i32
      %dma_start3A_176 = arith.constant 896 : i32
      %dma_start3A_177 = arith.constant 0 : i32
      %dma_start3A_178 = tpu.memref_slice %arg10[%dma_start3A_176, %dma_start3A_177] : memref<1024x32xf32, #tpu.memory_space<vmem>> -> memref<128x32xf32, #tpu.memory_space<vmem>>
      %dma_start3A_179 = arith.constant 0 : i32
      %dma_start3A_180 = tpu.memref_slice %arg8[%dma_start3A_175, %dma_start3A_179] : memref<8x128xi32, #tpu.memory_space<vmem>> -> memref<1x128xi32, #tpu.memory_space<vmem>>
      %dma_start3A_181 = tpu.memref_squeeze %dma_start3A_180 : memref<1x128xi32, #tpu.memory_space<vmem>> -> memref<128xi32, #tpu.memory_space<vmem>>
      %dma_start3A_182 = arith.constant 0 : i32
      %dma_start3A_183 = arith.constant 0 : i32
      %dma_start3A_184 = tpu.memref_slice %arg2[%dma_start3A_182, %dma_start3A_183] : memref<10000x32xf32, #tpu.memory_space<hbm>> -> memref<10000x32xf32, #tpu.memory_space<hbm>>
      tpu.enqueue_indirect_dma source(%dma_start3A_184 : memref<10000x32xf32, #tpu.memory_space<hbm>>) target(%dma_start3A_178 : memref<128x32xf32, #tpu.memory_space<vmem>>) offsets(%dma_start3A_181 : memref<128xi32, #tpu.memory_space<vmem>>) semaphore(%arg13 : memref<!tpu.dma_semaphore, #tpu.memory_space<semaphore_mem>>)
      %dma_start3A_185 = arith.constant 7 : i32
      %dma_start3A_186 = arith.constant 896 : i32
      %dma_start3A_187 = arith.constant 0 : i32
      %dma_start3A_188 = tpu.memref_slice %arg11[%dma_start3A_186, %dma_start3A_187] : memref<1024x32xf32, #tpu.memory_space<vmem>> -> memref<128x32xf32, #tpu.memory_space<vmem>>
      %dma_start3A_189 = arith.constant 0 : i32
      %dma_start3A_190 = tpu.memref_slice %arg9[%dma_start3A_185, %dma_start3A_189] : memref<8x128xi32, #tpu.memory_space<vmem>> -> memref<1x128xi32, #tpu.memory_space<vmem>>
      %dma_start3A_191 = tpu.memref_squeeze %dma_start3A_190 : memref<1x128xi32, #tpu.memory_space<vmem>> -> memref<128xi32, #tpu.memory_space<vmem>>
      %dma_start3A_192 = arith.constant 0 : i32
      %dma_start3A_193 = arith.constant 0 : i32
      %dma_start3A_194 = tpu.memref_slice %arg3[%dma_start3A_192, %dma_start3A_193] : memref<10000x32xf32, #tpu.memory_space<hbm>> -> memref<10000x32xf32, #tpu.memory_space<hbm>>
      tpu.enqueue_indirect_dma source(%dma_start3A_194 : memref<10000x32xf32, #tpu.memory_space<hbm>>) target(%dma_start3A_188 : memref<128x32xf32, #tpu.memory_space<vmem>>) offsets(%dma_start3A_191 : memref<128xi32, #tpu.memory_space<vmem>>) semaphore(%arg13 : memref<!tpu.dma_semaphore, #tpu.memory_space<semaphore_mem>>)
      %dma_wait3A = arith.constant 0 : i32
      %dma_wait3A_195 = arith.constant 0 : i32
      %dma_wait3A_196 = arith.constant 0 : i32
      %dma_wait3A_197 = tpu.memref_slice %arg10[%dma_wait3A_195, %dma_wait3A_196] : memref<1024x32xf32, #tpu.memory_space<vmem>> -> memref<128x32xf32, #tpu.memory_space<vmem>>
      %dma_wait3A_198 = arith.constant 0 : i32
      %dma_wait3A_199 = tpu.memref_slice %arg8[%dma_wait3A, %dma_wait3A_198] : memref<8x128xi32, #tpu.memory_space<vmem>> -> memref<1x128xi32, #tpu.memory_space<vmem>>
      %dma_wait3A_200 = tpu.memref_squeeze %dma_wait3A_199 : memref<1x128xi32, #tpu.memory_space<vmem>> -> memref<128xi32, #tpu.memory_space<vmem>>
      %dma_wait3A_201 = arith.constant 0 : i32
      %dma_wait3A_202 = arith.constant 0 : i32
      %dma_wait3A_203 = tpu.memref_slice %arg2[%dma_wait3A_201, %dma_wait3A_202] : memref<10000x32xf32, #tpu.memory_space<hbm>> -> memref<10000x32xf32, #tpu.memory_space<hbm>>
      tpu.wait_indirect_dma semaphore(%arg13 : memref<!tpu.dma_semaphore, #tpu.memory_space<semaphore_mem>>) src(%dma_wait3A_203 : memref<10000x32xf32, #tpu.memory_space<hbm>>) dst(%dma_wait3A_197 : memref<128x32xf32, #tpu.memory_space<vmem>>)
      %dma_wait3A_204 = arith.constant 0 : i32
      %dma_wait3A_205 = arith.constant 0 : i32
      %dma_wait3A_206 = arith.constant 0 : i32
      %dma_wait3A_207 = tpu.memref_slice %arg11[%dma_wait3A_205, %dma_wait3A_206] : memref<1024x32xf32, #tpu.memory_space<vmem>> -> memref<128x32xf32, #tpu.memory_space<vmem>>
      %dma_wait3A_208 = arith.constant 0 : i32
      %dma_wait3A_209 = tpu.memref_slice %arg9[%dma_wait3A_204, %dma_wait3A_208] : memref<8x128xi32, #tpu.memory_space<vmem>> -> memref<1x128xi32, #tpu.memory_space<vmem>>
      %dma_wait3A_210 = tpu.memref_squeeze %dma_wait3A_209 : memref<1x128xi32, #tpu.memory_space<vmem>> -> memref<128xi32, #tpu.memory_space<vmem>>
      %dma_wait3A_211 = arith.constant 0 : i32
      %dma_wait3A_212 = arith.constant 0 : i32
      %dma_wait3A_213 = tpu.memref_slice %arg3[%dma_wait3A_211, %dma_wait3A_212] : memref<10000x32xf32, #tpu.memory_space<hbm>> -> memref<10000x32xf32, #tpu.memory_space<hbm>>
      tpu.wait_indirect_dma semaphore(%arg13 : memref<!tpu.dma_semaphore, #tpu.memory_space<semaphore_mem>>) src(%dma_wait3A_213 : memref<10000x32xf32, #tpu.memory_space<hbm>>) dst(%dma_wait3A_207 : memref<128x32xf32, #tpu.memory_space<vmem>>)
      %dma_wait3A_214 = arith.constant 1 : i32
      %dma_wait3A_215 = arith.constant 128 : i32
      %dma_wait3A_216 = arith.constant 0 : i32
      %dma_wait3A_217 = tpu.memref_slice %arg10[%dma_wait3A_215, %dma_wait3A_216] : memref<1024x32xf32, #tpu.memory_space<vmem>> -> memref<128x32xf32, #tpu.memory_space<vmem>>
      %dma_wait3A_218 = arith.constant 0 : i32
      %dma_wait3A_219 = tpu.memref_slice %arg8[%dma_wait3A_214, %dma_wait3A_218] : memref<8x128xi32, #tpu.memory_space<vmem>> -> memref<1x128xi32, #tpu.memory_space<vmem>>
      %dma_wait3A_220 = tpu.memref_squeeze %dma_wait3A_219 : memref<1x128xi32, #tpu.memory_space<vmem>> -> memref<128xi32, #tpu.memory_space<vmem>>
      %dma_wait3A_221 = arith.constant 0 : i32
      %dma_wait3A_222 = arith.constant 0 : i32
      %dma_wait3A_223 = tpu.memref_slice %arg2[%dma_wait3A_221, %dma_wait3A_222] : memref<10000x32xf32, #tpu.memory_space<hbm>> -> memref<10000x32xf32, #tpu.memory_space<hbm>>
      tpu.wait_indirect_dma semaphore(%arg13 : memref<!tpu.dma_semaphore, #tpu.memory_space<semaphore_mem>>) src(%dma_wait3A_223 : memref<10000x32xf32, #tpu.memory_space<hbm>>) dst(%dma_wait3A_217 : memref<128x32xf32, #tpu.memory_space<vmem>>)
      %dma_wait3A_224 = arith.constant 1 : i32
      %dma_wait3A_225 = arith.constant 128 : i32
      %dma_wait3A_226 = arith.constant 0 : i32
      %dma_wait3A_227 = tpu.memref_slice %arg11[%dma_wait3A_225, %dma_wait3A_226] : memref<1024x32xf32, #tpu.memory_space<vmem>> -> memref<128x32xf32, #tpu.memory_space<vmem>>
      %dma_wait3A_228 = arith.constant 0 : i32
      %dma_wait3A_229 = tpu.memref_slice %arg9[%dma_wait3A_224, %dma_wait3A_228] : memref<8x128xi32, #tpu.memory_space<vmem>> -> memref<1x128xi32, #tpu.memory_space<vmem>>
      %dma_wait3A_230 = tpu.memref_squeeze %dma_wait3A_229 : memref<1x128xi32, #tpu.memory_space<vmem>> -> memref<128xi32, #tpu.memory_space<vmem>>
      %dma_wait3A_231 = arith.constant 0 : i32
      %dma_wait3A_232 = arith.constant 0 : i32
      %dma_wait3A_233 = tpu.memref_slice %arg3[%dma_wait3A_231, %dma_wait3A_232] : memref<10000x32xf32, #tpu.memory_space<hbm>> -> memref<10000x32xf32, #tpu.memory_space<hbm>>
      tpu.wait_indirect_dma semaphore(%arg13 : memref<!tpu.dma_semaphore, #tpu.memory_space<semaphore_mem>>) src(%dma_wait3A_233 : memref<10000x32xf32, #tpu.memory_space<hbm>>) dst(%dma_wait3A_227 : memref<128x32xf32, #tpu.memory_space<vmem>>)
      %dma_wait3A_234 = arith.constant 2 : i32
      %dma_wait3A_235 = arith.constant 256 : i32
      %dma_wait3A_236 = arith.constant 0 : i32
      %dma_wait3A_237 = tpu.memref_slice %arg10[%dma_wait3A_235, %dma_wait3A_236] : memref<1024x32xf32, #tpu.memory_space<vmem>> -> memref<128x32xf32, #tpu.memory_space<vmem>>
      %dma_wait3A_238 = arith.constant 0 : i32
      %dma_wait3A_239 = tpu.memref_slice %arg8[%dma_wait3A_234, %dma_wait3A_238] : memref<8x128xi32, #tpu.memory_space<vmem>> -> memref<1x128xi32, #tpu.memory_space<vmem>>
      %dma_wait3A_240 = tpu.memref_squeeze %dma_wait3A_239 : memref<1x128xi32, #tpu.memory_space<vmem>> -> memref<128xi32, #tpu.memory_space<vmem>>
      %dma_wait3A_241 = arith.constant 0 : i32
      %dma_wait3A_242 = arith.constant 0 : i32
      %dma_wait3A_243 = tpu.memref_slice %arg2[%dma_wait3A_241, %dma_wait3A_242] : memref<10000x32xf32, #tpu.memory_space<hbm>> -> memref<10000x32xf32, #tpu.memory_space<hbm>>
      tpu.wait_indirect_dma semaphore(%arg13 : memref<!tpu.dma_semaphore, #tpu.memory_space<semaphore_mem>>) src(%dma_wait3A_243 : memref<10000x32xf32, #tpu.memory_space<hbm>>) dst(%dma_wait3A_237 : memref<128x32xf32, #tpu.memory_space<vmem>>)
      %dma_wait3A_244 = arith.constant 2 : i32
      %dma_wait3A_245 = arith.constant 256 : i32
      %dma_wait3A_246 = arith.constant 0 : i32
      %dma_wait3A_247 = tpu.memref_slice %arg11[%dma_wait3A_245, %dma_wait3A_246] : memref<1024x32xf32, #tpu.memory_space<vmem>> -> memref<128x32xf32, #tpu.memory_space<vmem>>
      %dma_wait3A_248 = arith.constant 0 : i32
      %dma_wait3A_249 = tpu.memref_slice %arg9[%dma_wait3A_244, %dma_wait3A_248] : memref<8x128xi32, #tpu.memory_space<vmem>> -> memref<1x128xi32, #tpu.memory_space<vmem>>
      %dma_wait3A_250 = tpu.memref_squeeze %dma_wait3A_249 : memref<1x128xi32, #tpu.memory_space<vmem>> -> memref<128xi32, #tpu.memory_space<vmem>>
      %dma_wait3A_251 = arith.constant 0 : i32
      %dma_wait3A_252 = arith.constant 0 : i32
      %dma_wait3A_253 = tpu.memref_slice %arg3[%dma_wait3A_251, %dma_wait3A_252] : memref<10000x32xf32, #tpu.memory_space<hbm>> -> memref<10000x32xf32, #tpu.memory_space<hbm>>
      tpu.wait_indirect_dma semaphore(%arg13 : memref<!tpu.dma_semaphore, #tpu.memory_space<semaphore_mem>>) src(%dma_wait3A_253 : memref<10000x32xf32, #tpu.memory_space<hbm>>) dst(%dma_wait3A_247 : memref<128x32xf32, #tpu.memory_space<vmem>>)
      %dma_wait3A_254 = arith.constant 3 : i32
      %dma_wait3A_255 = arith.constant 384 : i32
      %dma_wait3A_256 = arith.constant 0 : i32
      %dma_wait3A_257 = tpu.memref_slice %arg10[%dma_wait3A_255, %dma_wait3A_256] : memref<1024x32xf32, #tpu.memory_space<vmem>> -> memref<128x32xf32, #tpu.memory_space<vmem>>
      %dma_wait3A_258 = arith.constant 0 : i32
      %dma_wait3A_259 = tpu.memref_slice %arg8[%dma_wait3A_254, %dma_wait3A_258] : memref<8x128xi32, #tpu.memory_space<vmem>> -> memref<1x128xi32, #tpu.memory_space<vmem>>
      %dma_wait3A_260 = tpu.memref_squeeze %dma_wait3A_259 : memref<1x128xi32, #tpu.memory_space<vmem>> -> memref<128xi32, #tpu.memory_space<vmem>>
      %dma_wait3A_261 = arith.constant 0 : i32
      %dma_wait3A_262 = arith.constant 0 : i32
      %dma_wait3A_263 = tpu.memref_slice %arg2[%dma_wait3A_261, %dma_wait3A_262] : memref<10000x32xf32, #tpu.memory_space<hbm>> -> memref<10000x32xf32, #tpu.memory_space<hbm>>
      tpu.wait_indirect_dma semaphore(%arg13 : memref<!tpu.dma_semaphore, #tpu.memory_space<semaphore_mem>>) src(%dma_wait3A_263 : memref<10000x32xf32, #tpu.memory_space<hbm>>) dst(%dma_wait3A_257 : memref<128x32xf32, #tpu.memory_space<vmem>>)
      %dma_wait3A_264 = arith.constant 3 : i32
      %dma_wait3A_265 = arith.constant 384 : i32
      %dma_wait3A_266 = arith.constant 0 : i32
      %dma_wait3A_267 = tpu.memref_slice %arg11[%dma_wait3A_265, %dma_wait3A_266] : memref<1024x32xf32, #tpu.memory_space<vmem>> -> memref<128x32xf32, #tpu.memory_space<vmem>>
      %dma_wait3A_268 = arith.constant 0 : i32
      %dma_wait3A_269 = tpu.memref_slice %arg9[%dma_wait3A_264, %dma_wait3A_268] : memref<8x128xi32, #tpu.memory_space<vmem>> -> memref<1x128xi32, #tpu.memory_space<vmem>>
      %dma_wait3A_270 = tpu.memref_squeeze %dma_wait3A_269 : memref<1x128xi32, #tpu.memory_space<vmem>> -> memref<128xi32, #tpu.memory_space<vmem>>
      %dma_wait3A_271 = arith.constant 0 : i32
      %dma_wait3A_272 = arith.constant 0 : i32
      %dma_wait3A_273 = tpu.memref_slice %arg3[%dma_wait3A_271, %dma_wait3A_272] : memref<10000x32xf32, #tpu.memory_space<hbm>> -> memref<10000x32xf32, #tpu.memory_space<hbm>>
      tpu.wait_indirect_dma semaphore(%arg13 : memref<!tpu.dma_semaphore, #tpu.memory_space<semaphore_mem>>) src(%dma_wait3A_273 : memref<10000x32xf32, #tpu.memory_space<hbm>>) dst(%dma_wait3A_267 : memref<128x32xf32, #tpu.memory_space<vmem>>)
      %dma_wait3A_274 = arith.constant 4 : i32
      %dma_wait3A_275 = arith.constant 512 : i32
      %dma_wait3A_276 = arith.constant 0 : i32
      %dma_wait3A_277 = tpu.memref_slice %arg10[%dma_wait3A_275, %dma_wait3A_276] : memref<1024x32xf32, #tpu.memory_space<vmem>> -> memref<128x32xf32, #tpu.memory_space<vmem>>
      %dma_wait3A_278 = arith.constant 0 : i32
      %dma_wait3A_279 = tpu.memref_slice %arg8[%dma_wait3A_274, %dma_wait3A_278] : memref<8x128xi32, #tpu.memory_space<vmem>> -> memref<1x128xi32, #tpu.memory_space<vmem>>
      %dma_wait3A_280 = tpu.memref_squeeze %dma_wait3A_279 : memref<1x128xi32, #tpu.memory_space<vmem>> -> memref<128xi32, #tpu.memory_space<vmem>>
      %dma_wait3A_281 = arith.constant 0 : i32
      %dma_wait3A_282 = arith.constant 0 : i32
      %dma_wait3A_283 = tpu.memref_slice %arg2[%dma_wait3A_281, %dma_wait3A_282] : memref<10000x32xf32, #tpu.memory_space<hbm>> -> memref<10000x32xf32, #tpu.memory_space<hbm>>
      tpu.wait_indirect_dma semaphore(%arg13 : memref<!tpu.dma_semaphore, #tpu.memory_space<semaphore_mem>>) src(%dma_wait3A_283 : memref<10000x32xf32, #tpu.memory_space<hbm>>) dst(%dma_wait3A_277 : memref<128x32xf32, #tpu.memory_space<vmem>>)
      %dma_wait3A_284 = arith.constant 4 : i32
      %dma_wait3A_285 = arith.constant 512 : i32
      %dma_wait3A_286 = arith.constant 0 : i32
      %dma_wait3A_287 = tpu.memref_slice %arg11[%dma_wait3A_285, %dma_wait3A_286] : memref<1024x32xf32, #tpu.memory_space<vmem>> -> memref<128x32xf32, #tpu.memory_space<vmem>>
      %dma_wait3A_288 = arith.constant 0 : i32
      %dma_wait3A_289 = tpu.memref_slice %arg9[%dma_wait3A_284, %dma_wait3A_288] : memref<8x128xi32, #tpu.memory_space<vmem>> -> memref<1x128xi32, #tpu.memory_space<vmem>>
      %dma_wait3A_290 = tpu.memref_squeeze %dma_wait3A_289 : memref<1x128xi32, #tpu.memory_space<vmem>> -> memref<128xi32, #tpu.memory_space<vmem>>
      %dma_wait3A_291 = arith.constant 0 : i32
      %dma_wait3A_292 = arith.constant 0 : i32
      %dma_wait3A_293 = tpu.memref_slice %arg3[%dma_wait3A_291, %dma_wait3A_292] : memref<10000x32xf32, #tpu.memory_space<hbm>> -> memref<10000x32xf32, #tpu.memory_space<hbm>>
      tpu.wait_indirect_dma semaphore(%arg13 : memref<!tpu.dma_semaphore, #tpu.memory_space<semaphore_mem>>) src(%dma_wait3A_293 : memref<10000x32xf32, #tpu.memory_space<hbm>>) dst(%dma_wait3A_287 : memref<128x32xf32, #tpu.memory_space<vmem>>)
      %dma_wait3A_294 = arith.constant 5 : i32
      %dma_wait3A_295 = arith.constant 640 : i32
      %dma_wait3A_296 = arith.constant 0 : i32
      %dma_wait3A_297 = tpu.memref_slice %arg10[%dma_wait3A_295, %dma_wait3A_296] : memref<1024x32xf32, #tpu.memory_space<vmem>> -> memref<128x32xf32, #tpu.memory_space<vmem>>
      %dma_wait3A_298 = arith.constant 0 : i32
      %dma_wait3A_299 = tpu.memref_slice %arg8[%dma_wait3A_294, %dma_wait3A_298] : memref<8x128xi32, #tpu.memory_space<vmem>> -> memref<1x128xi32, #tpu.memory_space<vmem>>
      %dma_wait3A_300 = tpu.memref_squeeze %dma_wait3A_299 : memref<1x128xi32, #tpu.memory_space<vmem>> -> memref<128xi32, #tpu.memory_space<vmem>>
      %dma_wait3A_301 = arith.constant 0 : i32
      %dma_wait3A_302 = arith.constant 0 : i32
      %dma_wait3A_303 = tpu.memref_slice %arg2[%dma_wait3A_301, %dma_wait3A_302] : memref<10000x32xf32, #tpu.memory_space<hbm>> -> memref<10000x32xf32, #tpu.memory_space<hbm>>
      tpu.wait_indirect_dma semaphore(%arg13 : memref<!tpu.dma_semaphore, #tpu.memory_space<semaphore_mem>>) src(%dma_wait3A_303 : memref<10000x32xf32, #tpu.memory_space<hbm>>) dst(%dma_wait3A_297 : memref<128x32xf32, #tpu.memory_space<vmem>>)
      %dma_wait3A_304 = arith.constant 5 : i32
      %dma_wait3A_305 = arith.constant 640 : i32
      %dma_wait3A_306 = arith.constant 0 : i32
      %dma_wait3A_307 = tpu.memref_slice %arg11[%dma_wait3A_305, %dma_wait3A_306] : memref<1024x32xf32, #tpu.memory_space<vmem>> -> memref<128x32xf32, #tpu.memory_space<vmem>>
      %dma_wait3A_308 = arith.constant 0 : i32
      %dma_wait3A_309 = tpu.memref_slice %arg9[%dma_wait3A_304, %dma_wait3A_308] : memref<8x128xi32, #tpu.memory_space<vmem>> -> memref<1x128xi32, #tpu.memory_space<vmem>>
      %dma_wait3A_310 = tpu.memref_squeeze %dma_wait3A_309 : memref<1x128xi32, #tpu.memory_space<vmem>> -> memref<128xi32, #tpu.memory_space<vmem>>
      %dma_wait3A_311 = arith.constant 0 : i32
      %dma_wait3A_312 = arith.constant 0 : i32
      %dma_wait3A_313 = tpu.memref_slice %arg3[%dma_wait3A_311, %dma_wait3A_312] : memref<10000x32xf32, #tpu.memory_space<hbm>> -> memref<10000x32xf32, #tpu.memory_space<hbm>>
      tpu.wait_indirect_dma semaphore(%arg13 : memref<!tpu.dma_semaphore, #tpu.memory_space<semaphore_mem>>) src(%dma_wait3A_313 : memref<10000x32xf32, #tpu.memory_space<hbm>>) dst(%dma_wait3A_307 : memref<128x32xf32, #tpu.memory_space<vmem>>)
      %dma_wait3A_314 = arith.constant 6 : i32
      %dma_wait3A_315 = arith.constant 768 : i32
      %dma_wait3A_316 = arith.constant 0 : i32
      %dma_wait3A_317 = tpu.memref_slice %arg10[%dma_wait3A_315, %dma_wait3A_316] : memref<1024x32xf32, #tpu.memory_space<vmem>> -> memref<128x32xf32, #tpu.memory_space<vmem>>
      %dma_wait3A_318 = arith.constant 0 : i32
      %dma_wait3A_319 = tpu.memref_slice %arg8[%dma_wait3A_314, %dma_wait3A_318] : memref<8x128xi32, #tpu.memory_space<vmem>> -> memref<1x128xi32, #tpu.memory_space<vmem>>
      %dma_wait3A_320 = tpu.memref_squeeze %dma_wait3A_319 : memref<1x128xi32, #tpu.memory_space<vmem>> -> memref<128xi32, #tpu.memory_space<vmem>>
      %dma_wait3A_321 = arith.constant 0 : i32
      %dma_wait3A_322 = arith.constant 0 : i32
      %dma_wait3A_323 = tpu.memref_slice %arg2[%dma_wait3A_321, %dma_wait3A_322] : memref<10000x32xf32, #tpu.memory_space<hbm>> -> memref<10000x32xf32, #tpu.memory_space<hbm>>
      tpu.wait_indirect_dma semaphore(%arg13 : memref<!tpu.dma_semaphore, #tpu.memory_space<semaphore_mem>>) src(%dma_wait3A_323 : memref<10000x32xf32, #tpu.memory_space<hbm>>) dst(%dma_wait3A_317 : memref<128x32xf32, #tpu.memory_space<vmem>>)
      %dma_wait3A_324 = arith.constant 6 : i32
      %dma_wait3A_325 = arith.constant 768 : i32
      %dma_wait3A_326 = arith.constant 0 : i32
      %dma_wait3A_327 = tpu.memref_slice %arg11[%dma_wait3A_325, %dma_wait3A_326] : memref<1024x32xf32, #tpu.memory_space<vmem>> -> memref<128x32xf32, #tpu.memory_space<vmem>>
      %dma_wait3A_328 = arith.constant 0 : i32
      %dma_wait3A_329 = tpu.memref_slice %arg9[%dma_wait3A_324, %dma_wait3A_328] : memref<8x128xi32, #tpu.memory_space<vmem>> -> memref<1x128xi32, #tpu.memory_space<vmem>>
      %dma_wait3A_330 = tpu.memref_squeeze %dma_wait3A_329 : memref<1x128xi32, #tpu.memory_space<vmem>> -> memref<128xi32, #tpu.memory_space<vmem>>
      %dma_wait3A_331 = arith.constant 0 : i32
      %dma_wait3A_332 = arith.constant 0 : i32
      %dma_wait3A_333 = tpu.memref_slice %arg3[%dma_wait3A_331, %dma_wait3A_332] : memref<10000x32xf32, #tpu.memory_space<hbm>> -> memref<10000x32xf32, #tpu.memory_space<hbm>>
      tpu.wait_indirect_dma semaphore(%arg13 : memref<!tpu.dma_semaphore, #tpu.memory_space<semaphore_mem>>) src(%dma_wait3A_333 : memref<10000x32xf32, #tpu.memory_space<hbm>>) dst(%dma_wait3A_327 : memref<128x32xf32, #tpu.memory_space<vmem>>)
      %dma_wait3A_334 = arith.constant 7 : i32
      %dma_wait3A_335 = arith.constant 896 : i32
      %dma_wait3A_336 = arith.constant 0 : i32
      %dma_wait3A_337 = tpu.memref_slice %arg10[%dma_wait3A_335, %dma_wait3A_336] : memref<1024x32xf32, #tpu.memory_space<vmem>> -> memref<128x32xf32, #tpu.memory_space<vmem>>
      %dma_wait3A_338 = arith.constant 0 : i32
      %dma_wait3A_339 = tpu.memref_slice %arg8[%dma_wait3A_334, %dma_wait3A_338] : memref<8x128xi32, #tpu.memory_space<vmem>> -> memref<1x128xi32, #tpu.memory_space<vmem>>
      %dma_wait3A_340 = tpu.memref_squeeze %dma_wait3A_339 : memref<1x128xi32, #tpu.memory_space<vmem>> -> memref<128xi32, #tpu.memory_space<vmem>>
      %dma_wait3A_341 = arith.constant 0 : i32
      %dma_wait3A_342 = arith.constant 0 : i32
      %dma_wait3A_343 = tpu.memref_slice %arg2[%dma_wait3A_341, %dma_wait3A_342] : memref<10000x32xf32, #tpu.memory_space<hbm>> -> memref<10000x32xf32, #tpu.memory_space<hbm>>
      tpu.wait_indirect_dma semaphore(%arg13 : memref<!tpu.dma_semaphore, #tpu.memory_space<semaphore_mem>>) src(%dma_wait3A_343 : memref<10000x32xf32, #tpu.memory_space<hbm>>) dst(%dma_wait3A_337 : memref<128x32xf32, #tpu.memory_space<vmem>>)
      %dma_wait3A_344 = arith.constant 7 : i32
      %dma_wait3A_345 = arith.constant 896 : i32
      %dma_wait3A_346 = arith.constant 0 : i32
      %dma_wait3A_347 = tpu.memref_slice %arg11[%dma_wait3A_345, %dma_wait3A_346] : memref<1024x32xf32, #tpu.memory_space<vmem>> -> memref<128x32xf32, #tpu.memory_space<vmem>>
      %dma_wait3A_348 = arith.constant 0 : i32
      %dma_wait3A_349 = tpu.memref_slice %arg9[%dma_wait3A_344, %dma_wait3A_348] : memref<8x128xi32, #tpu.memory_space<vmem>> -> memref<1x128xi32, #tpu.memory_space<vmem>>
      %dma_wait3A_350 = tpu.memref_squeeze %dma_wait3A_349 : memref<1x128xi32, #tpu.memory_space<vmem>> -> memref<128xi32, #tpu.memory_space<vmem>>
      %dma_wait3A_351 = arith.constant 0 : i32
      %dma_wait3A_352 = arith.constant 0 : i32
      %dma_wait3A_353 = tpu.memref_slice %arg3[%dma_wait3A_351, %dma_wait3A_352] : memref<10000x32xf32, #tpu.memory_space<hbm>> -> memref<10000x32xf32, #tpu.memory_space<hbm>>
      tpu.wait_indirect_dma semaphore(%arg13 : memref<!tpu.dma_semaphore, #tpu.memory_space<semaphore_mem>>) src(%dma_wait3A_353 : memref<10000x32xf32, #tpu.memory_space<hbm>>) dst(%dma_wait3A_347 : memref<128x32xf32, #tpu.memory_space<vmem>>)
      %add3A_354 = arith.constant 0 : i32
      %add3A_355 = arith.addi %add3A_35, %add3A_354 : i32
      %lt3A = arith.constant 2500 : i32
      %lt3A_356 = arith.cmpi slt, %add3A_355, %lt3A : i32
      %convert_element_type3A = arith.extui %lt3A_356 : i1 to i32
      %cond3A = arith.constant 0 : i32
      %cond3A_357 = arith.cmpi ne, %convert_element_type3A, %cond3A : i32
      scf.if %cond3A_357 {
        %scan3A_409 = arith.constant 0 : i32
        %scan3A_410 = arith.constant 0 : i32
        %scan3A_411 = arith.constant 128 : i32
        %scan3A_412 = arith.addi %scan3A_410, %scan3A_411 : i32
        %scan3A_413 = arith.constant 1 : i32
        scf.for %scan3A_415 = %scan3A_410 to %scan3A_412 step %scan3A_413  : i32 {
          %get3A = arith.index_cast %scan3A_415 : i32 to index
          %get3A_416 = arith.constant 0 : index
          %get3A_417 = tpu.vector_load %arg10[%get3A, %get3A_416] {strides = array<i32>} : memref<1024x32xf32, #tpu.memory_space<vmem>>, vector<1x16xf32>,
          %get3A_418 = vector.shape_cast %get3A_417 : vector<1x16xf32> to vector<16xf32>
          %get3A_419 = arith.index_cast %scan3A_415 : i32 to index
          %get3A_420 = arith.constant 0 : index
          %get3A_421 = tpu.vector_load %arg11[%get3A_419, %get3A_420] {strides = array<i32>} : memref<1024x32xf32, #tpu.memory_space<vmem>>, vector<1x16xf32>,
          %get3A_422 = vector.shape_cast %get3A_421 : vector<1x16xf32> to vector<16xf32>
          %add3A_423 = arith.addf %get3A_418, %get3A_422 : vector<16xf32>
          %swap3A_424 = arith.index_cast %scan3A_415 : i32 to index
          %swap3A_425 = arith.constant 0 : index
          %swap3A_426 = tpu.vector_load %arg10[%swap3A_424, %swap3A_425] {strides = array<i32>} : memref<1024x32xf32, #tpu.memory_space<vmem>>, vector<1x16xf32>,
          %swap3A_427 = vector.shape_cast %swap3A_426 : vector<1x16xf32> to vector<16xf32>
          %swap3A_428 = vector.shape_cast %add3A_423 : vector<16xf32> to vector<1x16xf32>
          tpu.vector_store %arg10[%swap3A_424, %swap3A_425], %swap3A_428 {strides = array<i32>} : memref<1024x32xf32, #tpu.memory_space<vmem>>, vector<1x16xf32>,
          %swap3A_429 = arith.constant 0 : i32
          %swap3A_430 = arith.index_cast %swap3A_429 : i32 to index
          %swap3A_431 = arith.constant 0 : index
          %swap3A_432 = tpu.vector_load %arg12[%swap3A_430, %swap3A_431] {strides = array<i32>} : memref<2x32xf32, #tpu.memory_space<vmem>>, vector<1x16xf32>,
          %swap3A_433 = vector.shape_cast %swap3A_432 : vector<1x16xf32> to vector<16xf32>
          %swap3A_434 = vector.shape_cast %add3A_423 : vector<16xf32> to vector<1x16xf32>
          tpu.vector_store %arg12[%swap3A_430, %swap3A_431], %swap3A_434 {add = true, strides = array<i32>} : memref<2x32xf32, #tpu.memory_space<vmem>>, vector<1x16xf32>,
          %mul3A_435 = arith.mulf %add3A_423, %add3A_423 : vector<16xf32>
          %swap3A_436 = arith.constant 1 : i32
          %swap3A_437 = arith.index_cast %swap3A_436 : i32 to index
          %swap3A_438 = arith.constant 0 : index
          %swap3A_439 = tpu.vector_load %arg12[%swap3A_437, %swap3A_438] {strides = array<i32>} : memref<2x32xf32, #tpu.memory_space<vmem>>, vector<1x16xf32>,
          %swap3A_440 = vector.shape_cast %swap3A_439 : vector<1x16xf32> to vector<16xf32>
          %swap3A_441 = vector.shape_cast %mul3A_435 : vector<16xf32> to vector<1x16xf32>
          tpu.vector_store %arg12[%swap3A_437, %swap3A_438], %swap3A_441 {add = true, strides = array<i32>} : memref<2x32xf32, #tpu.memory_space<vmem>>, vector<1x16xf32>,
          %get3A_442 = arith.index_cast %scan3A_415 : i32 to index
          %get3A_443 = arith.constant 16 : index
          %get3A_444 = tpu.vector_load %arg10[%get3A_442, %get3A_443] {strides = array<i32>} : memref<1024x32xf32, #tpu.memory_space<vmem>>, vector<1x16xf32>,
          %get3A_445 = vector.shape_cast %get3A_444 : vector<1x16xf32> to vector<16xf32>
          %get3A_446 = arith.index_cast %scan3A_415 : i32 to index
          %get3A_447 = arith.constant 16 : index
          %get3A_448 = tpu.vector_load %arg11[%get3A_446, %get3A_447] {strides = array<i32>} : memref<1024x32xf32, #tpu.memory_space<vmem>>, vector<1x16xf32>,
          %get3A_449 = vector.shape_cast %get3A_448 : vector<1x16xf32> to vector<16xf32>
          %add3A_450 = arith.addf %get3A_445, %get3A_449 : vector<16xf32>
          %swap3A_451 = arith.index_cast %scan3A_415 : i32 to index
          %swap3A_452 = arith.constant 16 : index
          %swap3A_453 = tpu.vector_load %arg10[%swap3A_451, %swap3A_452] {strides = array<i32>} : memref<1024x32xf32, #tpu.memory_space<vmem>>, vector<1x16xf32>,
          %swap3A_454 = vector.shape_cast %swap3A_453 : vector<1x16xf32> to vector<16xf32>
          %swap3A_455 = vector.shape_cast %add3A_450 : vector<16xf32> to vector<1x16xf32>
          tpu.vector_store %arg10[%swap3A_451, %swap3A_452], %swap3A_455 {strides = array<i32>} : memref<1024x32xf32, #tpu.memory_space<vmem>>, vector<1x16xf32>,
          %swap3A_456 = arith.constant 0 : i32
          %swap3A_457 = arith.index_cast %swap3A_456 : i32 to index
          %swap3A_458 = arith.constant 16 : index
          %swap3A_459 = tpu.vector_load %arg12[%swap3A_457, %swap3A_458] {strides = array<i32>} : memref<2x32xf32, #tpu.memory_space<vmem>>, vector<1x16xf32>,
          %swap3A_460 = vector.shape_cast %swap3A_459 : vector<1x16xf32> to vector<16xf32>
          %swap3A_461 = vector.shape_cast %add3A_450 : vector<16xf32> to vector<1x16xf32>
          tpu.vector_store %arg12[%swap3A_457, %swap3A_458], %swap3A_461 {add = true, strides = array<i32>} : memref<2x32xf32, #tpu.memory_space<vmem>>, vector<1x16xf32>,
          %mul3A_462 = arith.mulf %add3A_450, %add3A_450 : vector<16xf32>
          %swap3A_463 = arith.constant 1 : i32
          %swap3A_464 = arith.index_cast %swap3A_463 : i32 to index
          %swap3A_465 = arith.constant 16 : index
          %swap3A_466 = tpu.vector_load %arg12[%swap3A_464, %swap3A_465] {strides = array<i32>} : memref<2x32xf32, #tpu.memory_space<vmem>>, vector<1x16xf32>,
          %swap3A_467 = vector.shape_cast %swap3A_466 : vector<1x16xf32> to vector<16xf32>
          %swap3A_468 = vector.shape_cast %mul3A_462 : vector<16xf32> to vector<1x16xf32>
          tpu.vector_store %arg12[%swap3A_464, %swap3A_465], %swap3A_468 {add = true, strides = array<i32>} : memref<2x32xf32, #tpu.memory_space<vmem>>, vector<1x16xf32>,
        }
        %scan3A_414 = arith.constant 128 : i32
      } else {
      }
      %add3A_358 = arith.constant 1 : i32
      %add3A_359 = arith.addi %add3A_35, %add3A_358 : i32
      %lt3A_360 = arith.constant 2500 : i32
      %lt3A_361 = arith.cmpi slt, %add3A_359, %lt3A_360 : i32
      %convert_element_type3A_362 = arith.extui %lt3A_361 : i1 to i32
      %cond3A_363 = arith.constant 0 : i32
      %cond3A_364 = arith.cmpi ne, %convert_element_type3A_362, %cond3A_363 : i32
      scf.if %cond3A_364 {
        %scan3A_409 = arith.constant 0 : i32
        %scan3A_410 = arith.constant 128 : i32
        %scan3A_411 = arith.constant 128 : i32
        %scan3A_412 = arith.addi %scan3A_410, %scan3A_411 : i32
        %scan3A_413 = arith.constant 1 : i32
        scf.for %scan3A_415 = %scan3A_410 to %scan3A_412 step %scan3A_413  : i32 {
          %get3A = arith.index_cast %scan3A_415 : i32 to index
          %get3A_416 = arith.constant 0 : index
          %get3A_417 = tpu.vector_load %arg10[%get3A, %get3A_416] {strides = array<i32>} : memref<1024x32xf32, #tpu.memory_space<vmem>>, vector<1x16xf32>,
          %get3A_418 = vector.shape_cast %get3A_417 : vector<1x16xf32> to vector<16xf32>
          %get3A_419 = arith.index_cast %scan3A_415 : i32 to index
          %get3A_420 = arith.constant 0 : index
          %get3A_421 = tpu.vector_load %arg11[%get3A_419, %get3A_420] {strides = array<i32>} : memref<1024x32xf32, #tpu.memory_space<vmem>>, vector<1x16xf32>,
          %get3A_422 = vector.shape_cast %get3A_421 : vector<1x16xf32> to vector<16xf32>
          %add3A_423 = arith.addf %get3A_418, %get3A_422 : vector<16xf32>
          %swap3A_424 = arith.index_cast %scan3A_415 : i32 to index
          %swap3A_425 = arith.constant 0 : index
          %swap3A_426 = tpu.vector_load %arg10[%swap3A_424, %swap3A_425] {strides = array<i32>} : memref<1024x32xf32, #tpu.memory_space<vmem>>, vector<1x16xf32>,
          %swap3A_427 = vector.shape_cast %swap3A_426 : vector<1x16xf32> to vector<16xf32>
          %swap3A_428 = vector.shape_cast %add3A_423 : vector<16xf32> to vector<1x16xf32>
          tpu.vector_store %arg10[%swap3A_424, %swap3A_425], %swap3A_428 {strides = array<i32>} : memref<1024x32xf32, #tpu.memory_space<vmem>>, vector<1x16xf32>,
          %swap3A_429 = arith.constant 0 : i32
          %swap3A_430 = arith.index_cast %swap3A_429 : i32 to index
          %swap3A_431 = arith.constant 0 : index
          %swap3A_432 = tpu.vector_load %arg12[%swap3A_430, %swap3A_431] {strides = array<i32>} : memref<2x32xf32, #tpu.memory_space<vmem>>, vector<1x16xf32>,
          %swap3A_433 = vector.shape_cast %swap3A_432 : vector<1x16xf32> to vector<16xf32>
          %swap3A_434 = vector.shape_cast %add3A_423 : vector<16xf32> to vector<1x16xf32>
          tpu.vector_store %arg12[%swap3A_430, %swap3A_431], %swap3A_434 {add = true, strides = array<i32>} : memref<2x32xf32, #tpu.memory_space<vmem>>, vector<1x16xf32>,
          %mul3A_435 = arith.mulf %add3A_423, %add3A_423 : vector<16xf32>
          %swap3A_436 = arith.constant 1 : i32
          %swap3A_437 = arith.index_cast %swap3A_436 : i32 to index
          %swap3A_438 = arith.constant 0 : index
          %swap3A_439 = tpu.vector_load %arg12[%swap3A_437, %swap3A_438] {strides = array<i32>} : memref<2x32xf32, #tpu.memory_space<vmem>>, vector<1x16xf32>,
          %swap3A_440 = vector.shape_cast %swap3A_439 : vector<1x16xf32> to vector<16xf32>
          %swap3A_441 = vector.shape_cast %mul3A_435 : vector<16xf32> to vector<1x16xf32>
          tpu.vector_store %arg12[%swap3A_437, %swap3A_438], %swap3A_441 {add = true, strides = array<i32>} : memref<2x32xf32, #tpu.memory_space<vmem>>, vector<1x16xf32>,
          %get3A_442 = arith.index_cast %scan3A_415 : i32 to index
          %get3A_443 = arith.constant 16 : index
          %get3A_444 = tpu.vector_load %arg10[%get3A_442, %get3A_443] {strides = array<i32>} : memref<1024x32xf32, #tpu.memory_space<vmem>>, vector<1x16xf32>,
          %get3A_445 = vector.shape_cast %get3A_444 : vector<1x16xf32> to vector<16xf32>
          %get3A_446 = arith.index_cast %scan3A_415 : i32 to index
          %get3A_447 = arith.constant 16 : index
          %get3A_448 = tpu.vector_load %arg11[%get3A_446, %get3A_447] {strides = array<i32>} : memref<1024x32xf32, #tpu.memory_space<vmem>>, vector<1x16xf32>,
          %get3A_449 = vector.shape_cast %get3A_448 : vector<1x16xf32> to vector<16xf32>
          %add3A_450 = arith.addf %get3A_445, %get3A_449 : vector<16xf32>
          %swap3A_451 = arith.index_cast %scan3A_415 : i32 to index
          %swap3A_452 = arith.constant 16 : index
          %swap3A_453 = tpu.vector_load %arg10[%swap3A_451, %swap3A_452] {strides = array<i32>} : memref<1024x32xf32, #tpu.memory_space<vmem>>, vector<1x16xf32>,
          %swap3A_454 = vector.shape_cast %swap3A_453 : vector<1x16xf32> to vector<16xf32>
          %swap3A_455 = vector.shape_cast %add3A_450 : vector<16xf32> to vector<1x16xf32>
          tpu.vector_store %arg10[%swap3A_451, %swap3A_452], %swap3A_455 {strides = array<i32>} : memref<1024x32xf32, #tpu.memory_space<vmem>>, vector<1x16xf32>,
          %swap3A_456 = arith.constant 0 : i32
          %swap3A_457 = arith.index_cast %swap3A_456 : i32 to index
          %swap3A_458 = arith.constant 16 : index
          %swap3A_459 = tpu.vector_load %arg12[%swap3A_457, %swap3A_458] {strides = array<i32>} : memref<2x32xf32, #tpu.memory_space<vmem>>, vector<1x16xf32>,
          %swap3A_460 = vector.shape_cast %swap3A_459 : vector<1x16xf32> to vector<16xf32>
          %swap3A_461 = vector.shape_cast %add3A_450 : vector<16xf32> to vector<1x16xf32>
          tpu.vector_store %arg12[%swap3A_457, %swap3A_458], %swap3A_461 {add = true, strides = array<i32>} : memref<2x32xf32, #tpu.memory_space<vmem>>, vector<1x16xf32>,
          %mul3A_462 = arith.mulf %add3A_450, %add3A_450 : vector<16xf32>
          %swap3A_463 = arith.constant 1 : i32
          %swap3A_464 = arith.index_cast %swap3A_463 : i32 to index
          %swap3A_465 = arith.constant 16 : index
          %swap3A_466 = tpu.vector_load %arg12[%swap3A_464, %swap3A_465] {strides = array<i32>} : memref<2x32xf32, #tpu.memory_space<vmem>>, vector<1x16xf32>,
          %swap3A_467 = vector.shape_cast %swap3A_466 : vector<1x16xf32> to vector<16xf32>
          %swap3A_468 = vector.shape_cast %mul3A_462 : vector<16xf32> to vector<1x16xf32>
          tpu.vector_store %arg12[%swap3A_464, %swap3A_465], %swap3A_468 {add = true, strides = array<i32>} : memref<2x32xf32, #tpu.memory_space<vmem>>, vector<1x16xf32>,
        }
        %scan3A_414 = arith.constant 128 : i32
      } else {
      }
      %add3A_365 = arith.constant 2 : i32
      %add3A_366 = arith.addi %add3A_35, %add3A_365 : i32
      %lt3A_367 = arith.constant 2500 : i32
      %lt3A_368 = arith.cmpi slt, %add3A_366, %lt3A_367 : i32
      %convert_element_type3A_369 = arith.extui %lt3A_368 : i1 to i32
      %cond3A_370 = arith.constant 0 : i32
      %cond3A_371 = arith.cmpi ne, %convert_element_type3A_369, %cond3A_370 : i32
      scf.if %cond3A_371 {
        %scan3A_409 = arith.constant 0 : i32
        %scan3A_410 = arith.constant 256 : i32
        %scan3A_411 = arith.constant 128 : i32
        %scan3A_412 = arith.addi %scan3A_410, %scan3A_411 : i32
        %scan3A_413 = arith.constant 1 : i32
        scf.for %scan3A_415 = %scan3A_410 to %scan3A_412 step %scan3A_413  : i32 {
          %get3A = arith.index_cast %scan3A_415 : i32 to index
          %get3A_416 = arith.constant 0 : index
          %get3A_417 = tpu.vector_load %arg10[%get3A, %get3A_416] {strides = array<i32>} : memref<1024x32xf32, #tpu.memory_space<vmem>>, vector<1x16xf32>,
          %get3A_418 = vector.shape_cast %get3A_417 : vector<1x16xf32> to vector<16xf32>
          %get3A_419 = arith.index_cast %scan3A_415 : i32 to index
          %get3A_420 = arith.constant 0 : index
          %get3A_421 = tpu.vector_load %arg11[%get3A_419, %get3A_420] {strides = array<i32>} : memref<1024x32xf32, #tpu.memory_space<vmem>>, vector<1x16xf32>,
          %get3A_422 = vector.shape_cast %get3A_421 : vector<1x16xf32> to vector<16xf32>
          %add3A_423 = arith.addf %get3A_418, %get3A_422 : vector<16xf32>
          %swap3A_424 = arith.index_cast %scan3A_415 : i32 to index
          %swap3A_425 = arith.constant 0 : index
          %swap3A_426 = tpu.vector_load %arg10[%swap3A_424, %swap3A_425] {strides = array<i32>} : memref<1024x32xf32, #tpu.memory_space<vmem>>, vector<1x16xf32>,
          %swap3A_427 = vector.shape_cast %swap3A_426 : vector<1x16xf32> to vector<16xf32>
          %swap3A_428 = vector.shape_cast %add3A_423 : vector<16xf32> to vector<1x16xf32>
          tpu.vector_store %arg10[%swap3A_424, %swap3A_425], %swap3A_428 {strides = array<i32>} : memref<1024x32xf32, #tpu.memory_space<vmem>>, vector<1x16xf32>,
          %swap3A_429 = arith.constant 0 : i32
          %swap3A_430 = arith.index_cast %swap3A_429 : i32 to index
          %swap3A_431 = arith.constant 0 : index
          %swap3A_432 = tpu.vector_load %arg12[%swap3A_430, %swap3A_431] {strides = array<i32>} : memref<2x32xf32, #tpu.memory_space<vmem>>, vector<1x16xf32>,
          %swap3A_433 = vector.shape_cast %swap3A_432 : vector<1x16xf32> to vector<16xf32>
          %swap3A_434 = vector.shape_cast %add3A_423 : vector<16xf32> to vector<1x16xf32>
          tpu.vector_store %arg12[%swap3A_430, %swap3A_431], %swap3A_434 {add = true, strides = array<i32>} : memref<2x32xf32, #tpu.memory_space<vmem>>, vector<1x16xf32>,
          %mul3A_435 = arith.mulf %add3A_423, %add3A_423 : vector<16xf32>
          %swap3A_436 = arith.constant 1 : i32
          %swap3A_437 = arith.index_cast %swap3A_436 : i32 to index
          %swap3A_438 = arith.constant 0 : index
          %swap3A_439 = tpu.vector_load %arg12[%swap3A_437, %swap3A_438] {strides = array<i32>} : memref<2x32xf32, #tpu.memory_space<vmem>>, vector<1x16xf32>,
          %swap3A_440 = vector.shape_cast %swap3A_439 : vector<1x16xf32> to vector<16xf32>
          %swap3A_441 = vector.shape_cast %mul3A_435 : vector<16xf32> to vector<1x16xf32>
          tpu.vector_store %arg12[%swap3A_437, %swap3A_438], %swap3A_441 {add = true, strides = array<i32>} : memref<2x32xf32, #tpu.memory_space<vmem>>, vector<1x16xf32>,
          %get3A_442 = arith.index_cast %scan3A_415 : i32 to index
          %get3A_443 = arith.constant 16 : index
          %get3A_444 = tpu.vector_load %arg10[%get3A_442, %get3A_443] {strides = array<i32>} : memref<1024x32xf32, #tpu.memory_space<vmem>>, vector<1x16xf32>,
          %get3A_445 = vector.shape_cast %get3A_444 : vector<1x16xf32> to vector<16xf32>
          %get3A_446 = arith.index_cast %scan3A_415 : i32 to index
          %get3A_447 = arith.constant 16 : index
          %get3A_448 = tpu.vector_load %arg11[%get3A_446, %get3A_447] {strides = array<i32>} : memref<1024x32xf32, #tpu.memory_space<vmem>>, vector<1x16xf32>,
          %get3A_449 = vector.shape_cast %get3A_448 : vector<1x16xf32> to vector<16xf32>
          %add3A_450 = arith.addf %get3A_445, %get3A_449 : vector<16xf32>
          %swap3A_451 = arith.index_cast %scan3A_415 : i32 to index
          %swap3A_452 = arith.constant 16 : index
          %swap3A_453 = tpu.vector_load %arg10[%swap3A_451, %swap3A_452] {strides = array<i32>} : memref<1024x32xf32, #tpu.memory_space<vmem>>, vector<1x16xf32>,
          %swap3A_454 = vector.shape_cast %swap3A_453 : vector<1x16xf32> to vector<16xf32>
          %swap3A_455 = vector.shape_cast %add3A_450 : vector<16xf32> to vector<1x16xf32>
          tpu.vector_store %arg10[%swap3A_451, %swap3A_452], %swap3A_455 {strides = array<i32>} : memref<1024x32xf32, #tpu.memory_space<vmem>>, vector<1x16xf32>,
          %swap3A_456 = arith.constant 0 : i32
          %swap3A_457 = arith.index_cast %swap3A_456 : i32 to index
          %swap3A_458 = arith.constant 16 : index
          %swap3A_459 = tpu.vector_load %arg12[%swap3A_457, %swap3A_458] {strides = array<i32>} : memref<2x32xf32, #tpu.memory_space<vmem>>, vector<1x16xf32>,
          %swap3A_460 = vector.shape_cast %swap3A_459 : vector<1x16xf32> to vector<16xf32>
          %swap3A_461 = vector.shape_cast %add3A_450 : vector<16xf32> to vector<1x16xf32>
          tpu.vector_store %arg12[%swap3A_457, %swap3A_458], %swap3A_461 {add = true, strides = array<i32>} : memref<2x32xf32, #tpu.memory_space<vmem>>, vector<1x16xf32>,
          %mul3A_462 = arith.mulf %add3A_450, %add3A_450 : vector<16xf32>
          %swap3A_463 = arith.constant 1 : i32
          %swap3A_464 = arith.index_cast %swap3A_463 : i32 to index
          %swap3A_465 = arith.constant 16 : index
          %swap3A_466 = tpu.vector_load %arg12[%swap3A_464, %swap3A_465] {strides = array<i32>} : memref<2x32xf32, #tpu.memory_space<vmem>>, vector<1x16xf32>,
          %swap3A_467 = vector.shape_cast %swap3A_466 : vector<1x16xf32> to vector<16xf32>
          %swap3A_468 = vector.shape_cast %mul3A_462 : vector<16xf32> to vector<1x16xf32>
          tpu.vector_store %arg12[%swap3A_464, %swap3A_465], %swap3A_468 {add = true, strides = array<i32>} : memref<2x32xf32, #tpu.memory_space<vmem>>, vector<1x16xf32>,
        }
        %scan3A_414 = arith.constant 128 : i32
      } else {
      }
      %add3A_372 = arith.constant 3 : i32
      %add3A_373 = arith.addi %add3A_35, %add3A_372 : i32
      %lt3A_374 = arith.constant 2500 : i32
      %lt3A_375 = arith.cmpi slt, %add3A_373, %lt3A_374 : i32
      %convert_element_type3A_376 = arith.extui %lt3A_375 : i1 to i32
      %cond3A_377 = arith.constant 0 : i32
      %cond3A_378 = arith.cmpi ne, %convert_element_type3A_376, %cond3A_377 : i32
      scf.if %cond3A_378 {
        %scan3A_409 = arith.constant 0 : i32
        %scan3A_410 = arith.constant 384 : i32
        %scan3A_411 = arith.constant 128 : i32
        %scan3A_412 = arith.addi %scan3A_410, %scan3A_411 : i32
        %scan3A_413 = arith.constant 1 : i32
        scf.for %scan3A_415 = %scan3A_410 to %scan3A_412 step %scan3A_413  : i32 {
          %get3A = arith.index_cast %scan3A_415 : i32 to index
          %get3A_416 = arith.constant 0 : index
          %get3A_417 = tpu.vector_load %arg10[%get3A, %get3A_416] {strides = array<i32>} : memref<1024x32xf32, #tpu.memory_space<vmem>>, vector<1x16xf32>,
          %get3A_418 = vector.shape_cast %get3A_417 : vector<1x16xf32> to vector<16xf32>
          %get3A_419 = arith.index_cast %scan3A_415 : i32 to index
          %get3A_420 = arith.constant 0 : index
          %get3A_421 = tpu.vector_load %arg11[%get3A_419, %get3A_420] {strides = array<i32>} : memref<1024x32xf32, #tpu.memory_space<vmem>>, vector<1x16xf32>,
          %get3A_422 = vector.shape_cast %get3A_421 : vector<1x16xf32> to vector<16xf32>
          %add3A_423 = arith.addf %get3A_418, %get3A_422 : vector<16xf32>
          %swap3A_424 = arith.index_cast %scan3A_415 : i32 to index
          %swap3A_425 = arith.constant 0 : index
          %swap3A_426 = tpu.vector_load %arg10[%swap3A_424, %swap3A_425] {strides = array<i32>} : memref<1024x32xf32, #tpu.memory_space<vmem>>, vector<1x16xf32>,
          %swap3A_427 = vector.shape_cast %swap3A_426 : vector<1x16xf32> to vector<16xf32>
          %swap3A_428 = vector.shape_cast %add3A_423 : vector<16xf32> to vector<1x16xf32>
          tpu.vector_store %arg10[%swap3A_424, %swap3A_425], %swap3A_428 {strides = array<i32>} : memref<1024x32xf32, #tpu.memory_space<vmem>>, vector<1x16xf32>,
          %swap3A_429 = arith.constant 0 : i32
          %swap3A_430 = arith.index_cast %swap3A_429 : i32 to index
          %swap3A_431 = arith.constant 0 : index
          %swap3A_432 = tpu.vector_load %arg12[%swap3A_430, %swap3A_431] {strides = array<i32>} : memref<2x32xf32, #tpu.memory_space<vmem>>, vector<1x16xf32>,
          %swap3A_433 = vector.shape_cast %swap3A_432 : vector<1x16xf32> to vector<16xf32>
          %swap3A_434 = vector.shape_cast %add3A_423 : vector<16xf32> to vector<1x16xf32>
          tpu.vector_store %arg12[%swap3A_430, %swap3A_431], %swap3A_434 {add = true, strides = array<i32>} : memref<2x32xf32, #tpu.memory_space<vmem>>, vector<1x16xf32>,
          %mul3A_435 = arith.mulf %add3A_423, %add3A_423 : vector<16xf32>
          %swap3A_436 = arith.constant 1 : i32
          %swap3A_437 = arith.index_cast %swap3A_436 : i32 to index
          %swap3A_438 = arith.constant 0 : index
          %swap3A_439 = tpu.vector_load %arg12[%swap3A_437, %swap3A_438] {strides = array<i32>} : memref<2x32xf32, #tpu.memory_space<vmem>>, vector<1x16xf32>,
          %swap3A_440 = vector.shape_cast %swap3A_439 : vector<1x16xf32> to vector<16xf32>
          %swap3A_441 = vector.shape_cast %mul3A_435 : vector<16xf32> to vector<1x16xf32>
          tpu.vector_store %arg12[%swap3A_437, %swap3A_438], %swap3A_441 {add = true, strides = array<i32>} : memref<2x32xf32, #tpu.memory_space<vmem>>, vector<1x16xf32>,
          %get3A_442 = arith.index_cast %scan3A_415 : i32 to index
          %get3A_443 = arith.constant 16 : index
          %get3A_444 = tpu.vector_load %arg10[%get3A_442, %get3A_443] {strides = array<i32>} : memref<1024x32xf32, #tpu.memory_space<vmem>>, vector<1x16xf32>,
          %get3A_445 = vector.shape_cast %get3A_444 : vector<1x16xf32> to vector<16xf32>
          %get3A_446 = arith.index_cast %scan3A_415 : i32 to index
          %get3A_447 = arith.constant 16 : index
          %get3A_448 = tpu.vector_load %arg11[%get3A_446, %get3A_447] {strides = array<i32>} : memref<1024x32xf32, #tpu.memory_space<vmem>>, vector<1x16xf32>,
          %get3A_449 = vector.shape_cast %get3A_448 : vector<1x16xf32> to vector<16xf32>
          %add3A_450 = arith.addf %get3A_445, %get3A_449 : vector<16xf32>
          %swap3A_451 = arith.index_cast %scan3A_415 : i32 to index
          %swap3A_452 = arith.constant 16 : index
          %swap3A_453 = tpu.vector_load %arg10[%swap3A_451, %swap3A_452] {strides = array<i32>} : memref<1024x32xf32, #tpu.memory_space<vmem>>, vector<1x16xf32>,
          %swap3A_454 = vector.shape_cast %swap3A_453 : vector<1x16xf32> to vector<16xf32>
          %swap3A_455 = vector.shape_cast %add3A_450 : vector<16xf32> to vector<1x16xf32>
          tpu.vector_store %arg10[%swap3A_451, %swap3A_452], %swap3A_455 {strides = array<i32>} : memref<1024x32xf32, #tpu.memory_space<vmem>>, vector<1x16xf32>,
          %swap3A_456 = arith.constant 0 : i32
          %swap3A_457 = arith.index_cast %swap3A_456 : i32 to index
          %swap3A_458 = arith.constant 16 : index
          %swap3A_459 = tpu.vector_load %arg12[%swap3A_457, %swap3A_458] {strides = array<i32>} : memref<2x32xf32, #tpu.memory_space<vmem>>, vector<1x16xf32>,
          %swap3A_460 = vector.shape_cast %swap3A_459 : vector<1x16xf32> to vector<16xf32>
          %swap3A_461 = vector.shape_cast %add3A_450 : vector<16xf32> to vector<1x16xf32>
          tpu.vector_store %arg12[%swap3A_457, %swap3A_458], %swap3A_461 {add = true, strides = array<i32>} : memref<2x32xf32, #tpu.memory_space<vmem>>, vector<1x16xf32>,
          %mul3A_462 = arith.mulf %add3A_450, %add3A_450 : vector<16xf32>
          %swap3A_463 = arith.constant 1 : i32
          %swap3A_464 = arith.index_cast %swap3A_463 : i32 to index
          %swap3A_465 = arith.constant 16 : index
          %swap3A_466 = tpu.vector_load %arg12[%swap3A_464, %swap3A_465] {strides = array<i32>} : memref<2x32xf32, #tpu.memory_space<vmem>>, vector<1x16xf32>,
          %swap3A_467 = vector.shape_cast %swap3A_466 : vector<1x16xf32> to vector<16xf32>
          %swap3A_468 = vector.shape_cast %mul3A_462 : vector<16xf32> to vector<1x16xf32>
          tpu.vector_store %arg12[%swap3A_464, %swap3A_465], %swap3A_468 {add = true, strides = array<i32>} : memref<2x32xf32, #tpu.memory_space<vmem>>, vector<1x16xf32>,
        }
        %scan3A_414 = arith.constant 128 : i32
      } else {
      }
      %add3A_379 = arith.constant 4 : i32
      %add3A_380 = arith.addi %add3A_35, %add3A_379 : i32
      %lt3A_381 = arith.constant 2500 : i32
      %lt3A_382 = arith.cmpi slt, %add3A_380, %lt3A_381 : i32
      %convert_element_type3A_383 = arith.extui %lt3A_382 : i1 to i32
      %cond3A_384 = arith.constant 0 : i32
      %cond3A_385 = arith.cmpi ne, %convert_element_type3A_383, %cond3A_384 : i32
      scf.if %cond3A_385 {
        %scan3A_409 = arith.constant 0 : i32
        %scan3A_410 = arith.constant 512 : i32
        %scan3A_411 = arith.constant 128 : i32
        %scan3A_412 = arith.addi %scan3A_410, %scan3A_411 : i32
        %scan3A_413 = arith.constant 1 : i32
        scf.for %scan3A_415 = %scan3A_410 to %scan3A_412 step %scan3A_413  : i32 {
          %get3A = arith.index_cast %scan3A_415 : i32 to index
          %get3A_416 = arith.constant 0 : index
          %get3A_417 = tpu.vector_load %arg10[%get3A, %get3A_416] {strides = array<i32>} : memref<1024x32xf32, #tpu.memory_space<vmem>>, vector<1x16xf32>,
          %get3A_418 = vector.shape_cast %get3A_417 : vector<1x16xf32> to vector<16xf32>
          %get3A_419 = arith.index_cast %scan3A_415 : i32 to index
          %get3A_420 = arith.constant 0 : index
          %get3A_421 = tpu.vector_load %arg11[%get3A_419, %get3A_420] {strides = array<i32>} : memref<1024x32xf32, #tpu.memory_space<vmem>>, vector<1x16xf32>,
          %get3A_422 = vector.shape_cast %get3A_421 : vector<1x16xf32> to vector<16xf32>
          %add3A_423 = arith.addf %get3A_418, %get3A_422 : vector<16xf32>
          %swap3A_424 = arith.index_cast %scan3A_415 : i32 to index
          %swap3A_425 = arith.constant 0 : index
          %swap3A_426 = tpu.vector_load %arg10[%swap3A_424, %swap3A_425] {strides = array<i32>} : memref<1024x32xf32, #tpu.memory_space<vmem>>, vector<1x16xf32>,
          %swap3A_427 = vector.shape_cast %swap3A_426 : vector<1x16xf32> to vector<16xf32>
          %swap3A_428 = vector.shape_cast %add3A_423 : vector<16xf32> to vector<1x16xf32>
          tpu.vector_store %arg10[%swap3A_424, %swap3A_425], %swap3A_428 {strides = array<i32>} : memref<1024x32xf32, #tpu.memory_space<vmem>>, vector<1x16xf32>,
          %swap3A_429 = arith.constant 0 : i32
          %swap3A_430 = arith.index_cast %swap3A_429 : i32 to index
          %swap3A_431 = arith.constant 0 : index
          %swap3A_432 = tpu.vector_load %arg12[%swap3A_430, %swap3A_431] {strides = array<i32>} : memref<2x32xf32, #tpu.memory_space<vmem>>, vector<1x16xf32>,
          %swap3A_433 = vector.shape_cast %swap3A_432 : vector<1x16xf32> to vector<16xf32>
          %swap3A_434 = vector.shape_cast %add3A_423 : vector<16xf32> to vector<1x16xf32>
          tpu.vector_store %arg12[%swap3A_430, %swap3A_431], %swap3A_434 {add = true, strides = array<i32>} : memref<2x32xf32, #tpu.memory_space<vmem>>, vector<1x16xf32>,
          %mul3A_435 = arith.mulf %add3A_423, %add3A_423 : vector<16xf32>
          %swap3A_436 = arith.constant 1 : i32
          %swap3A_437 = arith.index_cast %swap3A_436 : i32 to index
          %swap3A_438 = arith.constant 0 : index
          %swap3A_439 = tpu.vector_load %arg12[%swap3A_437, %swap3A_438] {strides = array<i32>} : memref<2x32xf32, #tpu.memory_space<vmem>>, vector<1x16xf32>,
          %swap3A_440 = vector.shape_cast %swap3A_439 : vector<1x16xf32> to vector<16xf32>
          %swap3A_441 = vector.shape_cast %mul3A_435 : vector<16xf32> to vector<1x16xf32>
          tpu.vector_store %arg12[%swap3A_437, %swap3A_438], %swap3A_441 {add = true, strides = array<i32>} : memref<2x32xf32, #tpu.memory_space<vmem>>, vector<1x16xf32>,
          %get3A_442 = arith.index_cast %scan3A_415 : i32 to index
          %get3A_443 = arith.constant 16 : index
          %get3A_444 = tpu.vector_load %arg10[%get3A_442, %get3A_443] {strides = array<i32>} : memref<1024x32xf32, #tpu.memory_space<vmem>>, vector<1x16xf32>,
          %get3A_445 = vector.shape_cast %get3A_444 : vector<1x16xf32> to vector<16xf32>
          %get3A_446 = arith.index_cast %scan3A_415 : i32 to index
          %get3A_447 = arith.constant 16 : index
          %get3A_448 = tpu.vector_load %arg11[%get3A_446, %get3A_447] {strides = array<i32>} : memref<1024x32xf32, #tpu.memory_space<vmem>>, vector<1x16xf32>,
          %get3A_449 = vector.shape_cast %get3A_448 : vector<1x16xf32> to vector<16xf32>
          %add3A_450 = arith.addf %get3A_445, %get3A_449 : vector<16xf32>
          %swap3A_451 = arith.index_cast %scan3A_415 : i32 to index
          %swap3A_452 = arith.constant 16 : index
          %swap3A_453 = tpu.vector_load %arg10[%swap3A_451, %swap3A_452] {strides = array<i32>} : memref<1024x32xf32, #tpu.memory_space<vmem>>, vector<1x16xf32>,
          %swap3A_454 = vector.shape_cast %swap3A_453 : vector<1x16xf32> to vector<16xf32>
          %swap3A_455 = vector.shape_cast %add3A_450 : vector<16xf32> to vector<1x16xf32>
          tpu.vector_store %arg10[%swap3A_451, %swap3A_452], %swap3A_455 {strides = array<i32>} : memref<1024x32xf32, #tpu.memory_space<vmem>>, vector<1x16xf32>,
          %swap3A_456 = arith.constant 0 : i32
          %swap3A_457 = arith.index_cast %swap3A_456 : i32 to index
          %swap3A_458 = arith.constant 16 : index
          %swap3A_459 = tpu.vector_load %arg12[%swap3A_457, %swap3A_458] {strides = array<i32>} : memref<2x32xf32, #tpu.memory_space<vmem>>, vector<1x16xf32>,
          %swap3A_460 = vector.shape_cast %swap3A_459 : vector<1x16xf32> to vector<16xf32>
          %swap3A_461 = vector.shape_cast %add3A_450 : vector<16xf32> to vector<1x16xf32>
          tpu.vector_store %arg12[%swap3A_457, %swap3A_458], %swap3A_461 {add = true, strides = array<i32>} : memref<2x32xf32, #tpu.memory_space<vmem>>, vector<1x16xf32>,
          %mul3A_462 = arith.mulf %add3A_450, %add3A_450 : vector<16xf32>
          %swap3A_463 = arith.constant 1 : i32
          %swap3A_464 = arith.index_cast %swap3A_463 : i32 to index
          %swap3A_465 = arith.constant 16 : index
          %swap3A_466 = tpu.vector_load %arg12[%swap3A_464, %swap3A_465] {strides = array<i32>} : memref<2x32xf32, #tpu.memory_space<vmem>>, vector<1x16xf32>,
          %swap3A_467 = vector.shape_cast %swap3A_466 : vector<1x16xf32> to vector<16xf32>
          %swap3A_468 = vector.shape_cast %mul3A_462 : vector<16xf32> to vector<1x16xf32>
          tpu.vector_store %arg12[%swap3A_464, %swap3A_465], %swap3A_468 {add = true, strides = array<i32>} : memref<2x32xf32, #tpu.memory_space<vmem>>, vector<1x16xf32>,
        }
        %scan3A_414 = arith.constant 128 : i32
      } else {
      }
      %add3A_386 = arith.constant 5 : i32
      %add3A_387 = arith.addi %add3A_35, %add3A_386 : i32
      %lt3A_388 = arith.constant 2500 : i32
      %lt3A_389 = arith.cmpi slt, %add3A_387, %lt3A_388 : i32
      %convert_element_type3A_390 = arith.extui %lt3A_389 : i1 to i32
      %cond3A_391 = arith.constant 0 : i32
      %cond3A_392 = arith.cmpi ne, %convert_element_type3A_390, %cond3A_391 : i32
      scf.if %cond3A_392 {
        %scan3A_409 = arith.constant 0 : i32
        %scan3A_410 = arith.constant 640 : i32
        %scan3A_411 = arith.constant 128 : i32
        %scan3A_412 = arith.addi %scan3A_410, %scan3A_411 : i32
        %scan3A_413 = arith.constant 1 : i32
        scf.for %scan3A_415 = %scan3A_410 to %scan3A_412 step %scan3A_413  : i32 {
          %get3A = arith.index_cast %scan3A_415 : i32 to index
          %get3A_416 = arith.constant 0 : index
          %get3A_417 = tpu.vector_load %arg10[%get3A, %get3A_416] {strides = array<i32>} : memref<1024x32xf32, #tpu.memory_space<vmem>>, vector<1x16xf32>,
          %get3A_418 = vector.shape_cast %get3A_417 : vector<1x16xf32> to vector<16xf32>
          %get3A_419 = arith.index_cast %scan3A_415 : i32 to index
          %get3A_420 = arith.constant 0 : index
          %get3A_421 = tpu.vector_load %arg11[%get3A_419, %get3A_420] {strides = array<i32>} : memref<1024x32xf32, #tpu.memory_space<vmem>>, vector<1x16xf32>,
          %get3A_422 = vector.shape_cast %get3A_421 : vector<1x16xf32> to vector<16xf32>
          %add3A_423 = arith.addf %get3A_418, %get3A_422 : vector<16xf32>
          %swap3A_424 = arith.index_cast %scan3A_415 : i32 to index
          %swap3A_425 = arith.constant 0 : index
          %swap3A_426 = tpu.vector_load %arg10[%swap3A_424, %swap3A_425] {strides = array<i32>} : memref<1024x32xf32, #tpu.memory_space<vmem>>, vector<1x16xf32>,
          %swap3A_427 = vector.shape_cast %swap3A_426 : vector<1x16xf32> to vector<16xf32>
          %swap3A_428 = vector.shape_cast %add3A_423 : vector<16xf32> to vector<1x16xf32>
          tpu.vector_store %arg10[%swap3A_424, %swap3A_425], %swap3A_428 {strides = array<i32>} : memref<1024x32xf32, #tpu.memory_space<vmem>>, vector<1x16xf32>,
          %swap3A_429 = arith.constant 0 : i32
          %swap3A_430 = arith.index_cast %swap3A_429 : i32 to index
          %swap3A_431 = arith.constant 0 : index
          %swap3A_432 = tpu.vector_load %arg12[%swap3A_430, %swap3A_431] {strides = array<i32>} : memref<2x32xf32, #tpu.memory_space<vmem>>, vector<1x16xf32>,
          %swap3A_433 = vector.shape_cast %swap3A_432 : vector<1x16xf32> to vector<16xf32>
          %swap3A_434 = vector.shape_cast %add3A_423 : vector<16xf32> to vector<1x16xf32>
          tpu.vector_store %arg12[%swap3A_430, %swap3A_431], %swap3A_434 {add = true, strides = array<i32>} : memref<2x32xf32, #tpu.memory_space<vmem>>, vector<1x16xf32>,
          %mul3A_435 = arith.mulf %add3A_423, %add3A_423 : vector<16xf32>
          %swap3A_436 = arith.constant 1 : i32
          %swap3A_437 = arith.index_cast %swap3A_436 : i32 to index
          %swap3A_438 = arith.constant 0 : index
          %swap3A_439 = tpu.vector_load %arg12[%swap3A_437, %swap3A_438] {strides = array<i32>} : memref<2x32xf32, #tpu.memory_space<vmem>>, vector<1x16xf32>,
          %swap3A_440 = vector.shape_cast %swap3A_439 : vector<1x16xf32> to vector<16xf32>
          %swap3A_441 = vector.shape_cast %mul3A_435 : vector<16xf32> to vector<1x16xf32>
          tpu.vector_store %arg12[%swap3A_437, %swap3A_438], %swap3A_441 {add = true, strides = array<i32>} : memref<2x32xf32, #tpu.memory_space<vmem>>, vector<1x16xf32>,
          %get3A_442 = arith.index_cast %scan3A_415 : i32 to index
          %get3A_443 = arith.constant 16 : index
          %get3A_444 = tpu.vector_load %arg10[%get3A_442, %get3A_443] {strides = array<i32>} : memref<1024x32xf32, #tpu.memory_space<vmem>>, vector<1x16xf32>,
          %get3A_445 = vector.shape_cast %get3A_444 : vector<1x16xf32> to vector<16xf32>
          %get3A_446 = arith.index_cast %scan3A_415 : i32 to index
          %get3A_447 = arith.constant 16 : index
          %get3A_448 = tpu.vector_load %arg11[%get3A_446, %get3A_447] {strides = array<i32>} : memref<1024x32xf32, #tpu.memory_space<vmem>>, vector<1x16xf32>,
          %get3A_449 = vector.shape_cast %get3A_448 : vector<1x16xf32> to vector<16xf32>
          %add3A_450 = arith.addf %get3A_445, %get3A_449 : vector<16xf32>
          %swap3A_451 = arith.index_cast %scan3A_415 : i32 to index
          %swap3A_452 = arith.constant 16 : index
          %swap3A_453 = tpu.vector_load %arg10[%swap3A_451, %swap3A_452] {strides = array<i32>} : memref<1024x32xf32, #tpu.memory_space<vmem>>, vector<1x16xf32>,
          %swap3A_454 = vector.shape_cast %swap3A_453 : vector<1x16xf32> to vector<16xf32>
          %swap3A_455 = vector.shape_cast %add3A_450 : vector<16xf32> to vector<1x16xf32>
          tpu.vector_store %arg10[%swap3A_451, %swap3A_452], %swap3A_455 {strides = array<i32>} : memref<1024x32xf32, #tpu.memory_space<vmem>>, vector<1x16xf32>,
          %swap3A_456 = arith.constant 0 : i32
          %swap3A_457 = arith.index_cast %swap3A_456 : i32 to index
          %swap3A_458 = arith.constant 16 : index
          %swap3A_459 = tpu.vector_load %arg12[%swap3A_457, %swap3A_458] {strides = array<i32>} : memref<2x32xf32, #tpu.memory_space<vmem>>, vector<1x16xf32>,
          %swap3A_460 = vector.shape_cast %swap3A_459 : vector<1x16xf32> to vector<16xf32>
          %swap3A_461 = vector.shape_cast %add3A_450 : vector<16xf32> to vector<1x16xf32>
          tpu.vector_store %arg12[%swap3A_457, %swap3A_458], %swap3A_461 {add = true, strides = array<i32>} : memref<2x32xf32, #tpu.memory_space<vmem>>, vector<1x16xf32>,
          %mul3A_462 = arith.mulf %add3A_450, %add3A_450 : vector<16xf32>
          %swap3A_463 = arith.constant 1 : i32
          %swap3A_464 = arith.index_cast %swap3A_463 : i32 to index
          %swap3A_465 = arith.constant 16 : index
          %swap3A_466 = tpu.vector_load %arg12[%swap3A_464, %swap3A_465] {strides = array<i32>} : memref<2x32xf32, #tpu.memory_space<vmem>>, vector<1x16xf32>,
          %swap3A_467 = vector.shape_cast %swap3A_466 : vector<1x16xf32> to vector<16xf32>
          %swap3A_468 = vector.shape_cast %mul3A_462 : vector<16xf32> to vector<1x16xf32>
          tpu.vector_store %arg12[%swap3A_464, %swap3A_465], %swap3A_468 {add = true, strides = array<i32>} : memref<2x32xf32, #tpu.memory_space<vmem>>, vector<1x16xf32>,
        }
        %scan3A_414 = arith.constant 128 : i32
      } else {
      }
      %add3A_393 = arith.constant 6 : i32
      %add3A_394 = arith.addi %add3A_35, %add3A_393 : i32
      %lt3A_395 = arith.constant 2500 : i32
      %lt3A_396 = arith.cmpi slt, %add3A_394, %lt3A_395 : i32
      %convert_element_type3A_397 = arith.extui %lt3A_396 : i1 to i32
      %cond3A_398 = arith.constant 0 : i32
      %cond3A_399 = arith.cmpi ne, %convert_element_type3A_397, %cond3A_398 : i32
      scf.if %cond3A_399 {
        %scan3A_409 = arith.constant 0 : i32
        %scan3A_410 = arith.constant 768 : i32
        %scan3A_411 = arith.constant 128 : i32
        %scan3A_412 = arith.addi %scan3A_410, %scan3A_411 : i32
        %scan3A_413 = arith.constant 1 : i32
        scf.for %scan3A_415 = %scan3A_410 to %scan3A_412 step %scan3A_413  : i32 {
          %get3A = arith.index_cast %scan3A_415 : i32 to index
          %get3A_416 = arith.constant 0 : index
          %get3A_417 = tpu.vector_load %arg10[%get3A, %get3A_416] {strides = array<i32>} : memref<1024x32xf32, #tpu.memory_space<vmem>>, vector<1x16xf32>,
          %get3A_418 = vector.shape_cast %get3A_417 : vector<1x16xf32> to vector<16xf32>
          %get3A_419 = arith.index_cast %scan3A_415 : i32 to index
          %get3A_420 = arith.constant 0 : index
          %get3A_421 = tpu.vector_load %arg11[%get3A_419, %get3A_420] {strides = array<i32>} : memref<1024x32xf32, #tpu.memory_space<vmem>>, vector<1x16xf32>,
          %get3A_422 = vector.shape_cast %get3A_421 : vector<1x16xf32> to vector<16xf32>
          %add3A_423 = arith.addf %get3A_418, %get3A_422 : vector<16xf32>
          %swap3A_424 = arith.index_cast %scan3A_415 : i32 to index
          %swap3A_425 = arith.constant 0 : index
          %swap3A_426 = tpu.vector_load %arg10[%swap3A_424, %swap3A_425] {strides = array<i32>} : memref<1024x32xf32, #tpu.memory_space<vmem>>, vector<1x16xf32>,
          %swap3A_427 = vector.shape_cast %swap3A_426 : vector<1x16xf32> to vector<16xf32>
          %swap3A_428 = vector.shape_cast %add3A_423 : vector<16xf32> to vector<1x16xf32>
          tpu.vector_store %arg10[%swap3A_424, %swap3A_425], %swap3A_428 {strides = array<i32>} : memref<1024x32xf32, #tpu.memory_space<vmem>>, vector<1x16xf32>,
          %swap3A_429 = arith.constant 0 : i32
          %swap3A_430 = arith.index_cast %swap3A_429 : i32 to index
          %swap3A_431 = arith.constant 0 : index
          %swap3A_432 = tpu.vector_load %arg12[%swap3A_430, %swap3A_431] {strides = array<i32>} : memref<2x32xf32, #tpu.memory_space<vmem>>, vector<1x16xf32>,
          %swap3A_433 = vector.shape_cast %swap3A_432 : vector<1x16xf32> to vector<16xf32>
          %swap3A_434 = vector.shape_cast %add3A_423 : vector<16xf32> to vector<1x16xf32>
          tpu.vector_store %arg12[%swap3A_430, %swap3A_431], %swap3A_434 {add = true, strides = array<i32>} : memref<2x32xf32, #tpu.memory_space<vmem>>, vector<1x16xf32>,
          %mul3A_435 = arith.mulf %add3A_423, %add3A_423 : vector<16xf32>
          %swap3A_436 = arith.constant 1 : i32
          %swap3A_437 = arith.index_cast %swap3A_436 : i32 to index
          %swap3A_438 = arith.constant 0 : index
          %swap3A_439 = tpu.vector_load %arg12[%swap3A_437, %swap3A_438] {strides = array<i32>} : memref<2x32xf32, #tpu.memory_space<vmem>>, vector<1x16xf32>,
          %swap3A_440 = vector.shape_cast %swap3A_439 : vector<1x16xf32> to vector<16xf32>
          %swap3A_441 = vector.shape_cast %mul3A_435 : vector<16xf32> to vector<1x16xf32>
          tpu.vector_store %arg12[%swap3A_437, %swap3A_438], %swap3A_441 {add = true, strides = array<i32>} : memref<2x32xf32, #tpu.memory_space<vmem>>, vector<1x16xf32>,
          %get3A_442 = arith.index_cast %scan3A_415 : i32 to index
          %get3A_443 = arith.constant 16 : index
          %get3A_444 = tpu.vector_load %arg10[%get3A_442, %get3A_443] {strides = array<i32>} : memref<1024x32xf32, #tpu.memory_space<vmem>>, vector<1x16xf32>,
          %get3A_445 = vector.shape_cast %get3A_444 : vector<1x16xf32> to vector<16xf32>
          %get3A_446 = arith.index_cast %scan3A_415 : i32 to index
          %get3A_447 = arith.constant 16 : index
          %get3A_448 = tpu.vector_load %arg11[%get3A_446, %get3A_447] {strides = array<i32>} : memref<1024x32xf32, #tpu.memory_space<vmem>>, vector<1x16xf32>,
          %get3A_449 = vector.shape_cast %get3A_448 : vector<1x16xf32> to vector<16xf32>
          %add3A_450 = arith.addf %get3A_445, %get3A_449 : vector<16xf32>
          %swap3A_451 = arith.index_cast %scan3A_415 : i32 to index
          %swap3A_452 = arith.constant 16 : index
          %swap3A_453 = tpu.vector_load %arg10[%swap3A_451, %swap3A_452] {strides = array<i32>} : memref<1024x32xf32, #tpu.memory_space<vmem>>, vector<1x16xf32>,
          %swap3A_454 = vector.shape_cast %swap3A_453 : vector<1x16xf32> to vector<16xf32>
          %swap3A_455 = vector.shape_cast %add3A_450 : vector<16xf32> to vector<1x16xf32>
          tpu.vector_store %arg10[%swap3A_451, %swap3A_452], %swap3A_455 {strides = array<i32>} : memref<1024x32xf32, #tpu.memory_space<vmem>>, vector<1x16xf32>,
          %swap3A_456 = arith.constant 0 : i32
          %swap3A_457 = arith.index_cast %swap3A_456 : i32 to index
          %swap3A_458 = arith.constant 16 : index
          %swap3A_459 = tpu.vector_load %arg12[%swap3A_457, %swap3A_458] {strides = array<i32>} : memref<2x32xf32, #tpu.memory_space<vmem>>, vector<1x16xf32>,
          %swap3A_460 = vector.shape_cast %swap3A_459 : vector<1x16xf32> to vector<16xf32>
          %swap3A_461 = vector.shape_cast %add3A_450 : vector<16xf32> to vector<1x16xf32>
          tpu.vector_store %arg12[%swap3A_457, %swap3A_458], %swap3A_461 {add = true, strides = array<i32>} : memref<2x32xf32, #tpu.memory_space<vmem>>, vector<1x16xf32>,
          %mul3A_462 = arith.mulf %add3A_450, %add3A_450 : vector<16xf32>
          %swap3A_463 = arith.constant 1 : i32
          %swap3A_464 = arith.index_cast %swap3A_463 : i32 to index
          %swap3A_465 = arith.constant 16 : index
          %swap3A_466 = tpu.vector_load %arg12[%swap3A_464, %swap3A_465] {strides = array<i32>} : memref<2x32xf32, #tpu.memory_space<vmem>>, vector<1x16xf32>,
          %swap3A_467 = vector.shape_cast %swap3A_466 : vector<1x16xf32> to vector<16xf32>
          %swap3A_468 = vector.shape_cast %mul3A_462 : vector<16xf32> to vector<1x16xf32>
          tpu.vector_store %arg12[%swap3A_464, %swap3A_465], %swap3A_468 {add = true, strides = array<i32>} : memref<2x32xf32, #tpu.memory_space<vmem>>, vector<1x16xf32>,
        }
        %scan3A_414 = arith.constant 128 : i32
      } else {
      }
      %add3A_400 = arith.constant 7 : i32
      %add3A_401 = arith.addi %add3A_35, %add3A_400 : i32
      %lt3A_402 = arith.constant 2500 : i32
      %lt3A_403 = arith.cmpi slt, %add3A_401, %lt3A_402 : i32
      %convert_element_type3A_404 = arith.extui %lt3A_403 : i1 to i32
      %cond3A_405 = arith.constant 0 : i32
      %cond3A_406 = arith.cmpi ne, %convert_element_type3A_404, %cond3A_405 : i32
      scf.if %cond3A_406 {
        %scan3A_409 = arith.constant 0 : i32
        %scan3A_410 = arith.constant 896 : i32
        %scan3A_411 = arith.constant 128 : i32
        %scan3A_412 = arith.addi %scan3A_410, %scan3A_411 : i32
        %scan3A_413 = arith.constant 1 : i32
        scf.for %scan3A_415 = %scan3A_410 to %scan3A_412 step %scan3A_413  : i32 {
          %get3A = arith.index_cast %scan3A_415 : i32 to index
          %get3A_416 = arith.constant 0 : index
          %get3A_417 = tpu.vector_load %arg10[%get3A, %get3A_416] {strides = array<i32>} : memref<1024x32xf32, #tpu.memory_space<vmem>>, vector<1x16xf32>,
          %get3A_418 = vector.shape_cast %get3A_417 : vector<1x16xf32> to vector<16xf32>
          %get3A_419 = arith.index_cast %scan3A_415 : i32 to index
          %get3A_420 = arith.constant 0 : index
          %get3A_421 = tpu.vector_load %arg11[%get3A_419, %get3A_420] {strides = array<i32>} : memref<1024x32xf32, #tpu.memory_space<vmem>>, vector<1x16xf32>,
          %get3A_422 = vector.shape_cast %get3A_421 : vector<1x16xf32> to vector<16xf32>
          %add3A_423 = arith.addf %get3A_418, %get3A_422 : vector<16xf32>
          %swap3A_424 = arith.index_cast %scan3A_415 : i32 to index
          %swap3A_425 = arith.constant 0 : index
          %swap3A_426 = tpu.vector_load %arg10[%swap3A_424, %swap3A_425] {strides = array<i32>} : memref<1024x32xf32, #tpu.memory_space<vmem>>, vector<1x16xf32>,
          %swap3A_427 = vector.shape_cast %swap3A_426 : vector<1x16xf32> to vector<16xf32>
          %swap3A_428 = vector.shape_cast %add3A_423 : vector<16xf32> to vector<1x16xf32>
          tpu.vector_store %arg10[%swap3A_424, %swap3A_425], %swap3A_428 {strides = array<i32>} : memref<1024x32xf32, #tpu.memory_space<vmem>>, vector<1x16xf32>,
          %swap3A_429 = arith.constant 0 : i32
          %swap3A_430 = arith.index_cast %swap3A_429 : i32 to index
          %swap3A_431 = arith.constant 0 : index
          %swap3A_432 = tpu.vector_load %arg12[%swap3A_430, %swap3A_431] {strides = array<i32>} : memref<2x32xf32, #tpu.memory_space<vmem>>, vector<1x16xf32>,
          %swap3A_433 = vector.shape_cast %swap3A_432 : vector<1x16xf32> to vector<16xf32>
          %swap3A_434 = vector.shape_cast %add3A_423 : vector<16xf32> to vector<1x16xf32>
          tpu.vector_store %arg12[%swap3A_430, %swap3A_431], %swap3A_434 {add = true, strides = array<i32>} : memref<2x32xf32, #tpu.memory_space<vmem>>, vector<1x16xf32>,
          %mul3A_435 = arith.mulf %add3A_423, %add3A_423 : vector<16xf32>
          %swap3A_436 = arith.constant 1 : i32
          %swap3A_437 = arith.index_cast %swap3A_436 : i32 to index
          %swap3A_438 = arith.constant 0 : index
          %swap3A_439 = tpu.vector_load %arg12[%swap3A_437, %swap3A_438] {strides = array<i32>} : memref<2x32xf32, #tpu.memory_space<vmem>>, vector<1x16xf32>,
          %swap3A_440 = vector.shape_cast %swap3A_439 : vector<1x16xf32> to vector<16xf32>
          %swap3A_441 = vector.shape_cast %mul3A_435 : vector<16xf32> to vector<1x16xf32>
          tpu.vector_store %arg12[%swap3A_437, %swap3A_438], %swap3A_441 {add = true, strides = array<i32>} : memref<2x32xf32, #tpu.memory_space<vmem>>, vector<1x16xf32>,
          %get3A_442 = arith.index_cast %scan3A_415 : i32 to index
          %get3A_443 = arith.constant 16 : index
          %get3A_444 = tpu.vector_load %arg10[%get3A_442, %get3A_443] {strides = array<i32>} : memref<1024x32xf32, #tpu.memory_space<vmem>>, vector<1x16xf32>,
          %get3A_445 = vector.shape_cast %get3A_444 : vector<1x16xf32> to vector<16xf32>
          %get3A_446 = arith.index_cast %scan3A_415 : i32 to index
          %get3A_447 = arith.constant 16 : index
          %get3A_448 = tpu.vector_load %arg11[%get3A_446, %get3A_447] {strides = array<i32>} : memref<1024x32xf32, #tpu.memory_space<vmem>>, vector<1x16xf32>,
          %get3A_449 = vector.shape_cast %get3A_448 : vector<1x16xf32> to vector<16xf32>
          %add3A_450 = arith.addf %get3A_445, %get3A_449 : vector<16xf32>
          %swap3A_451 = arith.index_cast %scan3A_415 : i32 to index
          %swap3A_452 = arith.constant 16 : index
          %swap3A_453 = tpu.vector_load %arg10[%swap3A_451, %swap3A_452] {strides = array<i32>} : memref<1024x32xf32, #tpu.memory_space<vmem>>, vector<1x16xf32>,
          %swap3A_454 = vector.shape_cast %swap3A_453 : vector<1x16xf32> to vector<16xf32>
          %swap3A_455 = vector.shape_cast %add3A_450 : vector<16xf32> to vector<1x16xf32>
          tpu.vector_store %arg10[%swap3A_451, %swap3A_452], %swap3A_455 {strides = array<i32>} : memref<1024x32xf32, #tpu.memory_space<vmem>>, vector<1x16xf32>,
          %swap3A_456 = arith.constant 0 : i32
          %swap3A_457 = arith.index_cast %swap3A_456 : i32 to index
          %swap3A_458 = arith.constant 16 : index
          %swap3A_459 = tpu.vector_load %arg12[%swap3A_457, %swap3A_458] {strides = array<i32>} : memref<2x32xf32, #tpu.memory_space<vmem>>, vector<1x16xf32>,
          %swap3A_460 = vector.shape_cast %swap3A_459 : vector<1x16xf32> to vector<16xf32>
          %swap3A_461 = vector.shape_cast %add3A_450 : vector<16xf32> to vector<1x16xf32>
          tpu.vector_store %arg12[%swap3A_457, %swap3A_458], %swap3A_461 {add = true, strides = array<i32>} : memref<2x32xf32, #tpu.memory_space<vmem>>, vector<1x16xf32>,
          %mul3A_462 = arith.mulf %add3A_450, %add3A_450 : vector<16xf32>
          %swap3A_463 = arith.constant 1 : i32
          %swap3A_464 = arith.index_cast %swap3A_463 : i32 to index
          %swap3A_465 = arith.constant 16 : index
          %swap3A_466 = tpu.vector_load %arg12[%swap3A_464, %swap3A_465] {strides = array<i32>} : memref<2x32xf32, #tpu.memory_space<vmem>>, vector<1x16xf32>,
          %swap3A_467 = vector.shape_cast %swap3A_466 : vector<1x16xf32> to vector<16xf32>
          %swap3A_468 = vector.shape_cast %mul3A_462 : vector<16xf32> to vector<1x16xf32>
          tpu.vector_store %arg12[%swap3A_464, %swap3A_465], %swap3A_468 {add = true, strides = array<i32>} : memref<2x32xf32, #tpu.memory_space<vmem>>, vector<1x16xf32>,
        }
        %scan3A_414 = arith.constant 128 : i32
      } else {
      }
      %mul3A_407 = arith.constant 128 : i32
      %mul3A_408 = arith.muli %add3A_35, %mul3A_407 : i32
      "tpu.region"() ({
        %run_scoped3A = tpu.sem_alloc : memref<!tpu.dma_semaphore, #tpu.memory_space<semaphore_mem>>
        %dma_start3A_409 = arith.constant 0 : i32
        %dma_start3A_410 = tpu.memref_slice %arg6[%mul3A_408, %dma_start3A_409] : memref<327680x32xf32, #tpu.memory_space<hbm>> -> memref<1024x32xf32, #tpu.memory_space<hbm>>
        %dma_start3A_411 = arith.constant 0 : i32
        %dma_start3A_412 = tpu.memref_slice %arg6[%mul3A_408, %dma_start3A_411] : memref<327680x32xf32, #tpu.memory_space<hbm>> -> memref<1024x32xf32, #tpu.memory_space<hbm>>
        tpu.enqueue_dma source(%arg10 : memref<1024x32xf32, #tpu.memory_space<vmem>>) target(%dma_start3A_412 : memref<1024x32xf32, #tpu.memory_space<hbm>>) target_semaphore(%run_scoped3A : memref<!tpu.dma_semaphore, #tpu.memory_space<semaphore_mem>>)
        %dma_wait3A_413 = arith.constant 0 : i32
        %dma_wait3A_414 = tpu.memref_slice %arg6[%mul3A_408, %dma_wait3A_413] : memref<327680x32xf32, #tpu.memory_space<hbm>> -> memref<1024x32xf32, #tpu.memory_space<hbm>>
        %dma_wait3A_415 = arith.constant 0 : i32
        %dma_wait3A_416 = tpu.memref_slice %arg6[%mul3A_408, %dma_wait3A_415] : memref<327680x32xf32, #tpu.memory_space<hbm>> -> memref<1024x32xf32, #tpu.memory_space<hbm>>
        tpu.wait_dma2 semaphore(%run_scoped3A : memref<!tpu.dma_semaphore, #tpu.memory_space<semaphore_mem>>) src(%arg10 : memref<1024x32xf32, #tpu.memory_space<vmem>>) dst(%dma_wait3A_416 : memref<1024x32xf32, #tpu.memory_space<hbm>>)
        tpu.yield
      }) : () -> ()
    }
    %scan3A_29 = arith.constant 10 : i32
    "tpu.region"() ({
      %run_scoped3A = tpu.sem_alloc : memref<!tpu.dma_semaphore, #tpu.memory_space<semaphore_mem>>
      %dma_start3A = arith.constant 0 : i32
      %dma_start3A_30 = arith.constant 0 : i32
      %dma_start3A_31 = tpu.memref_slice %arg7[%add3A, %dma_start3A, %dma_start3A_30] : memref<32x2x32xf32, #tpu.memory_space<hbm>> -> memref<1x2x32xf32, #tpu.memory_space<hbm>>
      %dma_start3A_32 = tpu.memref_squeeze %dma_start3A_31 : memref<1x2x32xf32, #tpu.memory_space<hbm>> -> memref<2x32xf32, #tpu.memory_space<hbm>>
      %dma_start3A_33 = arith.constant 0 : i32
      %dma_start3A_34 = arith.constant 0 : i32
      %dma_start3A_35 = tpu.memref_slice %arg7[%add3A, %dma_start3A_33, %dma_start3A_34] : memref<32x2x32xf32, #tpu.memory_space<hbm>> -> memref<1x2x32xf32, #tpu.memory_space<hbm>>
      %dma_start3A_36 = tpu.memref_squeeze %dma_start3A_35 : memref<1x2x32xf32, #tpu.memory_space<hbm>> -> memref<2x32xf32, #tpu.memory_space<hbm>>
      tpu.enqueue_dma source(%arg12 : memref<2x32xf32, #tpu.memory_space<vmem>>) target(%dma_start3A_36 : memref<2x32xf32, #tpu.memory_space<hbm>>) target_semaphore(%run_scoped3A : memref<!tpu.dma_semaphore, #tpu.memory_space<semaphore_mem>>)
      %dma_wait3A = arith.constant 0 : i32
      %dma_wait3A_37 = arith.constant 0 : i32
      %dma_wait3A_38 = tpu.memref_slice %arg7[%add3A, %dma_wait3A, %dma_wait3A_37] : memref<32x2x32xf32, #tpu.memory_space<hbm>> -> memref<1x2x32xf32, #tpu.memory_space<hbm>>
      %dma_wait3A_39 = tpu.memref_squeeze %dma_wait3A_38 : memref<1x2x32xf32, #tpu.memory_space<hbm>> -> memref<2x32xf32, #tpu.memory_space<hbm>>
      %dma_wait3A_40 = arith.constant 0 : i32
      %dma_wait3A_41 = arith.constant 0 : i32
      %dma_wait3A_42 = tpu.memref_slice %arg7[%add3A, %dma_wait3A_40, %dma_wait3A_41] : memref<32x2x32xf32, #tpu.memory_space<hbm>> -> memref<1x2x32xf32, #tpu.memory_space<hbm>>
      %dma_wait3A_43 = tpu.memref_squeeze %dma_wait3A_42 : memref<1x2x32xf32, #tpu.memory_space<hbm>> -> memref<2x32xf32, #tpu.memory_space<hbm>>
      tpu.wait_dma2 semaphore(%run_scoped3A : memref<!tpu.dma_semaphore, #tpu.memory_space<semaphore_mem>>) src(%arg12 : memref<2x32xf32, #tpu.memory_space<vmem>>) dst(%dma_wait3A_43 : memref<2x32xf32, #tpu.memory_space<hbm>>)
      tpu.yield
    }) : () -> ()
    return
  }
}

#map = affine_map<(d0, d1) -> (0, 0)>
#map1 = affine_map<(d0, d1) -> (0, 0, 0)>
module attributes {stable_mosaic.version = 14 : i64} {
  func.func @_scatter_body(%arg0: i32, %arg1: i32, %arg2: memref<327680x32xf32, #tpu.memory_space<hbm>>, %arg3: memref<2560x128xi32, #tpu.memory_space<hbm>>, %arg4: memref<2x32xf32, #tpu.memory_space<hbm>>, %arg5: memref<2x10000x32xf32, #tpu.memory_space<hbm>>, %arg6: memref<2x10000x16xf32, #tpu.memory_space<hbm>>, %arg7: memref<10000x32xf32, #tpu.memory_space<vmem_shared>>, %arg8: memref<10000x16xf32, #tpu.memory_space<vmem_shared>>, %arg9: memref<1024x32xf32, #tpu.memory_space<vmem>>, %arg10: memref<128x16xf32, #tpu.memory_space<vmem>>, %arg11: memref<8x128xi32, #tpu.memory_space<vmem>>, %arg12: memref<2x32xf32, #tpu.memory_space<vmem>>, %arg13: memref<125x32xf32, #tpu.memory_space<vmem>>, %arg14: memref<125x16xf32, #tpu.memory_space<vmem>>, %arg15: memref<!tpu.dma_semaphore, #tpu.memory_space<semaphore_mem>>) attributes {dimension_semantics = [#tpu.dimension_semantics<core_parallel>, #tpu.dimension_semantics<subcore_parallel>], iteration_bounds = array<i64: 2, 16>, scalar_prefetch = 0 : i64, scratch_operands = 9 : i64, tpu.core_type = #tpu.core_type<sc_vector_subcore>, window_params = [{transform_indices = #map}, {transform_indices = #map}, {transform_indices = #map}, {transform_indices = #map1}, {transform_indices = #map1}]} {
    "tpu.region"() ({
      %run_scoped3A = tpu.sem_alloc : memref<!tpu.dma_semaphore, #tpu.memory_space<semaphore_mem>>
      tpu.enqueue_dma source(%arg4 : memref<2x32xf32, #tpu.memory_space<hbm>>) target(%arg12 : memref<2x32xf32, #tpu.memory_space<vmem>>) target_semaphore(%run_scoped3A : memref<!tpu.dma_semaphore, #tpu.memory_space<semaphore_mem>>)
      tpu.wait_dma2 semaphore(%run_scoped3A : memref<!tpu.dma_semaphore, #tpu.memory_space<semaphore_mem>>) src(%arg4 : memref<2x32xf32, #tpu.memory_space<hbm>>) dst(%arg12 : memref<2x32xf32, #tpu.memory_space<vmem>>)
      tpu.yield
    }) : () -> ()
    %broadcast_in_dim3A = arith.constant 0.000000e+00 : f32
    %broadcast_in_dim3A_0 = vector.broadcast %broadcast_in_dim3A : f32 to vector<16xf32>
    %broadcast_in_dim3A_1 = arith.constant 1.000000e+00 : f32
    %broadcast_in_dim3A_2 = vector.broadcast %broadcast_in_dim3A_1 : f32 to vector<16xf32>
    %scan3A = arith.constant 0 : i32
    %scan3A_3 = arith.constant 0 : i32
    %scan3A_4 = arith.constant 125 : i32
    %scan3A_5 = arith.addi %scan3A_3, %scan3A_4 : i32
    %scan3A_6 = arith.constant 1 : i32
    scf.for %scan3A_59 = %scan3A_3 to %scan3A_5 step %scan3A_6  : i32 {
      %swap3A = arith.index_cast %scan3A_59 : i32 to index
      %swap3A_60 = arith.constant 0 : index
      %swap3A_61 = tpu.vector_load %arg13[%swap3A, %swap3A_60] {strides = array<i32>} : memref<125x32xf32, #tpu.memory_space<vmem>>, vector<1x16xf32>,
      %swap3A_62 = vector.shape_cast %swap3A_61 : vector<1x16xf32> to vector<16xf32>
      %swap3A_63 = vector.shape_cast %broadcast_in_dim3A_0 : vector<16xf32> to vector<1x16xf32>
      tpu.vector_store %arg13[%swap3A, %swap3A_60], %swap3A_63 {strides = array<i32>} : memref<125x32xf32, #tpu.memory_space<vmem>>, vector<1x16xf32>,
      %swap3A_64 = arith.index_cast %scan3A_59 : i32 to index
      %swap3A_65 = arith.constant 16 : index
      %swap3A_66 = tpu.vector_load %arg13[%swap3A_64, %swap3A_65] {strides = array<i32>} : memref<125x32xf32, #tpu.memory_space<vmem>>, vector<1x16xf32>,
      %swap3A_67 = vector.shape_cast %swap3A_66 : vector<1x16xf32> to vector<16xf32>
      %swap3A_68 = vector.shape_cast %broadcast_in_dim3A_0 : vector<16xf32> to vector<1x16xf32>
      tpu.vector_store %arg13[%swap3A_64, %swap3A_65], %swap3A_68 {strides = array<i32>} : memref<125x32xf32, #tpu.memory_space<vmem>>, vector<1x16xf32>,
      %swap3A_69 = arith.index_cast %scan3A_59 : i32 to index
      %swap3A_70 = arith.constant 0 : index
      %swap3A_71 = tpu.vector_load %arg14[%swap3A_69, %swap3A_70] {strides = array<i32>} : memref<125x16xf32, #tpu.memory_space<vmem>>, vector<1x16xf32>,
      %swap3A_72 = vector.shape_cast %swap3A_71 : vector<1x16xf32> to vector<16xf32>
      %swap3A_73 = vector.shape_cast %broadcast_in_dim3A_0 : vector<16xf32> to vector<1x16xf32>
      tpu.vector_store %arg14[%swap3A_69, %swap3A_70], %swap3A_73 {strides = array<i32>} : memref<125x16xf32, #tpu.memory_space<vmem>>, vector<1x16xf32>,
    }
    %scan3A_7 = arith.constant 125 : i32
    %scan3A_8 = arith.constant 0 : i32
    %scan3A_9 = arith.constant 0 : i32
    %scan3A_10 = arith.constant 128 : i32
    %scan3A_11 = arith.addi %scan3A_9, %scan3A_10 : i32
    %scan3A_12 = arith.constant 1 : i32
    scf.for %scan3A_59 = %scan3A_9 to %scan3A_11 step %scan3A_12  : i32 {
      %swap3A = arith.index_cast %scan3A_59 : i32 to index
      %swap3A_60 = arith.constant 0 : index
      %swap3A_61 = tpu.vector_load %arg10[%swap3A, %swap3A_60] {strides = array<i32>} : memref<128x16xf32, #tpu.memory_space<vmem>>, vector<1x16xf32>,
      %swap3A_62 = vector.shape_cast %swap3A_61 : vector<1x16xf32> to vector<16xf32>
      %swap3A_63 = vector.shape_cast %broadcast_in_dim3A_2 : vector<16xf32> to vector<1x16xf32>
      tpu.vector_store %arg10[%swap3A, %swap3A_60], %swap3A_63 {strides = array<i32>} : memref<128x16xf32, #tpu.memory_space<vmem>>, vector<1x16xf32>,
    }
    %scan3A_13 = arith.constant 128 : i32
    %mul3A = arith.constant 625 : i32
    %mul3A_14 = arith.muli %arg1, %mul3A : i32
    %add3A = arith.constant 0 : i32
    %add3A_15 = arith.addi %mul3A_14, %add3A : i32
    "tpu.region"() ({
      %run_scoped3A = tpu.sem_alloc : memref<!tpu.dma_semaphore, #tpu.memory_space<semaphore_mem>>
      %dma_start3A = arith.constant 0 : i32
      %dma_start3A_59 = tpu.memref_slice %arg7[%add3A_15, %dma_start3A] : memref<10000x32xf32, #tpu.memory_space<vmem_shared>> -> memref<125x32xf32, #tpu.memory_space<vmem_shared>>
      %dma_start3A_60 = arith.constant 0 : i32
      %dma_start3A_61 = tpu.memref_slice %arg7[%add3A_15, %dma_start3A_60] : memref<10000x32xf32, #tpu.memory_space<vmem_shared>> -> memref<125x32xf32, #tpu.memory_space<vmem_shared>>
      tpu.enqueue_dma source(%arg13 : memref<125x32xf32, #tpu.memory_space<vmem>>) target(%dma_start3A_61 : memref<125x32xf32, #tpu.memory_space<vmem_shared>>) target_semaphore(%run_scoped3A : memref<!tpu.dma_semaphore, #tpu.memory_space<semaphore_mem>>)
      %dma_wait3A = arith.constant 0 : i32
      %dma_wait3A_62 = tpu.memref_slice %arg7[%add3A_15, %dma_wait3A] : memref<10000x32xf32, #tpu.memory_space<vmem_shared>> -> memref<125x32xf32, #tpu.memory_space<vmem_shared>>
      %dma_wait3A_63 = arith.constant 0 : i32
      %dma_wait3A_64 = tpu.memref_slice %arg7[%add3A_15, %dma_wait3A_63] : memref<10000x32xf32, #tpu.memory_space<vmem_shared>> -> memref<125x32xf32, #tpu.memory_space<vmem_shared>>
      tpu.wait_dma2 semaphore(%run_scoped3A : memref<!tpu.dma_semaphore, #tpu.memory_space<semaphore_mem>>) src(%arg13 : memref<125x32xf32, #tpu.memory_space<vmem>>) dst(%dma_wait3A_64 : memref<125x32xf32, #tpu.memory_space<vmem_shared>>)
      tpu.yield
    }) : () -> ()
    "tpu.region"() ({
      %run_scoped3A = tpu.sem_alloc : memref<!tpu.dma_semaphore, #tpu.memory_space<semaphore_mem>>
      %dma_start3A = arith.constant 0 : i32
      %dma_start3A_59 = tpu.memref_slice %arg8[%add3A_15, %dma_start3A] : memref<10000x16xf32, #tpu.memory_space<vmem_shared>> -> memref<125x16xf32, #tpu.memory_space<vmem_shared>>
      %dma_start3A_60 = arith.constant 0 : i32
      %dma_start3A_61 = tpu.memref_slice %arg8[%add3A_15, %dma_start3A_60] : memref<10000x16xf32, #tpu.memory_space<vmem_shared>> -> memref<125x16xf32, #tpu.memory_space<vmem_shared>>
      tpu.enqueue_dma source(%arg14 : memref<125x16xf32, #tpu.memory_space<vmem>>) target(%dma_start3A_61 : memref<125x16xf32, #tpu.memory_space<vmem_shared>>) target_semaphore(%run_scoped3A : memref<!tpu.dma_semaphore, #tpu.memory_space<semaphore_mem>>)
      %dma_wait3A = arith.constant 0 : i32
      %dma_wait3A_62 = tpu.memref_slice %arg8[%add3A_15, %dma_wait3A] : memref<10000x16xf32, #tpu.memory_space<vmem_shared>> -> memref<125x16xf32, #tpu.memory_space<vmem_shared>>
      %dma_wait3A_63 = arith.constant 0 : i32
      %dma_wait3A_64 = tpu.memref_slice %arg8[%add3A_15, %dma_wait3A_63] : memref<10000x16xf32, #tpu.memory_space<vmem_shared>> -> memref<125x16xf32, #tpu.memory_space<vmem_shared>>
      tpu.wait_dma2 semaphore(%run_scoped3A : memref<!tpu.dma_semaphore, #tpu.memory_space<semaphore_mem>>) src(%arg14 : memref<125x16xf32, #tpu.memory_space<vmem>>) dst(%dma_wait3A_64 : memref<125x16xf32, #tpu.memory_space<vmem_shared>>)
      tpu.yield
    }) : () -> ()
    %mul3A_16 = arith.constant 625 : i32
    %mul3A_17 = arith.muli %arg1, %mul3A_16 : i32
    %add3A_18 = arith.constant 125 : i32
    %add3A_19 = arith.addi %mul3A_17, %add3A_18 : i32
    "tpu.region"() ({
      %run_scoped3A = tpu.sem_alloc : memref<!tpu.dma_semaphore, #tpu.memory_space<semaphore_mem>>
      %dma_start3A = arith.constant 0 : i32
      %dma_start3A_59 = tpu.memref_slice %arg7[%add3A_19, %dma_start3A] : memref<10000x32xf32, #tpu.memory_space<vmem_shared>> -> memref<125x32xf32, #tpu.memory_space<vmem_shared>>
      %dma_start3A_60 = arith.constant 0 : i32
      %dma_start3A_61 = tpu.memref_slice %arg7[%add3A_19, %dma_start3A_60] : memref<10000x32xf32, #tpu.memory_space<vmem_shared>> -> memref<125x32xf32, #tpu.memory_space<vmem_shared>>
      tpu.enqueue_dma source(%arg13 : memref<125x32xf32, #tpu.memory_space<vmem>>) target(%dma_start3A_61 : memref<125x32xf32, #tpu.memory_space<vmem_shared>>) target_semaphore(%run_scoped3A : memref<!tpu.dma_semaphore, #tpu.memory_space<semaphore_mem>>)
      %dma_wait3A = arith.constant 0 : i32
      %dma_wait3A_62 = tpu.memref_slice %arg7[%add3A_19, %dma_wait3A] : memref<10000x32xf32, #tpu.memory_space<vmem_shared>> -> memref<125x32xf32, #tpu.memory_space<vmem_shared>>
      %dma_wait3A_63 = arith.constant 0 : i32
      %dma_wait3A_64 = tpu.memref_slice %arg7[%add3A_19, %dma_wait3A_63] : memref<10000x32xf32, #tpu.memory_space<vmem_shared>> -> memref<125x32xf32, #tpu.memory_space<vmem_shared>>
      tpu.wait_dma2 semaphore(%run_scoped3A : memref<!tpu.dma_semaphore, #tpu.memory_space<semaphore_mem>>) src(%arg13 : memref<125x32xf32, #tpu.memory_space<vmem>>) dst(%dma_wait3A_64 : memref<125x32xf32, #tpu.memory_space<vmem_shared>>)
      tpu.yield
    }) : () -> ()
    "tpu.region"() ({
      %run_scoped3A = tpu.sem_alloc : memref<!tpu.dma_semaphore, #tpu.memory_space<semaphore_mem>>
      %dma_start3A = arith.constant 0 : i32
      %dma_start3A_59 = tpu.memref_slice %arg8[%add3A_19, %dma_start3A] : memref<10000x16xf32, #tpu.memory_space<vmem_shared>> -> memref<125x16xf32, #tpu.memory_space<vmem_shared>>
      %dma_start3A_60 = arith.constant 0 : i32
      %dma_start3A_61 = tpu.memref_slice %arg8[%add3A_19, %dma_start3A_60] : memref<10000x16xf32, #tpu.memory_space<vmem_shared>> -> memref<125x16xf32, #tpu.memory_space<vmem_shared>>
      tpu.enqueue_dma source(%arg14 : memref<125x16xf32, #tpu.memory_space<vmem>>) target(%dma_start3A_61 : memref<125x16xf32, #tpu.memory_space<vmem_shared>>) target_semaphore(%run_scoped3A : memref<!tpu.dma_semaphore, #tpu.memory_space<semaphore_mem>>)
      %dma_wait3A = arith.constant 0 : i32
      %dma_wait3A_62 = tpu.memref_slice %arg8[%add3A_19, %dma_wait3A] : memref<10000x16xf32, #tpu.memory_space<vmem_shared>> -> memref<125x16xf32, #tpu.memory_space<vmem_shared>>
      %dma_wait3A_63 = arith.constant 0 : i32
      %dma_wait3A_64 = tpu.memref_slice %arg8[%add3A_19, %dma_wait3A_63] : memref<10000x16xf32, #tpu.memory_space<vmem_shared>> -> memref<125x16xf32, #tpu.memory_space<vmem_shared>>
      tpu.wait_dma2 semaphore(%run_scoped3A : memref<!tpu.dma_semaphore, #tpu.memory_space<semaphore_mem>>) src(%arg14 : memref<125x16xf32, #tpu.memory_space<vmem>>) dst(%dma_wait3A_64 : memref<125x16xf32, #tpu.memory_space<vmem_shared>>)
      tpu.yield
    }) : () -> ()
    %mul3A_20 = arith.constant 625 : i32
    %mul3A_21 = arith.muli %arg1, %mul3A_20 : i32
    %add3A_22 = arith.constant 250 : i32
    %add3A_23 = arith.addi %mul3A_21, %add3A_22 : i32
    "tpu.region"() ({
      %run_scoped3A = tpu.sem_alloc : memref<!tpu.dma_semaphore, #tpu.memory_space<semaphore_mem>>
      %dma_start3A = arith.constant 0 : i32
      %dma_start3A_59 = tpu.memref_slice %arg7[%add3A_23, %dma_start3A] : memref<10000x32xf32, #tpu.memory_space<vmem_shared>> -> memref<125x32xf32, #tpu.memory_space<vmem_shared>>
      %dma_start3A_60 = arith.constant 0 : i32
      %dma_start3A_61 = tpu.memref_slice %arg7[%add3A_23, %dma_start3A_60] : memref<10000x32xf32, #tpu.memory_space<vmem_shared>> -> memref<125x32xf32, #tpu.memory_space<vmem_shared>>
      tpu.enqueue_dma source(%arg13 : memref<125x32xf32, #tpu.memory_space<vmem>>) target(%dma_start3A_61 : memref<125x32xf32, #tpu.memory_space<vmem_shared>>) target_semaphore(%run_scoped3A : memref<!tpu.dma_semaphore, #tpu.memory_space<semaphore_mem>>)
      %dma_wait3A = arith.constant 0 : i32
      %dma_wait3A_62 = tpu.memref_slice %arg7[%add3A_23, %dma_wait3A] : memref<10000x32xf32, #tpu.memory_space<vmem_shared>> -> memref<125x32xf32, #tpu.memory_space<vmem_shared>>
      %dma_wait3A_63 = arith.constant 0 : i32
      %dma_wait3A_64 = tpu.memref_slice %arg7[%add3A_23, %dma_wait3A_63] : memref<10000x32xf32, #tpu.memory_space<vmem_shared>> -> memref<125x32xf32, #tpu.memory_space<vmem_shared>>
      tpu.wait_dma2 semaphore(%run_scoped3A : memref<!tpu.dma_semaphore, #tpu.memory_space<semaphore_mem>>) src(%arg13 : memref<125x32xf32, #tpu.memory_space<vmem>>) dst(%dma_wait3A_64 : memref<125x32xf32, #tpu.memory_space<vmem_shared>>)
      tpu.yield
    }) : () -> ()
    "tpu.region"() ({
      %run_scoped3A = tpu.sem_alloc : memref<!tpu.dma_semaphore, #tpu.memory_space<semaphore_mem>>
      %dma_start3A = arith.constant 0 : i32
      %dma_start3A_59 = tpu.memref_slice %arg8[%add3A_23, %dma_start3A] : memref<10000x16xf32, #tpu.memory_space<vmem_shared>> -> memref<125x16xf32, #tpu.memory_space<vmem_shared>>
      %dma_start3A_60 = arith.constant 0 : i32
      %dma_start3A_61 = tpu.memref_slice %arg8[%add3A_23, %dma_start3A_60] : memref<10000x16xf32, #tpu.memory_space<vmem_shared>> -> memref<125x16xf32, #tpu.memory_space<vmem_shared>>
      tpu.enqueue_dma source(%arg14 : memref<125x16xf32, #tpu.memory_space<vmem>>) target(%dma_start3A_61 : memref<125x16xf32, #tpu.memory_space<vmem_shared>>) target_semaphore(%run_scoped3A : memref<!tpu.dma_semaphore, #tpu.memory_space<semaphore_mem>>)
      %dma_wait3A = arith.constant 0 : i32
      %dma_wait3A_62 = tpu.memref_slice %arg8[%add3A_23, %dma_wait3A] : memref<10000x16xf32, #tpu.memory_space<vmem_shared>> -> memref<125x16xf32, #tpu.memory_space<vmem_shared>>
      %dma_wait3A_63 = arith.constant 0 : i32
      %dma_wait3A_64 = tpu.memref_slice %arg8[%add3A_23, %dma_wait3A_63] : memref<10000x16xf32, #tpu.memory_space<vmem_shared>> -> memref<125x16xf32, #tpu.memory_space<vmem_shared>>
      tpu.wait_dma2 semaphore(%run_scoped3A : memref<!tpu.dma_semaphore, #tpu.memory_space<semaphore_mem>>) src(%arg14 : memref<125x16xf32, #tpu.memory_space<vmem>>) dst(%dma_wait3A_64 : memref<125x16xf32, #tpu.memory_space<vmem_shared>>)
      tpu.yield
    }) : () -> ()
    %mul3A_24 = arith.constant 625 : i32
    %mul3A_25 = arith.muli %arg1, %mul3A_24 : i32
    %add3A_26 = arith.constant 375 : i32
    %add3A_27 = arith.addi %mul3A_25, %add3A_26 : i32
    "tpu.region"() ({
      %run_scoped3A = tpu.sem_alloc : memref<!tpu.dma_semaphore, #tpu.memory_space<semaphore_mem>>
      %dma_start3A = arith.constant 0 : i32
      %dma_start3A_59 = tpu.memref_slice %arg7[%add3A_27, %dma_start3A] : memref<10000x32xf32, #tpu.memory_space<vmem_shared>> -> memref<125x32xf32, #tpu.memory_space<vmem_shared>>
      %dma_start3A_60 = arith.constant 0 : i32
      %dma_start3A_61 = tpu.memref_slice %arg7[%add3A_27, %dma_start3A_60] : memref<10000x32xf32, #tpu.memory_space<vmem_shared>> -> memref<125x32xf32, #tpu.memory_space<vmem_shared>>
      tpu.enqueue_dma source(%arg13 : memref<125x32xf32, #tpu.memory_space<vmem>>) target(%dma_start3A_61 : memref<125x32xf32, #tpu.memory_space<vmem_shared>>) target_semaphore(%run_scoped3A : memref<!tpu.dma_semaphore, #tpu.memory_space<semaphore_mem>>)
      %dma_wait3A = arith.constant 0 : i32
      %dma_wait3A_62 = tpu.memref_slice %arg7[%add3A_27, %dma_wait3A] : memref<10000x32xf32, #tpu.memory_space<vmem_shared>> -> memref<125x32xf32, #tpu.memory_space<vmem_shared>>
      %dma_wait3A_63 = arith.constant 0 : i32
      %dma_wait3A_64 = tpu.memref_slice %arg7[%add3A_27, %dma_wait3A_63] : memref<10000x32xf32, #tpu.memory_space<vmem_shared>> -> memref<125x32xf32, #tpu.memory_space<vmem_shared>>
      tpu.wait_dma2 semaphore(%run_scoped3A : memref<!tpu.dma_semaphore, #tpu.memory_space<semaphore_mem>>) src(%arg13 : memref<125x32xf32, #tpu.memory_space<vmem>>) dst(%dma_wait3A_64 : memref<125x32xf32, #tpu.memory_space<vmem_shared>>)
      tpu.yield
    }) : () -> ()
    "tpu.region"() ({
      %run_scoped3A = tpu.sem_alloc : memref<!tpu.dma_semaphore, #tpu.memory_space<semaphore_mem>>
      %dma_start3A = arith.constant 0 : i32
      %dma_start3A_59 = tpu.memref_slice %arg8[%add3A_27, %dma_start3A] : memref<10000x16xf32, #tpu.memory_space<vmem_shared>> -> memref<125x16xf32, #tpu.memory_space<vmem_shared>>
      %dma_start3A_60 = arith.constant 0 : i32
      %dma_start3A_61 = tpu.memref_slice %arg8[%add3A_27, %dma_start3A_60] : memref<10000x16xf32, #tpu.memory_space<vmem_shared>> -> memref<125x16xf32, #tpu.memory_space<vmem_shared>>
      tpu.enqueue_dma source(%arg14 : memref<125x16xf32, #tpu.memory_space<vmem>>) target(%dma_start3A_61 : memref<125x16xf32, #tpu.memory_space<vmem_shared>>) target_semaphore(%run_scoped3A : memref<!tpu.dma_semaphore, #tpu.memory_space<semaphore_mem>>)
      %dma_wait3A = arith.constant 0 : i32
      %dma_wait3A_62 = tpu.memref_slice %arg8[%add3A_27, %dma_wait3A] : memref<10000x16xf32, #tpu.memory_space<vmem_shared>> -> memref<125x16xf32, #tpu.memory_space<vmem_shared>>
      %dma_wait3A_63 = arith.constant 0 : i32
      %dma_wait3A_64 = tpu.memref_slice %arg8[%add3A_27, %dma_wait3A_63] : memref<10000x16xf32, #tpu.memory_space<vmem_shared>> -> memref<125x16xf32, #tpu.memory_space<vmem_shared>>
      tpu.wait_dma2 semaphore(%run_scoped3A : memref<!tpu.dma_semaphore, #tpu.memory_space<semaphore_mem>>) src(%arg14 : memref<125x16xf32, #tpu.memory_space<vmem>>) dst(%dma_wait3A_64 : memref<125x16xf32, #tpu.memory_space<vmem_shared>>)
      tpu.yield
    }) : () -> ()
    %mul3A_28 = arith.constant 625 : i32
    %mul3A_29 = arith.muli %arg1, %mul3A_28 : i32
    %add3A_30 = arith.constant 500 : i32
    %add3A_31 = arith.addi %mul3A_29, %add3A_30 : i32
    "tpu.region"() ({
      %run_scoped3A = tpu.sem_alloc : memref<!tpu.dma_semaphore, #tpu.memory_space<semaphore_mem>>
      %dma_start3A = arith.constant 0 : i32
      %dma_start3A_59 = tpu.memref_slice %arg7[%add3A_31, %dma_start3A] : memref<10000x32xf32, #tpu.memory_space<vmem_shared>> -> memref<125x32xf32, #tpu.memory_space<vmem_shared>>
      %dma_start3A_60 = arith.constant 0 : i32
      %dma_start3A_61 = tpu.memref_slice %arg7[%add3A_31, %dma_start3A_60] : memref<10000x32xf32, #tpu.memory_space<vmem_shared>> -> memref<125x32xf32, #tpu.memory_space<vmem_shared>>
      tpu.enqueue_dma source(%arg13 : memref<125x32xf32, #tpu.memory_space<vmem>>) target(%dma_start3A_61 : memref<125x32xf32, #tpu.memory_space<vmem_shared>>) target_semaphore(%run_scoped3A : memref<!tpu.dma_semaphore, #tpu.memory_space<semaphore_mem>>)
      %dma_wait3A = arith.constant 0 : i32
      %dma_wait3A_62 = tpu.memref_slice %arg7[%add3A_31, %dma_wait3A] : memref<10000x32xf32, #tpu.memory_space<vmem_shared>> -> memref<125x32xf32, #tpu.memory_space<vmem_shared>>
      %dma_wait3A_63 = arith.constant 0 : i32
      %dma_wait3A_64 = tpu.memref_slice %arg7[%add3A_31, %dma_wait3A_63] : memref<10000x32xf32, #tpu.memory_space<vmem_shared>> -> memref<125x32xf32, #tpu.memory_space<vmem_shared>>
      tpu.wait_dma2 semaphore(%run_scoped3A : memref<!tpu.dma_semaphore, #tpu.memory_space<semaphore_mem>>) src(%arg13 : memref<125x32xf32, #tpu.memory_space<vmem>>) dst(%dma_wait3A_64 : memref<125x32xf32, #tpu.memory_space<vmem_shared>>)
      tpu.yield
    }) : () -> ()
    "tpu.region"() ({
      %run_scoped3A = tpu.sem_alloc : memref<!tpu.dma_semaphore, #tpu.memory_space<semaphore_mem>>
      %dma_start3A = arith.constant 0 : i32
      %dma_start3A_59 = tpu.memref_slice %arg8[%add3A_31, %dma_start3A] : memref<10000x16xf32, #tpu.memory_space<vmem_shared>> -> memref<125x16xf32, #tpu.memory_space<vmem_shared>>
      %dma_start3A_60 = arith.constant 0 : i32
      %dma_start3A_61 = tpu.memref_slice %arg8[%add3A_31, %dma_start3A_60] : memref<10000x16xf32, #tpu.memory_space<vmem_shared>> -> memref<125x16xf32, #tpu.memory_space<vmem_shared>>
      tpu.enqueue_dma source(%arg14 : memref<125x16xf32, #tpu.memory_space<vmem>>) target(%dma_start3A_61 : memref<125x16xf32, #tpu.memory_space<vmem_shared>>) target_semaphore(%run_scoped3A : memref<!tpu.dma_semaphore, #tpu.memory_space<semaphore_mem>>)
      %dma_wait3A = arith.constant 0 : i32
      %dma_wait3A_62 = tpu.memref_slice %arg8[%add3A_31, %dma_wait3A] : memref<10000x16xf32, #tpu.memory_space<vmem_shared>> -> memref<125x16xf32, #tpu.memory_space<vmem_shared>>
      %dma_wait3A_63 = arith.constant 0 : i32
      %dma_wait3A_64 = tpu.memref_slice %arg8[%add3A_31, %dma_wait3A_63] : memref<10000x16xf32, #tpu.memory_space<vmem_shared>> -> memref<125x16xf32, #tpu.memory_space<vmem_shared>>
      tpu.wait_dma2 semaphore(%run_scoped3A : memref<!tpu.dma_semaphore, #tpu.memory_space<semaphore_mem>>) src(%arg14 : memref<125x16xf32, #tpu.memory_space<vmem>>) dst(%dma_wait3A_64 : memref<125x16xf32, #tpu.memory_space<vmem_shared>>)
      tpu.yield
    }) : () -> ()
    %barrier3A = arith.constant 0 : index
    tpu.barrier barrier_id(%barrier3A)
    %scan3A_32 = arith.constant 0 : i32
    %scan3A_33 = arith.constant 0 : i32
    %scan3A_34 = arith.constant 10 : i32
    %scan3A_35 = arith.addi %scan3A_33, %scan3A_34 : i32
    %scan3A_36 = arith.constant 1 : i32
    scf.for %scan3A_59 = %scan3A_33 to %scan3A_35 step %scan3A_36  : i32 {
      %mul3A_60 = arith.constant 16 : i32
      %mul3A_61 = arith.muli %arg0, %mul3A_60 : i32
      %add3A_62 = arith.addi %mul3A_61, %arg1 : i32
      %mul3A_63 = arith.constant 80 : i32
      %mul3A_64 = arith.muli %add3A_62, %mul3A_63 : i32
      %mul3A_65 = arith.constant 8 : i32
      %mul3A_66 = arith.muli %scan3A_59, %mul3A_65 : i32
      %add3A_67 = arith.addi %mul3A_64, %mul3A_66 : i32
      "tpu.region"() ({
        %run_scoped3A = tpu.sem_alloc : memref<!tpu.dma_semaphore, #tpu.memory_space<semaphore_mem>>
        %dma_start3A = arith.constant 0 : i32
        %dma_start3A_123 = tpu.memref_slice %arg3[%add3A_67, %dma_start3A] : memref<2560x128xi32, #tpu.memory_space<hbm>> -> memref<8x128xi32, #tpu.memory_space<hbm>>
        %dma_start3A_124 = arith.constant 0 : i32
        %dma_start3A_125 = tpu.memref_slice %arg3[%add3A_67, %dma_start3A_124] : memref<2560x128xi32, #tpu.memory_space<hbm>> -> memref<8x128xi32, #tpu.memory_space<hbm>>
        tpu.enqueue_dma source(%dma_start3A_125 : memref<8x128xi32, #tpu.memory_space<hbm>>) target(%arg11 : memref<8x128xi32, #tpu.memory_space<vmem>>) target_semaphore(%run_scoped3A : memref<!tpu.dma_semaphore, #tpu.memory_space<semaphore_mem>>)
        %dma_wait3A = arith.constant 0 : i32
        %dma_wait3A_126 = tpu.memref_slice %arg3[%add3A_67, %dma_wait3A] : memref<2560x128xi32, #tpu.memory_space<hbm>> -> memref<8x128xi32, #tpu.memory_space<hbm>>
        %dma_wait3A_127 = arith.constant 0 : i32
        %dma_wait3A_128 = tpu.memref_slice %arg3[%add3A_67, %dma_wait3A_127] : memref<2560x128xi32, #tpu.memory_space<hbm>> -> memref<8x128xi32, #tpu.memory_space<hbm>>
        tpu.wait_dma2 semaphore(%run_scoped3A : memref<!tpu.dma_semaphore, #tpu.memory_space<semaphore_mem>>) src(%dma_wait3A_128 : memref<8x128xi32, #tpu.memory_space<hbm>>) dst(%arg11 : memref<8x128xi32, #tpu.memory_space<vmem>>)
        tpu.yield
      }) : () -> ()
      %mul3A_68 = arith.constant 128 : i32
      %mul3A_69 = arith.muli %add3A_67, %mul3A_68 : i32
      "tpu.region"() ({
        %run_scoped3A = tpu.sem_alloc : memref<!tpu.dma_semaphore, #tpu.memory_space<semaphore_mem>>
        %dma_start3A = arith.constant 0 : i32
        %dma_start3A_123 = tpu.memref_slice %arg2[%mul3A_69, %dma_start3A] : memref<327680x32xf32, #tpu.memory_space<hbm>> -> memref<1024x32xf32, #tpu.memory_space<hbm>>
        %dma_start3A_124 = arith.constant 0 : i32
        %dma_start3A_125 = tpu.memref_slice %arg2[%mul3A_69, %dma_start3A_124] : memref<327680x32xf32, #tpu.memory_space<hbm>> -> memref<1024x32xf32, #tpu.memory_space<hbm>>
        tpu.enqueue_dma source(%dma_start3A_125 : memref<1024x32xf32, #tpu.memory_space<hbm>>) target(%arg9 : memref<1024x32xf32, #tpu.memory_space<vmem>>) target_semaphore(%run_scoped3A : memref<!tpu.dma_semaphore, #tpu.memory_space<semaphore_mem>>)
        %dma_wait3A = arith.constant 0 : i32
        %dma_wait3A_126 = tpu.memref_slice %arg2[%mul3A_69, %dma_wait3A] : memref<327680x32xf32, #tpu.memory_space<hbm>> -> memref<1024x32xf32, #tpu.memory_space<hbm>>
        %dma_wait3A_127 = arith.constant 0 : i32
        %dma_wait3A_128 = tpu.memref_slice %arg2[%mul3A_69, %dma_wait3A_127] : memref<327680x32xf32, #tpu.memory_space<hbm>> -> memref<1024x32xf32, #tpu.memory_space<hbm>>
        tpu.wait_dma2 semaphore(%run_scoped3A : memref<!tpu.dma_semaphore, #tpu.memory_space<semaphore_mem>>) src(%dma_wait3A_128 : memref<1024x32xf32, #tpu.memory_space<hbm>>) dst(%arg9 : memref<1024x32xf32, #tpu.memory_space<vmem>>)
        tpu.yield
      }) : () -> ()
      %add3A_70 = arith.constant 0 : i32
      %add3A_71 = arith.addi %add3A_67, %add3A_70 : i32
      %lt3A = arith.constant 2500 : i32
      %lt3A_72 = arith.cmpi slt, %add3A_71, %lt3A : i32
      %convert_element_type3A = arith.extui %lt3A_72 : i1 to i32
      %cond3A = arith.constant 0 : i32
      %cond3A_73 = arith.cmpi ne, %convert_element_type3A, %cond3A : i32
      scf.if %cond3A_73 {
        %scan3A_123 = arith.constant 0 : i32
        %scan3A_124 = arith.constant 0 : i32
        %scan3A_125 = arith.constant 128 : i32
        %scan3A_126 = arith.addi %scan3A_124, %scan3A_125 : i32
        %scan3A_127 = arith.constant 1 : i32
        scf.for %scan3A_130 = %scan3A_124 to %scan3A_126 step %scan3A_127  : i32 {
          %get3A = arith.constant 0 : i32
          %get3A_131 = arith.index_cast %get3A : i32 to index
          %get3A_132 = arith.constant 0 : index
          %get3A_133 = tpu.vector_load %arg12[%get3A_131, %get3A_132] {strides = array<i32>} : memref<2x32xf32, #tpu.memory_space<vmem>>, vector<1x16xf32>,
          %get3A_134 = vector.shape_cast %get3A_133 : vector<1x16xf32> to vector<16xf32>
          %get3A_135 = arith.constant 1 : i32
          %get3A_136 = arith.index_cast %get3A_135 : i32 to index
          %get3A_137 = arith.constant 0 : index
          %get3A_138 = tpu.vector_load %arg12[%get3A_136, %get3A_137] {strides = array<i32>} : memref<2x32xf32, #tpu.memory_space<vmem>>, vector<1x16xf32>,
          %get3A_139 = vector.shape_cast %get3A_138 : vector<1x16xf32> to vector<16xf32>
          %get3A_140 = arith.index_cast %scan3A_130 : i32 to index
          %get3A_141 = arith.constant 0 : index
          %get3A_142 = tpu.vector_load %arg9[%get3A_140, %get3A_141] {strides = array<i32>} : memref<1024x32xf32, #tpu.memory_space<vmem>>, vector<1x16xf32>,
          %get3A_143 = vector.shape_cast %get3A_142 : vector<1x16xf32> to vector<16xf32>
          %mul3A_144 = arith.mulf %get3A_143, %get3A_134 : vector<16xf32>
          %add3A_145 = arith.addf %mul3A_144, %get3A_139 : vector<16xf32>
          %max3A = arith.constant 0.000000e+00 : f32
          %max3A_146 = vector.broadcast %max3A : f32 to vector<16xf32>
          %max3A_147 = arith.maximumf %add3A_145, %max3A_146 : vector<16xf32>
          %swap3A = arith.index_cast %scan3A_130 : i32 to index
          %swap3A_148 = arith.constant 0 : index
          %swap3A_149 = tpu.vector_load %arg9[%swap3A, %swap3A_148] {strides = array<i32>} : memref<1024x32xf32, #tpu.memory_space<vmem>>, vector<1x16xf32>,
          %swap3A_150 = vector.shape_cast %swap3A_149 : vector<1x16xf32> to vector<16xf32>
          %swap3A_151 = vector.shape_cast %max3A_147 : vector<16xf32> to vector<1x16xf32>
          tpu.vector_store %arg9[%swap3A, %swap3A_148], %swap3A_151 {strides = array<i32>} : memref<1024x32xf32, #tpu.memory_space<vmem>>, vector<1x16xf32>,
          %get3A_152 = arith.constant 0 : i32
          %get3A_153 = arith.index_cast %get3A_152 : i32 to index
          %get3A_154 = arith.constant 16 : index
          %get3A_155 = tpu.vector_load %arg12[%get3A_153, %get3A_154] {strides = array<i32>} : memref<2x32xf32, #tpu.memory_space<vmem>>, vector<1x16xf32>,
          %get3A_156 = vector.shape_cast %get3A_155 : vector<1x16xf32> to vector<16xf32>
          %get3A_157 = arith.constant 1 : i32
          %get3A_158 = arith.index_cast %get3A_157 : i32 to index
          %get3A_159 = arith.constant 16 : index
          %get3A_160 = tpu.vector_load %arg12[%get3A_158, %get3A_159] {strides = array<i32>} : memref<2x32xf32, #tpu.memory_space<vmem>>, vector<1x16xf32>,
          %get3A_161 = vector.shape_cast %get3A_160 : vector<1x16xf32> to vector<16xf32>
          %get3A_162 = arith.index_cast %scan3A_130 : i32 to index
          %get3A_163 = arith.constant 16 : index
          %get3A_164 = tpu.vector_load %arg9[%get3A_162, %get3A_163] {strides = array<i32>} : memref<1024x32xf32, #tpu.memory_space<vmem>>, vector<1x16xf32>,
          %get3A_165 = vector.shape_cast %get3A_164 : vector<1x16xf32> to vector<16xf32>
          %mul3A_166 = arith.mulf %get3A_165, %get3A_156 : vector<16xf32>
          %add3A_167 = arith.addf %mul3A_166, %get3A_161 : vector<16xf32>
          %max3A_168 = arith.constant 0.000000e+00 : f32
          %max3A_169 = vector.broadcast %max3A_168 : f32 to vector<16xf32>
          %max3A_170 = arith.maximumf %add3A_167, %max3A_169 : vector<16xf32>
          %swap3A_171 = arith.index_cast %scan3A_130 : i32 to index
          %swap3A_172 = arith.constant 16 : index
          %swap3A_173 = tpu.vector_load %arg9[%swap3A_171, %swap3A_172] {strides = array<i32>} : memref<1024x32xf32, #tpu.memory_space<vmem>>, vector<1x16xf32>,
          %swap3A_174 = vector.shape_cast %swap3A_173 : vector<1x16xf32> to vector<16xf32>
          %swap3A_175 = vector.shape_cast %max3A_170 : vector<16xf32> to vector<1x16xf32>
          tpu.vector_store %arg9[%swap3A_171, %swap3A_172], %swap3A_175 {strides = array<i32>} : memref<1024x32xf32, #tpu.memory_space<vmem>>, vector<1x16xf32>,
        }
        %scan3A_128 = arith.constant 128 : i32
        %run_scoped3A = arith.constant 0 : i32
        "tpu.region"() ({
          %run_scoped3A_130 = tpu.sem_alloc : memref<!tpu.dma_semaphore, #tpu.memory_space<semaphore_mem>>
          %dma_start3A = arith.constant 0 : i32
          %dma_start3A_131 = arith.constant 0 : i32
          %dma_start3A_132 = tpu.memref_slice %arg9[%dma_start3A, %dma_start3A_131] : memref<1024x32xf32, #tpu.memory_space<vmem>> -> memref<128x32xf32, #tpu.memory_space<vmem>>
          %dma_start3A_133 = arith.constant 0 : i32
          %dma_start3A_134 = tpu.memref_slice %arg11[%run_scoped3A, %dma_start3A_133] : memref<8x128xi32, #tpu.memory_space<vmem>> -> memref<1x128xi32, #tpu.memory_space<vmem>>
          %dma_start3A_135 = tpu.memref_squeeze %dma_start3A_134 : memref<1x128xi32, #tpu.memory_space<vmem>> -> memref<128xi32, #tpu.memory_space<vmem>>
          %dma_start3A_136 = arith.constant 0 : i32
          %dma_start3A_137 = arith.constant 0 : i32
          %dma_start3A_138 = tpu.memref_slice %arg7[%dma_start3A_136, %dma_start3A_137] : memref<10000x32xf32, #tpu.memory_space<vmem_shared>> -> memref<10000x32xf32, #tpu.memory_space<vmem_shared>>
          tpu.enqueue_indirect_dma source(%dma_start3A_132 : memref<128x32xf32, #tpu.memory_space<vmem>>) target(%dma_start3A_138 : memref<10000x32xf32, #tpu.memory_space<vmem_shared>>) offsets(%dma_start3A_135 : memref<128xi32, #tpu.memory_space<vmem>>) semaphore(%run_scoped3A_130 : memref<!tpu.dma_semaphore, #tpu.memory_space<semaphore_mem>>) {add = true}
          %dma_wait3A = arith.constant 0 : i32
          %dma_wait3A_139 = arith.constant 0 : i32
          %dma_wait3A_140 = tpu.memref_slice %arg9[%dma_wait3A, %dma_wait3A_139] : memref<1024x32xf32, #tpu.memory_space<vmem>> -> memref<128x32xf32, #tpu.memory_space<vmem>>
          %dma_wait3A_141 = arith.constant 0 : i32
          %dma_wait3A_142 = tpu.memref_slice %arg11[%run_scoped3A, %dma_wait3A_141] : memref<8x128xi32, #tpu.memory_space<vmem>> -> memref<1x128xi32, #tpu.memory_space<vmem>>
          %dma_wait3A_143 = tpu.memref_squeeze %dma_wait3A_142 : memref<1x128xi32, #tpu.memory_space<vmem>> -> memref<128xi32, #tpu.memory_space<vmem>>
          %dma_wait3A_144 = arith.constant 0 : i32
          %dma_wait3A_145 = arith.constant 0 : i32
          %dma_wait3A_146 = tpu.memref_slice %arg7[%dma_wait3A_144, %dma_wait3A_145] : memref<10000x32xf32, #tpu.memory_space<vmem_shared>> -> memref<10000x32xf32, #tpu.memory_space<vmem_shared>>
          tpu.wait_indirect_dma semaphore(%run_scoped3A_130 : memref<!tpu.dma_semaphore, #tpu.memory_space<semaphore_mem>>) src(%dma_wait3A_140 : memref<128x32xf32, #tpu.memory_space<vmem>>) dst(%dma_wait3A_146 : memref<10000x32xf32, #tpu.memory_space<vmem_shared>>)
          tpu.yield
        }) : () -> ()
        %run_scoped3A_129 = arith.constant 0 : i32
        "tpu.region"() ({
          %run_scoped3A_130 = tpu.sem_alloc : memref<!tpu.dma_semaphore, #tpu.memory_space<semaphore_mem>>
          %dma_start3A = arith.constant 0 : i32
          %dma_start3A_131 = tpu.memref_slice %arg11[%run_scoped3A_129, %dma_start3A] : memref<8x128xi32, #tpu.memory_space<vmem>> -> memref<1x128xi32, #tpu.memory_space<vmem>>
          %dma_start3A_132 = tpu.memref_squeeze %dma_start3A_131 : memref<1x128xi32, #tpu.memory_space<vmem>> -> memref<128xi32, #tpu.memory_space<vmem>>
          %dma_start3A_133 = arith.constant 0 : i32
          %dma_start3A_134 = arith.constant 0 : i32
          %dma_start3A_135 = tpu.memref_slice %arg8[%dma_start3A_133, %dma_start3A_134] : memref<10000x16xf32, #tpu.memory_space<vmem_shared>> -> memref<10000x16xf32, #tpu.memory_space<vmem_shared>>
          tpu.enqueue_indirect_dma source(%arg10 : memref<128x16xf32, #tpu.memory_space<vmem>>) target(%dma_start3A_135 : memref<10000x16xf32, #tpu.memory_space<vmem_shared>>) offsets(%dma_start3A_132 : memref<128xi32, #tpu.memory_space<vmem>>) semaphore(%run_scoped3A_130 : memref<!tpu.dma_semaphore, #tpu.memory_space<semaphore_mem>>) {add = true}
          %dma_wait3A = arith.constant 0 : i32
          %dma_wait3A_136 = tpu.memref_slice %arg11[%run_scoped3A_129, %dma_wait3A] : memref<8x128xi32, #tpu.memory_space<vmem>> -> memref<1x128xi32, #tpu.memory_space<vmem>>
          %dma_wait3A_137 = tpu.memref_squeeze %dma_wait3A_136 : memref<1x128xi32, #tpu.memory_space<vmem>> -> memref<128xi32, #tpu.memory_space<vmem>>
          %dma_wait3A_138 = arith.constant 0 : i32
          %dma_wait3A_139 = arith.constant 0 : i32
          %dma_wait3A_140 = tpu.memref_slice %arg8[%dma_wait3A_138, %dma_wait3A_139] : memref<10000x16xf32, #tpu.memory_space<vmem_shared>> -> memref<10000x16xf32, #tpu.memory_space<vmem_shared>>
          tpu.wait_indirect_dma semaphore(%run_scoped3A_130 : memref<!tpu.dma_semaphore, #tpu.memory_space<semaphore_mem>>) src(%arg10 : memref<128x16xf32, #tpu.memory_space<vmem>>) dst(%dma_wait3A_140 : memref<10000x16xf32, #tpu.memory_space<vmem_shared>>)
          tpu.yield
        }) : () -> ()
      } else {
      }
      %add3A_74 = arith.constant 1 : i32
      %add3A_75 = arith.addi %add3A_67, %add3A_74 : i32
      %lt3A_76 = arith.constant 2500 : i32
      %lt3A_77 = arith.cmpi slt, %add3A_75, %lt3A_76 : i32
      %convert_element_type3A_78 = arith.extui %lt3A_77 : i1 to i32
      %cond3A_79 = arith.constant 0 : i32
      %cond3A_80 = arith.cmpi ne, %convert_element_type3A_78, %cond3A_79 : i32
      scf.if %cond3A_80 {
        %scan3A_123 = arith.constant 0 : i32
        %scan3A_124 = arith.constant 128 : i32
        %scan3A_125 = arith.constant 128 : i32
        %scan3A_126 = arith.addi %scan3A_124, %scan3A_125 : i32
        %scan3A_127 = arith.constant 1 : i32
        scf.for %scan3A_130 = %scan3A_124 to %scan3A_126 step %scan3A_127  : i32 {
          %get3A = arith.constant 0 : i32
          %get3A_131 = arith.index_cast %get3A : i32 to index
          %get3A_132 = arith.constant 0 : index
          %get3A_133 = tpu.vector_load %arg12[%get3A_131, %get3A_132] {strides = array<i32>} : memref<2x32xf32, #tpu.memory_space<vmem>>, vector<1x16xf32>,
          %get3A_134 = vector.shape_cast %get3A_133 : vector<1x16xf32> to vector<16xf32>
          %get3A_135 = arith.constant 1 : i32
          %get3A_136 = arith.index_cast %get3A_135 : i32 to index
          %get3A_137 = arith.constant 0 : index
          %get3A_138 = tpu.vector_load %arg12[%get3A_136, %get3A_137] {strides = array<i32>} : memref<2x32xf32, #tpu.memory_space<vmem>>, vector<1x16xf32>,
          %get3A_139 = vector.shape_cast %get3A_138 : vector<1x16xf32> to vector<16xf32>
          %get3A_140 = arith.index_cast %scan3A_130 : i32 to index
          %get3A_141 = arith.constant 0 : index
          %get3A_142 = tpu.vector_load %arg9[%get3A_140, %get3A_141] {strides = array<i32>} : memref<1024x32xf32, #tpu.memory_space<vmem>>, vector<1x16xf32>,
          %get3A_143 = vector.shape_cast %get3A_142 : vector<1x16xf32> to vector<16xf32>
          %mul3A_144 = arith.mulf %get3A_143, %get3A_134 : vector<16xf32>
          %add3A_145 = arith.addf %mul3A_144, %get3A_139 : vector<16xf32>
          %max3A = arith.constant 0.000000e+00 : f32
          %max3A_146 = vector.broadcast %max3A : f32 to vector<16xf32>
          %max3A_147 = arith.maximumf %add3A_145, %max3A_146 : vector<16xf32>
          %swap3A = arith.index_cast %scan3A_130 : i32 to index
          %swap3A_148 = arith.constant 0 : index
          %swap3A_149 = tpu.vector_load %arg9[%swap3A, %swap3A_148] {strides = array<i32>} : memref<1024x32xf32, #tpu.memory_space<vmem>>, vector<1x16xf32>,
          %swap3A_150 = vector.shape_cast %swap3A_149 : vector<1x16xf32> to vector<16xf32>
          %swap3A_151 = vector.shape_cast %max3A_147 : vector<16xf32> to vector<1x16xf32>
          tpu.vector_store %arg9[%swap3A, %swap3A_148], %swap3A_151 {strides = array<i32>} : memref<1024x32xf32, #tpu.memory_space<vmem>>, vector<1x16xf32>,
          %get3A_152 = arith.constant 0 : i32
          %get3A_153 = arith.index_cast %get3A_152 : i32 to index
          %get3A_154 = arith.constant 16 : index
          %get3A_155 = tpu.vector_load %arg12[%get3A_153, %get3A_154] {strides = array<i32>} : memref<2x32xf32, #tpu.memory_space<vmem>>, vector<1x16xf32>,
          %get3A_156 = vector.shape_cast %get3A_155 : vector<1x16xf32> to vector<16xf32>
          %get3A_157 = arith.constant 1 : i32
          %get3A_158 = arith.index_cast %get3A_157 : i32 to index
          %get3A_159 = arith.constant 16 : index
          %get3A_160 = tpu.vector_load %arg12[%get3A_158, %get3A_159] {strides = array<i32>} : memref<2x32xf32, #tpu.memory_space<vmem>>, vector<1x16xf32>,
          %get3A_161 = vector.shape_cast %get3A_160 : vector<1x16xf32> to vector<16xf32>
          %get3A_162 = arith.index_cast %scan3A_130 : i32 to index
          %get3A_163 = arith.constant 16 : index
          %get3A_164 = tpu.vector_load %arg9[%get3A_162, %get3A_163] {strides = array<i32>} : memref<1024x32xf32, #tpu.memory_space<vmem>>, vector<1x16xf32>,
          %get3A_165 = vector.shape_cast %get3A_164 : vector<1x16xf32> to vector<16xf32>
          %mul3A_166 = arith.mulf %get3A_165, %get3A_156 : vector<16xf32>
          %add3A_167 = arith.addf %mul3A_166, %get3A_161 : vector<16xf32>
          %max3A_168 = arith.constant 0.000000e+00 : f32
          %max3A_169 = vector.broadcast %max3A_168 : f32 to vector<16xf32>
          %max3A_170 = arith.maximumf %add3A_167, %max3A_169 : vector<16xf32>
          %swap3A_171 = arith.index_cast %scan3A_130 : i32 to index
          %swap3A_172 = arith.constant 16 : index
          %swap3A_173 = tpu.vector_load %arg9[%swap3A_171, %swap3A_172] {strides = array<i32>} : memref<1024x32xf32, #tpu.memory_space<vmem>>, vector<1x16xf32>,
          %swap3A_174 = vector.shape_cast %swap3A_173 : vector<1x16xf32> to vector<16xf32>
          %swap3A_175 = vector.shape_cast %max3A_170 : vector<16xf32> to vector<1x16xf32>
          tpu.vector_store %arg9[%swap3A_171, %swap3A_172], %swap3A_175 {strides = array<i32>} : memref<1024x32xf32, #tpu.memory_space<vmem>>, vector<1x16xf32>,
        }
        %scan3A_128 = arith.constant 128 : i32
        %run_scoped3A = arith.constant 1 : i32
        "tpu.region"() ({
          %run_scoped3A_130 = tpu.sem_alloc : memref<!tpu.dma_semaphore, #tpu.memory_space<semaphore_mem>>
          %dma_start3A = arith.constant 128 : i32
          %dma_start3A_131 = arith.constant 0 : i32
          %dma_start3A_132 = tpu.memref_slice %arg9[%dma_start3A, %dma_start3A_131] : memref<1024x32xf32, #tpu.memory_space<vmem>> -> memref<128x32xf32, #tpu.memory_space<vmem>>
          %dma_start3A_133 = arith.constant 0 : i32
          %dma_start3A_134 = tpu.memref_slice %arg11[%run_scoped3A, %dma_start3A_133] : memref<8x128xi32, #tpu.memory_space<vmem>> -> memref<1x128xi32, #tpu.memory_space<vmem>>
          %dma_start3A_135 = tpu.memref_squeeze %dma_start3A_134 : memref<1x128xi32, #tpu.memory_space<vmem>> -> memref<128xi32, #tpu.memory_space<vmem>>
          %dma_start3A_136 = arith.constant 0 : i32
          %dma_start3A_137 = arith.constant 0 : i32
          %dma_start3A_138 = tpu.memref_slice %arg7[%dma_start3A_136, %dma_start3A_137] : memref<10000x32xf32, #tpu.memory_space<vmem_shared>> -> memref<10000x32xf32, #tpu.memory_space<vmem_shared>>
          tpu.enqueue_indirect_dma source(%dma_start3A_132 : memref<128x32xf32, #tpu.memory_space<vmem>>) target(%dma_start3A_138 : memref<10000x32xf32, #tpu.memory_space<vmem_shared>>) offsets(%dma_start3A_135 : memref<128xi32, #tpu.memory_space<vmem>>) semaphore(%run_scoped3A_130 : memref<!tpu.dma_semaphore, #tpu.memory_space<semaphore_mem>>) {add = true}
          %dma_wait3A = arith.constant 128 : i32
          %dma_wait3A_139 = arith.constant 0 : i32
          %dma_wait3A_140 = tpu.memref_slice %arg9[%dma_wait3A, %dma_wait3A_139] : memref<1024x32xf32, #tpu.memory_space<vmem>> -> memref<128x32xf32, #tpu.memory_space<vmem>>
          %dma_wait3A_141 = arith.constant 0 : i32
          %dma_wait3A_142 = tpu.memref_slice %arg11[%run_scoped3A, %dma_wait3A_141] : memref<8x128xi32, #tpu.memory_space<vmem>> -> memref<1x128xi32, #tpu.memory_space<vmem>>
          %dma_wait3A_143 = tpu.memref_squeeze %dma_wait3A_142 : memref<1x128xi32, #tpu.memory_space<vmem>> -> memref<128xi32, #tpu.memory_space<vmem>>
          %dma_wait3A_144 = arith.constant 0 : i32
          %dma_wait3A_145 = arith.constant 0 : i32
          %dma_wait3A_146 = tpu.memref_slice %arg7[%dma_wait3A_144, %dma_wait3A_145] : memref<10000x32xf32, #tpu.memory_space<vmem_shared>> -> memref<10000x32xf32, #tpu.memory_space<vmem_shared>>
          tpu.wait_indirect_dma semaphore(%run_scoped3A_130 : memref<!tpu.dma_semaphore, #tpu.memory_space<semaphore_mem>>) src(%dma_wait3A_140 : memref<128x32xf32, #tpu.memory_space<vmem>>) dst(%dma_wait3A_146 : memref<10000x32xf32, #tpu.memory_space<vmem_shared>>)
          tpu.yield
        }) : () -> ()
        %run_scoped3A_129 = arith.constant 1 : i32
        "tpu.region"() ({
          %run_scoped3A_130 = tpu.sem_alloc : memref<!tpu.dma_semaphore, #tpu.memory_space<semaphore_mem>>
          %dma_start3A = arith.constant 0 : i32
          %dma_start3A_131 = tpu.memref_slice %arg11[%run_scoped3A_129, %dma_start3A] : memref<8x128xi32, #tpu.memory_space<vmem>> -> memref<1x128xi32, #tpu.memory_space<vmem>>
          %dma_start3A_132 = tpu.memref_squeeze %dma_start3A_131 : memref<1x128xi32, #tpu.memory_space<vmem>> -> memref<128xi32, #tpu.memory_space<vmem>>
          %dma_start3A_133 = arith.constant 0 : i32
          %dma_start3A_134 = arith.constant 0 : i32
          %dma_start3A_135 = tpu.memref_slice %arg8[%dma_start3A_133, %dma_start3A_134] : memref<10000x16xf32, #tpu.memory_space<vmem_shared>> -> memref<10000x16xf32, #tpu.memory_space<vmem_shared>>
          tpu.enqueue_indirect_dma source(%arg10 : memref<128x16xf32, #tpu.memory_space<vmem>>) target(%dma_start3A_135 : memref<10000x16xf32, #tpu.memory_space<vmem_shared>>) offsets(%dma_start3A_132 : memref<128xi32, #tpu.memory_space<vmem>>) semaphore(%run_scoped3A_130 : memref<!tpu.dma_semaphore, #tpu.memory_space<semaphore_mem>>) {add = true}
          %dma_wait3A = arith.constant 0 : i32
          %dma_wait3A_136 = tpu.memref_slice %arg11[%run_scoped3A_129, %dma_wait3A] : memref<8x128xi32, #tpu.memory_space<vmem>> -> memref<1x128xi32, #tpu.memory_space<vmem>>
          %dma_wait3A_137 = tpu.memref_squeeze %dma_wait3A_136 : memref<1x128xi32, #tpu.memory_space<vmem>> -> memref<128xi32, #tpu.memory_space<vmem>>
          %dma_wait3A_138 = arith.constant 0 : i32
          %dma_wait3A_139 = arith.constant 0 : i32
          %dma_wait3A_140 = tpu.memref_slice %arg8[%dma_wait3A_138, %dma_wait3A_139] : memref<10000x16xf32, #tpu.memory_space<vmem_shared>> -> memref<10000x16xf32, #tpu.memory_space<vmem_shared>>
          tpu.wait_indirect_dma semaphore(%run_scoped3A_130 : memref<!tpu.dma_semaphore, #tpu.memory_space<semaphore_mem>>) src(%arg10 : memref<128x16xf32, #tpu.memory_space<vmem>>) dst(%dma_wait3A_140 : memref<10000x16xf32, #tpu.memory_space<vmem_shared>>)
          tpu.yield
        }) : () -> ()
      } else {
      }
      %add3A_81 = arith.constant 2 : i32
      %add3A_82 = arith.addi %add3A_67, %add3A_81 : i32
      %lt3A_83 = arith.constant 2500 : i32
      %lt3A_84 = arith.cmpi slt, %add3A_82, %lt3A_83 : i32
      %convert_element_type3A_85 = arith.extui %lt3A_84 : i1 to i32
      %cond3A_86 = arith.constant 0 : i32
      %cond3A_87 = arith.cmpi ne, %convert_element_type3A_85, %cond3A_86 : i32
      scf.if %cond3A_87 {
        %scan3A_123 = arith.constant 0 : i32
        %scan3A_124 = arith.constant 256 : i32
        %scan3A_125 = arith.constant 128 : i32
        %scan3A_126 = arith.addi %scan3A_124, %scan3A_125 : i32
        %scan3A_127 = arith.constant 1 : i32
        scf.for %scan3A_130 = %scan3A_124 to %scan3A_126 step %scan3A_127  : i32 {
          %get3A = arith.constant 0 : i32
          %get3A_131 = arith.index_cast %get3A : i32 to index
          %get3A_132 = arith.constant 0 : index
          %get3A_133 = tpu.vector_load %arg12[%get3A_131, %get3A_132] {strides = array<i32>} : memref<2x32xf32, #tpu.memory_space<vmem>>, vector<1x16xf32>,
          %get3A_134 = vector.shape_cast %get3A_133 : vector<1x16xf32> to vector<16xf32>
          %get3A_135 = arith.constant 1 : i32
          %get3A_136 = arith.index_cast %get3A_135 : i32 to index
          %get3A_137 = arith.constant 0 : index
          %get3A_138 = tpu.vector_load %arg12[%get3A_136, %get3A_137] {strides = array<i32>} : memref<2x32xf32, #tpu.memory_space<vmem>>, vector<1x16xf32>,
          %get3A_139 = vector.shape_cast %get3A_138 : vector<1x16xf32> to vector<16xf32>
          %get3A_140 = arith.index_cast %scan3A_130 : i32 to index
          %get3A_141 = arith.constant 0 : index
          %get3A_142 = tpu.vector_load %arg9[%get3A_140, %get3A_141] {strides = array<i32>} : memref<1024x32xf32, #tpu.memory_space<vmem>>, vector<1x16xf32>,
          %get3A_143 = vector.shape_cast %get3A_142 : vector<1x16xf32> to vector<16xf32>
          %mul3A_144 = arith.mulf %get3A_143, %get3A_134 : vector<16xf32>
          %add3A_145 = arith.addf %mul3A_144, %get3A_139 : vector<16xf32>
          %max3A = arith.constant 0.000000e+00 : f32
          %max3A_146 = vector.broadcast %max3A : f32 to vector<16xf32>
          %max3A_147 = arith.maximumf %add3A_145, %max3A_146 : vector<16xf32>
          %swap3A = arith.index_cast %scan3A_130 : i32 to index
          %swap3A_148 = arith.constant 0 : index
          %swap3A_149 = tpu.vector_load %arg9[%swap3A, %swap3A_148] {strides = array<i32>} : memref<1024x32xf32, #tpu.memory_space<vmem>>, vector<1x16xf32>,
          %swap3A_150 = vector.shape_cast %swap3A_149 : vector<1x16xf32> to vector<16xf32>
          %swap3A_151 = vector.shape_cast %max3A_147 : vector<16xf32> to vector<1x16xf32>
          tpu.vector_store %arg9[%swap3A, %swap3A_148], %swap3A_151 {strides = array<i32>} : memref<1024x32xf32, #tpu.memory_space<vmem>>, vector<1x16xf32>,
          %get3A_152 = arith.constant 0 : i32
          %get3A_153 = arith.index_cast %get3A_152 : i32 to index
          %get3A_154 = arith.constant 16 : index
          %get3A_155 = tpu.vector_load %arg12[%get3A_153, %get3A_154] {strides = array<i32>} : memref<2x32xf32, #tpu.memory_space<vmem>>, vector<1x16xf32>,
          %get3A_156 = vector.shape_cast %get3A_155 : vector<1x16xf32> to vector<16xf32>
          %get3A_157 = arith.constant 1 : i32
          %get3A_158 = arith.index_cast %get3A_157 : i32 to index
          %get3A_159 = arith.constant 16 : index
          %get3A_160 = tpu.vector_load %arg12[%get3A_158, %get3A_159] {strides = array<i32>} : memref<2x32xf32, #tpu.memory_space<vmem>>, vector<1x16xf32>,
          %get3A_161 = vector.shape_cast %get3A_160 : vector<1x16xf32> to vector<16xf32>
          %get3A_162 = arith.index_cast %scan3A_130 : i32 to index
          %get3A_163 = arith.constant 16 : index
          %get3A_164 = tpu.vector_load %arg9[%get3A_162, %get3A_163] {strides = array<i32>} : memref<1024x32xf32, #tpu.memory_space<vmem>>, vector<1x16xf32>,
          %get3A_165 = vector.shape_cast %get3A_164 : vector<1x16xf32> to vector<16xf32>
          %mul3A_166 = arith.mulf %get3A_165, %get3A_156 : vector<16xf32>
          %add3A_167 = arith.addf %mul3A_166, %get3A_161 : vector<16xf32>
          %max3A_168 = arith.constant 0.000000e+00 : f32
          %max3A_169 = vector.broadcast %max3A_168 : f32 to vector<16xf32>
          %max3A_170 = arith.maximumf %add3A_167, %max3A_169 : vector<16xf32>
          %swap3A_171 = arith.index_cast %scan3A_130 : i32 to index
          %swap3A_172 = arith.constant 16 : index
          %swap3A_173 = tpu.vector_load %arg9[%swap3A_171, %swap3A_172] {strides = array<i32>} : memref<1024x32xf32, #tpu.memory_space<vmem>>, vector<1x16xf32>,
          %swap3A_174 = vector.shape_cast %swap3A_173 : vector<1x16xf32> to vector<16xf32>
          %swap3A_175 = vector.shape_cast %max3A_170 : vector<16xf32> to vector<1x16xf32>
          tpu.vector_store %arg9[%swap3A_171, %swap3A_172], %swap3A_175 {strides = array<i32>} : memref<1024x32xf32, #tpu.memory_space<vmem>>, vector<1x16xf32>,
        }
        %scan3A_128 = arith.constant 128 : i32
        %run_scoped3A = arith.constant 2 : i32
        "tpu.region"() ({
          %run_scoped3A_130 = tpu.sem_alloc : memref<!tpu.dma_semaphore, #tpu.memory_space<semaphore_mem>>
          %dma_start3A = arith.constant 256 : i32
          %dma_start3A_131 = arith.constant 0 : i32
          %dma_start3A_132 = tpu.memref_slice %arg9[%dma_start3A, %dma_start3A_131] : memref<1024x32xf32, #tpu.memory_space<vmem>> -> memref<128x32xf32, #tpu.memory_space<vmem>>
          %dma_start3A_133 = arith.constant 0 : i32
          %dma_start3A_134 = tpu.memref_slice %arg11[%run_scoped3A, %dma_start3A_133] : memref<8x128xi32, #tpu.memory_space<vmem>> -> memref<1x128xi32, #tpu.memory_space<vmem>>
          %dma_start3A_135 = tpu.memref_squeeze %dma_start3A_134 : memref<1x128xi32, #tpu.memory_space<vmem>> -> memref<128xi32, #tpu.memory_space<vmem>>
          %dma_start3A_136 = arith.constant 0 : i32
          %dma_start3A_137 = arith.constant 0 : i32
          %dma_start3A_138 = tpu.memref_slice %arg7[%dma_start3A_136, %dma_start3A_137] : memref<10000x32xf32, #tpu.memory_space<vmem_shared>> -> memref<10000x32xf32, #tpu.memory_space<vmem_shared>>
          tpu.enqueue_indirect_dma source(%dma_start3A_132 : memref<128x32xf32, #tpu.memory_space<vmem>>) target(%dma_start3A_138 : memref<10000x32xf32, #tpu.memory_space<vmem_shared>>) offsets(%dma_start3A_135 : memref<128xi32, #tpu.memory_space<vmem>>) semaphore(%run_scoped3A_130 : memref<!tpu.dma_semaphore, #tpu.memory_space<semaphore_mem>>) {add = true}
          %dma_wait3A = arith.constant 256 : i32
          %dma_wait3A_139 = arith.constant 0 : i32
          %dma_wait3A_140 = tpu.memref_slice %arg9[%dma_wait3A, %dma_wait3A_139] : memref<1024x32xf32, #tpu.memory_space<vmem>> -> memref<128x32xf32, #tpu.memory_space<vmem>>
          %dma_wait3A_141 = arith.constant 0 : i32
          %dma_wait3A_142 = tpu.memref_slice %arg11[%run_scoped3A, %dma_wait3A_141] : memref<8x128xi32, #tpu.memory_space<vmem>> -> memref<1x128xi32, #tpu.memory_space<vmem>>
          %dma_wait3A_143 = tpu.memref_squeeze %dma_wait3A_142 : memref<1x128xi32, #tpu.memory_space<vmem>> -> memref<128xi32, #tpu.memory_space<vmem>>
          %dma_wait3A_144 = arith.constant 0 : i32
          %dma_wait3A_145 = arith.constant 0 : i32
          %dma_wait3A_146 = tpu.memref_slice %arg7[%dma_wait3A_144, %dma_wait3A_145] : memref<10000x32xf32, #tpu.memory_space<vmem_shared>> -> memref<10000x32xf32, #tpu.memory_space<vmem_shared>>
          tpu.wait_indirect_dma semaphore(%run_scoped3A_130 : memref<!tpu.dma_semaphore, #tpu.memory_space<semaphore_mem>>) src(%dma_wait3A_140 : memref<128x32xf32, #tpu.memory_space<vmem>>) dst(%dma_wait3A_146 : memref<10000x32xf32, #tpu.memory_space<vmem_shared>>)
          tpu.yield
        }) : () -> ()
        %run_scoped3A_129 = arith.constant 2 : i32
        "tpu.region"() ({
          %run_scoped3A_130 = tpu.sem_alloc : memref<!tpu.dma_semaphore, #tpu.memory_space<semaphore_mem>>
          %dma_start3A = arith.constant 0 : i32
          %dma_start3A_131 = tpu.memref_slice %arg11[%run_scoped3A_129, %dma_start3A] : memref<8x128xi32, #tpu.memory_space<vmem>> -> memref<1x128xi32, #tpu.memory_space<vmem>>
          %dma_start3A_132 = tpu.memref_squeeze %dma_start3A_131 : memref<1x128xi32, #tpu.memory_space<vmem>> -> memref<128xi32, #tpu.memory_space<vmem>>
          %dma_start3A_133 = arith.constant 0 : i32
          %dma_start3A_134 = arith.constant 0 : i32
          %dma_start3A_135 = tpu.memref_slice %arg8[%dma_start3A_133, %dma_start3A_134] : memref<10000x16xf32, #tpu.memory_space<vmem_shared>> -> memref<10000x16xf32, #tpu.memory_space<vmem_shared>>
          tpu.enqueue_indirect_dma source(%arg10 : memref<128x16xf32, #tpu.memory_space<vmem>>) target(%dma_start3A_135 : memref<10000x16xf32, #tpu.memory_space<vmem_shared>>) offsets(%dma_start3A_132 : memref<128xi32, #tpu.memory_space<vmem>>) semaphore(%run_scoped3A_130 : memref<!tpu.dma_semaphore, #tpu.memory_space<semaphore_mem>>) {add = true}
          %dma_wait3A = arith.constant 0 : i32
          %dma_wait3A_136 = tpu.memref_slice %arg11[%run_scoped3A_129, %dma_wait3A] : memref<8x128xi32, #tpu.memory_space<vmem>> -> memref<1x128xi32, #tpu.memory_space<vmem>>
          %dma_wait3A_137 = tpu.memref_squeeze %dma_wait3A_136 : memref<1x128xi32, #tpu.memory_space<vmem>> -> memref<128xi32, #tpu.memory_space<vmem>>
          %dma_wait3A_138 = arith.constant 0 : i32
          %dma_wait3A_139 = arith.constant 0 : i32
          %dma_wait3A_140 = tpu.memref_slice %arg8[%dma_wait3A_138, %dma_wait3A_139] : memref<10000x16xf32, #tpu.memory_space<vmem_shared>> -> memref<10000x16xf32, #tpu.memory_space<vmem_shared>>
          tpu.wait_indirect_dma semaphore(%run_scoped3A_130 : memref<!tpu.dma_semaphore, #tpu.memory_space<semaphore_mem>>) src(%arg10 : memref<128x16xf32, #tpu.memory_space<vmem>>) dst(%dma_wait3A_140 : memref<10000x16xf32, #tpu.memory_space<vmem_shared>>)
          tpu.yield
        }) : () -> ()
      } else {
      }
      %add3A_88 = arith.constant 3 : i32
      %add3A_89 = arith.addi %add3A_67, %add3A_88 : i32
      %lt3A_90 = arith.constant 2500 : i32
      %lt3A_91 = arith.cmpi slt, %add3A_89, %lt3A_90 : i32
      %convert_element_type3A_92 = arith.extui %lt3A_91 : i1 to i32
      %cond3A_93 = arith.constant 0 : i32
      %cond3A_94 = arith.cmpi ne, %convert_element_type3A_92, %cond3A_93 : i32
      scf.if %cond3A_94 {
        %scan3A_123 = arith.constant 0 : i32
        %scan3A_124 = arith.constant 384 : i32
        %scan3A_125 = arith.constant 128 : i32
        %scan3A_126 = arith.addi %scan3A_124, %scan3A_125 : i32
        %scan3A_127 = arith.constant 1 : i32
        scf.for %scan3A_130 = %scan3A_124 to %scan3A_126 step %scan3A_127  : i32 {
          %get3A = arith.constant 0 : i32
          %get3A_131 = arith.index_cast %get3A : i32 to index
          %get3A_132 = arith.constant 0 : index
          %get3A_133 = tpu.vector_load %arg12[%get3A_131, %get3A_132] {strides = array<i32>} : memref<2x32xf32, #tpu.memory_space<vmem>>, vector<1x16xf32>,
          %get3A_134 = vector.shape_cast %get3A_133 : vector<1x16xf32> to vector<16xf32>
          %get3A_135 = arith.constant 1 : i32
          %get3A_136 = arith.index_cast %get3A_135 : i32 to index
          %get3A_137 = arith.constant 0 : index
          %get3A_138 = tpu.vector_load %arg12[%get3A_136, %get3A_137] {strides = array<i32>} : memref<2x32xf32, #tpu.memory_space<vmem>>, vector<1x16xf32>,
          %get3A_139 = vector.shape_cast %get3A_138 : vector<1x16xf32> to vector<16xf32>
          %get3A_140 = arith.index_cast %scan3A_130 : i32 to index
          %get3A_141 = arith.constant 0 : index
          %get3A_142 = tpu.vector_load %arg9[%get3A_140, %get3A_141] {strides = array<i32>} : memref<1024x32xf32, #tpu.memory_space<vmem>>, vector<1x16xf32>,
          %get3A_143 = vector.shape_cast %get3A_142 : vector<1x16xf32> to vector<16xf32>
          %mul3A_144 = arith.mulf %get3A_143, %get3A_134 : vector<16xf32>
          %add3A_145 = arith.addf %mul3A_144, %get3A_139 : vector<16xf32>
          %max3A = arith.constant 0.000000e+00 : f32
          %max3A_146 = vector.broadcast %max3A : f32 to vector<16xf32>
          %max3A_147 = arith.maximumf %add3A_145, %max3A_146 : vector<16xf32>
          %swap3A = arith.index_cast %scan3A_130 : i32 to index
          %swap3A_148 = arith.constant 0 : index
          %swap3A_149 = tpu.vector_load %arg9[%swap3A, %swap3A_148] {strides = array<i32>} : memref<1024x32xf32, #tpu.memory_space<vmem>>, vector<1x16xf32>,
          %swap3A_150 = vector.shape_cast %swap3A_149 : vector<1x16xf32> to vector<16xf32>
          %swap3A_151 = vector.shape_cast %max3A_147 : vector<16xf32> to vector<1x16xf32>
          tpu.vector_store %arg9[%swap3A, %swap3A_148], %swap3A_151 {strides = array<i32>} : memref<1024x32xf32, #tpu.memory_space<vmem>>, vector<1x16xf32>,
          %get3A_152 = arith.constant 0 : i32
          %get3A_153 = arith.index_cast %get3A_152 : i32 to index
          %get3A_154 = arith.constant 16 : index
          %get3A_155 = tpu.vector_load %arg12[%get3A_153, %get3A_154] {strides = array<i32>} : memref<2x32xf32, #tpu.memory_space<vmem>>, vector<1x16xf32>,
          %get3A_156 = vector.shape_cast %get3A_155 : vector<1x16xf32> to vector<16xf32>
          %get3A_157 = arith.constant 1 : i32
          %get3A_158 = arith.index_cast %get3A_157 : i32 to index
          %get3A_159 = arith.constant 16 : index
          %get3A_160 = tpu.vector_load %arg12[%get3A_158, %get3A_159] {strides = array<i32>} : memref<2x32xf32, #tpu.memory_space<vmem>>, vector<1x16xf32>,
          %get3A_161 = vector.shape_cast %get3A_160 : vector<1x16xf32> to vector<16xf32>
          %get3A_162 = arith.index_cast %scan3A_130 : i32 to index
          %get3A_163 = arith.constant 16 : index
          %get3A_164 = tpu.vector_load %arg9[%get3A_162, %get3A_163] {strides = array<i32>} : memref<1024x32xf32, #tpu.memory_space<vmem>>, vector<1x16xf32>,
          %get3A_165 = vector.shape_cast %get3A_164 : vector<1x16xf32> to vector<16xf32>
          %mul3A_166 = arith.mulf %get3A_165, %get3A_156 : vector<16xf32>
          %add3A_167 = arith.addf %mul3A_166, %get3A_161 : vector<16xf32>
          %max3A_168 = arith.constant 0.000000e+00 : f32
          %max3A_169 = vector.broadcast %max3A_168 : f32 to vector<16xf32>
          %max3A_170 = arith.maximumf %add3A_167, %max3A_169 : vector<16xf32>
          %swap3A_171 = arith.index_cast %scan3A_130 : i32 to index
          %swap3A_172 = arith.constant 16 : index
          %swap3A_173 = tpu.vector_load %arg9[%swap3A_171, %swap3A_172] {strides = array<i32>} : memref<1024x32xf32, #tpu.memory_space<vmem>>, vector<1x16xf32>,
          %swap3A_174 = vector.shape_cast %swap3A_173 : vector<1x16xf32> to vector<16xf32>
          %swap3A_175 = vector.shape_cast %max3A_170 : vector<16xf32> to vector<1x16xf32>
          tpu.vector_store %arg9[%swap3A_171, %swap3A_172], %swap3A_175 {strides = array<i32>} : memref<1024x32xf32, #tpu.memory_space<vmem>>, vector<1x16xf32>,
        }
        %scan3A_128 = arith.constant 128 : i32
        %run_scoped3A = arith.constant 3 : i32
        "tpu.region"() ({
          %run_scoped3A_130 = tpu.sem_alloc : memref<!tpu.dma_semaphore, #tpu.memory_space<semaphore_mem>>
          %dma_start3A = arith.constant 384 : i32
          %dma_start3A_131 = arith.constant 0 : i32
          %dma_start3A_132 = tpu.memref_slice %arg9[%dma_start3A, %dma_start3A_131] : memref<1024x32xf32, #tpu.memory_space<vmem>> -> memref<128x32xf32, #tpu.memory_space<vmem>>
          %dma_start3A_133 = arith.constant 0 : i32
          %dma_start3A_134 = tpu.memref_slice %arg11[%run_scoped3A, %dma_start3A_133] : memref<8x128xi32, #tpu.memory_space<vmem>> -> memref<1x128xi32, #tpu.memory_space<vmem>>
          %dma_start3A_135 = tpu.memref_squeeze %dma_start3A_134 : memref<1x128xi32, #tpu.memory_space<vmem>> -> memref<128xi32, #tpu.memory_space<vmem>>
          %dma_start3A_136 = arith.constant 0 : i32
          %dma_start3A_137 = arith.constant 0 : i32
          %dma_start3A_138 = tpu.memref_slice %arg7[%dma_start3A_136, %dma_start3A_137] : memref<10000x32xf32, #tpu.memory_space<vmem_shared>> -> memref<10000x32xf32, #tpu.memory_space<vmem_shared>>
          tpu.enqueue_indirect_dma source(%dma_start3A_132 : memref<128x32xf32, #tpu.memory_space<vmem>>) target(%dma_start3A_138 : memref<10000x32xf32, #tpu.memory_space<vmem_shared>>) offsets(%dma_start3A_135 : memref<128xi32, #tpu.memory_space<vmem>>) semaphore(%run_scoped3A_130 : memref<!tpu.dma_semaphore, #tpu.memory_space<semaphore_mem>>) {add = true}
          %dma_wait3A = arith.constant 384 : i32
          %dma_wait3A_139 = arith.constant 0 : i32
          %dma_wait3A_140 = tpu.memref_slice %arg9[%dma_wait3A, %dma_wait3A_139] : memref<1024x32xf32, #tpu.memory_space<vmem>> -> memref<128x32xf32, #tpu.memory_space<vmem>>
          %dma_wait3A_141 = arith.constant 0 : i32
          %dma_wait3A_142 = tpu.memref_slice %arg11[%run_scoped3A, %dma_wait3A_141] : memref<8x128xi32, #tpu.memory_space<vmem>> -> memref<1x128xi32, #tpu.memory_space<vmem>>
          %dma_wait3A_143 = tpu.memref_squeeze %dma_wait3A_142 : memref<1x128xi32, #tpu.memory_space<vmem>> -> memref<128xi32, #tpu.memory_space<vmem>>
          %dma_wait3A_144 = arith.constant 0 : i32
          %dma_wait3A_145 = arith.constant 0 : i32
          %dma_wait3A_146 = tpu.memref_slice %arg7[%dma_wait3A_144, %dma_wait3A_145] : memref<10000x32xf32, #tpu.memory_space<vmem_shared>> -> memref<10000x32xf32, #tpu.memory_space<vmem_shared>>
          tpu.wait_indirect_dma semaphore(%run_scoped3A_130 : memref<!tpu.dma_semaphore, #tpu.memory_space<semaphore_mem>>) src(%dma_wait3A_140 : memref<128x32xf32, #tpu.memory_space<vmem>>) dst(%dma_wait3A_146 : memref<10000x32xf32, #tpu.memory_space<vmem_shared>>)
          tpu.yield
        }) : () -> ()
        %run_scoped3A_129 = arith.constant 3 : i32
        "tpu.region"() ({
          %run_scoped3A_130 = tpu.sem_alloc : memref<!tpu.dma_semaphore, #tpu.memory_space<semaphore_mem>>
          %dma_start3A = arith.constant 0 : i32
          %dma_start3A_131 = tpu.memref_slice %arg11[%run_scoped3A_129, %dma_start3A] : memref<8x128xi32, #tpu.memory_space<vmem>> -> memref<1x128xi32, #tpu.memory_space<vmem>>
          %dma_start3A_132 = tpu.memref_squeeze %dma_start3A_131 : memref<1x128xi32, #tpu.memory_space<vmem>> -> memref<128xi32, #tpu.memory_space<vmem>>
          %dma_start3A_133 = arith.constant 0 : i32
          %dma_start3A_134 = arith.constant 0 : i32
          %dma_start3A_135 = tpu.memref_slice %arg8[%dma_start3A_133, %dma_start3A_134] : memref<10000x16xf32, #tpu.memory_space<vmem_shared>> -> memref<10000x16xf32, #tpu.memory_space<vmem_shared>>
          tpu.enqueue_indirect_dma source(%arg10 : memref<128x16xf32, #tpu.memory_space<vmem>>) target(%dma_start3A_135 : memref<10000x16xf32, #tpu.memory_space<vmem_shared>>) offsets(%dma_start3A_132 : memref<128xi32, #tpu.memory_space<vmem>>) semaphore(%run_scoped3A_130 : memref<!tpu.dma_semaphore, #tpu.memory_space<semaphore_mem>>) {add = true}
          %dma_wait3A = arith.constant 0 : i32
          %dma_wait3A_136 = tpu.memref_slice %arg11[%run_scoped3A_129, %dma_wait3A] : memref<8x128xi32, #tpu.memory_space<vmem>> -> memref<1x128xi32, #tpu.memory_space<vmem>>
          %dma_wait3A_137 = tpu.memref_squeeze %dma_wait3A_136 : memref<1x128xi32, #tpu.memory_space<vmem>> -> memref<128xi32, #tpu.memory_space<vmem>>
          %dma_wait3A_138 = arith.constant 0 : i32
          %dma_wait3A_139 = arith.constant 0 : i32
          %dma_wait3A_140 = tpu.memref_slice %arg8[%dma_wait3A_138, %dma_wait3A_139] : memref<10000x16xf32, #tpu.memory_space<vmem_shared>> -> memref<10000x16xf32, #tpu.memory_space<vmem_shared>>
          tpu.wait_indirect_dma semaphore(%run_scoped3A_130 : memref<!tpu.dma_semaphore, #tpu.memory_space<semaphore_mem>>) src(%arg10 : memref<128x16xf32, #tpu.memory_space<vmem>>) dst(%dma_wait3A_140 : memref<10000x16xf32, #tpu.memory_space<vmem_shared>>)
          tpu.yield
        }) : () -> ()
      } else {
      }
      %add3A_95 = arith.constant 4 : i32
      %add3A_96 = arith.addi %add3A_67, %add3A_95 : i32
      %lt3A_97 = arith.constant 2500 : i32
      %lt3A_98 = arith.cmpi slt, %add3A_96, %lt3A_97 : i32
      %convert_element_type3A_99 = arith.extui %lt3A_98 : i1 to i32
      %cond3A_100 = arith.constant 0 : i32
      %cond3A_101 = arith.cmpi ne, %convert_element_type3A_99, %cond3A_100 : i32
      scf.if %cond3A_101 {
        %scan3A_123 = arith.constant 0 : i32
        %scan3A_124 = arith.constant 512 : i32
        %scan3A_125 = arith.constant 128 : i32
        %scan3A_126 = arith.addi %scan3A_124, %scan3A_125 : i32
        %scan3A_127 = arith.constant 1 : i32
        scf.for %scan3A_130 = %scan3A_124 to %scan3A_126 step %scan3A_127  : i32 {
          %get3A = arith.constant 0 : i32
          %get3A_131 = arith.index_cast %get3A : i32 to index
          %get3A_132 = arith.constant 0 : index
          %get3A_133 = tpu.vector_load %arg12[%get3A_131, %get3A_132] {strides = array<i32>} : memref<2x32xf32, #tpu.memory_space<vmem>>, vector<1x16xf32>,
          %get3A_134 = vector.shape_cast %get3A_133 : vector<1x16xf32> to vector<16xf32>
          %get3A_135 = arith.constant 1 : i32
          %get3A_136 = arith.index_cast %get3A_135 : i32 to index
          %get3A_137 = arith.constant 0 : index
          %get3A_138 = tpu.vector_load %arg12[%get3A_136, %get3A_137] {strides = array<i32>} : memref<2x32xf32, #tpu.memory_space<vmem>>, vector<1x16xf32>,
          %get3A_139 = vector.shape_cast %get3A_138 : vector<1x16xf32> to vector<16xf32>
          %get3A_140 = arith.index_cast %scan3A_130 : i32 to index
          %get3A_141 = arith.constant 0 : index
          %get3A_142 = tpu.vector_load %arg9[%get3A_140, %get3A_141] {strides = array<i32>} : memref<1024x32xf32, #tpu.memory_space<vmem>>, vector<1x16xf32>,
          %get3A_143 = vector.shape_cast %get3A_142 : vector<1x16xf32> to vector<16xf32>
          %mul3A_144 = arith.mulf %get3A_143, %get3A_134 : vector<16xf32>
          %add3A_145 = arith.addf %mul3A_144, %get3A_139 : vector<16xf32>
          %max3A = arith.constant 0.000000e+00 : f32
          %max3A_146 = vector.broadcast %max3A : f32 to vector<16xf32>
          %max3A_147 = arith.maximumf %add3A_145, %max3A_146 : vector<16xf32>
          %swap3A = arith.index_cast %scan3A_130 : i32 to index
          %swap3A_148 = arith.constant 0 : index
          %swap3A_149 = tpu.vector_load %arg9[%swap3A, %swap3A_148] {strides = array<i32>} : memref<1024x32xf32, #tpu.memory_space<vmem>>, vector<1x16xf32>,
          %swap3A_150 = vector.shape_cast %swap3A_149 : vector<1x16xf32> to vector<16xf32>
          %swap3A_151 = vector.shape_cast %max3A_147 : vector<16xf32> to vector<1x16xf32>
          tpu.vector_store %arg9[%swap3A, %swap3A_148], %swap3A_151 {strides = array<i32>} : memref<1024x32xf32, #tpu.memory_space<vmem>>, vector<1x16xf32>,
          %get3A_152 = arith.constant 0 : i32
          %get3A_153 = arith.index_cast %get3A_152 : i32 to index
          %get3A_154 = arith.constant 16 : index
          %get3A_155 = tpu.vector_load %arg12[%get3A_153, %get3A_154] {strides = array<i32>} : memref<2x32xf32, #tpu.memory_space<vmem>>, vector<1x16xf32>,
          %get3A_156 = vector.shape_cast %get3A_155 : vector<1x16xf32> to vector<16xf32>
          %get3A_157 = arith.constant 1 : i32
          %get3A_158 = arith.index_cast %get3A_157 : i32 to index
          %get3A_159 = arith.constant 16 : index
          %get3A_160 = tpu.vector_load %arg12[%get3A_158, %get3A_159] {strides = array<i32>} : memref<2x32xf32, #tpu.memory_space<vmem>>, vector<1x16xf32>,
          %get3A_161 = vector.shape_cast %get3A_160 : vector<1x16xf32> to vector<16xf32>
          %get3A_162 = arith.index_cast %scan3A_130 : i32 to index
          %get3A_163 = arith.constant 16 : index
          %get3A_164 = tpu.vector_load %arg9[%get3A_162, %get3A_163] {strides = array<i32>} : memref<1024x32xf32, #tpu.memory_space<vmem>>, vector<1x16xf32>,
          %get3A_165 = vector.shape_cast %get3A_164 : vector<1x16xf32> to vector<16xf32>
          %mul3A_166 = arith.mulf %get3A_165, %get3A_156 : vector<16xf32>
          %add3A_167 = arith.addf %mul3A_166, %get3A_161 : vector<16xf32>
          %max3A_168 = arith.constant 0.000000e+00 : f32
          %max3A_169 = vector.broadcast %max3A_168 : f32 to vector<16xf32>
          %max3A_170 = arith.maximumf %add3A_167, %max3A_169 : vector<16xf32>
          %swap3A_171 = arith.index_cast %scan3A_130 : i32 to index
          %swap3A_172 = arith.constant 16 : index
          %swap3A_173 = tpu.vector_load %arg9[%swap3A_171, %swap3A_172] {strides = array<i32>} : memref<1024x32xf32, #tpu.memory_space<vmem>>, vector<1x16xf32>,
          %swap3A_174 = vector.shape_cast %swap3A_173 : vector<1x16xf32> to vector<16xf32>
          %swap3A_175 = vector.shape_cast %max3A_170 : vector<16xf32> to vector<1x16xf32>
          tpu.vector_store %arg9[%swap3A_171, %swap3A_172], %swap3A_175 {strides = array<i32>} : memref<1024x32xf32, #tpu.memory_space<vmem>>, vector<1x16xf32>,
        }
        %scan3A_128 = arith.constant 128 : i32
        %run_scoped3A = arith.constant 4 : i32
        "tpu.region"() ({
          %run_scoped3A_130 = tpu.sem_alloc : memref<!tpu.dma_semaphore, #tpu.memory_space<semaphore_mem>>
          %dma_start3A = arith.constant 512 : i32
          %dma_start3A_131 = arith.constant 0 : i32
          %dma_start3A_132 = tpu.memref_slice %arg9[%dma_start3A, %dma_start3A_131] : memref<1024x32xf32, #tpu.memory_space<vmem>> -> memref<128x32xf32, #tpu.memory_space<vmem>>
          %dma_start3A_133 = arith.constant 0 : i32
          %dma_start3A_134 = tpu.memref_slice %arg11[%run_scoped3A, %dma_start3A_133] : memref<8x128xi32, #tpu.memory_space<vmem>> -> memref<1x128xi32, #tpu.memory_space<vmem>>
          %dma_start3A_135 = tpu.memref_squeeze %dma_start3A_134 : memref<1x128xi32, #tpu.memory_space<vmem>> -> memref<128xi32, #tpu.memory_space<vmem>>
          %dma_start3A_136 = arith.constant 0 : i32
          %dma_start3A_137 = arith.constant 0 : i32
          %dma_start3A_138 = tpu.memref_slice %arg7[%dma_start3A_136, %dma_start3A_137] : memref<10000x32xf32, #tpu.memory_space<vmem_shared>> -> memref<10000x32xf32, #tpu.memory_space<vmem_shared>>
          tpu.enqueue_indirect_dma source(%dma_start3A_132 : memref<128x32xf32, #tpu.memory_space<vmem>>) target(%dma_start3A_138 : memref<10000x32xf32, #tpu.memory_space<vmem_shared>>) offsets(%dma_start3A_135 : memref<128xi32, #tpu.memory_space<vmem>>) semaphore(%run_scoped3A_130 : memref<!tpu.dma_semaphore, #tpu.memory_space<semaphore_mem>>) {add = true}
          %dma_wait3A = arith.constant 512 : i32
          %dma_wait3A_139 = arith.constant 0 : i32
          %dma_wait3A_140 = tpu.memref_slice %arg9[%dma_wait3A, %dma_wait3A_139] : memref<1024x32xf32, #tpu.memory_space<vmem>> -> memref<128x32xf32, #tpu.memory_space<vmem>>
          %dma_wait3A_141 = arith.constant 0 : i32
          %dma_wait3A_142 = tpu.memref_slice %arg11[%run_scoped3A, %dma_wait3A_141] : memref<8x128xi32, #tpu.memory_space<vmem>> -> memref<1x128xi32, #tpu.memory_space<vmem>>
          %dma_wait3A_143 = tpu.memref_squeeze %dma_wait3A_142 : memref<1x128xi32, #tpu.memory_space<vmem>> -> memref<128xi32, #tpu.memory_space<vmem>>
          %dma_wait3A_144 = arith.constant 0 : i32
          %dma_wait3A_145 = arith.constant 0 : i32
          %dma_wait3A_146 = tpu.memref_slice %arg7[%dma_wait3A_144, %dma_wait3A_145] : memref<10000x32xf32, #tpu.memory_space<vmem_shared>> -> memref<10000x32xf32, #tpu.memory_space<vmem_shared>>
          tpu.wait_indirect_dma semaphore(%run_scoped3A_130 : memref<!tpu.dma_semaphore, #tpu.memory_space<semaphore_mem>>) src(%dma_wait3A_140 : memref<128x32xf32, #tpu.memory_space<vmem>>) dst(%dma_wait3A_146 : memref<10000x32xf32, #tpu.memory_space<vmem_shared>>)
          tpu.yield
        }) : () -> ()
        %run_scoped3A_129 = arith.constant 4 : i32
        "tpu.region"() ({
          %run_scoped3A_130 = tpu.sem_alloc : memref<!tpu.dma_semaphore, #tpu.memory_space<semaphore_mem>>
          %dma_start3A = arith.constant 0 : i32
          %dma_start3A_131 = tpu.memref_slice %arg11[%run_scoped3A_129, %dma_start3A] : memref<8x128xi32, #tpu.memory_space<vmem>> -> memref<1x128xi32, #tpu.memory_space<vmem>>
          %dma_start3A_132 = tpu.memref_squeeze %dma_start3A_131 : memref<1x128xi32, #tpu.memory_space<vmem>> -> memref<128xi32, #tpu.memory_space<vmem>>
          %dma_start3A_133 = arith.constant 0 : i32
          %dma_start3A_134 = arith.constant 0 : i32
          %dma_start3A_135 = tpu.memref_slice %arg8[%dma_start3A_133, %dma_start3A_134] : memref<10000x16xf32, #tpu.memory_space<vmem_shared>> -> memref<10000x16xf32, #tpu.memory_space<vmem_shared>>
          tpu.enqueue_indirect_dma source(%arg10 : memref<128x16xf32, #tpu.memory_space<vmem>>) target(%dma_start3A_135 : memref<10000x16xf32, #tpu.memory_space<vmem_shared>>) offsets(%dma_start3A_132 : memref<128xi32, #tpu.memory_space<vmem>>) semaphore(%run_scoped3A_130 : memref<!tpu.dma_semaphore, #tpu.memory_space<semaphore_mem>>) {add = true}
          %dma_wait3A = arith.constant 0 : i32
          %dma_wait3A_136 = tpu.memref_slice %arg11[%run_scoped3A_129, %dma_wait3A] : memref<8x128xi32, #tpu.memory_space<vmem>> -> memref<1x128xi32, #tpu.memory_space<vmem>>
          %dma_wait3A_137 = tpu.memref_squeeze %dma_wait3A_136 : memref<1x128xi32, #tpu.memory_space<vmem>> -> memref<128xi32, #tpu.memory_space<vmem>>
          %dma_wait3A_138 = arith.constant 0 : i32
          %dma_wait3A_139 = arith.constant 0 : i32
          %dma_wait3A_140 = tpu.memref_slice %arg8[%dma_wait3A_138, %dma_wait3A_139] : memref<10000x16xf32, #tpu.memory_space<vmem_shared>> -> memref<10000x16xf32, #tpu.memory_space<vmem_shared>>
          tpu.wait_indirect_dma semaphore(%run_scoped3A_130 : memref<!tpu.dma_semaphore, #tpu.memory_space<semaphore_mem>>) src(%arg10 : memref<128x16xf32, #tpu.memory_space<vmem>>) dst(%dma_wait3A_140 : memref<10000x16xf32, #tpu.memory_space<vmem_shared>>)
          tpu.yield
        }) : () -> ()
      } else {
      }
      %add3A_102 = arith.constant 5 : i32
      %add3A_103 = arith.addi %add3A_67, %add3A_102 : i32
      %lt3A_104 = arith.constant 2500 : i32
      %lt3A_105 = arith.cmpi slt, %add3A_103, %lt3A_104 : i32
      %convert_element_type3A_106 = arith.extui %lt3A_105 : i1 to i32
      %cond3A_107 = arith.constant 0 : i32
      %cond3A_108 = arith.cmpi ne, %convert_element_type3A_106, %cond3A_107 : i32
      scf.if %cond3A_108 {
        %scan3A_123 = arith.constant 0 : i32
        %scan3A_124 = arith.constant 640 : i32
        %scan3A_125 = arith.constant 128 : i32
        %scan3A_126 = arith.addi %scan3A_124, %scan3A_125 : i32
        %scan3A_127 = arith.constant 1 : i32
        scf.for %scan3A_130 = %scan3A_124 to %scan3A_126 step %scan3A_127  : i32 {
          %get3A = arith.constant 0 : i32
          %get3A_131 = arith.index_cast %get3A : i32 to index
          %get3A_132 = arith.constant 0 : index
          %get3A_133 = tpu.vector_load %arg12[%get3A_131, %get3A_132] {strides = array<i32>} : memref<2x32xf32, #tpu.memory_space<vmem>>, vector<1x16xf32>,
          %get3A_134 = vector.shape_cast %get3A_133 : vector<1x16xf32> to vector<16xf32>
          %get3A_135 = arith.constant 1 : i32
          %get3A_136 = arith.index_cast %get3A_135 : i32 to index
          %get3A_137 = arith.constant 0 : index
          %get3A_138 = tpu.vector_load %arg12[%get3A_136, %get3A_137] {strides = array<i32>} : memref<2x32xf32, #tpu.memory_space<vmem>>, vector<1x16xf32>,
          %get3A_139 = vector.shape_cast %get3A_138 : vector<1x16xf32> to vector<16xf32>
          %get3A_140 = arith.index_cast %scan3A_130 : i32 to index
          %get3A_141 = arith.constant 0 : index
          %get3A_142 = tpu.vector_load %arg9[%get3A_140, %get3A_141] {strides = array<i32>} : memref<1024x32xf32, #tpu.memory_space<vmem>>, vector<1x16xf32>,
          %get3A_143 = vector.shape_cast %get3A_142 : vector<1x16xf32> to vector<16xf32>
          %mul3A_144 = arith.mulf %get3A_143, %get3A_134 : vector<16xf32>
          %add3A_145 = arith.addf %mul3A_144, %get3A_139 : vector<16xf32>
          %max3A = arith.constant 0.000000e+00 : f32
          %max3A_146 = vector.broadcast %max3A : f32 to vector<16xf32>
          %max3A_147 = arith.maximumf %add3A_145, %max3A_146 : vector<16xf32>
          %swap3A = arith.index_cast %scan3A_130 : i32 to index
          %swap3A_148 = arith.constant 0 : index
          %swap3A_149 = tpu.vector_load %arg9[%swap3A, %swap3A_148] {strides = array<i32>} : memref<1024x32xf32, #tpu.memory_space<vmem>>, vector<1x16xf32>,
          %swap3A_150 = vector.shape_cast %swap3A_149 : vector<1x16xf32> to vector<16xf32>
          %swap3A_151 = vector.shape_cast %max3A_147 : vector<16xf32> to vector<1x16xf32>
          tpu.vector_store %arg9[%swap3A, %swap3A_148], %swap3A_151 {strides = array<i32>} : memref<1024x32xf32, #tpu.memory_space<vmem>>, vector<1x16xf32>,
          %get3A_152 = arith.constant 0 : i32
          %get3A_153 = arith.index_cast %get3A_152 : i32 to index
          %get3A_154 = arith.constant 16 : index
          %get3A_155 = tpu.vector_load %arg12[%get3A_153, %get3A_154] {strides = array<i32>} : memref<2x32xf32, #tpu.memory_space<vmem>>, vector<1x16xf32>,
          %get3A_156 = vector.shape_cast %get3A_155 : vector<1x16xf32> to vector<16xf32>
          %get3A_157 = arith.constant 1 : i32
          %get3A_158 = arith.index_cast %get3A_157 : i32 to index
          %get3A_159 = arith.constant 16 : index
          %get3A_160 = tpu.vector_load %arg12[%get3A_158, %get3A_159] {strides = array<i32>} : memref<2x32xf32, #tpu.memory_space<vmem>>, vector<1x16xf32>,
          %get3A_161 = vector.shape_cast %get3A_160 : vector<1x16xf32> to vector<16xf32>
          %get3A_162 = arith.index_cast %scan3A_130 : i32 to index
          %get3A_163 = arith.constant 16 : index
          %get3A_164 = tpu.vector_load %arg9[%get3A_162, %get3A_163] {strides = array<i32>} : memref<1024x32xf32, #tpu.memory_space<vmem>>, vector<1x16xf32>,
          %get3A_165 = vector.shape_cast %get3A_164 : vector<1x16xf32> to vector<16xf32>
          %mul3A_166 = arith.mulf %get3A_165, %get3A_156 : vector<16xf32>
          %add3A_167 = arith.addf %mul3A_166, %get3A_161 : vector<16xf32>
          %max3A_168 = arith.constant 0.000000e+00 : f32
          %max3A_169 = vector.broadcast %max3A_168 : f32 to vector<16xf32>
          %max3A_170 = arith.maximumf %add3A_167, %max3A_169 : vector<16xf32>
          %swap3A_171 = arith.index_cast %scan3A_130 : i32 to index
          %swap3A_172 = arith.constant 16 : index
          %swap3A_173 = tpu.vector_load %arg9[%swap3A_171, %swap3A_172] {strides = array<i32>} : memref<1024x32xf32, #tpu.memory_space<vmem>>, vector<1x16xf32>,
          %swap3A_174 = vector.shape_cast %swap3A_173 : vector<1x16xf32> to vector<16xf32>
          %swap3A_175 = vector.shape_cast %max3A_170 : vector<16xf32> to vector<1x16xf32>
          tpu.vector_store %arg9[%swap3A_171, %swap3A_172], %swap3A_175 {strides = array<i32>} : memref<1024x32xf32, #tpu.memory_space<vmem>>, vector<1x16xf32>,
        }
        %scan3A_128 = arith.constant 128 : i32
        %run_scoped3A = arith.constant 5 : i32
        "tpu.region"() ({
          %run_scoped3A_130 = tpu.sem_alloc : memref<!tpu.dma_semaphore, #tpu.memory_space<semaphore_mem>>
          %dma_start3A = arith.constant 640 : i32
          %dma_start3A_131 = arith.constant 0 : i32
          %dma_start3A_132 = tpu.memref_slice %arg9[%dma_start3A, %dma_start3A_131] : memref<1024x32xf32, #tpu.memory_space<vmem>> -> memref<128x32xf32, #tpu.memory_space<vmem>>
          %dma_start3A_133 = arith.constant 0 : i32
          %dma_start3A_134 = tpu.memref_slice %arg11[%run_scoped3A, %dma_start3A_133] : memref<8x128xi32, #tpu.memory_space<vmem>> -> memref<1x128xi32, #tpu.memory_space<vmem>>
          %dma_start3A_135 = tpu.memref_squeeze %dma_start3A_134 : memref<1x128xi32, #tpu.memory_space<vmem>> -> memref<128xi32, #tpu.memory_space<vmem>>
          %dma_start3A_136 = arith.constant 0 : i32
          %dma_start3A_137 = arith.constant 0 : i32
          %dma_start3A_138 = tpu.memref_slice %arg7[%dma_start3A_136, %dma_start3A_137] : memref<10000x32xf32, #tpu.memory_space<vmem_shared>> -> memref<10000x32xf32, #tpu.memory_space<vmem_shared>>
          tpu.enqueue_indirect_dma source(%dma_start3A_132 : memref<128x32xf32, #tpu.memory_space<vmem>>) target(%dma_start3A_138 : memref<10000x32xf32, #tpu.memory_space<vmem_shared>>) offsets(%dma_start3A_135 : memref<128xi32, #tpu.memory_space<vmem>>) semaphore(%run_scoped3A_130 : memref<!tpu.dma_semaphore, #tpu.memory_space<semaphore_mem>>) {add = true}
          %dma_wait3A = arith.constant 640 : i32
          %dma_wait3A_139 = arith.constant 0 : i32
          %dma_wait3A_140 = tpu.memref_slice %arg9[%dma_wait3A, %dma_wait3A_139] : memref<1024x32xf32, #tpu.memory_space<vmem>> -> memref<128x32xf32, #tpu.memory_space<vmem>>
          %dma_wait3A_141 = arith.constant 0 : i32
          %dma_wait3A_142 = tpu.memref_slice %arg11[%run_scoped3A, %dma_wait3A_141] : memref<8x128xi32, #tpu.memory_space<vmem>> -> memref<1x128xi32, #tpu.memory_space<vmem>>
          %dma_wait3A_143 = tpu.memref_squeeze %dma_wait3A_142 : memref<1x128xi32, #tpu.memory_space<vmem>> -> memref<128xi32, #tpu.memory_space<vmem>>
          %dma_wait3A_144 = arith.constant 0 : i32
          %dma_wait3A_145 = arith.constant 0 : i32
          %dma_wait3A_146 = tpu.memref_slice %arg7[%dma_wait3A_144, %dma_wait3A_145] : memref<10000x32xf32, #tpu.memory_space<vmem_shared>> -> memref<10000x32xf32, #tpu.memory_space<vmem_shared>>
          tpu.wait_indirect_dma semaphore(%run_scoped3A_130 : memref<!tpu.dma_semaphore, #tpu.memory_space<semaphore_mem>>) src(%dma_wait3A_140 : memref<128x32xf32, #tpu.memory_space<vmem>>) dst(%dma_wait3A_146 : memref<10000x32xf32, #tpu.memory_space<vmem_shared>>)
          tpu.yield
        }) : () -> ()
        %run_scoped3A_129 = arith.constant 5 : i32
        "tpu.region"() ({
          %run_scoped3A_130 = tpu.sem_alloc : memref<!tpu.dma_semaphore, #tpu.memory_space<semaphore_mem>>
          %dma_start3A = arith.constant 0 : i32
          %dma_start3A_131 = tpu.memref_slice %arg11[%run_scoped3A_129, %dma_start3A] : memref<8x128xi32, #tpu.memory_space<vmem>> -> memref<1x128xi32, #tpu.memory_space<vmem>>
          %dma_start3A_132 = tpu.memref_squeeze %dma_start3A_131 : memref<1x128xi32, #tpu.memory_space<vmem>> -> memref<128xi32, #tpu.memory_space<vmem>>
          %dma_start3A_133 = arith.constant 0 : i32
          %dma_start3A_134 = arith.constant 0 : i32
          %dma_start3A_135 = tpu.memref_slice %arg8[%dma_start3A_133, %dma_start3A_134] : memref<10000x16xf32, #tpu.memory_space<vmem_shared>> -> memref<10000x16xf32, #tpu.memory_space<vmem_shared>>
          tpu.enqueue_indirect_dma source(%arg10 : memref<128x16xf32, #tpu.memory_space<vmem>>) target(%dma_start3A_135 : memref<10000x16xf32, #tpu.memory_space<vmem_shared>>) offsets(%dma_start3A_132 : memref<128xi32, #tpu.memory_space<vmem>>) semaphore(%run_scoped3A_130 : memref<!tpu.dma_semaphore, #tpu.memory_space<semaphore_mem>>) {add = true}
          %dma_wait3A = arith.constant 0 : i32
          %dma_wait3A_136 = tpu.memref_slice %arg11[%run_scoped3A_129, %dma_wait3A] : memref<8x128xi32, #tpu.memory_space<vmem>> -> memref<1x128xi32, #tpu.memory_space<vmem>>
          %dma_wait3A_137 = tpu.memref_squeeze %dma_wait3A_136 : memref<1x128xi32, #tpu.memory_space<vmem>> -> memref<128xi32, #tpu.memory_space<vmem>>
          %dma_wait3A_138 = arith.constant 0 : i32
          %dma_wait3A_139 = arith.constant 0 : i32
          %dma_wait3A_140 = tpu.memref_slice %arg8[%dma_wait3A_138, %dma_wait3A_139] : memref<10000x16xf32, #tpu.memory_space<vmem_shared>> -> memref<10000x16xf32, #tpu.memory_space<vmem_shared>>
          tpu.wait_indirect_dma semaphore(%run_scoped3A_130 : memref<!tpu.dma_semaphore, #tpu.memory_space<semaphore_mem>>) src(%arg10 : memref<128x16xf32, #tpu.memory_space<vmem>>) dst(%dma_wait3A_140 : memref<10000x16xf32, #tpu.memory_space<vmem_shared>>)
          tpu.yield
        }) : () -> ()
      } else {
      }
      %add3A_109 = arith.constant 6 : i32
      %add3A_110 = arith.addi %add3A_67, %add3A_109 : i32
      %lt3A_111 = arith.constant 2500 : i32
      %lt3A_112 = arith.cmpi slt, %add3A_110, %lt3A_111 : i32
      %convert_element_type3A_113 = arith.extui %lt3A_112 : i1 to i32
      %cond3A_114 = arith.constant 0 : i32
      %cond3A_115 = arith.cmpi ne, %convert_element_type3A_113, %cond3A_114 : i32
      scf.if %cond3A_115 {
        %scan3A_123 = arith.constant 0 : i32
        %scan3A_124 = arith.constant 768 : i32
        %scan3A_125 = arith.constant 128 : i32
        %scan3A_126 = arith.addi %scan3A_124, %scan3A_125 : i32
        %scan3A_127 = arith.constant 1 : i32
        scf.for %scan3A_130 = %scan3A_124 to %scan3A_126 step %scan3A_127  : i32 {
          %get3A = arith.constant 0 : i32
          %get3A_131 = arith.index_cast %get3A : i32 to index
          %get3A_132 = arith.constant 0 : index
          %get3A_133 = tpu.vector_load %arg12[%get3A_131, %get3A_132] {strides = array<i32>} : memref<2x32xf32, #tpu.memory_space<vmem>>, vector<1x16xf32>,
          %get3A_134 = vector.shape_cast %get3A_133 : vector<1x16xf32> to vector<16xf32>
          %get3A_135 = arith.constant 1 : i32
          %get3A_136 = arith.index_cast %get3A_135 : i32 to index
          %get3A_137 = arith.constant 0 : index
          %get3A_138 = tpu.vector_load %arg12[%get3A_136, %get3A_137] {strides = array<i32>} : memref<2x32xf32, #tpu.memory_space<vmem>>, vector<1x16xf32>,
          %get3A_139 = vector.shape_cast %get3A_138 : vector<1x16xf32> to vector<16xf32>
          %get3A_140 = arith.index_cast %scan3A_130 : i32 to index
          %get3A_141 = arith.constant 0 : index
          %get3A_142 = tpu.vector_load %arg9[%get3A_140, %get3A_141] {strides = array<i32>} : memref<1024x32xf32, #tpu.memory_space<vmem>>, vector<1x16xf32>,
          %get3A_143 = vector.shape_cast %get3A_142 : vector<1x16xf32> to vector<16xf32>
          %mul3A_144 = arith.mulf %get3A_143, %get3A_134 : vector<16xf32>
          %add3A_145 = arith.addf %mul3A_144, %get3A_139 : vector<16xf32>
          %max3A = arith.constant 0.000000e+00 : f32
          %max3A_146 = vector.broadcast %max3A : f32 to vector<16xf32>
          %max3A_147 = arith.maximumf %add3A_145, %max3A_146 : vector<16xf32>
          %swap3A = arith.index_cast %scan3A_130 : i32 to index
          %swap3A_148 = arith.constant 0 : index
          %swap3A_149 = tpu.vector_load %arg9[%swap3A, %swap3A_148] {strides = array<i32>} : memref<1024x32xf32, #tpu.memory_space<vmem>>, vector<1x16xf32>,
          %swap3A_150 = vector.shape_cast %swap3A_149 : vector<1x16xf32> to vector<16xf32>
          %swap3A_151 = vector.shape_cast %max3A_147 : vector<16xf32> to vector<1x16xf32>
          tpu.vector_store %arg9[%swap3A, %swap3A_148], %swap3A_151 {strides = array<i32>} : memref<1024x32xf32, #tpu.memory_space<vmem>>, vector<1x16xf32>,
          %get3A_152 = arith.constant 0 : i32
          %get3A_153 = arith.index_cast %get3A_152 : i32 to index
          %get3A_154 = arith.constant 16 : index
          %get3A_155 = tpu.vector_load %arg12[%get3A_153, %get3A_154] {strides = array<i32>} : memref<2x32xf32, #tpu.memory_space<vmem>>, vector<1x16xf32>,
          %get3A_156 = vector.shape_cast %get3A_155 : vector<1x16xf32> to vector<16xf32>
          %get3A_157 = arith.constant 1 : i32
          %get3A_158 = arith.index_cast %get3A_157 : i32 to index
          %get3A_159 = arith.constant 16 : index
          %get3A_160 = tpu.vector_load %arg12[%get3A_158, %get3A_159] {strides = array<i32>} : memref<2x32xf32, #tpu.memory_space<vmem>>, vector<1x16xf32>,
          %get3A_161 = vector.shape_cast %get3A_160 : vector<1x16xf32> to vector<16xf32>
          %get3A_162 = arith.index_cast %scan3A_130 : i32 to index
          %get3A_163 = arith.constant 16 : index
          %get3A_164 = tpu.vector_load %arg9[%get3A_162, %get3A_163] {strides = array<i32>} : memref<1024x32xf32, #tpu.memory_space<vmem>>, vector<1x16xf32>,
          %get3A_165 = vector.shape_cast %get3A_164 : vector<1x16xf32> to vector<16xf32>
          %mul3A_166 = arith.mulf %get3A_165, %get3A_156 : vector<16xf32>
          %add3A_167 = arith.addf %mul3A_166, %get3A_161 : vector<16xf32>
          %max3A_168 = arith.constant 0.000000e+00 : f32
          %max3A_169 = vector.broadcast %max3A_168 : f32 to vector<16xf32>
          %max3A_170 = arith.maximumf %add3A_167, %max3A_169 : vector<16xf32>
          %swap3A_171 = arith.index_cast %scan3A_130 : i32 to index
          %swap3A_172 = arith.constant 16 : index
          %swap3A_173 = tpu.vector_load %arg9[%swap3A_171, %swap3A_172] {strides = array<i32>} : memref<1024x32xf32, #tpu.memory_space<vmem>>, vector<1x16xf32>,
          %swap3A_174 = vector.shape_cast %swap3A_173 : vector<1x16xf32> to vector<16xf32>
          %swap3A_175 = vector.shape_cast %max3A_170 : vector<16xf32> to vector<1x16xf32>
          tpu.vector_store %arg9[%swap3A_171, %swap3A_172], %swap3A_175 {strides = array<i32>} : memref<1024x32xf32, #tpu.memory_space<vmem>>, vector<1x16xf32>,
        }
        %scan3A_128 = arith.constant 128 : i32
        %run_scoped3A = arith.constant 6 : i32
        "tpu.region"() ({
          %run_scoped3A_130 = tpu.sem_alloc : memref<!tpu.dma_semaphore, #tpu.memory_space<semaphore_mem>>
          %dma_start3A = arith.constant 768 : i32
          %dma_start3A_131 = arith.constant 0 : i32
          %dma_start3A_132 = tpu.memref_slice %arg9[%dma_start3A, %dma_start3A_131] : memref<1024x32xf32, #tpu.memory_space<vmem>> -> memref<128x32xf32, #tpu.memory_space<vmem>>
          %dma_start3A_133 = arith.constant 0 : i32
          %dma_start3A_134 = tpu.memref_slice %arg11[%run_scoped3A, %dma_start3A_133] : memref<8x128xi32, #tpu.memory_space<vmem>> -> memref<1x128xi32, #tpu.memory_space<vmem>>
          %dma_start3A_135 = tpu.memref_squeeze %dma_start3A_134 : memref<1x128xi32, #tpu.memory_space<vmem>> -> memref<128xi32, #tpu.memory_space<vmem>>
          %dma_start3A_136 = arith.constant 0 : i32
          %dma_start3A_137 = arith.constant 0 : i32
          %dma_start3A_138 = tpu.memref_slice %arg7[%dma_start3A_136, %dma_start3A_137] : memref<10000x32xf32, #tpu.memory_space<vmem_shared>> -> memref<10000x32xf32, #tpu.memory_space<vmem_shared>>
          tpu.enqueue_indirect_dma source(%dma_start3A_132 : memref<128x32xf32, #tpu.memory_space<vmem>>) target(%dma_start3A_138 : memref<10000x32xf32, #tpu.memory_space<vmem_shared>>) offsets(%dma_start3A_135 : memref<128xi32, #tpu.memory_space<vmem>>) semaphore(%run_scoped3A_130 : memref<!tpu.dma_semaphore, #tpu.memory_space<semaphore_mem>>) {add = true}
          %dma_wait3A = arith.constant 768 : i32
          %dma_wait3A_139 = arith.constant 0 : i32
          %dma_wait3A_140 = tpu.memref_slice %arg9[%dma_wait3A, %dma_wait3A_139] : memref<1024x32xf32, #tpu.memory_space<vmem>> -> memref<128x32xf32, #tpu.memory_space<vmem>>
          %dma_wait3A_141 = arith.constant 0 : i32
          %dma_wait3A_142 = tpu.memref_slice %arg11[%run_scoped3A, %dma_wait3A_141] : memref<8x128xi32, #tpu.memory_space<vmem>> -> memref<1x128xi32, #tpu.memory_space<vmem>>
          %dma_wait3A_143 = tpu.memref_squeeze %dma_wait3A_142 : memref<1x128xi32, #tpu.memory_space<vmem>> -> memref<128xi32, #tpu.memory_space<vmem>>
          %dma_wait3A_144 = arith.constant 0 : i32
          %dma_wait3A_145 = arith.constant 0 : i32
          %dma_wait3A_146 = tpu.memref_slice %arg7[%dma_wait3A_144, %dma_wait3A_145] : memref<10000x32xf32, #tpu.memory_space<vmem_shared>> -> memref<10000x32xf32, #tpu.memory_space<vmem_shared>>
          tpu.wait_indirect_dma semaphore(%run_scoped3A_130 : memref<!tpu.dma_semaphore, #tpu.memory_space<semaphore_mem>>) src(%dma_wait3A_140 : memref<128x32xf32, #tpu.memory_space<vmem>>) dst(%dma_wait3A_146 : memref<10000x32xf32, #tpu.memory_space<vmem_shared>>)
          tpu.yield
        }) : () -> ()
        %run_scoped3A_129 = arith.constant 6 : i32
        "tpu.region"() ({
          %run_scoped3A_130 = tpu.sem_alloc : memref<!tpu.dma_semaphore, #tpu.memory_space<semaphore_mem>>
          %dma_start3A = arith.constant 0 : i32
          %dma_start3A_131 = tpu.memref_slice %arg11[%run_scoped3A_129, %dma_start3A] : memref<8x128xi32, #tpu.memory_space<vmem>> -> memref<1x128xi32, #tpu.memory_space<vmem>>
          %dma_start3A_132 = tpu.memref_squeeze %dma_start3A_131 : memref<1x128xi32, #tpu.memory_space<vmem>> -> memref<128xi32, #tpu.memory_space<vmem>>
          %dma_start3A_133 = arith.constant 0 : i32
          %dma_start3A_134 = arith.constant 0 : i32
          %dma_start3A_135 = tpu.memref_slice %arg8[%dma_start3A_133, %dma_start3A_134] : memref<10000x16xf32, #tpu.memory_space<vmem_shared>> -> memref<10000x16xf32, #tpu.memory_space<vmem_shared>>
          tpu.enqueue_indirect_dma source(%arg10 : memref<128x16xf32, #tpu.memory_space<vmem>>) target(%dma_start3A_135 : memref<10000x16xf32, #tpu.memory_space<vmem_shared>>) offsets(%dma_start3A_132 : memref<128xi32, #tpu.memory_space<vmem>>) semaphore(%run_scoped3A_130 : memref<!tpu.dma_semaphore, #tpu.memory_space<semaphore_mem>>) {add = true}
          %dma_wait3A = arith.constant 0 : i32
          %dma_wait3A_136 = tpu.memref_slice %arg11[%run_scoped3A_129, %dma_wait3A] : memref<8x128xi32, #tpu.memory_space<vmem>> -> memref<1x128xi32, #tpu.memory_space<vmem>>
          %dma_wait3A_137 = tpu.memref_squeeze %dma_wait3A_136 : memref<1x128xi32, #tpu.memory_space<vmem>> -> memref<128xi32, #tpu.memory_space<vmem>>
          %dma_wait3A_138 = arith.constant 0 : i32
          %dma_wait3A_139 = arith.constant 0 : i32
          %dma_wait3A_140 = tpu.memref_slice %arg8[%dma_wait3A_138, %dma_wait3A_139] : memref<10000x16xf32, #tpu.memory_space<vmem_shared>> -> memref<10000x16xf32, #tpu.memory_space<vmem_shared>>
          tpu.wait_indirect_dma semaphore(%run_scoped3A_130 : memref<!tpu.dma_semaphore, #tpu.memory_space<semaphore_mem>>) src(%arg10 : memref<128x16xf32, #tpu.memory_space<vmem>>) dst(%dma_wait3A_140 : memref<10000x16xf32, #tpu.memory_space<vmem_shared>>)
          tpu.yield
        }) : () -> ()
      } else {
      }
      %add3A_116 = arith.constant 7 : i32
      %add3A_117 = arith.addi %add3A_67, %add3A_116 : i32
      %lt3A_118 = arith.constant 2500 : i32
      %lt3A_119 = arith.cmpi slt, %add3A_117, %lt3A_118 : i32
      %convert_element_type3A_120 = arith.extui %lt3A_119 : i1 to i32
      %cond3A_121 = arith.constant 0 : i32
      %cond3A_122 = arith.cmpi ne, %convert_element_type3A_120, %cond3A_121 : i32
      scf.if %cond3A_122 {
        %scan3A_123 = arith.constant 0 : i32
        %scan3A_124 = arith.constant 896 : i32
        %scan3A_125 = arith.constant 128 : i32
        %scan3A_126 = arith.addi %scan3A_124, %scan3A_125 : i32
        %scan3A_127 = arith.constant 1 : i32
        scf.for %scan3A_130 = %scan3A_124 to %scan3A_126 step %scan3A_127  : i32 {
          %get3A = arith.constant 0 : i32
          %get3A_131 = arith.index_cast %get3A : i32 to index
          %get3A_132 = arith.constant 0 : index
          %get3A_133 = tpu.vector_load %arg12[%get3A_131, %get3A_132] {strides = array<i32>} : memref<2x32xf32, #tpu.memory_space<vmem>>, vector<1x16xf32>,
          %get3A_134 = vector.shape_cast %get3A_133 : vector<1x16xf32> to vector<16xf32>
          %get3A_135 = arith.constant 1 : i32
          %get3A_136 = arith.index_cast %get3A_135 : i32 to index
          %get3A_137 = arith.constant 0 : index
          %get3A_138 = tpu.vector_load %arg12[%get3A_136, %get3A_137] {strides = array<i32>} : memref<2x32xf32, #tpu.memory_space<vmem>>, vector<1x16xf32>,
          %get3A_139 = vector.shape_cast %get3A_138 : vector<1x16xf32> to vector<16xf32>
          %get3A_140 = arith.index_cast %scan3A_130 : i32 to index
          %get3A_141 = arith.constant 0 : index
          %get3A_142 = tpu.vector_load %arg9[%get3A_140, %get3A_141] {strides = array<i32>} : memref<1024x32xf32, #tpu.memory_space<vmem>>, vector<1x16xf32>,
          %get3A_143 = vector.shape_cast %get3A_142 : vector<1x16xf32> to vector<16xf32>
          %mul3A_144 = arith.mulf %get3A_143, %get3A_134 : vector<16xf32>
          %add3A_145 = arith.addf %mul3A_144, %get3A_139 : vector<16xf32>
          %max3A = arith.constant 0.000000e+00 : f32
          %max3A_146 = vector.broadcast %max3A : f32 to vector<16xf32>
          %max3A_147 = arith.maximumf %add3A_145, %max3A_146 : vector<16xf32>
          %swap3A = arith.index_cast %scan3A_130 : i32 to index
          %swap3A_148 = arith.constant 0 : index
          %swap3A_149 = tpu.vector_load %arg9[%swap3A, %swap3A_148] {strides = array<i32>} : memref<1024x32xf32, #tpu.memory_space<vmem>>, vector<1x16xf32>,
          %swap3A_150 = vector.shape_cast %swap3A_149 : vector<1x16xf32> to vector<16xf32>
          %swap3A_151 = vector.shape_cast %max3A_147 : vector<16xf32> to vector<1x16xf32>
          tpu.vector_store %arg9[%swap3A, %swap3A_148], %swap3A_151 {strides = array<i32>} : memref<1024x32xf32, #tpu.memory_space<vmem>>, vector<1x16xf32>,
          %get3A_152 = arith.constant 0 : i32
          %get3A_153 = arith.index_cast %get3A_152 : i32 to index
          %get3A_154 = arith.constant 16 : index
          %get3A_155 = tpu.vector_load %arg12[%get3A_153, %get3A_154] {strides = array<i32>} : memref<2x32xf32, #tpu.memory_space<vmem>>, vector<1x16xf32>,
          %get3A_156 = vector.shape_cast %get3A_155 : vector<1x16xf32> to vector<16xf32>
          %get3A_157 = arith.constant 1 : i32
          %get3A_158 = arith.index_cast %get3A_157 : i32 to index
          %get3A_159 = arith.constant 16 : index
          %get3A_160 = tpu.vector_load %arg12[%get3A_158, %get3A_159] {strides = array<i32>} : memref<2x32xf32, #tpu.memory_space<vmem>>, vector<1x16xf32>,
          %get3A_161 = vector.shape_cast %get3A_160 : vector<1x16xf32> to vector<16xf32>
          %get3A_162 = arith.index_cast %scan3A_130 : i32 to index
          %get3A_163 = arith.constant 16 : index
          %get3A_164 = tpu.vector_load %arg9[%get3A_162, %get3A_163] {strides = array<i32>} : memref<1024x32xf32, #tpu.memory_space<vmem>>, vector<1x16xf32>,
          %get3A_165 = vector.shape_cast %get3A_164 : vector<1x16xf32> to vector<16xf32>
          %mul3A_166 = arith.mulf %get3A_165, %get3A_156 : vector<16xf32>
          %add3A_167 = arith.addf %mul3A_166, %get3A_161 : vector<16xf32>
          %max3A_168 = arith.constant 0.000000e+00 : f32
          %max3A_169 = vector.broadcast %max3A_168 : f32 to vector<16xf32>
          %max3A_170 = arith.maximumf %add3A_167, %max3A_169 : vector<16xf32>
          %swap3A_171 = arith.index_cast %scan3A_130 : i32 to index
          %swap3A_172 = arith.constant 16 : index
          %swap3A_173 = tpu.vector_load %arg9[%swap3A_171, %swap3A_172] {strides = array<i32>} : memref<1024x32xf32, #tpu.memory_space<vmem>>, vector<1x16xf32>,
          %swap3A_174 = vector.shape_cast %swap3A_173 : vector<1x16xf32> to vector<16xf32>
          %swap3A_175 = vector.shape_cast %max3A_170 : vector<16xf32> to vector<1x16xf32>
          tpu.vector_store %arg9[%swap3A_171, %swap3A_172], %swap3A_175 {strides = array<i32>} : memref<1024x32xf32, #tpu.memory_space<vmem>>, vector<1x16xf32>,
        }
        %scan3A_128 = arith.constant 128 : i32
        %run_scoped3A = arith.constant 7 : i32
        "tpu.region"() ({
          %run_scoped3A_130 = tpu.sem_alloc : memref<!tpu.dma_semaphore, #tpu.memory_space<semaphore_mem>>
          %dma_start3A = arith.constant 896 : i32
          %dma_start3A_131 = arith.constant 0 : i32
          %dma_start3A_132 = tpu.memref_slice %arg9[%dma_start3A, %dma_start3A_131] : memref<1024x32xf32, #tpu.memory_space<vmem>> -> memref<128x32xf32, #tpu.memory_space<vmem>>
          %dma_start3A_133 = arith.constant 0 : i32
          %dma_start3A_134 = tpu.memref_slice %arg11[%run_scoped3A, %dma_start3A_133] : memref<8x128xi32, #tpu.memory_space<vmem>> -> memref<1x128xi32, #tpu.memory_space<vmem>>
          %dma_start3A_135 = tpu.memref_squeeze %dma_start3A_134 : memref<1x128xi32, #tpu.memory_space<vmem>> -> memref<128xi32, #tpu.memory_space<vmem>>
          %dma_start3A_136 = arith.constant 0 : i32
          %dma_start3A_137 = arith.constant 0 : i32
          %dma_start3A_138 = tpu.memref_slice %arg7[%dma_start3A_136, %dma_start3A_137] : memref<10000x32xf32, #tpu.memory_space<vmem_shared>> -> memref<10000x32xf32, #tpu.memory_space<vmem_shared>>
          tpu.enqueue_indirect_dma source(%dma_start3A_132 : memref<128x32xf32, #tpu.memory_space<vmem>>) target(%dma_start3A_138 : memref<10000x32xf32, #tpu.memory_space<vmem_shared>>) offsets(%dma_start3A_135 : memref<128xi32, #tpu.memory_space<vmem>>) semaphore(%run_scoped3A_130 : memref<!tpu.dma_semaphore, #tpu.memory_space<semaphore_mem>>) {add = true}
          %dma_wait3A = arith.constant 896 : i32
          %dma_wait3A_139 = arith.constant 0 : i32
          %dma_wait3A_140 = tpu.memref_slice %arg9[%dma_wait3A, %dma_wait3A_139] : memref<1024x32xf32, #tpu.memory_space<vmem>> -> memref<128x32xf32, #tpu.memory_space<vmem>>
          %dma_wait3A_141 = arith.constant 0 : i32
          %dma_wait3A_142 = tpu.memref_slice %arg11[%run_scoped3A, %dma_wait3A_141] : memref<8x128xi32, #tpu.memory_space<vmem>> -> memref<1x128xi32, #tpu.memory_space<vmem>>
          %dma_wait3A_143 = tpu.memref_squeeze %dma_wait3A_142 : memref<1x128xi32, #tpu.memory_space<vmem>> -> memref<128xi32, #tpu.memory_space<vmem>>
          %dma_wait3A_144 = arith.constant 0 : i32
          %dma_wait3A_145 = arith.constant 0 : i32
          %dma_wait3A_146 = tpu.memref_slice %arg7[%dma_wait3A_144, %dma_wait3A_145] : memref<10000x32xf32, #tpu.memory_space<vmem_shared>> -> memref<10000x32xf32, #tpu.memory_space<vmem_shared>>
          tpu.wait_indirect_dma semaphore(%run_scoped3A_130 : memref<!tpu.dma_semaphore, #tpu.memory_space<semaphore_mem>>) src(%dma_wait3A_140 : memref<128x32xf32, #tpu.memory_space<vmem>>) dst(%dma_wait3A_146 : memref<10000x32xf32, #tpu.memory_space<vmem_shared>>)
          tpu.yield
        }) : () -> ()
        %run_scoped3A_129 = arith.constant 7 : i32
        "tpu.region"() ({
          %run_scoped3A_130 = tpu.sem_alloc : memref<!tpu.dma_semaphore, #tpu.memory_space<semaphore_mem>>
          %dma_start3A = arith.constant 0 : i32
          %dma_start3A_131 = tpu.memref_slice %arg11[%run_scoped3A_129, %dma_start3A] : memref<8x128xi32, #tpu.memory_space<vmem>> -> memref<1x128xi32, #tpu.memory_space<vmem>>
          %dma_start3A_132 = tpu.memref_squeeze %dma_start3A_131 : memref<1x128xi32, #tpu.memory_space<vmem>> -> memref<128xi32, #tpu.memory_space<vmem>>
          %dma_start3A_133 = arith.constant 0 : i32
          %dma_start3A_134 = arith.constant 0 : i32
          %dma_start3A_135 = tpu.memref_slice %arg8[%dma_start3A_133, %dma_start3A_134] : memref<10000x16xf32, #tpu.memory_space<vmem_shared>> -> memref<10000x16xf32, #tpu.memory_space<vmem_shared>>
          tpu.enqueue_indirect_dma source(%arg10 : memref<128x16xf32, #tpu.memory_space<vmem>>) target(%dma_start3A_135 : memref<10000x16xf32, #tpu.memory_space<vmem_shared>>) offsets(%dma_start3A_132 : memref<128xi32, #tpu.memory_space<vmem>>) semaphore(%run_scoped3A_130 : memref<!tpu.dma_semaphore, #tpu.memory_space<semaphore_mem>>) {add = true}
          %dma_wait3A = arith.constant 0 : i32
          %dma_wait3A_136 = tpu.memref_slice %arg11[%run_scoped3A_129, %dma_wait3A] : memref<8x128xi32, #tpu.memory_space<vmem>> -> memref<1x128xi32, #tpu.memory_space<vmem>>
          %dma_wait3A_137 = tpu.memref_squeeze %dma_wait3A_136 : memref<1x128xi32, #tpu.memory_space<vmem>> -> memref<128xi32, #tpu.memory_space<vmem>>
          %dma_wait3A_138 = arith.constant 0 : i32
          %dma_wait3A_139 = arith.constant 0 : i32
          %dma_wait3A_140 = tpu.memref_slice %arg8[%dma_wait3A_138, %dma_wait3A_139] : memref<10000x16xf32, #tpu.memory_space<vmem_shared>> -> memref<10000x16xf32, #tpu.memory_space<vmem_shared>>
          tpu.wait_indirect_dma semaphore(%run_scoped3A_130 : memref<!tpu.dma_semaphore, #tpu.memory_space<semaphore_mem>>) src(%arg10 : memref<128x16xf32, #tpu.memory_space<vmem>>) dst(%dma_wait3A_140 : memref<10000x16xf32, #tpu.memory_space<vmem_shared>>)
          tpu.yield
        }) : () -> ()
      } else {
      }
    }
    %scan3A_37 = arith.constant 10 : i32
    %barrier3A_38 = arith.constant 0 : index
    tpu.barrier barrier_id(%barrier3A_38)
    %mul3A_39 = arith.constant 625 : i32
    %mul3A_40 = arith.muli %arg1, %mul3A_39 : i32
    %add3A_41 = arith.constant 0 : i32
    %add3A_42 = arith.addi %mul3A_40, %add3A_41 : i32
    "tpu.region"() ({
      %run_scoped3A = tpu.sem_alloc : memref<!tpu.dma_semaphore, #tpu.memory_space<semaphore_mem>>
      %dma_start3A = arith.constant 0 : i32
      %dma_start3A_59 = arith.constant 0 : i32
      %dma_start3A_60 = tpu.memref_slice %arg9[%dma_start3A, %dma_start3A_59] : memref<1024x32xf32, #tpu.memory_space<vmem>> -> memref<125x32xf32, #tpu.memory_space<vmem>>
      %dma_start3A_61 = arith.constant 0 : i32
      %dma_start3A_62 = tpu.memref_slice %arg7[%add3A_42, %dma_start3A_61] : memref<10000x32xf32, #tpu.memory_space<vmem_shared>> -> memref<125x32xf32, #tpu.memory_space<vmem_shared>>
      %dma_start3A_63 = arith.constant 0 : i32
      %dma_start3A_64 = arith.constant 0 : i32
      %dma_start3A_65 = tpu.memref_slice %arg9[%dma_start3A_63, %dma_start3A_64] : memref<1024x32xf32, #tpu.memory_space<vmem>> -> memref<125x32xf32, #tpu.memory_space<vmem>>
      %dma_start3A_66 = arith.constant 0 : i32
      %dma_start3A_67 = tpu.memref_slice %arg7[%add3A_42, %dma_start3A_66] : memref<10000x32xf32, #tpu.memory_space<vmem_shared>> -> memref<125x32xf32, #tpu.memory_space<vmem_shared>>
      tpu.enqueue_dma source(%dma_start3A_67 : memref<125x32xf32, #tpu.memory_space<vmem_shared>>) target(%dma_start3A_65 : memref<125x32xf32, #tpu.memory_space<vmem>>) target_semaphore(%run_scoped3A : memref<!tpu.dma_semaphore, #tpu.memory_space<semaphore_mem>>)
      %dma_wait3A = arith.constant 0 : i32
      %dma_wait3A_68 = arith.constant 0 : i32
      %dma_wait3A_69 = tpu.memref_slice %arg9[%dma_wait3A, %dma_wait3A_68] : memref<1024x32xf32, #tpu.memory_space<vmem>> -> memref<125x32xf32, #tpu.memory_space<vmem>>
      %dma_wait3A_70 = arith.constant 0 : i32
      %dma_wait3A_71 = tpu.memref_slice %arg7[%add3A_42, %dma_wait3A_70] : memref<10000x32xf32, #tpu.memory_space<vmem_shared>> -> memref<125x32xf32, #tpu.memory_space<vmem_shared>>
      %dma_wait3A_72 = arith.constant 0 : i32
      %dma_wait3A_73 = arith.constant 0 : i32
      %dma_wait3A_74 = tpu.memref_slice %arg9[%dma_wait3A_72, %dma_wait3A_73] : memref<1024x32xf32, #tpu.memory_space<vmem>> -> memref<125x32xf32, #tpu.memory_space<vmem>>
      %dma_wait3A_75 = arith.constant 0 : i32
      %dma_wait3A_76 = tpu.memref_slice %arg7[%add3A_42, %dma_wait3A_75] : memref<10000x32xf32, #tpu.memory_space<vmem_shared>> -> memref<125x32xf32, #tpu.memory_space<vmem_shared>>
      tpu.wait_dma2 semaphore(%run_scoped3A : memref<!tpu.dma_semaphore, #tpu.memory_space<semaphore_mem>>) src(%dma_wait3A_76 : memref<125x32xf32, #tpu.memory_space<vmem_shared>>) dst(%dma_wait3A_74 : memref<125x32xf32, #tpu.memory_space<vmem>>)
      tpu.yield
    }) : () -> ()
    "tpu.region"() ({
      %run_scoped3A = tpu.sem_alloc : memref<!tpu.dma_semaphore, #tpu.memory_space<semaphore_mem>>
      %dma_start3A = arith.constant 0 : i32
      %dma_start3A_59 = arith.constant 0 : i32
      %dma_start3A_60 = tpu.memref_slice %arg9[%dma_start3A, %dma_start3A_59] : memref<1024x32xf32, #tpu.memory_space<vmem>> -> memref<125x32xf32, #tpu.memory_space<vmem>>
      %dma_start3A_61 = arith.constant 0 : i32
      %dma_start3A_62 = tpu.memref_slice %arg5[%arg0, %add3A_42, %dma_start3A_61] : memref<2x10000x32xf32, #tpu.memory_space<hbm>> -> memref<1x125x32xf32, #tpu.memory_space<hbm>>
      %dma_start3A_63 = tpu.memref_squeeze %dma_start3A_62 : memref<1x125x32xf32, #tpu.memory_space<hbm>> -> memref<125x32xf32, #tpu.memory_space<hbm>>
      %dma_start3A_64 = arith.constant 0 : i32
      %dma_start3A_65 = tpu.memref_slice %arg5[%arg0, %add3A_42, %dma_start3A_64] : memref<2x10000x32xf32, #tpu.memory_space<hbm>> -> memref<1x125x32xf32, #tpu.memory_space<hbm>>
      %dma_start3A_66 = tpu.memref_squeeze %dma_start3A_65 : memref<1x125x32xf32, #tpu.memory_space<hbm>> -> memref<125x32xf32, #tpu.memory_space<hbm>>
      %dma_start3A_67 = arith.constant 0 : i32
      %dma_start3A_68 = arith.constant 0 : i32
      %dma_start3A_69 = tpu.memref_slice %arg9[%dma_start3A_67, %dma_start3A_68] : memref<1024x32xf32, #tpu.memory_space<vmem>> -> memref<125x32xf32, #tpu.memory_space<vmem>>
      tpu.enqueue_dma source(%dma_start3A_69 : memref<125x32xf32, #tpu.memory_space<vmem>>) target(%dma_start3A_66 : memref<125x32xf32, #tpu.memory_space<hbm>>) target_semaphore(%run_scoped3A : memref<!tpu.dma_semaphore, #tpu.memory_space<semaphore_mem>>)
      %dma_wait3A = arith.constant 0 : i32
      %dma_wait3A_70 = arith.constant 0 : i32
      %dma_wait3A_71 = tpu.memref_slice %arg9[%dma_wait3A, %dma_wait3A_70] : memref<1024x32xf32, #tpu.memory_space<vmem>> -> memref<125x32xf32, #tpu.memory_space<vmem>>
      %dma_wait3A_72 = arith.constant 0 : i32
      %dma_wait3A_73 = tpu.memref_slice %arg5[%arg0, %add3A_42, %dma_wait3A_72] : memref<2x10000x32xf32, #tpu.memory_space<hbm>> -> memref<1x125x32xf32, #tpu.memory_space<hbm>>
      %dma_wait3A_74 = tpu.memref_squeeze %dma_wait3A_73 : memref<1x125x32xf32, #tpu.memory_space<hbm>> -> memref<125x32xf32, #tpu.memory_space<hbm>>
      %dma_wait3A_75 = arith.constant 0 : i32
      %dma_wait3A_76 = tpu.memref_slice %arg5[%arg0, %add3A_42, %dma_wait3A_75] : memref<2x10000x32xf32, #tpu.memory_space<hbm>> -> memref<1x125x32xf32, #tpu.memory_space<hbm>>
      %dma_wait3A_77 = tpu.memref_squeeze %dma_wait3A_76 : memref<1x125x32xf32, #tpu.memory_space<hbm>> -> memref<125x32xf32, #tpu.memory_space<hbm>>
      %dma_wait3A_78 = arith.constant 0 : i32
      %dma_wait3A_79 = arith.constant 0 : i32
      %dma_wait3A_80 = tpu.memref_slice %arg9[%dma_wait3A_78, %dma_wait3A_79] : memref<1024x32xf32, #tpu.memory_space<vmem>> -> memref<125x32xf32, #tpu.memory_space<vmem>>
      tpu.wait_dma2 semaphore(%run_scoped3A : memref<!tpu.dma_semaphore, #tpu.memory_space<semaphore_mem>>) src(%dma_wait3A_80 : memref<125x32xf32, #tpu.memory_space<vmem>>) dst(%dma_wait3A_77 : memref<125x32xf32, #tpu.memory_space<hbm>>)
      tpu.yield
    }) : () -> ()
    "tpu.region"() ({
      %run_scoped3A = tpu.sem_alloc : memref<!tpu.dma_semaphore, #tpu.memory_space<semaphore_mem>>
      %dma_start3A = arith.constant 0 : i32
      %dma_start3A_59 = tpu.memref_slice %arg8[%add3A_42, %dma_start3A] : memref<10000x16xf32, #tpu.memory_space<vmem_shared>> -> memref<125x16xf32, #tpu.memory_space<vmem_shared>>
      %dma_start3A_60 = arith.constant 0 : i32
      %dma_start3A_61 = tpu.memref_slice %arg8[%add3A_42, %dma_start3A_60] : memref<10000x16xf32, #tpu.memory_space<vmem_shared>> -> memref<125x16xf32, #tpu.memory_space<vmem_shared>>
      tpu.enqueue_dma source(%dma_start3A_61 : memref<125x16xf32, #tpu.memory_space<vmem_shared>>) target(%arg14 : memref<125x16xf32, #tpu.memory_space<vmem>>) target_semaphore(%run_scoped3A : memref<!tpu.dma_semaphore, #tpu.memory_space<semaphore_mem>>)
      %dma_wait3A = arith.constant 0 : i32
      %dma_wait3A_62 = tpu.memref_slice %arg8[%add3A_42, %dma_wait3A] : memref<10000x16xf32, #tpu.memory_space<vmem_shared>> -> memref<125x16xf32, #tpu.memory_space<vmem_shared>>
      %dma_wait3A_63 = arith.constant 0 : i32
      %dma_wait3A_64 = tpu.memref_slice %arg8[%add3A_42, %dma_wait3A_63] : memref<10000x16xf32, #tpu.memory_space<vmem_shared>> -> memref<125x16xf32, #tpu.memory_space<vmem_shared>>
      tpu.wait_dma2 semaphore(%run_scoped3A : memref<!tpu.dma_semaphore, #tpu.memory_space<semaphore_mem>>) src(%dma_wait3A_64 : memref<125x16xf32, #tpu.memory_space<vmem_shared>>) dst(%arg14 : memref<125x16xf32, #tpu.memory_space<vmem>>)
      tpu.yield
    }) : () -> ()
    "tpu.region"() ({
      %run_scoped3A = tpu.sem_alloc : memref<!tpu.dma_semaphore, #tpu.memory_space<semaphore_mem>>
      %dma_start3A = arith.constant 0 : i32
      %dma_start3A_59 = tpu.memref_slice %arg6[%arg0, %add3A_42, %dma_start3A] : memref<2x10000x16xf32, #tpu.memory_space<hbm>> -> memref<1x125x16xf32, #tpu.memory_space<hbm>>
      %dma_start3A_60 = tpu.memref_squeeze %dma_start3A_59 : memref<1x125x16xf32, #tpu.memory_space<hbm>> -> memref<125x16xf32, #tpu.memory_space<hbm>>
      %dma_start3A_61 = arith.constant 0 : i32
      %dma_start3A_62 = tpu.memref_slice %arg6[%arg0, %add3A_42, %dma_start3A_61] : memref<2x10000x16xf32, #tpu.memory_space<hbm>> -> memref<1x125x16xf32, #tpu.memory_space<hbm>>
      %dma_start3A_63 = tpu.memref_squeeze %dma_start3A_62 : memref<1x125x16xf32, #tpu.memory_space<hbm>> -> memref<125x16xf32, #tpu.memory_space<hbm>>
      tpu.enqueue_dma source(%arg14 : memref<125x16xf32, #tpu.memory_space<vmem>>) target(%dma_start3A_63 : memref<125x16xf32, #tpu.memory_space<hbm>>) target_semaphore(%run_scoped3A : memref<!tpu.dma_semaphore, #tpu.memory_space<semaphore_mem>>)
      %dma_wait3A = arith.constant 0 : i32
      %dma_wait3A_64 = tpu.memref_slice %arg6[%arg0, %add3A_42, %dma_wait3A] : memref<2x10000x16xf32, #tpu.memory_space<hbm>> -> memref<1x125x16xf32, #tpu.memory_space<hbm>>
      %dma_wait3A_65 = tpu.memref_squeeze %dma_wait3A_64 : memref<1x125x16xf32, #tpu.memory_space<hbm>> -> memref<125x16xf32, #tpu.memory_space<hbm>>
      %dma_wait3A_66 = arith.constant 0 : i32
      %dma_wait3A_67 = tpu.memref_slice %arg6[%arg0, %add3A_42, %dma_wait3A_66] : memref<2x10000x16xf32, #tpu.memory_space<hbm>> -> memref<1x125x16xf32, #tpu.memory_space<hbm>>
      %dma_wait3A_68 = tpu.memref_squeeze %dma_wait3A_67 : memref<1x125x16xf32, #tpu.memory_space<hbm>> -> memref<125x16xf32, #tpu.memory_space<hbm>>
      tpu.wait_dma2 semaphore(%run_scoped3A : memref<!tpu.dma_semaphore, #tpu.memory_space<semaphore_mem>>) src(%arg14 : memref<125x16xf32, #tpu.memory_space<vmem>>) dst(%dma_wait3A_68 : memref<125x16xf32, #tpu.memory_space<hbm>>)
      tpu.yield
    }) : () -> ()
    %mul3A_43 = arith.constant 625 : i32
    %mul3A_44 = arith.muli %arg1, %mul3A_43 : i32
    %add3A_45 = arith.constant 125 : i32
    %add3A_46 = arith.addi %mul3A_44, %add3A_45 : i32
    "tpu.region"() ({
      %run_scoped3A = tpu.sem_alloc : memref<!tpu.dma_semaphore, #tpu.memory_space<semaphore_mem>>
      %dma_start3A = arith.constant 0 : i32
      %dma_start3A_59 = arith.constant 0 : i32
      %dma_start3A_60 = tpu.memref_slice %arg9[%dma_start3A, %dma_start3A_59] : memref<1024x32xf32, #tpu.memory_space<vmem>> -> memref<125x32xf32, #tpu.memory_space<vmem>>
      %dma_start3A_61 = arith.constant 0 : i32
      %dma_start3A_62 = tpu.memref_slice %arg7[%add3A_46, %dma_start3A_61] : memref<10000x32xf32, #tpu.memory_space<vmem_shared>> -> memref<125x32xf32, #tpu.memory_space<vmem_shared>>
      %dma_start3A_63 = arith.constant 0 : i32
      %dma_start3A_64 = arith.constant 0 : i32
      %dma_start3A_65 = tpu.memref_slice %arg9[%dma_start3A_63, %dma_start3A_64] : memref<1024x32xf32, #tpu.memory_space<vmem>> -> memref<125x32xf32, #tpu.memory_space<vmem>>
      %dma_start3A_66 = arith.constant 0 : i32
      %dma_start3A_67 = tpu.memref_slice %arg7[%add3A_46, %dma_start3A_66] : memref<10000x32xf32, #tpu.memory_space<vmem_shared>> -> memref<125x32xf32, #tpu.memory_space<vmem_shared>>
      tpu.enqueue_dma source(%dma_start3A_67 : memref<125x32xf32, #tpu.memory_space<vmem_shared>>) target(%dma_start3A_65 : memref<125x32xf32, #tpu.memory_space<vmem>>) target_semaphore(%run_scoped3A : memref<!tpu.dma_semaphore, #tpu.memory_space<semaphore_mem>>)
      %dma_wait3A = arith.constant 0 : i32
      %dma_wait3A_68 = arith.constant 0 : i32
      %dma_wait3A_69 = tpu.memref_slice %arg9[%dma_wait3A, %dma_wait3A_68] : memref<1024x32xf32, #tpu.memory_space<vmem>> -> memref<125x32xf32, #tpu.memory_space<vmem>>
      %dma_wait3A_70 = arith.constant 0 : i32
      %dma_wait3A_71 = tpu.memref_slice %arg7[%add3A_46, %dma_wait3A_70] : memref<10000x32xf32, #tpu.memory_space<vmem_shared>> -> memref<125x32xf32, #tpu.memory_space<vmem_shared>>
      %dma_wait3A_72 = arith.constant 0 : i32
      %dma_wait3A_73 = arith.constant 0 : i32
      %dma_wait3A_74 = tpu.memref_slice %arg9[%dma_wait3A_72, %dma_wait3A_73] : memref<1024x32xf32, #tpu.memory_space<vmem>> -> memref<125x32xf32, #tpu.memory_space<vmem>>
      %dma_wait3A_75 = arith.constant 0 : i32
      %dma_wait3A_76 = tpu.memref_slice %arg7[%add3A_46, %dma_wait3A_75] : memref<10000x32xf32, #tpu.memory_space<vmem_shared>> -> memref<125x32xf32, #tpu.memory_space<vmem_shared>>
      tpu.wait_dma2 semaphore(%run_scoped3A : memref<!tpu.dma_semaphore, #tpu.memory_space<semaphore_mem>>) src(%dma_wait3A_76 : memref<125x32xf32, #tpu.memory_space<vmem_shared>>) dst(%dma_wait3A_74 : memref<125x32xf32, #tpu.memory_space<vmem>>)
      tpu.yield
    }) : () -> ()
    "tpu.region"() ({
      %run_scoped3A = tpu.sem_alloc : memref<!tpu.dma_semaphore, #tpu.memory_space<semaphore_mem>>
      %dma_start3A = arith.constant 0 : i32
      %dma_start3A_59 = arith.constant 0 : i32
      %dma_start3A_60 = tpu.memref_slice %arg9[%dma_start3A, %dma_start3A_59] : memref<1024x32xf32, #tpu.memory_space<vmem>> -> memref<125x32xf32, #tpu.memory_space<vmem>>
      %dma_start3A_61 = arith.constant 0 : i32
      %dma_start3A_62 = tpu.memref_slice %arg5[%arg0, %add3A_46, %dma_start3A_61] : memref<2x10000x32xf32, #tpu.memory_space<hbm>> -> memref<1x125x32xf32, #tpu.memory_space<hbm>>
      %dma_start3A_63 = tpu.memref_squeeze %dma_start3A_62 : memref<1x125x32xf32, #tpu.memory_space<hbm>> -> memref<125x32xf32, #tpu.memory_space<hbm>>
      %dma_start3A_64 = arith.constant 0 : i32
      %dma_start3A_65 = tpu.memref_slice %arg5[%arg0, %add3A_46, %dma_start3A_64] : memref<2x10000x32xf32, #tpu.memory_space<hbm>> -> memref<1x125x32xf32, #tpu.memory_space<hbm>>
      %dma_start3A_66 = tpu.memref_squeeze %dma_start3A_65 : memref<1x125x32xf32, #tpu.memory_space<hbm>> -> memref<125x32xf32, #tpu.memory_space<hbm>>
      %dma_start3A_67 = arith.constant 0 : i32
      %dma_start3A_68 = arith.constant 0 : i32
      %dma_start3A_69 = tpu.memref_slice %arg9[%dma_start3A_67, %dma_start3A_68] : memref<1024x32xf32, #tpu.memory_space<vmem>> -> memref<125x32xf32, #tpu.memory_space<vmem>>
      tpu.enqueue_dma source(%dma_start3A_69 : memref<125x32xf32, #tpu.memory_space<vmem>>) target(%dma_start3A_66 : memref<125x32xf32, #tpu.memory_space<hbm>>) target_semaphore(%run_scoped3A : memref<!tpu.dma_semaphore, #tpu.memory_space<semaphore_mem>>)
      %dma_wait3A = arith.constant 0 : i32
      %dma_wait3A_70 = arith.constant 0 : i32
      %dma_wait3A_71 = tpu.memref_slice %arg9[%dma_wait3A, %dma_wait3A_70] : memref<1024x32xf32, #tpu.memory_space<vmem>> -> memref<125x32xf32, #tpu.memory_space<vmem>>
      %dma_wait3A_72 = arith.constant 0 : i32
      %dma_wait3A_73 = tpu.memref_slice %arg5[%arg0, %add3A_46, %dma_wait3A_72] : memref<2x10000x32xf32, #tpu.memory_space<hbm>> -> memref<1x125x32xf32, #tpu.memory_space<hbm>>
      %dma_wait3A_74 = tpu.memref_squeeze %dma_wait3A_73 : memref<1x125x32xf32, #tpu.memory_space<hbm>> -> memref<125x32xf32, #tpu.memory_space<hbm>>
      %dma_wait3A_75 = arith.constant 0 : i32
      %dma_wait3A_76 = tpu.memref_slice %arg5[%arg0, %add3A_46, %dma_wait3A_75] : memref<2x10000x32xf32, #tpu.memory_space<hbm>> -> memref<1x125x32xf32, #tpu.memory_space<hbm>>
      %dma_wait3A_77 = tpu.memref_squeeze %dma_wait3A_76 : memref<1x125x32xf32, #tpu.memory_space<hbm>> -> memref<125x32xf32, #tpu.memory_space<hbm>>
      %dma_wait3A_78 = arith.constant 0 : i32
      %dma_wait3A_79 = arith.constant 0 : i32
      %dma_wait3A_80 = tpu.memref_slice %arg9[%dma_wait3A_78, %dma_wait3A_79] : memref<1024x32xf32, #tpu.memory_space<vmem>> -> memref<125x32xf32, #tpu.memory_space<vmem>>
      tpu.wait_dma2 semaphore(%run_scoped3A : memref<!tpu.dma_semaphore, #tpu.memory_space<semaphore_mem>>) src(%dma_wait3A_80 : memref<125x32xf32, #tpu.memory_space<vmem>>) dst(%dma_wait3A_77 : memref<125x32xf32, #tpu.memory_space<hbm>>)
      tpu.yield
    }) : () -> ()
    "tpu.region"() ({
      %run_scoped3A = tpu.sem_alloc : memref<!tpu.dma_semaphore, #tpu.memory_space<semaphore_mem>>
      %dma_start3A = arith.constant 0 : i32
      %dma_start3A_59 = tpu.memref_slice %arg8[%add3A_46, %dma_start3A] : memref<10000x16xf32, #tpu.memory_space<vmem_shared>> -> memref<125x16xf32, #tpu.memory_space<vmem_shared>>
      %dma_start3A_60 = arith.constant 0 : i32
      %dma_start3A_61 = tpu.memref_slice %arg8[%add3A_46, %dma_start3A_60] : memref<10000x16xf32, #tpu.memory_space<vmem_shared>> -> memref<125x16xf32, #tpu.memory_space<vmem_shared>>
      tpu.enqueue_dma source(%dma_start3A_61 : memref<125x16xf32, #tpu.memory_space<vmem_shared>>) target(%arg14 : memref<125x16xf32, #tpu.memory_space<vmem>>) target_semaphore(%run_scoped3A : memref<!tpu.dma_semaphore, #tpu.memory_space<semaphore_mem>>)
      %dma_wait3A = arith.constant 0 : i32
      %dma_wait3A_62 = tpu.memref_slice %arg8[%add3A_46, %dma_wait3A] : memref<10000x16xf32, #tpu.memory_space<vmem_shared>> -> memref<125x16xf32, #tpu.memory_space<vmem_shared>>
      %dma_wait3A_63 = arith.constant 0 : i32
      %dma_wait3A_64 = tpu.memref_slice %arg8[%add3A_46, %dma_wait3A_63] : memref<10000x16xf32, #tpu.memory_space<vmem_shared>> -> memref<125x16xf32, #tpu.memory_space<vmem_shared>>
      tpu.wait_dma2 semaphore(%run_scoped3A : memref<!tpu.dma_semaphore, #tpu.memory_space<semaphore_mem>>) src(%dma_wait3A_64 : memref<125x16xf32, #tpu.memory_space<vmem_shared>>) dst(%arg14 : memref<125x16xf32, #tpu.memory_space<vmem>>)
      tpu.yield
    }) : () -> ()
    "tpu.region"() ({
      %run_scoped3A = tpu.sem_alloc : memref<!tpu.dma_semaphore, #tpu.memory_space<semaphore_mem>>
      %dma_start3A = arith.constant 0 : i32
      %dma_start3A_59 = tpu.memref_slice %arg6[%arg0, %add3A_46, %dma_start3A] : memref<2x10000x16xf32, #tpu.memory_space<hbm>> -> memref<1x125x16xf32, #tpu.memory_space<hbm>>
      %dma_start3A_60 = tpu.memref_squeeze %dma_start3A_59 : memref<1x125x16xf32, #tpu.memory_space<hbm>> -> memref<125x16xf32, #tpu.memory_space<hbm>>
      %dma_start3A_61 = arith.constant 0 : i32
      %dma_start3A_62 = tpu.memref_slice %arg6[%arg0, %add3A_46, %dma_start3A_61] : memref<2x10000x16xf32, #tpu.memory_space<hbm>> -> memref<1x125x16xf32, #tpu.memory_space<hbm>>
      %dma_start3A_63 = tpu.memref_squeeze %dma_start3A_62 : memref<1x125x16xf32, #tpu.memory_space<hbm>> -> memref<125x16xf32, #tpu.memory_space<hbm>>
      tpu.enqueue_dma source(%arg14 : memref<125x16xf32, #tpu.memory_space<vmem>>) target(%dma_start3A_63 : memref<125x16xf32, #tpu.memory_space<hbm>>) target_semaphore(%run_scoped3A : memref<!tpu.dma_semaphore, #tpu.memory_space<semaphore_mem>>)
      %dma_wait3A = arith.constant 0 : i32
      %dma_wait3A_64 = tpu.memref_slice %arg6[%arg0, %add3A_46, %dma_wait3A] : memref<2x10000x16xf32, #tpu.memory_space<hbm>> -> memref<1x125x16xf32, #tpu.memory_space<hbm>>
      %dma_wait3A_65 = tpu.memref_squeeze %dma_wait3A_64 : memref<1x125x16xf32, #tpu.memory_space<hbm>> -> memref<125x16xf32, #tpu.memory_space<hbm>>
      %dma_wait3A_66 = arith.constant 0 : i32
      %dma_wait3A_67 = tpu.memref_slice %arg6[%arg0, %add3A_46, %dma_wait3A_66] : memref<2x10000x16xf32, #tpu.memory_space<hbm>> -> memref<1x125x16xf32, #tpu.memory_space<hbm>>
      %dma_wait3A_68 = tpu.memref_squeeze %dma_wait3A_67 : memref<1x125x16xf32, #tpu.memory_space<hbm>> -> memref<125x16xf32, #tpu.memory_space<hbm>>
      tpu.wait_dma2 semaphore(%run_scoped3A : memref<!tpu.dma_semaphore, #tpu.memory_space<semaphore_mem>>) src(%arg14 : memref<125x16xf32, #tpu.memory_space<vmem>>) dst(%dma_wait3A_68 : memref<125x16xf32, #tpu.memory_space<hbm>>)
      tpu.yield
    }) : () -> ()
    %mul3A_47 = arith.constant 625 : i32
    %mul3A_48 = arith.muli %arg1, %mul3A_47 : i32
    %add3A_49 = arith.constant 250 : i32
    %add3A_50 = arith.addi %mul3A_48, %add3A_49 : i32
    "tpu.region"() ({
      %run_scoped3A = tpu.sem_alloc : memref<!tpu.dma_semaphore, #tpu.memory_space<semaphore_mem>>
      %dma_start3A = arith.constant 0 : i32
      %dma_start3A_59 = arith.constant 0 : i32
      %dma_start3A_60 = tpu.memref_slice %arg9[%dma_start3A, %dma_start3A_59] : memref<1024x32xf32, #tpu.memory_space<vmem>> -> memref<125x32xf32, #tpu.memory_space<vmem>>
      %dma_start3A_61 = arith.constant 0 : i32
      %dma_start3A_62 = tpu.memref_slice %arg7[%add3A_50, %dma_start3A_61] : memref<10000x32xf32, #tpu.memory_space<vmem_shared>> -> memref<125x32xf32, #tpu.memory_space<vmem_shared>>
      %dma_start3A_63 = arith.constant 0 : i32
      %dma_start3A_64 = arith.constant 0 : i32
      %dma_start3A_65 = tpu.memref_slice %arg9[%dma_start3A_63, %dma_start3A_64] : memref<1024x32xf32, #tpu.memory_space<vmem>> -> memref<125x32xf32, #tpu.memory_space<vmem>>
      %dma_start3A_66 = arith.constant 0 : i32
      %dma_start3A_67 = tpu.memref_slice %arg7[%add3A_50, %dma_start3A_66] : memref<10000x32xf32, #tpu.memory_space<vmem_shared>> -> memref<125x32xf32, #tpu.memory_space<vmem_shared>>
      tpu.enqueue_dma source(%dma_start3A_67 : memref<125x32xf32, #tpu.memory_space<vmem_shared>>) target(%dma_start3A_65 : memref<125x32xf32, #tpu.memory_space<vmem>>) target_semaphore(%run_scoped3A : memref<!tpu.dma_semaphore, #tpu.memory_space<semaphore_mem>>)
      %dma_wait3A = arith.constant 0 : i32
      %dma_wait3A_68 = arith.constant 0 : i32
      %dma_wait3A_69 = tpu.memref_slice %arg9[%dma_wait3A, %dma_wait3A_68] : memref<1024x32xf32, #tpu.memory_space<vmem>> -> memref<125x32xf32, #tpu.memory_space<vmem>>
      %dma_wait3A_70 = arith.constant 0 : i32
      %dma_wait3A_71 = tpu.memref_slice %arg7[%add3A_50, %dma_wait3A_70] : memref<10000x32xf32, #tpu.memory_space<vmem_shared>> -> memref<125x32xf32, #tpu.memory_space<vmem_shared>>
      %dma_wait3A_72 = arith.constant 0 : i32
      %dma_wait3A_73 = arith.constant 0 : i32
      %dma_wait3A_74 = tpu.memref_slice %arg9[%dma_wait3A_72, %dma_wait3A_73] : memref<1024x32xf32, #tpu.memory_space<vmem>> -> memref<125x32xf32, #tpu.memory_space<vmem>>
      %dma_wait3A_75 = arith.constant 0 : i32
      %dma_wait3A_76 = tpu.memref_slice %arg7[%add3A_50, %dma_wait3A_75] : memref<10000x32xf32, #tpu.memory_space<vmem_shared>> -> memref<125x32xf32, #tpu.memory_space<vmem_shared>>
      tpu.wait_dma2 semaphore(%run_scoped3A : memref<!tpu.dma_semaphore, #tpu.memory_space<semaphore_mem>>) src(%dma_wait3A_76 : memref<125x32xf32, #tpu.memory_space<vmem_shared>>) dst(%dma_wait3A_74 : memref<125x32xf32, #tpu.memory_space<vmem>>)
      tpu.yield
    }) : () -> ()
    "tpu.region"() ({
      %run_scoped3A = tpu.sem_alloc : memref<!tpu.dma_semaphore, #tpu.memory_space<semaphore_mem>>
      %dma_start3A = arith.constant 0 : i32
      %dma_start3A_59 = arith.constant 0 : i32
      %dma_start3A_60 = tpu.memref_slice %arg9[%dma_start3A, %dma_start3A_59] : memref<1024x32xf32, #tpu.memory_space<vmem>> -> memref<125x32xf32, #tpu.memory_space<vmem>>
      %dma_start3A_61 = arith.constant 0 : i32
      %dma_start3A_62 = tpu.memref_slice %arg5[%arg0, %add3A_50, %dma_start3A_61] : memref<2x10000x32xf32, #tpu.memory_space<hbm>> -> memref<1x125x32xf32, #tpu.memory_space<hbm>>
      %dma_start3A_63 = tpu.memref_squeeze %dma_start3A_62 : memref<1x125x32xf32, #tpu.memory_space<hbm>> -> memref<125x32xf32, #tpu.memory_space<hbm>>
      %dma_start3A_64 = arith.constant 0 : i32
      %dma_start3A_65 = tpu.memref_slice %arg5[%arg0, %add3A_50, %dma_start3A_64] : memref<2x10000x32xf32, #tpu.memory_space<hbm>> -> memref<1x125x32xf32, #tpu.memory_space<hbm>>
      %dma_start3A_66 = tpu.memref_squeeze %dma_start3A_65 : memref<1x125x32xf32, #tpu.memory_space<hbm>> -> memref<125x32xf32, #tpu.memory_space<hbm>>
      %dma_start3A_67 = arith.constant 0 : i32
      %dma_start3A_68 = arith.constant 0 : i32
      %dma_start3A_69 = tpu.memref_slice %arg9[%dma_start3A_67, %dma_start3A_68] : memref<1024x32xf32, #tpu.memory_space<vmem>> -> memref<125x32xf32, #tpu.memory_space<vmem>>
      tpu.enqueue_dma source(%dma_start3A_69 : memref<125x32xf32, #tpu.memory_space<vmem>>) target(%dma_start3A_66 : memref<125x32xf32, #tpu.memory_space<hbm>>) target_semaphore(%run_scoped3A : memref<!tpu.dma_semaphore, #tpu.memory_space<semaphore_mem>>)
      %dma_wait3A = arith.constant 0 : i32
      %dma_wait3A_70 = arith.constant 0 : i32
      %dma_wait3A_71 = tpu.memref_slice %arg9[%dma_wait3A, %dma_wait3A_70] : memref<1024x32xf32, #tpu.memory_space<vmem>> -> memref<125x32xf32, #tpu.memory_space<vmem>>
      %dma_wait3A_72 = arith.constant 0 : i32
      %dma_wait3A_73 = tpu.memref_slice %arg5[%arg0, %add3A_50, %dma_wait3A_72] : memref<2x10000x32xf32, #tpu.memory_space<hbm>> -> memref<1x125x32xf32, #tpu.memory_space<hbm>>
      %dma_wait3A_74 = tpu.memref_squeeze %dma_wait3A_73 : memref<1x125x32xf32, #tpu.memory_space<hbm>> -> memref<125x32xf32, #tpu.memory_space<hbm>>
      %dma_wait3A_75 = arith.constant 0 : i32
      %dma_wait3A_76 = tpu.memref_slice %arg5[%arg0, %add3A_50, %dma_wait3A_75] : memref<2x10000x32xf32, #tpu.memory_space<hbm>> -> memref<1x125x32xf32, #tpu.memory_space<hbm>>
      %dma_wait3A_77 = tpu.memref_squeeze %dma_wait3A_76 : memref<1x125x32xf32, #tpu.memory_space<hbm>> -> memref<125x32xf32, #tpu.memory_space<hbm>>
      %dma_wait3A_78 = arith.constant 0 : i32
      %dma_wait3A_79 = arith.constant 0 : i32
      %dma_wait3A_80 = tpu.memref_slice %arg9[%dma_wait3A_78, %dma_wait3A_79] : memref<1024x32xf32, #tpu.memory_space<vmem>> -> memref<125x32xf32, #tpu.memory_space<vmem>>
      tpu.wait_dma2 semaphore(%run_scoped3A : memref<!tpu.dma_semaphore, #tpu.memory_space<semaphore_mem>>) src(%dma_wait3A_80 : memref<125x32xf32, #tpu.memory_space<vmem>>) dst(%dma_wait3A_77 : memref<125x32xf32, #tpu.memory_space<hbm>>)
      tpu.yield
    }) : () -> ()
    "tpu.region"() ({
      %run_scoped3A = tpu.sem_alloc : memref<!tpu.dma_semaphore, #tpu.memory_space<semaphore_mem>>
      %dma_start3A = arith.constant 0 : i32
      %dma_start3A_59 = tpu.memref_slice %arg8[%add3A_50, %dma_start3A] : memref<10000x16xf32, #tpu.memory_space<vmem_shared>> -> memref<125x16xf32, #tpu.memory_space<vmem_shared>>
      %dma_start3A_60 = arith.constant 0 : i32
      %dma_start3A_61 = tpu.memref_slice %arg8[%add3A_50, %dma_start3A_60] : memref<10000x16xf32, #tpu.memory_space<vmem_shared>> -> memref<125x16xf32, #tpu.memory_space<vmem_shared>>
      tpu.enqueue_dma source(%dma_start3A_61 : memref<125x16xf32, #tpu.memory_space<vmem_shared>>) target(%arg14 : memref<125x16xf32, #tpu.memory_space<vmem>>) target_semaphore(%run_scoped3A : memref<!tpu.dma_semaphore, #tpu.memory_space<semaphore_mem>>)
      %dma_wait3A = arith.constant 0 : i32
      %dma_wait3A_62 = tpu.memref_slice %arg8[%add3A_50, %dma_wait3A] : memref<10000x16xf32, #tpu.memory_space<vmem_shared>> -> memref<125x16xf32, #tpu.memory_space<vmem_shared>>
      %dma_wait3A_63 = arith.constant 0 : i32
      %dma_wait3A_64 = tpu.memref_slice %arg8[%add3A_50, %dma_wait3A_63] : memref<10000x16xf32, #tpu.memory_space<vmem_shared>> -> memref<125x16xf32, #tpu.memory_space<vmem_shared>>
      tpu.wait_dma2 semaphore(%run_scoped3A : memref<!tpu.dma_semaphore, #tpu.memory_space<semaphore_mem>>) src(%dma_wait3A_64 : memref<125x16xf32, #tpu.memory_space<vmem_shared>>) dst(%arg14 : memref<125x16xf32, #tpu.memory_space<vmem>>)
      tpu.yield
    }) : () -> ()
    "tpu.region"() ({
      %run_scoped3A = tpu.sem_alloc : memref<!tpu.dma_semaphore, #tpu.memory_space<semaphore_mem>>
      %dma_start3A = arith.constant 0 : i32
      %dma_start3A_59 = tpu.memref_slice %arg6[%arg0, %add3A_50, %dma_start3A] : memref<2x10000x16xf32, #tpu.memory_space<hbm>> -> memref<1x125x16xf32, #tpu.memory_space<hbm>>
      %dma_start3A_60 = tpu.memref_squeeze %dma_start3A_59 : memref<1x125x16xf32, #tpu.memory_space<hbm>> -> memref<125x16xf32, #tpu.memory_space<hbm>>
      %dma_start3A_61 = arith.constant 0 : i32
      %dma_start3A_62 = tpu.memref_slice %arg6[%arg0, %add3A_50, %dma_start3A_61] : memref<2x10000x16xf32, #tpu.memory_space<hbm>> -> memref<1x125x16xf32, #tpu.memory_space<hbm>>
      %dma_start3A_63 = tpu.memref_squeeze %dma_start3A_62 : memref<1x125x16xf32, #tpu.memory_space<hbm>> -> memref<125x16xf32, #tpu.memory_space<hbm>>
      tpu.enqueue_dma source(%arg14 : memref<125x16xf32, #tpu.memory_space<vmem>>) target(%dma_start3A_63 : memref<125x16xf32, #tpu.memory_space<hbm>>) target_semaphore(%run_scoped3A : memref<!tpu.dma_semaphore, #tpu.memory_space<semaphore_mem>>)
      %dma_wait3A = arith.constant 0 : i32
      %dma_wait3A_64 = tpu.memref_slice %arg6[%arg0, %add3A_50, %dma_wait3A] : memref<2x10000x16xf32, #tpu.memory_space<hbm>> -> memref<1x125x16xf32, #tpu.memory_space<hbm>>
      %dma_wait3A_65 = tpu.memref_squeeze %dma_wait3A_64 : memref<1x125x16xf32, #tpu.memory_space<hbm>> -> memref<125x16xf32, #tpu.memory_space<hbm>>
      %dma_wait3A_66 = arith.constant 0 : i32
      %dma_wait3A_67 = tpu.memref_slice %arg6[%arg0, %add3A_50, %dma_wait3A_66] : memref<2x10000x16xf32, #tpu.memory_space<hbm>> -> memref<1x125x16xf32, #tpu.memory_space<hbm>>
      %dma_wait3A_68 = tpu.memref_squeeze %dma_wait3A_67 : memref<1x125x16xf32, #tpu.memory_space<hbm>> -> memref<125x16xf32, #tpu.memory_space<hbm>>
      tpu.wait_dma2 semaphore(%run_scoped3A : memref<!tpu.dma_semaphore, #tpu.memory_space<semaphore_mem>>) src(%arg14 : memref<125x16xf32, #tpu.memory_space<vmem>>) dst(%dma_wait3A_68 : memref<125x16xf32, #tpu.memory_space<hbm>>)
      tpu.yield
    }) : () -> ()
    %mul3A_51 = arith.constant 625 : i32
    %mul3A_52 = arith.muli %arg1, %mul3A_51 : i32
    %add3A_53 = arith.constant 375 : i32
    %add3A_54 = arith.addi %mul3A_52, %add3A_53 : i32
    "tpu.region"() ({
      %run_scoped3A = tpu.sem_alloc : memref<!tpu.dma_semaphore, #tpu.memory_space<semaphore_mem>>
      %dma_start3A = arith.constant 0 : i32
      %dma_start3A_59 = arith.constant 0 : i32
      %dma_start3A_60 = tpu.memref_slice %arg9[%dma_start3A, %dma_start3A_59] : memref<1024x32xf32, #tpu.memory_space<vmem>> -> memref<125x32xf32, #tpu.memory_space<vmem>>
      %dma_start3A_61 = arith.constant 0 : i32
      %dma_start3A_62 = tpu.memref_slice %arg7[%add3A_54, %dma_start3A_61] : memref<10000x32xf32, #tpu.memory_space<vmem_shared>> -> memref<125x32xf32, #tpu.memory_space<vmem_shared>>
      %dma_start3A_63 = arith.constant 0 : i32
      %dma_start3A_64 = arith.constant 0 : i32
      %dma_start3A_65 = tpu.memref_slice %arg9[%dma_start3A_63, %dma_start3A_64] : memref<1024x32xf32, #tpu.memory_space<vmem>> -> memref<125x32xf32, #tpu.memory_space<vmem>>
      %dma_start3A_66 = arith.constant 0 : i32
      %dma_start3A_67 = tpu.memref_slice %arg7[%add3A_54, %dma_start3A_66] : memref<10000x32xf32, #tpu.memory_space<vmem_shared>> -> memref<125x32xf32, #tpu.memory_space<vmem_shared>>
      tpu.enqueue_dma source(%dma_start3A_67 : memref<125x32xf32, #tpu.memory_space<vmem_shared>>) target(%dma_start3A_65 : memref<125x32xf32, #tpu.memory_space<vmem>>) target_semaphore(%run_scoped3A : memref<!tpu.dma_semaphore, #tpu.memory_space<semaphore_mem>>)
      %dma_wait3A = arith.constant 0 : i32
      %dma_wait3A_68 = arith.constant 0 : i32
      %dma_wait3A_69 = tpu.memref_slice %arg9[%dma_wait3A, %dma_wait3A_68] : memref<1024x32xf32, #tpu.memory_space<vmem>> -> memref<125x32xf32, #tpu.memory_space<vmem>>
      %dma_wait3A_70 = arith.constant 0 : i32
      %dma_wait3A_71 = tpu.memref_slice %arg7[%add3A_54, %dma_wait3A_70] : memref<10000x32xf32, #tpu.memory_space<vmem_shared>> -> memref<125x32xf32, #tpu.memory_space<vmem_shared>>
      %dma_wait3A_72 = arith.constant 0 : i32
      %dma_wait3A_73 = arith.constant 0 : i32
      %dma_wait3A_74 = tpu.memref_slice %arg9[%dma_wait3A_72, %dma_wait3A_73] : memref<1024x32xf32, #tpu.memory_space<vmem>> -> memref<125x32xf32, #tpu.memory_space<vmem>>
      %dma_wait3A_75 = arith.constant 0 : i32
      %dma_wait3A_76 = tpu.memref_slice %arg7[%add3A_54, %dma_wait3A_75] : memref<10000x32xf32, #tpu.memory_space<vmem_shared>> -> memref<125x32xf32, #tpu.memory_space<vmem_shared>>
      tpu.wait_dma2 semaphore(%run_scoped3A : memref<!tpu.dma_semaphore, #tpu.memory_space<semaphore_mem>>) src(%dma_wait3A_76 : memref<125x32xf32, #tpu.memory_space<vmem_shared>>) dst(%dma_wait3A_74 : memref<125x32xf32, #tpu.memory_space<vmem>>)
      tpu.yield
    }) : () -> ()
    "tpu.region"() ({
      %run_scoped3A = tpu.sem_alloc : memref<!tpu.dma_semaphore, #tpu.memory_space<semaphore_mem>>
      %dma_start3A = arith.constant 0 : i32
      %dma_start3A_59 = arith.constant 0 : i32
      %dma_start3A_60 = tpu.memref_slice %arg9[%dma_start3A, %dma_start3A_59] : memref<1024x32xf32, #tpu.memory_space<vmem>> -> memref<125x32xf32, #tpu.memory_space<vmem>>
      %dma_start3A_61 = arith.constant 0 : i32
      %dma_start3A_62 = tpu.memref_slice %arg5[%arg0, %add3A_54, %dma_start3A_61] : memref<2x10000x32xf32, #tpu.memory_space<hbm>> -> memref<1x125x32xf32, #tpu.memory_space<hbm>>
      %dma_start3A_63 = tpu.memref_squeeze %dma_start3A_62 : memref<1x125x32xf32, #tpu.memory_space<hbm>> -> memref<125x32xf32, #tpu.memory_space<hbm>>
      %dma_start3A_64 = arith.constant 0 : i32
      %dma_start3A_65 = tpu.memref_slice %arg5[%arg0, %add3A_54, %dma_start3A_64] : memref<2x10000x32xf32, #tpu.memory_space<hbm>> -> memref<1x125x32xf32, #tpu.memory_space<hbm>>
      %dma_start3A_66 = tpu.memref_squeeze %dma_start3A_65 : memref<1x125x32xf32, #tpu.memory_space<hbm>> -> memref<125x32xf32, #tpu.memory_space<hbm>>
      %dma_start3A_67 = arith.constant 0 : i32
      %dma_start3A_68 = arith.constant 0 : i32
      %dma_start3A_69 = tpu.memref_slice %arg9[%dma_start3A_67, %dma_start3A_68] : memref<1024x32xf32, #tpu.memory_space<vmem>> -> memref<125x32xf32, #tpu.memory_space<vmem>>
      tpu.enqueue_dma source(%dma_start3A_69 : memref<125x32xf32, #tpu.memory_space<vmem>>) target(%dma_start3A_66 : memref<125x32xf32, #tpu.memory_space<hbm>>) target_semaphore(%run_scoped3A : memref<!tpu.dma_semaphore, #tpu.memory_space<semaphore_mem>>)
      %dma_wait3A = arith.constant 0 : i32
      %dma_wait3A_70 = arith.constant 0 : i32
      %dma_wait3A_71 = tpu.memref_slice %arg9[%dma_wait3A, %dma_wait3A_70] : memref<1024x32xf32, #tpu.memory_space<vmem>> -> memref<125x32xf32, #tpu.memory_space<vmem>>
      %dma_wait3A_72 = arith.constant 0 : i32
      %dma_wait3A_73 = tpu.memref_slice %arg5[%arg0, %add3A_54, %dma_wait3A_72] : memref<2x10000x32xf32, #tpu.memory_space<hbm>> -> memref<1x125x32xf32, #tpu.memory_space<hbm>>
      %dma_wait3A_74 = tpu.memref_squeeze %dma_wait3A_73 : memref<1x125x32xf32, #tpu.memory_space<hbm>> -> memref<125x32xf32, #tpu.memory_space<hbm>>
      %dma_wait3A_75 = arith.constant 0 : i32
      %dma_wait3A_76 = tpu.memref_slice %arg5[%arg0, %add3A_54, %dma_wait3A_75] : memref<2x10000x32xf32, #tpu.memory_space<hbm>> -> memref<1x125x32xf32, #tpu.memory_space<hbm>>
      %dma_wait3A_77 = tpu.memref_squeeze %dma_wait3A_76 : memref<1x125x32xf32, #tpu.memory_space<hbm>> -> memref<125x32xf32, #tpu.memory_space<hbm>>
      %dma_wait3A_78 = arith.constant 0 : i32
      %dma_wait3A_79 = arith.constant 0 : i32
      %dma_wait3A_80 = tpu.memref_slice %arg9[%dma_wait3A_78, %dma_wait3A_79] : memref<1024x32xf32, #tpu.memory_space<vmem>> -> memref<125x32xf32, #tpu.memory_space<vmem>>
      tpu.wait_dma2 semaphore(%run_scoped3A : memref<!tpu.dma_semaphore, #tpu.memory_space<semaphore_mem>>) src(%dma_wait3A_80 : memref<125x32xf32, #tpu.memory_space<vmem>>) dst(%dma_wait3A_77 : memref<125x32xf32, #tpu.memory_space<hbm>>)
      tpu.yield
    }) : () -> ()
    "tpu.region"() ({
      %run_scoped3A = tpu.sem_alloc : memref<!tpu.dma_semaphore, #tpu.memory_space<semaphore_mem>>
      %dma_start3A = arith.constant 0 : i32
      %dma_start3A_59 = tpu.memref_slice %arg8[%add3A_54, %dma_start3A] : memref<10000x16xf32, #tpu.memory_space<vmem_shared>> -> memref<125x16xf32, #tpu.memory_space<vmem_shared>>
      %dma_start3A_60 = arith.constant 0 : i32
      %dma_start3A_61 = tpu.memref_slice %arg8[%add3A_54, %dma_start3A_60] : memref<10000x16xf32, #tpu.memory_space<vmem_shared>> -> memref<125x16xf32, #tpu.memory_space<vmem_shared>>
      tpu.enqueue_dma source(%dma_start3A_61 : memref<125x16xf32, #tpu.memory_space<vmem_shared>>) target(%arg14 : memref<125x16xf32, #tpu.memory_space<vmem>>) target_semaphore(%run_scoped3A : memref<!tpu.dma_semaphore, #tpu.memory_space<semaphore_mem>>)
      %dma_wait3A = arith.constant 0 : i32
      %dma_wait3A_62 = tpu.memref_slice %arg8[%add3A_54, %dma_wait3A] : memref<10000x16xf32, #tpu.memory_space<vmem_shared>> -> memref<125x16xf32, #tpu.memory_space<vmem_shared>>
      %dma_wait3A_63 = arith.constant 0 : i32
      %dma_wait3A_64 = tpu.memref_slice %arg8[%add3A_54, %dma_wait3A_63] : memref<10000x16xf32, #tpu.memory_space<vmem_shared>> -> memref<125x16xf32, #tpu.memory_space<vmem_shared>>
      tpu.wait_dma2 semaphore(%run_scoped3A : memref<!tpu.dma_semaphore, #tpu.memory_space<semaphore_mem>>) src(%dma_wait3A_64 : memref<125x16xf32, #tpu.memory_space<vmem_shared>>) dst(%arg14 : memref<125x16xf32, #tpu.memory_space<vmem>>)
      tpu.yield
    }) : () -> ()
    "tpu.region"() ({
      %run_scoped3A = tpu.sem_alloc : memref<!tpu.dma_semaphore, #tpu.memory_space<semaphore_mem>>
      %dma_start3A = arith.constant 0 : i32
      %dma_start3A_59 = tpu.memref_slice %arg6[%arg0, %add3A_54, %dma_start3A] : memref<2x10000x16xf32, #tpu.memory_space<hbm>> -> memref<1x125x16xf32, #tpu.memory_space<hbm>>
      %dma_start3A_60 = tpu.memref_squeeze %dma_start3A_59 : memref<1x125x16xf32, #tpu.memory_space<hbm>> -> memref<125x16xf32, #tpu.memory_space<hbm>>
      %dma_start3A_61 = arith.constant 0 : i32
      %dma_start3A_62 = tpu.memref_slice %arg6[%arg0, %add3A_54, %dma_start3A_61] : memref<2x10000x16xf32, #tpu.memory_space<hbm>> -> memref<1x125x16xf32, #tpu.memory_space<hbm>>
      %dma_start3A_63 = tpu.memref_squeeze %dma_start3A_62 : memref<1x125x16xf32, #tpu.memory_space<hbm>> -> memref<125x16xf32, #tpu.memory_space<hbm>>
      tpu.enqueue_dma source(%arg14 : memref<125x16xf32, #tpu.memory_space<vmem>>) target(%dma_start3A_63 : memref<125x16xf32, #tpu.memory_space<hbm>>) target_semaphore(%run_scoped3A : memref<!tpu.dma_semaphore, #tpu.memory_space<semaphore_mem>>)
      %dma_wait3A = arith.constant 0 : i32
      %dma_wait3A_64 = tpu.memref_slice %arg6[%arg0, %add3A_54, %dma_wait3A] : memref<2x10000x16xf32, #tpu.memory_space<hbm>> -> memref<1x125x16xf32, #tpu.memory_space<hbm>>
      %dma_wait3A_65 = tpu.memref_squeeze %dma_wait3A_64 : memref<1x125x16xf32, #tpu.memory_space<hbm>> -> memref<125x16xf32, #tpu.memory_space<hbm>>
      %dma_wait3A_66 = arith.constant 0 : i32
      %dma_wait3A_67 = tpu.memref_slice %arg6[%arg0, %add3A_54, %dma_wait3A_66] : memref<2x10000x16xf32, #tpu.memory_space<hbm>> -> memref<1x125x16xf32, #tpu.memory_space<hbm>>
      %dma_wait3A_68 = tpu.memref_squeeze %dma_wait3A_67 : memref<1x125x16xf32, #tpu.memory_space<hbm>> -> memref<125x16xf32, #tpu.memory_space<hbm>>
      tpu.wait_dma2 semaphore(%run_scoped3A : memref<!tpu.dma_semaphore, #tpu.memory_space<semaphore_mem>>) src(%arg14 : memref<125x16xf32, #tpu.memory_space<vmem>>) dst(%dma_wait3A_68 : memref<125x16xf32, #tpu.memory_space<hbm>>)
      tpu.yield
    }) : () -> ()
    %mul3A_55 = arith.constant 625 : i32
    %mul3A_56 = arith.muli %arg1, %mul3A_55 : i32
    %add3A_57 = arith.constant 500 : i32
    %add3A_58 = arith.addi %mul3A_56, %add3A_57 : i32
    "tpu.region"() ({
      %run_scoped3A = tpu.sem_alloc : memref<!tpu.dma_semaphore, #tpu.memory_space<semaphore_mem>>
      %dma_start3A = arith.constant 0 : i32
      %dma_start3A_59 = arith.constant 0 : i32
      %dma_start3A_60 = tpu.memref_slice %arg9[%dma_start3A, %dma_start3A_59] : memref<1024x32xf32, #tpu.memory_space<vmem>> -> memref<125x32xf32, #tpu.memory_space<vmem>>
      %dma_start3A_61 = arith.constant 0 : i32
      %dma_start3A_62 = tpu.memref_slice %arg7[%add3A_58, %dma_start3A_61] : memref<10000x32xf32, #tpu.memory_space<vmem_shared>> -> memref<125x32xf32, #tpu.memory_space<vmem_shared>>
      %dma_start3A_63 = arith.constant 0 : i32
      %dma_start3A_64 = arith.constant 0 : i32
      %dma_start3A_65 = tpu.memref_slice %arg9[%dma_start3A_63, %dma_start3A_64] : memref<1024x32xf32, #tpu.memory_space<vmem>> -> memref<125x32xf32, #tpu.memory_space<vmem>>
      %dma_start3A_66 = arith.constant 0 : i32
      %dma_start3A_67 = tpu.memref_slice %arg7[%add3A_58, %dma_start3A_66] : memref<10000x32xf32, #tpu.memory_space<vmem_shared>> -> memref<125x32xf32, #tpu.memory_space<vmem_shared>>
      tpu.enqueue_dma source(%dma_start3A_67 : memref<125x32xf32, #tpu.memory_space<vmem_shared>>) target(%dma_start3A_65 : memref<125x32xf32, #tpu.memory_space<vmem>>) target_semaphore(%run_scoped3A : memref<!tpu.dma_semaphore, #tpu.memory_space<semaphore_mem>>)
      %dma_wait3A = arith.constant 0 : i32
      %dma_wait3A_68 = arith.constant 0 : i32
      %dma_wait3A_69 = tpu.memref_slice %arg9[%dma_wait3A, %dma_wait3A_68] : memref<1024x32xf32, #tpu.memory_space<vmem>> -> memref<125x32xf32, #tpu.memory_space<vmem>>
      %dma_wait3A_70 = arith.constant 0 : i32
      %dma_wait3A_71 = tpu.memref_slice %arg7[%add3A_58, %dma_wait3A_70] : memref<10000x32xf32, #tpu.memory_space<vmem_shared>> -> memref<125x32xf32, #tpu.memory_space<vmem_shared>>
      %dma_wait3A_72 = arith.constant 0 : i32
      %dma_wait3A_73 = arith.constant 0 : i32
      %dma_wait3A_74 = tpu.memref_slice %arg9[%dma_wait3A_72, %dma_wait3A_73] : memref<1024x32xf32, #tpu.memory_space<vmem>> -> memref<125x32xf32, #tpu.memory_space<vmem>>
      %dma_wait3A_75 = arith.constant 0 : i32
      %dma_wait3A_76 = tpu.memref_slice %arg7[%add3A_58, %dma_wait3A_75] : memref<10000x32xf32, #tpu.memory_space<vmem_shared>> -> memref<125x32xf32, #tpu.memory_space<vmem_shared>>
      tpu.wait_dma2 semaphore(%run_scoped3A : memref<!tpu.dma_semaphore, #tpu.memory_space<semaphore_mem>>) src(%dma_wait3A_76 : memref<125x32xf32, #tpu.memory_space<vmem_shared>>) dst(%dma_wait3A_74 : memref<125x32xf32, #tpu.memory_space<vmem>>)
      tpu.yield
    }) : () -> ()
    "tpu.region"() ({
      %run_scoped3A = tpu.sem_alloc : memref<!tpu.dma_semaphore, #tpu.memory_space<semaphore_mem>>
      %dma_start3A = arith.constant 0 : i32
      %dma_start3A_59 = arith.constant 0 : i32
      %dma_start3A_60 = tpu.memref_slice %arg9[%dma_start3A, %dma_start3A_59] : memref<1024x32xf32, #tpu.memory_space<vmem>> -> memref<125x32xf32, #tpu.memory_space<vmem>>
      %dma_start3A_61 = arith.constant 0 : i32
      %dma_start3A_62 = tpu.memref_slice %arg5[%arg0, %add3A_58, %dma_start3A_61] : memref<2x10000x32xf32, #tpu.memory_space<hbm>> -> memref<1x125x32xf32, #tpu.memory_space<hbm>>
      %dma_start3A_63 = tpu.memref_squeeze %dma_start3A_62 : memref<1x125x32xf32, #tpu.memory_space<hbm>> -> memref<125x32xf32, #tpu.memory_space<hbm>>
      %dma_start3A_64 = arith.constant 0 : i32
      %dma_start3A_65 = tpu.memref_slice %arg5[%arg0, %add3A_58, %dma_start3A_64] : memref<2x10000x32xf32, #tpu.memory_space<hbm>> -> memref<1x125x32xf32, #tpu.memory_space<hbm>>
      %dma_start3A_66 = tpu.memref_squeeze %dma_start3A_65 : memref<1x125x32xf32, #tpu.memory_space<hbm>> -> memref<125x32xf32, #tpu.memory_space<hbm>>
      %dma_start3A_67 = arith.constant 0 : i32
      %dma_start3A_68 = arith.constant 0 : i32
      %dma_start3A_69 = tpu.memref_slice %arg9[%dma_start3A_67, %dma_start3A_68] : memref<1024x32xf32, #tpu.memory_space<vmem>> -> memref<125x32xf32, #tpu.memory_space<vmem>>
      tpu.enqueue_dma source(%dma_start3A_69 : memref<125x32xf32, #tpu.memory_space<vmem>>) target(%dma_start3A_66 : memref<125x32xf32, #tpu.memory_space<hbm>>) target_semaphore(%run_scoped3A : memref<!tpu.dma_semaphore, #tpu.memory_space<semaphore_mem>>)
      %dma_wait3A = arith.constant 0 : i32
      %dma_wait3A_70 = arith.constant 0 : i32
      %dma_wait3A_71 = tpu.memref_slice %arg9[%dma_wait3A, %dma_wait3A_70] : memref<1024x32xf32, #tpu.memory_space<vmem>> -> memref<125x32xf32, #tpu.memory_space<vmem>>
      %dma_wait3A_72 = arith.constant 0 : i32
      %dma_wait3A_73 = tpu.memref_slice %arg5[%arg0, %add3A_58, %dma_wait3A_72] : memref<2x10000x32xf32, #tpu.memory_space<hbm>> -> memref<1x125x32xf32, #tpu.memory_space<hbm>>
      %dma_wait3A_74 = tpu.memref_squeeze %dma_wait3A_73 : memref<1x125x32xf32, #tpu.memory_space<hbm>> -> memref<125x32xf32, #tpu.memory_space<hbm>>
      %dma_wait3A_75 = arith.constant 0 : i32
      %dma_wait3A_76 = tpu.memref_slice %arg5[%arg0, %add3A_58, %dma_wait3A_75] : memref<2x10000x32xf32, #tpu.memory_space<hbm>> -> memref<1x125x32xf32, #tpu.memory_space<hbm>>
      %dma_wait3A_77 = tpu.memref_squeeze %dma_wait3A_76 : memref<1x125x32xf32, #tpu.memory_space<hbm>> -> memref<125x32xf32, #tpu.memory_space<hbm>>
      %dma_wait3A_78 = arith.constant 0 : i32
      %dma_wait3A_79 = arith.constant 0 : i32
      %dma_wait3A_80 = tpu.memref_slice %arg9[%dma_wait3A_78, %dma_wait3A_79] : memref<1024x32xf32, #tpu.memory_space<vmem>> -> memref<125x32xf32, #tpu.memory_space<vmem>>
      tpu.wait_dma2 semaphore(%run_scoped3A : memref<!tpu.dma_semaphore, #tpu.memory_space<semaphore_mem>>) src(%dma_wait3A_80 : memref<125x32xf32, #tpu.memory_space<vmem>>) dst(%dma_wait3A_77 : memref<125x32xf32, #tpu.memory_space<hbm>>)
      tpu.yield
    }) : () -> ()
    "tpu.region"() ({
      %run_scoped3A = tpu.sem_alloc : memref<!tpu.dma_semaphore, #tpu.memory_space<semaphore_mem>>
      %dma_start3A = arith.constant 0 : i32
      %dma_start3A_59 = tpu.memref_slice %arg8[%add3A_58, %dma_start3A] : memref<10000x16xf32, #tpu.memory_space<vmem_shared>> -> memref<125x16xf32, #tpu.memory_space<vmem_shared>>
      %dma_start3A_60 = arith.constant 0 : i32
      %dma_start3A_61 = tpu.memref_slice %arg8[%add3A_58, %dma_start3A_60] : memref<10000x16xf32, #tpu.memory_space<vmem_shared>> -> memref<125x16xf32, #tpu.memory_space<vmem_shared>>
      tpu.enqueue_dma source(%dma_start3A_61 : memref<125x16xf32, #tpu.memory_space<vmem_shared>>) target(%arg14 : memref<125x16xf32, #tpu.memory_space<vmem>>) target_semaphore(%run_scoped3A : memref<!tpu.dma_semaphore, #tpu.memory_space<semaphore_mem>>)
      %dma_wait3A = arith.constant 0 : i32
      %dma_wait3A_62 = tpu.memref_slice %arg8[%add3A_58, %dma_wait3A] : memref<10000x16xf32, #tpu.memory_space<vmem_shared>> -> memref<125x16xf32, #tpu.memory_space<vmem_shared>>
      %dma_wait3A_63 = arith.constant 0 : i32
      %dma_wait3A_64 = tpu.memref_slice %arg8[%add3A_58, %dma_wait3A_63] : memref<10000x16xf32, #tpu.memory_space<vmem_shared>> -> memref<125x16xf32, #tpu.memory_space<vmem_shared>>
      tpu.wait_dma2 semaphore(%run_scoped3A : memref<!tpu.dma_semaphore, #tpu.memory_space<semaphore_mem>>) src(%dma_wait3A_64 : memref<125x16xf32, #tpu.memory_space<vmem_shared>>) dst(%arg14 : memref<125x16xf32, #tpu.memory_space<vmem>>)
      tpu.yield
    }) : () -> ()
    "tpu.region"() ({
      %run_scoped3A = tpu.sem_alloc : memref<!tpu.dma_semaphore, #tpu.memory_space<semaphore_mem>>
      %dma_start3A = arith.constant 0 : i32
      %dma_start3A_59 = tpu.memref_slice %arg6[%arg0, %add3A_58, %dma_start3A] : memref<2x10000x16xf32, #tpu.memory_space<hbm>> -> memref<1x125x16xf32, #tpu.memory_space<hbm>>
      %dma_start3A_60 = tpu.memref_squeeze %dma_start3A_59 : memref<1x125x16xf32, #tpu.memory_space<hbm>> -> memref<125x16xf32, #tpu.memory_space<hbm>>
      %dma_start3A_61 = arith.constant 0 : i32
      %dma_start3A_62 = tpu.memref_slice %arg6[%arg0, %add3A_58, %dma_start3A_61] : memref<2x10000x16xf32, #tpu.memory_space<hbm>> -> memref<1x125x16xf32, #tpu.memory_space<hbm>>
      %dma_start3A_63 = tpu.memref_squeeze %dma_start3A_62 : memref<1x125x16xf32, #tpu.memory_space<hbm>> -> memref<125x16xf32, #tpu.memory_space<hbm>>
      tpu.enqueue_dma source(%arg14 : memref<125x16xf32, #tpu.memory_space<vmem>>) target(%dma_start3A_63 : memref<125x16xf32, #tpu.memory_space<hbm>>) target_semaphore(%run_scoped3A : memref<!tpu.dma_semaphore, #tpu.memory_space<semaphore_mem>>)
      %dma_wait3A = arith.constant 0 : i32
      %dma_wait3A_64 = tpu.memref_slice %arg6[%arg0, %add3A_58, %dma_wait3A] : memref<2x10000x16xf32, #tpu.memory_space<hbm>> -> memref<1x125x16xf32, #tpu.memory_space<hbm>>
      %dma_wait3A_65 = tpu.memref_squeeze %dma_wait3A_64 : memref<1x125x16xf32, #tpu.memory_space<hbm>> -> memref<125x16xf32, #tpu.memory_space<hbm>>
      %dma_wait3A_66 = arith.constant 0 : i32
      %dma_wait3A_67 = tpu.memref_slice %arg6[%arg0, %add3A_58, %dma_wait3A_66] : memref<2x10000x16xf32, #tpu.memory_space<hbm>> -> memref<1x125x16xf32, #tpu.memory_space<hbm>>
      %dma_wait3A_68 = tpu.memref_squeeze %dma_wait3A_67 : memref<1x125x16xf32, #tpu.memory_space<hbm>> -> memref<125x16xf32, #tpu.memory_space<hbm>>
      tpu.wait_dma2 semaphore(%run_scoped3A : memref<!tpu.dma_semaphore, #tpu.memory_space<semaphore_mem>>) src(%arg14 : memref<125x16xf32, #tpu.memory_space<vmem>>) dst(%dma_wait3A_68 : memref<125x16xf32, #tpu.memory_space<hbm>>)
      tpu.yield
    }) : () -> ()
    return
  }
}

module attributes {stable_mosaic.version = 14 : i64} {
  func.func @_node_body(%arg0: memref<10000x128xf32, #tpu.memory_space<vmem>>, %arg1: memref<1x10000xi32, #tpu.memory_space<vmem>>, %arg2: memref<128x32xf32, #tpu.memory_space<vmem>>, %arg3: memref<1x32xf32, #tpu.memory_space<vmem>>, %arg4: memref<1x32xf32, #tpu.memory_space<vmem>>, %arg5: memref<32x32xf32, #tpu.memory_space<vmem>>, %arg6: memref<1x32xf32, #tpu.memory_space<vmem>>, %arg7: memref<1x32xf32, #tpu.memory_space<vmem>>, %arg8: memref<32x16xf32, #tpu.memory_space<vmem>>, %arg9: memref<1x16xf32, #tpu.memory_space<vmem>>, %arg10: memref<64x32xf32, #tpu.memory_space<vmem>>, %arg11: memref<10000x32xf32, #tpu.memory_space<vmem>>, %arg12: memref<10000x32xf32, #tpu.memory_space<vmem>>, %arg13: memref<10000x16xf32, #tpu.memory_space<vmem>>, %arg14: memref<128x16xf32, #tpu.memory_space<vmem>>) attributes {dimension_semantics = [], scalar_prefetch = 0 : i64, scratch_operands = 0 : i64, tpu.core_type = #tpu.core_type<tc>} {
    %get3A = arith.constant 0 : index
    %get3A_0 = arith.constant 0 : index
    %get3A_1 = vector.load %arg0[%get3A, %get3A_0] : memref<10000x128xf32, #tpu.memory_space<vmem>>, vector<10000x128xf32>
    %get3A_2 = arith.constant 0 : index
    %get3A_3 = arith.constant 0 : index
    %get3A_4 = vector.load %arg2[%get3A_2, %get3A_3] : memref<128x32xf32, #tpu.memory_space<vmem>>, vector<128x32xf32>
    %dot_general3A = arith.constant dense<0.000000e+00> : vector<10000x32xf32>
    %dot_general3A_5 = tpu.matmul %get3A_1, %get3A_4, %dot_general3A {dimension_numbers = #tpu.dot_dimension_numbers<[1], [0], [0], [1], [0, 0, 1, 1], [], []>, transpose_lhs_hint = false} : vector<10000x128xf32>, vector<128x32xf32>, vector<10000x32xf32> -> vector<10000x32xf32>
    %get3A_6 = arith.constant 0 : index
    %get3A_7 = arith.constant 0 : index
    %get3A_8 = vector.load %arg3[%get3A_6, %get3A_7] : memref<1x32xf32, #tpu.memory_space<vmem>>, vector<1x32xf32>
    %get3A_9 = arith.constant 0 : index
    %get3A_10 = arith.constant 0 : index
    %get3A_11 = vector.load %arg4[%get3A_9, %get3A_10] : memref<1x32xf32, #tpu.memory_space<vmem>>, vector<1x32xf32>
    %reduce_sum3A = arith.constant dense<0.000000e+00> : vector<32xf32>
    %reduce_sum3A_12 = vector.multi_reduction <add>, %dot_general3A_5, %reduce_sum3A [0] : vector<10000x32xf32> to vector<32xf32>
    %broadcast_in_dim3A = vector.shape_cast %reduce_sum3A_12 : vector<32xf32> to vector<1x32xf32>
    %div3A = arith.constant 1.000000e+04 : f32
    %div3A_13 = vector.broadcast %div3A : f32 to vector<1x32xf32>
    %div3A_14 = arith.divf %broadcast_in_dim3A, %div3A_13 : vector<1x32xf32>
    %sub3A = vector.broadcast %div3A_14 : vector<1x32xf32> to vector<10000x32xf32>
    %sub3A_15 = arith.subf %dot_general3A_5, %sub3A : vector<10000x32xf32>
    %sub3A_16 = vector.broadcast %div3A_14 : vector<1x32xf32> to vector<10000x32xf32>
    %sub3A_17 = arith.subf %dot_general3A_5, %sub3A_16 : vector<10000x32xf32>
    %mul3A = arith.mulf %sub3A_15, %sub3A_17 : vector<10000x32xf32>
    %reduce_sum3A_18 = arith.constant dense<0.000000e+00> : vector<32xf32>
    %reduce_sum3A_19 = vector.multi_reduction <add>, %mul3A, %reduce_sum3A_18 [0] : vector<10000x32xf32> to vector<32xf32>
    %broadcast_in_dim3A_20 = vector.shape_cast %reduce_sum3A_19 : vector<32xf32> to vector<1x32xf32>
    %div3A_21 = arith.constant 1.000000e+04 : f32
    %div3A_22 = vector.broadcast %div3A_21 : f32 to vector<1x32xf32>
    %div3A_23 = arith.divf %broadcast_in_dim3A_20, %div3A_22 : vector<1x32xf32>
    %sub3A_24 = vector.broadcast %div3A_14 : vector<1x32xf32> to vector<10000x32xf32>
    %sub3A_25 = arith.subf %dot_general3A_5, %sub3A_24 : vector<10000x32xf32>
    %add3A = arith.constant 9.99999974E-6 : f32
    %add3A_26 = vector.broadcast %add3A : f32 to vector<1x32xf32>
    %add3A_27 = arith.addf %div3A_23, %add3A_26 : vector<1x32xf32>
    %sqrt3A = math.sqrt %add3A_27 : vector<1x32xf32>
    %div3A_28 = arith.divf %get3A_8, %sqrt3A : vector<1x32xf32>
    %mul3A_29 = vector.broadcast %div3A_28 : vector<1x32xf32> to vector<10000x32xf32>
    %mul3A_30 = arith.mulf %sub3A_25, %mul3A_29 : vector<10000x32xf32>
    %add3A_31 = vector.broadcast %get3A_11 : vector<1x32xf32> to vector<10000x32xf32>
    %add3A_32 = arith.addf %mul3A_30, %add3A_31 : vector<10000x32xf32>
    %max3A = arith.constant 0.000000e+00 : f32
    %max3A_33 = vector.broadcast %max3A : f32 to vector<10000x32xf32>
    %max3A_34 = arith.maximumf %add3A_32, %max3A_33 : vector<10000x32xf32>
    %get3A_35 = arith.constant 0 : index
    %get3A_36 = arith.constant 0 : index
    %get3A_37 = vector.load %arg5[%get3A_35, %get3A_36] : memref<32x32xf32, #tpu.memory_space<vmem>>, vector<32x32xf32>
    %dot_general3A_38 = arith.constant dense<0.000000e+00> : vector<10000x32xf32>
    %dot_general3A_39 = tpu.matmul %max3A_34, %get3A_37, %dot_general3A_38 {dimension_numbers = #tpu.dot_dimension_numbers<[1], [0], [0], [1], [0, 0, 1, 1], [], []>, transpose_lhs_hint = false} : vector<10000x32xf32>, vector<32x32xf32>, vector<10000x32xf32> -> vector<10000x32xf32>
    %get3A_40 = arith.constant 0 : index
    %get3A_41 = arith.constant 0 : index
    %get3A_42 = vector.load %arg6[%get3A_40, %get3A_41] : memref<1x32xf32, #tpu.memory_space<vmem>>, vector<1x32xf32>
    %get3A_43 = arith.constant 0 : index
    %get3A_44 = arith.constant 0 : index
    %get3A_45 = vector.load %arg7[%get3A_43, %get3A_44] : memref<1x32xf32, #tpu.memory_space<vmem>>, vector<1x32xf32>
    %reduce_sum3A_46 = arith.constant dense<0.000000e+00> : vector<32xf32>
    %reduce_sum3A_47 = vector.multi_reduction <add>, %dot_general3A_39, %reduce_sum3A_46 [0] : vector<10000x32xf32> to vector<32xf32>
    %broadcast_in_dim3A_48 = vector.shape_cast %reduce_sum3A_47 : vector<32xf32> to vector<1x32xf32>
    %div3A_49 = arith.constant 1.000000e+04 : f32
    %div3A_50 = vector.broadcast %div3A_49 : f32 to vector<1x32xf32>
    %div3A_51 = arith.divf %broadcast_in_dim3A_48, %div3A_50 : vector<1x32xf32>
    %sub3A_52 = vector.broadcast %div3A_51 : vector<1x32xf32> to vector<10000x32xf32>
    %sub3A_53 = arith.subf %dot_general3A_39, %sub3A_52 : vector<10000x32xf32>
    %sub3A_54 = vector.broadcast %div3A_51 : vector<1x32xf32> to vector<10000x32xf32>
    %sub3A_55 = arith.subf %dot_general3A_39, %sub3A_54 : vector<10000x32xf32>
    %mul3A_56 = arith.mulf %sub3A_53, %sub3A_55 : vector<10000x32xf32>
    %reduce_sum3A_57 = arith.constant dense<0.000000e+00> : vector<32xf32>
    %reduce_sum3A_58 = vector.multi_reduction <add>, %mul3A_56, %reduce_sum3A_57 [0] : vector<10000x32xf32> to vector<32xf32>
    %broadcast_in_dim3A_59 = vector.shape_cast %reduce_sum3A_58 : vector<32xf32> to vector<1x32xf32>
    %div3A_60 = arith.constant 1.000000e+04 : f32
    %div3A_61 = vector.broadcast %div3A_60 : f32 to vector<1x32xf32>
    %div3A_62 = arith.divf %broadcast_in_dim3A_59, %div3A_61 : vector<1x32xf32>
    %sub3A_63 = vector.broadcast %div3A_51 : vector<1x32xf32> to vector<10000x32xf32>
    %sub3A_64 = arith.subf %dot_general3A_39, %sub3A_63 : vector<10000x32xf32>
    %add3A_65 = arith.constant 9.99999974E-6 : f32
    %add3A_66 = vector.broadcast %add3A_65 : f32 to vector<1x32xf32>
    %add3A_67 = arith.addf %div3A_62, %add3A_66 : vector<1x32xf32>
    %sqrt3A_68 = math.sqrt %add3A_67 : vector<1x32xf32>
    %div3A_69 = arith.divf %get3A_42, %sqrt3A_68 : vector<1x32xf32>
    %mul3A_70 = vector.broadcast %div3A_69 : vector<1x32xf32> to vector<10000x32xf32>
    %mul3A_71 = arith.mulf %sub3A_64, %mul3A_70 : vector<10000x32xf32>
    %add3A_72 = vector.broadcast %get3A_45 : vector<1x32xf32> to vector<10000x32xf32>
    %add3A_73 = arith.addf %mul3A_71, %add3A_72 : vector<10000x32xf32>
    %max3A_74 = arith.constant 0.000000e+00 : f32
    %max3A_75 = vector.broadcast %max3A_74 : f32 to vector<10000x32xf32>
    %max3A_76 = arith.maximumf %add3A_73, %max3A_75 : vector<10000x32xf32>
    %get3A_77 = arith.constant 0 : index
    %get3A_78 = arith.constant 0 : index
    %get3A_79 = vector.load %arg10[%get3A_77, %get3A_78] : memref<64x32xf32, #tpu.memory_space<vmem>>, vector<64x32xf32>
    %slice3A = vector.extract_strided_slice %get3A_79 {offsets = [0, 0], sizes = [32, 32], strides = [1, 1]} : vector<64x32xf32> to vector<32x32xf32>
    %slice3A_80 = vector.extract_strided_slice %get3A_79 {offsets = [32, 0], sizes = [32, 32], strides = [1, 1]} : vector<64x32xf32> to vector<32x32xf32>
    %sub3A_81 = arith.subf %slice3A, %slice3A_80 : vector<32x32xf32>
    %dot_general3A_82 = arith.constant dense<0.000000e+00> : vector<10000x32xf32>
    %dot_general3A_83 = tpu.matmul %max3A_76, %sub3A_81, %dot_general3A_82 {dimension_numbers = #tpu.dot_dimension_numbers<[1], [0], [0], [1], [0, 0, 1, 1], [], []>, transpose_lhs_hint = false} : vector<10000x32xf32>, vector<32x32xf32>, vector<10000x32xf32> -> vector<10000x32xf32>
    %swap3A = arith.constant 0 : index
    %swap3A_84 = arith.constant 0 : index
    %swap3A_85 = vector.load %arg11[%swap3A, %swap3A_84] : memref<10000x32xf32, #tpu.memory_space<vmem>>, vector<10000x32xf32>
    tpu.vector_store %arg11[%swap3A, %swap3A_84], %dot_general3A_83 {strides = array<i32>} : memref<10000x32xf32, #tpu.memory_space<vmem>>, vector<10000x32xf32>,
    %dot_general3A_86 = arith.constant dense<0.000000e+00> : vector<10000x32xf32>
    %dot_general3A_87 = tpu.matmul %max3A_76, %slice3A_80, %dot_general3A_86 {dimension_numbers = #tpu.dot_dimension_numbers<[1], [0], [0], [1], [0, 0, 1, 1], [], []>, transpose_lhs_hint = false} : vector<10000x32xf32>, vector<32x32xf32>, vector<10000x32xf32> -> vector<10000x32xf32>
    %swap3A_88 = arith.constant 0 : index
    %swap3A_89 = arith.constant 0 : index
    %swap3A_90 = vector.load %arg12[%swap3A_88, %swap3A_89] : memref<10000x32xf32, #tpu.memory_space<vmem>>, vector<10000x32xf32>
    tpu.vector_store %arg12[%swap3A_88, %swap3A_89], %dot_general3A_87 {strides = array<i32>} : memref<10000x32xf32, #tpu.memory_space<vmem>>, vector<10000x32xf32>,
    %get3A_91 = arith.constant 0 : index
    %get3A_92 = arith.constant 0 : index
    %get3A_93 = vector.load %arg8[%get3A_91, %get3A_92] : memref<32x16xf32, #tpu.memory_space<vmem>>, vector<32x16xf32>
    %dot_general3A_94 = arith.constant dense<0.000000e+00> : vector<10000x16xf32>
    %dot_general3A_95 = tpu.matmul %max3A_76, %get3A_93, %dot_general3A_94 {dimension_numbers = #tpu.dot_dimension_numbers<[1], [0], [0], [1], [0, 0, 1, 1], [], []>, transpose_lhs_hint = false} : vector<10000x32xf32>, vector<32x16xf32>, vector<10000x16xf32> -> vector<10000x16xf32>
    %get3A_96 = arith.constant 0 : index
    %get3A_97 = arith.constant 0 : index
    %get3A_98 = vector.load %arg9[%get3A_96, %get3A_97] : memref<1x16xf32, #tpu.memory_space<vmem>>, vector<1x16xf32>
    %add3A_99 = vector.broadcast %get3A_98 : vector<1x16xf32> to vector<10000x16xf32>
    %add3A_100 = arith.addf %dot_general3A_95, %add3A_99 : vector<10000x16xf32>
    %swap3A_101 = arith.constant 0 : index
    %swap3A_102 = arith.constant 0 : index
    %swap3A_103 = vector.load %arg13[%swap3A_101, %swap3A_102] : memref<10000x16xf32, #tpu.memory_space<vmem>>, vector<10000x16xf32>
    tpu.vector_store %arg13[%swap3A_101, %swap3A_102], %add3A_100 {strides = array<i32>} : memref<10000x16xf32, #tpu.memory_space<vmem>>, vector<10000x16xf32>,
    %get3A_104 = arith.constant 0 : index
    %get3A_105 = arith.constant 0 : index
    %get3A_106 = vector.load %arg1[%get3A_104, %get3A_105] : memref<1x10000xi32, #tpu.memory_space<vmem>>, vector<1x10000xi32>
    %iota3A = tpu.iota {dimensions = array<i32: 0>} : vector<128x10000xi32>
    %eq3A = vector.broadcast %get3A_106 : vector<1x10000xi32> to vector<128x10000xi32>
    %eq3A_107 = arith.cmpi eq, %iota3A, %eq3A : vector<128x10000xi32>
    %convert_element_type3A = arith.extui %eq3A_107 : vector<128x10000xi1> to vector<128x10000xi32>
    %convert_element_type3A_108 = arith.sitofp %convert_element_type3A : vector<128x10000xi32> to vector<128x10000xf32>
    %dot_general3A_109 = arith.constant dense<0.000000e+00> : vector<128x16xf32>
    %dot_general3A_110 = tpu.matmul %convert_element_type3A_108, %add3A_100, %dot_general3A_109 {dimension_numbers = #tpu.dot_dimension_numbers<[1], [0], [0], [1], [0, 0, 1, 1], [], []>, transpose_lhs_hint = false} : vector<128x10000xf32>, vector<10000x16xf32>, vector<128x16xf32> -> vector<128x16xf32>
    %reduce_sum3A_111 = arith.constant dense<0.000000e+00> : vector<128xf32>
    %reduce_sum3A_112 = vector.multi_reduction <add>, %convert_element_type3A_108, %reduce_sum3A_111 [1] : vector<128x10000xf32> to vector<128xf32>
    %broadcast_in_dim3A_113 = vector.shape_cast %reduce_sum3A_112 : vector<128xf32> to vector<128x1xf32>
    %max3A_114 = arith.constant 1.000000e+00 : f32
    %max3A_115 = vector.broadcast %max3A_114 : f32 to vector<128x1xf32>
    %max3A_116 = arith.maximumf %broadcast_in_dim3A_113, %max3A_115 : vector<128x1xf32>
    %div3A_117 = vector.broadcast %max3A_116 : vector<128x1xf32> to vector<128x16xf32>
    %div3A_118 = arith.divf %dot_general3A_110, %div3A_117 : vector<128x16xf32>
    %swap3A_119 = arith.constant 0 : index
    %swap3A_120 = arith.constant 0 : index
    %swap3A_121 = vector.load %arg14[%swap3A_119, %swap3A_120] : memref<128x16xf32, #tpu.memory_space<vmem>>, vector<128x16xf32>
    tpu.vector_store %arg14[%swap3A_119, %swap3A_120], %div3A_118 {strides = array<i32>} : memref<128x16xf32, #tpu.memory_space<vmem>>, vector<128x16xf32>,
    return
  }
}

module attributes {stable_mosaic.version = 14 : i64} {
  func.func @_emlp_body(%arg0: i32, %arg1: memref<32x2x32xf32, #tpu.memory_space<vmem>>, %arg2: memref<1x32xf32, #tpu.memory_space<vmem>>, %arg3: memref<1x32xf32, #tpu.memory_space<vmem>>, %arg4: memref<1x32xf32, #tpu.memory_space<vmem>>, %arg5: memref<1x32xf32, #tpu.memory_space<vmem>>, %arg6: memref<32x32xf32, #tpu.memory_space<vmem>>, %arg7: memref<4000x32xf32, #tpu.memory_space<vmem>>, %arg8: memref<4000x32xf32, #tpu.memory_space<vmem>>, %arg9: memref<2x32xf32, #tpu.memory_space<vmem>>, %arg10: memref<2x32xf32, #tpu.memory_space<vmem>>) attributes {dimension_semantics = [#tpu.dimension_semantics<arbitrary>], iteration_bounds = array<i64: 80>, scalar_prefetch = 0 : i64, scratch_operands = 1 : i64, tpu.core_type = #tpu.core_type<tc>, window_params = [{pipeline_mode = #tpu.pipeline_mode<synchronous>, transform_indices = @transform_0, window_bounds = array<i64: 32, 2, 32>}, {pipeline_mode = #tpu.pipeline_mode<synchronous>, transform_indices = @transform_1, window_bounds = array<i64: 1, 32>}, {pipeline_mode = #tpu.pipeline_mode<synchronous>, transform_indices = @transform_2, window_bounds = array<i64: 1, 32>}, {pipeline_mode = #tpu.pipeline_mode<synchronous>, transform_indices = @transform_3, window_bounds = array<i64: 1, 32>}, {pipeline_mode = #tpu.pipeline_mode<synchronous>, transform_indices = @transform_4, window_bounds = array<i64: 1, 32>}, {pipeline_mode = #tpu.pipeline_mode<synchronous>, transform_indices = @transform_5, window_bounds = array<i64: 32, 32>}, {transform_indices = @transform_6, window_bounds = array<i64: 4000, 32>}, {transform_indices = @transform_7, window_bounds = array<i64: 4000, 32>}, {pipeline_mode = #tpu.pipeline_mode<synchronous>, transform_indices = @transform_8, window_bounds = array<i64: 2, 32>}]} {
    %get3A = arith.constant 0 : index
    %get3A_0 = arith.constant 0 : index
    %get3A_1 = arith.constant 0 : index
    %get3A_2 = vector.load %arg1[%get3A, %get3A_0, %get3A_1] : memref<32x2x32xf32, #tpu.memory_space<vmem>>, vector<32x2x32xf32>
    %reduce_sum3A = arith.constant dense<0.000000e+00> : vector<2x32xf32>
    %reduce_sum3A_3 = vector.multi_reduction <add>, %get3A_2, %reduce_sum3A [0] : vector<32x2x32xf32> to vector<2x32xf32>
    %slice3A = vector.extract_strided_slice %reduce_sum3A_3 {offsets = [0, 0], sizes = [1, 32], strides = [1, 1]} : vector<2x32xf32> to vector<1x32xf32>
    %div3A = arith.constant 3.200000e+05 : f32
    %div3A_4 = vector.broadcast %div3A : f32 to vector<1x32xf32>
    %div3A_5 = arith.divf %slice3A, %div3A_4 : vector<1x32xf32>
    %slice3A_6 = vector.extract_strided_slice %reduce_sum3A_3 {offsets = [1, 0], sizes = [1, 32], strides = [1, 1]} : vector<2x32xf32> to vector<1x32xf32>
    %div3A_7 = arith.constant 3.200000e+05 : f32
    %div3A_8 = vector.broadcast %div3A_7 : f32 to vector<1x32xf32>
    %div3A_9 = arith.divf %slice3A_6, %div3A_8 : vector<1x32xf32>
    %mul3A = arith.mulf %div3A_5, %div3A_5 : vector<1x32xf32>
    %sub3A = arith.subf %div3A_9, %mul3A : vector<1x32xf32>
    %get3A_10 = arith.constant 0 : index
    %get3A_11 = arith.constant 0 : index
    %get3A_12 = vector.load %arg2[%get3A_10, %get3A_11] : memref<1x32xf32, #tpu.memory_space<vmem>>, vector<1x32xf32>
    %add3A = arith.constant 9.99999974E-6 : f32
    %add3A_13 = vector.broadcast %add3A : f32 to vector<1x32xf32>
    %add3A_14 = arith.addf %sub3A, %add3A_13 : vector<1x32xf32>
    %sqrt3A = math.sqrt %add3A_14 : vector<1x32xf32>
    %div3A_15 = arith.divf %get3A_12, %sqrt3A : vector<1x32xf32>
    %get3A_16 = arith.constant 0 : index
    %get3A_17 = arith.constant 0 : index
    %get3A_18 = vector.load %arg3[%get3A_16, %get3A_17] : memref<1x32xf32, #tpu.memory_space<vmem>>, vector<1x32xf32>
    %mul3A_19 = arith.mulf %div3A_5, %div3A_15 : vector<1x32xf32>
    %sub3A_20 = arith.subf %get3A_18, %mul3A_19 : vector<1x32xf32>
    %get3A_21 = arith.constant 0 : index
    %get3A_22 = arith.constant 0 : index
    %get3A_23 = vector.load %arg7[%get3A_21, %get3A_22] : memref<4000x32xf32, #tpu.memory_space<vmem>>, vector<4000x32xf32>
    %mul3A_24 = vector.broadcast %div3A_15 : vector<1x32xf32> to vector<4000x32xf32>
    %mul3A_25 = arith.mulf %get3A_23, %mul3A_24 : vector<4000x32xf32>
    %add3A_26 = vector.broadcast %sub3A_20 : vector<1x32xf32> to vector<4000x32xf32>
    %add3A_27 = arith.addf %mul3A_25, %add3A_26 : vector<4000x32xf32>
    %max3A = arith.constant 0.000000e+00 : f32
    %max3A_28 = vector.broadcast %max3A : f32 to vector<4000x32xf32>
    %max3A_29 = arith.maximumf %add3A_27, %max3A_28 : vector<4000x32xf32>
    %get3A_30 = arith.constant 0 : index
    %get3A_31 = arith.constant 0 : index
    %get3A_32 = vector.load %arg6[%get3A_30, %get3A_31] : memref<32x32xf32, #tpu.memory_space<vmem>>, vector<32x32xf32>
    %dot_general3A = arith.constant dense<0.000000e+00> : vector<4000x32xf32>
    %dot_general3A_33 = tpu.matmul %max3A_29, %get3A_32, %dot_general3A {dimension_numbers = #tpu.dot_dimension_numbers<[1], [0], [0], [1], [0, 0, 1, 1], [], []>, transpose_lhs_hint = false} : vector<4000x32xf32>, vector<32x32xf32>, vector<4000x32xf32> -> vector<4000x32xf32>
    %swap3A = arith.constant 0 : index
    %swap3A_34 = arith.constant 0 : index
    %swap3A_35 = vector.load %arg8[%swap3A, %swap3A_34] : memref<4000x32xf32, #tpu.memory_space<vmem>>, vector<4000x32xf32>
    tpu.vector_store %arg8[%swap3A, %swap3A_34], %dot_general3A_33 {strides = array<i32>} : memref<4000x32xf32, #tpu.memory_space<vmem>>, vector<4000x32xf32>,
    %reduce_sum3A_36 = arith.constant dense<0.000000e+00> : vector<32xf32>
    %reduce_sum3A_37 = vector.multi_reduction <add>, %dot_general3A_33, %reduce_sum3A_36 [0] : vector<4000x32xf32> to vector<32xf32>
    %broadcast_in_dim3A = vector.shape_cast %reduce_sum3A_37 : vector<32xf32> to vector<1x32xf32>
    %mul3A_38 = arith.mulf %dot_general3A_33, %dot_general3A_33 : vector<4000x32xf32>
    %reduce_sum3A_39 = arith.constant dense<0.000000e+00> : vector<32xf32>
    %reduce_sum3A_40 = vector.multi_reduction <add>, %mul3A_38, %reduce_sum3A_39 [0] : vector<4000x32xf32> to vector<32xf32>
    %broadcast_in_dim3A_41 = vector.shape_cast %reduce_sum3A_40 : vector<32xf32> to vector<1x32xf32>
    %concatenate3A = tpu.concatenate %broadcast_in_dim3A, %broadcast_in_dim3A_41 in 0 : vector<1x32xf32>, vector<1x32xf32> -> vector<2x32xf32>
    %eq3A = arith.constant 0 : i32
    %eq3A_42 = arith.cmpi eq, %arg0, %eq3A : i32
    %convert_element_type3A = arith.extui %eq3A_42 : i1 to i32
    %cond3A = arith.constant 0 : i32
    %cond3A_43 = arith.cmpi ne, %convert_element_type3A, %cond3A : i32
    scf.if %cond3A_43 {
      %broadcast_in_dim3A_56 = arith.constant 0.000000e+00 : f32
      %broadcast_in_dim3A_57 = vector.broadcast %broadcast_in_dim3A_56 : f32 to vector<2x32xf32>
      %swap3A_58 = arith.constant 0 : index
      %swap3A_59 = arith.constant 0 : index
      %swap3A_60 = vector.load %arg10[%swap3A_58, %swap3A_59] : memref<2x32xf32, #tpu.memory_space<vmem>>, vector<2x32xf32>
      tpu.vector_store %arg10[%swap3A_58, %swap3A_59], %broadcast_in_dim3A_57 {strides = array<i32>} : memref<2x32xf32, #tpu.memory_space<vmem>>, vector<2x32xf32>,
    } else {
    }
    %get3A_44 = arith.constant 0 : index
    %get3A_45 = arith.constant 0 : index
    %get3A_46 = vector.load %arg10[%get3A_44, %get3A_45] : memref<2x32xf32, #tpu.memory_space<vmem>>, vector<2x32xf32>
    %add3A_47 = arith.addf %get3A_46, %concatenate3A : vector<2x32xf32>
    %swap3A_48 = arith.constant 0 : index
    %swap3A_49 = arith.constant 0 : index
    %swap3A_50 = vector.load %arg10[%swap3A_48, %swap3A_49] : memref<2x32xf32, #tpu.memory_space<vmem>>, vector<2x32xf32>
    tpu.vector_store %arg10[%swap3A_48, %swap3A_49], %add3A_47 {strides = array<i32>} : memref<2x32xf32, #tpu.memory_space<vmem>>, vector<2x32xf32>,
    %eq3A_51 = arith.constant 79 : i32
    %eq3A_52 = arith.cmpi eq, %arg0, %eq3A_51 : i32
    %convert_element_type3A_53 = arith.extui %eq3A_52 : i1 to i32
    %cond3A_54 = arith.constant 0 : i32
    %cond3A_55 = arith.cmpi ne, %convert_element_type3A_53, %cond3A_54 : i32
    scf.if %cond3A_55 {
      %get3A_56 = arith.constant 0 : index
      %get3A_57 = arith.constant 0 : index
      %get3A_58 = vector.load %arg10[%get3A_56, %get3A_57] : memref<2x32xf32, #tpu.memory_space<vmem>>, vector<2x32xf32>
      %slice3A_59 = vector.extract_strided_slice %get3A_58 {offsets = [0, 0], sizes = [1, 32], strides = [1, 1]} : vector<2x32xf32> to vector<1x32xf32>
      %div3A_60 = arith.constant 3.200000e+05 : f32
      %div3A_61 = vector.broadcast %div3A_60 : f32 to vector<1x32xf32>
      %div3A_62 = arith.divf %slice3A_59, %div3A_61 : vector<1x32xf32>
      %slice3A_63 = vector.extract_strided_slice %get3A_58 {offsets = [1, 0], sizes = [1, 32], strides = [1, 1]} : vector<2x32xf32> to vector<1x32xf32>
      %div3A_64 = arith.constant 3.200000e+05 : f32
      %div3A_65 = vector.broadcast %div3A_64 : f32 to vector<1x32xf32>
      %div3A_66 = arith.divf %slice3A_63, %div3A_65 : vector<1x32xf32>
      %mul3A_67 = arith.mulf %div3A_62, %div3A_62 : vector<1x32xf32>
      %sub3A_68 = arith.subf %div3A_66, %mul3A_67 : vector<1x32xf32>
      %get3A_69 = arith.constant 0 : index
      %get3A_70 = arith.constant 0 : index
      %get3A_71 = vector.load %arg4[%get3A_69, %get3A_70] : memref<1x32xf32, #tpu.memory_space<vmem>>, vector<1x32xf32>
      %add3A_72 = arith.constant 9.99999974E-6 : f32
      %add3A_73 = vector.broadcast %add3A_72 : f32 to vector<1x32xf32>
      %add3A_74 = arith.addf %sub3A_68, %add3A_73 : vector<1x32xf32>
      %sqrt3A_75 = math.sqrt %add3A_74 : vector<1x32xf32>
      %div3A_76 = arith.divf %get3A_71, %sqrt3A_75 : vector<1x32xf32>
      %get3A_77 = arith.constant 0 : index
      %get3A_78 = arith.constant 0 : index
      %get3A_79 = vector.load %arg5[%get3A_77, %get3A_78] : memref<1x32xf32, #tpu.memory_space<vmem>>, vector<1x32xf32>
      %mul3A_80 = arith.mulf %div3A_62, %div3A_76 : vector<1x32xf32>
      %sub3A_81 = arith.subf %get3A_79, %mul3A_80 : vector<1x32xf32>
      %concatenate3A_82 = tpu.concatenate %div3A_76, %sub3A_81 in 0 : vector<1x32xf32>, vector<1x32xf32> -> vector<2x32xf32>
      %swap3A_83 = arith.constant 0 : index
      %swap3A_84 = arith.constant 0 : index
      %swap3A_85 = vector.load %arg9[%swap3A_83, %swap3A_84] : memref<2x32xf32, #tpu.memory_space<vmem>>, vector<2x32xf32>
      tpu.vector_store %arg9[%swap3A_83, %swap3A_84], %concatenate3A_82 {strides = array<i32>} : memref<2x32xf32, #tpu.memory_space<vmem>>, vector<2x32xf32>,
    } else {
    }
    return
  }
  func.func @transform_0(%arg0: i32) -> (i32, i32, i32) {
    %c0_i32 = arith.constant 0 : i32
    %c0_i32_0 = arith.constant 0 : i32
    %c0_i32_1 = arith.constant 0 : i32
    %c0_i32_2 = arith.constant 0 : i32
    return %c0_i32, %c0_i32_0, %c0_i32_1 : i32, i32, i32
  }
  func.func @transform_1(%arg0: i32) -> (i32, i32) {
    %c0_i32 = arith.constant 0 : i32
    %c0_i32_0 = arith.constant 0 : i32
    %c0_i32_1 = arith.constant 0 : i32
    return %c0_i32, %c0_i32_0 : i32, i32
  }
  func.func @transform_2(%arg0: i32) -> (i32, i32) {
    %c0_i32 = arith.constant 0 : i32
    %c0_i32_0 = arith.constant 0 : i32
    %c0_i32_1 = arith.constant 0 : i32
    return %c0_i32, %c0_i32_0 : i32, i32
  }
  func.func @transform_3(%arg0: i32) -> (i32, i32) {
    %c0_i32 = arith.constant 0 : i32
    %c0_i32_0 = arith.constant 0 : i32
    %c0_i32_1 = arith.constant 0 : i32
    return %c0_i32, %c0_i32_0 : i32, i32
  }
  func.func @transform_4(%arg0: i32) -> (i32, i32) {
    %c0_i32 = arith.constant 0 : i32
    %c0_i32_0 = arith.constant 0 : i32
    %c0_i32_1 = arith.constant 0 : i32
    return %c0_i32, %c0_i32_0 : i32, i32
  }
  func.func @transform_5(%arg0: i32) -> (i32, i32) {
    %c0_i32 = arith.constant 0 : i32
    %c0_i32_0 = arith.constant 0 : i32
    %c0_i32_1 = arith.constant 0 : i32
    return %c0_i32, %c0_i32_0 : i32, i32
  }
  func.func @transform_6(%arg0: i32) -> (i32, i32) {
    %c0_i32 = arith.constant 0 : i32
    %c0_i32_0 = arith.constant 0 : i32
    return %arg0, %c0_i32 : i32, i32
  }
  func.func @transform_7(%arg0: i32) -> (i32, i32) {
    %c0_i32 = arith.constant 0 : i32
    %c0_i32_0 = arith.constant 0 : i32
    return %arg0, %c0_i32 : i32, i32
  }
  func.func @transform_8(%arg0: i32) -> (i32, i32) {
    %c0_i32 = arith.constant 0 : i32
    %c0_i32_0 = arith.constant 0 : i32
    %c0_i32_1 = arith.constant 0 : i32
    return %c0_i32, %c0_i32_0 : i32, i32
  }
}

module attributes {stable_mosaic.version = 14 : i64} {
  func.func @_final_body(%arg0: memref<2x10000x32xf32, #tpu.memory_space<vmem>>, %arg1: memref<2x10000x16xf32, #tpu.memory_space<vmem>>, %arg2: memref<10000x16xf32, #tpu.memory_space<vmem>>, %arg3: memref<1x10000xi32, #tpu.memory_space<vmem>>, %arg4: memref<32x16xf32, #tpu.memory_space<vmem>>, %arg5: memref<1x16xf32, #tpu.memory_space<vmem>>, %arg6: memref<128x16xf32, #tpu.memory_space<vmem>>, %arg7: memref<128x16xf32, #tpu.memory_space<vmem>>, %arg8: memref<10000x16xf32, #tpu.memory_space<vmem>>) attributes {dimension_semantics = [], scalar_prefetch = 0 : i64, scratch_operands = 0 : i64, tpu.core_type = #tpu.core_type<tc>} {
    %get3A = arith.constant 0 : index
    %get3A_0 = arith.constant 0 : index
    %get3A_1 = arith.constant 0 : index
    %get3A_2 = vector.load %arg0[%get3A, %get3A_0, %get3A_1] : memref<2x10000x32xf32, #tpu.memory_space<vmem>>, vector<1x10000x32xf32>
    %get3A_3 = vector.shape_cast %get3A_2 : vector<1x10000x32xf32> to vector<10000x32xf32>
    %get3A_4 = arith.constant 1 : index
    %get3A_5 = arith.constant 0 : index
    %get3A_6 = arith.constant 0 : index
    %get3A_7 = vector.load %arg0[%get3A_4, %get3A_5, %get3A_6] : memref<2x10000x32xf32, #tpu.memory_space<vmem>>, vector<1x10000x32xf32>
    %get3A_8 = vector.shape_cast %get3A_7 : vector<1x10000x32xf32> to vector<10000x32xf32>
    %add3A = arith.addf %get3A_3, %get3A_8 : vector<10000x32xf32>
    %get3A_9 = arith.constant 0 : index
    %get3A_10 = arith.constant 0 : index
    %get3A_11 = arith.constant 0 : index
    %get3A_12 = vector.load %arg1[%get3A_9, %get3A_10, %get3A_11] : memref<2x10000x16xf32, #tpu.memory_space<vmem>>, vector<1x10000x1xf32>
    %get3A_13 = vector.shape_cast %get3A_12 : vector<1x10000x1xf32> to vector<10000x1xf32>
    %get3A_14 = arith.constant 1 : index
    %get3A_15 = arith.constant 0 : index
    %get3A_16 = arith.constant 0 : index
    %get3A_17 = vector.load %arg1[%get3A_14, %get3A_15, %get3A_16] : memref<2x10000x16xf32, #tpu.memory_space<vmem>>, vector<1x10000x1xf32>
    %get3A_18 = vector.shape_cast %get3A_17 : vector<1x10000x1xf32> to vector<10000x1xf32>
    %add3A_19 = arith.addf %get3A_13, %get3A_18 : vector<10000x1xf32>
    %max3A = arith.constant 1.000000e+00 : f32
    %max3A_20 = vector.broadcast %max3A : f32 to vector<10000x1xf32>
    %max3A_21 = arith.maximumf %add3A_19, %max3A_20 : vector<10000x1xf32>
    %div3A = vector.broadcast %max3A_21 : vector<10000x1xf32> to vector<10000x32xf32>
    %div3A_22 = arith.divf %add3A, %div3A : vector<10000x32xf32>
    %get3A_23 = arith.constant 0 : index
    %get3A_24 = arith.constant 0 : index
    %get3A_25 = vector.load %arg4[%get3A_23, %get3A_24] : memref<32x16xf32, #tpu.memory_space<vmem>>, vector<32x16xf32>
    %dot_general3A = arith.constant dense<0.000000e+00> : vector<10000x16xf32>
    %dot_general3A_26 = tpu.matmul %div3A_22, %get3A_25, %dot_general3A {dimension_numbers = #tpu.dot_dimension_numbers<[1], [0], [0], [1], [0, 0, 1, 1], [], []>, transpose_lhs_hint = false} : vector<10000x32xf32>, vector<32x16xf32>, vector<10000x16xf32> -> vector<10000x16xf32>
    %get3A_27 = arith.constant 0 : index
    %get3A_28 = arith.constant 0 : index
    %get3A_29 = vector.load %arg5[%get3A_27, %get3A_28] : memref<1x16xf32, #tpu.memory_space<vmem>>, vector<1x16xf32>
    %add3A_30 = vector.broadcast %get3A_29 : vector<1x16xf32> to vector<10000x16xf32>
    %add3A_31 = arith.addf %dot_general3A_26, %add3A_30 : vector<10000x16xf32>
    %get3A_32 = arith.constant 0 : index
    %get3A_33 = arith.constant 0 : index
    %get3A_34 = vector.load %arg2[%get3A_32, %get3A_33] : memref<10000x16xf32, #tpu.memory_space<vmem>>, vector<10000x16xf32>
    %add3A_35 = arith.addf %get3A_34, %add3A_31 : vector<10000x16xf32>
    %swap3A = arith.constant 0 : index
    %swap3A_36 = arith.constant 0 : index
    %swap3A_37 = vector.load %arg8[%swap3A, %swap3A_36] : memref<10000x16xf32, #tpu.memory_space<vmem>>, vector<10000x16xf32>
    tpu.vector_store %arg8[%swap3A, %swap3A_36], %add3A_35 {strides = array<i32>} : memref<10000x16xf32, #tpu.memory_space<vmem>>, vector<10000x16xf32>,
    %get3A_38 = arith.constant 0 : index
    %get3A_39 = arith.constant 0 : index
    %get3A_40 = vector.load %arg3[%get3A_38, %get3A_39] : memref<1x10000xi32, #tpu.memory_space<vmem>>, vector<1x10000xi32>
    %iota3A = tpu.iota {dimensions = array<i32: 0>} : vector<128x10000xi32>
    %eq3A = vector.broadcast %get3A_40 : vector<1x10000xi32> to vector<128x10000xi32>
    %eq3A_41 = arith.cmpi eq, %iota3A, %eq3A : vector<128x10000xi32>
    %convert_element_type3A = arith.extui %eq3A_41 : vector<128x10000xi1> to vector<128x10000xi32>
    %convert_element_type3A_42 = arith.sitofp %convert_element_type3A : vector<128x10000xi32> to vector<128x10000xf32>
    %dot_general3A_43 = arith.constant dense<0.000000e+00> : vector<128x16xf32>
    %dot_general3A_44 = tpu.matmul %convert_element_type3A_42, %add3A_31, %dot_general3A_43 {dimension_numbers = #tpu.dot_dimension_numbers<[1], [0], [0], [1], [0, 0, 1, 1], [], []>, transpose_lhs_hint = false} : vector<128x10000xf32>, vector<10000x16xf32>, vector<128x16xf32> -> vector<128x16xf32>
    %reduce_sum3A = arith.constant dense<0.000000e+00> : vector<128xf32>
    %reduce_sum3A_45 = vector.multi_reduction <add>, %convert_element_type3A_42, %reduce_sum3A [1] : vector<128x10000xf32> to vector<128xf32>
    %broadcast_in_dim3A = vector.shape_cast %reduce_sum3A_45 : vector<128xf32> to vector<128x1xf32>
    %get3A_46 = arith.constant 0 : index
    %get3A_47 = arith.constant 0 : index
    %get3A_48 = vector.load %arg6[%get3A_46, %get3A_47] : memref<128x16xf32, #tpu.memory_space<vmem>>, vector<128x16xf32>
    %max3A_49 = arith.constant 1.000000e+00 : f32
    %max3A_50 = vector.broadcast %max3A_49 : f32 to vector<128x1xf32>
    %max3A_51 = arith.maximumf %broadcast_in_dim3A, %max3A_50 : vector<128x1xf32>
    %div3A_52 = vector.broadcast %max3A_51 : vector<128x1xf32> to vector<128x16xf32>
    %div3A_53 = arith.divf %dot_general3A_44, %div3A_52 : vector<128x16xf32>
    %add3A_54 = arith.addf %get3A_48, %div3A_53 : vector<128x16xf32>
    %swap3A_55 = arith.constant 0 : index
    %swap3A_56 = arith.constant 0 : index
    %swap3A_57 = vector.load %arg7[%swap3A_55, %swap3A_56] : memref<128x16xf32, #tpu.memory_space<vmem>>, vector<128x16xf32>
    tpu.vector_store %arg7[%swap3A_55, %swap3A_56], %add3A_54 {strides = array<i32>} : memref<128x16xf32, #tpu.memory_space<vmem>>, vector<128x16xf32>,
    return
  }
}

</mosaic_0001>

<sc_bundles>
// kernel: kernel.10.cloned.1.call-start
scs
__scs_entry_jumppad:
0x0: {  	(pc) =	sbr.rel $0x88, $3  }
0x1: {  	(tag) =	ssettag $0x0;
	lr =	simm.s32 $0x1  }
0x2: {  	[smem:$0x3F8E] =	sst lr;
	_ =	strace $0xD0000000  }
0x3: {  	_ = 	snop  }
0x4: {  	_ = 	snop  }
0x5: {  	_ = 	snop  }
0x6: {  	_ = 	snop  }
0x7: {  	_ = 	snop  }
__scs_overlays_trampoline_lowered:
0x8: {  	[smem:$0x3F9D] =	sst s0  }
0x9: {  	[smem:$0x3F9E] =	sst s1  }
0xa: {  	[smem:$0x3F9F] =	sst s2  }
0xb: {  	[smem:$0x3FA0] =	sst s3  }
0xc: {  	[smem:$0x3FA1] =	sst s4  }
0xd: {  	[smem:$0x3FA2] =	sst s5  }
0xe: {  	[smem:$0x3FA3] =	sst s6  }
0xf: {  	[smem:$0x3FA4] =	sst s7  }
0x10: {  	[smem:$0x3FA5] =	sst s8  }
0x11: {  	[smem:$0x3FA6] =	sst s9;
	s0 =	simm.s32 @!p0 $0x0  }
0x12: {  	s1 =	sld [smem:$0x3F8C];
	s0 =	simm.s32 @p0 $0x1  }
0x13: {  	[smem:$0x3FA7] =	sst s0;
	s0 =	simm.s32 @!p1 $0x0  }
0x14: {  	s2 =	sld [smem:$0x3F8B];
	s0 =	simm.s32 @p1 $0x1  }
0x15: {  	[smem:$0x3FA8] =	sst s0;
	s0 =	simm.s32 @!p2 $0x0  }
0x16: {  	s3 =	sld [smem:$0x3FDB];
	s0 =	simm.s32 @p2 $0x1  }
0x17: {  	s4 =	simm.s32 $0x1BF5;
	[smem:$0x3FAA] =	sst s0  }
0x18: {  	s0 =	sld [smem:$0x3F8D];
	_ =	swait.ge [sflag:s4], $0x0  }
0x19: {  	s7 =	sld [smem:$0x3F8E]  }
0x1a: {  	s8 =	sadd.s32 $0xFFFFE003, lr  }
0x1b: {  	s9 =	sadd.s32 $0xFFFFFEF7, lr;
	s5 =	simm.s32 $0xFFFFFFFF;
	p2 =	slt.u32 s8, $0xFFFFF086  }
0x1c: {  	p1 =	slt.u32 s9, $0xF7A;
	s5 =	simm.s32 @!p2 $0x0  }
0x1d: {  	s5 =	simm.s32 @p1 $0x1;
	p0 =	seq.s32 s7, s2  }
0x1e: {  	s7 =	smul.u32 @!p0 $0xF7A, s2;
	p2 =	seq.s32 @!p0 s5, $0x0  }
0x1f: {  	s9 =	smul.u32 $0xF7A, s1;
	s8 =	simm.s32 @!p0 $0x1BF5;
	p2 =	por !p2, p0  }
0x20: {  	[sflag:s8] =	ssyncset.s32 @!p0 $0xFFFFF086;
	s6 =	sadd.s32 @!p0 s3, s7;
	s7 =	simm.s32 @!p0 $0x108  }
0x21: {  	s3 =	sadd.s32 s3, s9;
	s6 =	sadd.s32 @!p0 $0x88, s6;
	s7 =	simm.s32 @p2 $0x1082  }
0x22: {  	[simem:s7], [sflag:s8] =	dma.local @!p0 [hbm:s6], $0xF7A  }
0x23: {  	s9 =	sor.u32 $0xD0000000, s2;
	s6 =	simm.s32 $0x108;
	_ =	swait.ge @!p0 [sflag:s8], $0x0  }
0x24: {  	s3 =	sadd.s32 $0x88, s3;
	s6 =	simm.s32 @!p1 $0x1082;
	[sflag:s4] =	ssyncset.s32 $0xFFFFF086  }
0x25: {  	[simem:s6], [sflag:s4] =	dma.local [hbm:s3], $0xF7A  }
0x26: {  	[smem:$0x3F8E] =	sst s1;
	(tag) =	ssettag s2;
	_ =	strace s9  }
0x27: {  	s1 =	sld [smem:$0x3F9E]  }
0x28: {  	s2 =	sld [smem:$0x3F9F]  }
0x29: {  	s4 =	sld [smem:$0x3FA1]  }
0x2a: {  	p0 =	seq.s32 s5, $0x0;
	s5 =	sld [smem:$0x3FA2]  }
0x2b: {  	s6 =	sld [smem:$0x3FA3]  }
0x2c: {  	s7 =	sld [smem:$0x3FA4]  }
0x2d: {  	s3 =	simm.s32 $0x108;
	s8 =	sld [smem:$0x3FA5]  }
0x2e: {  	s3 =	simm.s32 @!p0 $0x1082;
	s9 =	sld [smem:$0x3FA6]  }
0x2f: {  	lr =	sadd.s32 s0, s3;
	s0 =	sld [smem:$0x3F9D]  }
0x30: {  	s3 =	sld [smem:$0x3FA0]  }
0x31: {  	[smem:$0x3FA9] =	sst s10  }
0x32: {  	s10 =	sld [smem:$0x3FA7];
	_ =	sdelay $0x3  }
0x33: {  	p0 =	seq.s32 s10, $0x1;
	s10 =	sld [smem:$0x3FA9];
	_ =	sdelay $0x3  }
0x34: {  	[smem:$0x3FA9] =	sst s10  }
0x35: {  	s10 =	sld [smem:$0x3FA8];
	_ =	sdelay $0x3  }
0x36: {  	p1 =	seq.s32 s10, $0x1;
	s10 =	sld [smem:$0x3FA9];
	_ =	sdelay $0x3  }
0x37: {  	[smem:$0x3FA9] =	sst s10  }
0x38: {  	s10 =	sld [smem:$0x3FAA]  }
0x39: {  	_ = 	snop;
	(pc) =	sbr.ind lr, $3  }
0x3a: {  	_ = 	snop  }
0x3b: {  	_ = 	snop  }
0x3c: {  	p2 =	seq.s32 s10, $0x1;
	s10 =	sld [smem:$0x3FA9]  }
0x3d: {  	_ =	shalt  }
0x3e: {  	_ =	shalt  }
0x3f: {  	_ =	shalt  }
0x40: {  	_ =	shalt  }
0x41: {  	_ =	shalt  }
0x42: {  	_ =	shalt  }
0x43: {  	_ =	shalt  }
0x44: {  	_ =	shalt  }
0x45: {  	_ =	shalt  }
0x46: {  	_ =	shalt  }
0x47: {  	_ =	shalt  }
0x48: {  	_ =	shalt  }
0x49: {  	_ =	shalt  }
0x4a: {  	_ =	shalt  }
0x4b: {  	_ =	shalt  }
0x4c: {  	_ =	shalt  }
0x4d: {  	_ =	shalt  }
0x4e: {  	_ =	shalt  }
0x4f: {  	_ =	shalt  }
0x50: {  	_ =	shalt  }
0x51: {  	_ =	shalt  }
0x52: {  	_ =	shalt  }
0x53: {  	_ =	shalt  }
0x54: {  	_ =	shalt  }
0x55: {  	_ =	shalt  }
0x56: {  	_ =	shalt  }
0x57: {  	_ =	shalt  }
0x58: {  	_ =	shalt  }
0x59: {  	_ =	shalt  }
0x5a: {  	_ =	shalt  }
0x5b: {  	_ =	shalt  }
0x5c: {  	_ =	shalt  }
0x5d: {  	_ =	shalt  }
0x5e: {  	_ =	shalt  }
0x5f: {  	_ =	shalt  }
0x60: {  	_ =	shalt  }
0x61: {  	_ =	shalt  }
0x62: {  	_ =	shalt  }
0x63: {  	_ =	shalt  }
0x64: {  	_ =	shalt  }
0x65: {  	_ =	shalt  }
0x66: {  	_ =	shalt  }
0x67: {  	_ =	shalt  }
0x68: {  	_ =	shalt  }
0x69: {  	_ =	shalt  }
0x6a: {  	_ =	shalt  }
0x6b: {  	_ =	shalt  }
0x6c: {  	_ =	shalt  }
0x6d: {  	_ =	shalt  }
0x6e: {  	_ =	shalt  }
0x6f: {  	_ =	shalt  }
0x70: {  	_ =	shalt  }
0x71: {  	_ =	shalt  }
0x72: {  	_ =	shalt  }
0x73: {  	_ =	shalt  }
0x74: {  	_ =	shalt  }
0x75: {  	_ =	shalt  }
0x76: {  	_ =	shalt  }
0x77: {  	_ =	shalt  }
0x78: {  	_ =	shalt  }
0x79: {  	_ =	shalt  }
0x7a: {  	_ =	shalt  }
0x7b: {  	_ =	shalt  }
0x7c: {  	_ =	shalt  }
0x7d: {  	_ =	shalt  }
0x7e: {  	_ =	shalt  }
0x7f: {  	_ =	shalt  }
0x80: {  	_ =	shalt  }
0x81: {  	_ =	shalt  }
0x82: {  	_ =	shalt  }
0x83: {  	_ =	shalt  }
0x84: {  	_ =	shalt  }
0x85: {  	_ =	shalt  }
0x86: {  	_ =	shalt  }
0x87: {  	_ =	shalt  }
.Lfunc_end0:
.L_simem_size_0:
called_computation.1_lowered:
.L_overlay_start_0:
0x88: {  	s2 =	sld [smem:$0x3FD9]  }
0x89: {  	s3 =	sld [smem:$0x3FFE];
	_ =	sdelay $0x1  }
0x8a: {  	s1 =	srdreg.scid  }
0x8b: {  	s0 =	sand.u32 $0x1, s1  }
0x8c: {  	s14 =	sshll.u32 s0, $0xA;
	s2 =	sadd.s32 s3, s2  }
0x8d: {  	s2 =	sadd.s32 s2, s14  }
0x8e: {  	[smem:$0x3FB5] =	sst s2  }
0x8f: {  	_ = 	snop  }
0x90: {  	s2 =	sld [smem:$0x3FD0];
	_ =	sdelay $0x2  }
0x91: {  	s15 =	simm.s32 $0xA;
	s4 =	simm.s32 $0x10  }
0x92: {  	[smem:s4], [sflag:s15] =	dma.local [hbm:s2], $0x1  }
0x93: {  	_ =	swait.eq [sflag:s15], $0x1  }
0x94: {  	[sflag:s15] =	ssyncset.done $0x0  }
0x95: {  	[sflag:s15] =	ssyncadd.s32 $0xFFFFFFFF  }
0x96: {  	s16 =	sld [smem:$0x10];
	(tm) =	ssettm $0x1  }
0x97: {  	s17 =	sld [smem:$0x3FFB];
	_ =	sdelay $0x3  }
0x98: {  	_ =	strace s17  }
0x99: {  	s3 =	sld [smem:$0x3FFC];
	_ =	sdelay $0x3  }
0x9a: {  	_ =	strace s3  }
0x9b: {  	s3 =	sld [smem:$0x3FFD];
	_ =	sdelay $0x3  }
0x9c: {  	_ =	strace s3  }
0x9d: {  	_ =	strace $0x8FFFFFFF  }
0x9e: {  	s18 =	sld [smem:$0x3FDB];
	_ =	sdelay $0x1  }
0x9f: {  	s19 =	simm.s32 $_scs_section_size  }
0xa0: {  	s5 =	simm.s32 $_size__tile_overlayer_lowered;
	s6 =	simm.s32 $_tile_overlayer_lowered  }
0xa1: {  	s22 =	simm.s32 $0x1BFF;
	s21 =	sshll.u32 s6, $0x1;
	s3 =	sadd.s32 s19, s18  }
0xa2: {  	s7 =	simm.s32 $0x0;
	s20 =	sshll.u32 s5, $0x1;
	s5 =	sadd.s32 s21, s3  }
0xa3: {  	[timem:s7], [sflag:s22] =	dma.local [hbm:s5], s20  }
0xa4: {  	_ =	swait.ge [sflag:s22], s20  }
0xa5: {  	s4 =	ssub.s32 $0x0, s20;
	[sflag:s22] =	ssyncset.done $0x0  }
0xa6: {  	[sflag:s22] =	ssyncadd.s32 s4;
	_ =	sdelay $0x1  }
0xa7: {  	s23 =	simm.s32 $0x1B8B  }
0xa8: {  	_ =	swait.ge [sflag:s23], $0x1  }
0xa9: {  	[sflag:s23] =	ssyncset.done $0x0  }
0xaa: {  	s25 =	simm.s32 $0x1B8E;
	s24 =	sld [smem:$0x3FFE];
	[sflag:s23] =	ssyncadd.s32 $0xFFFFFFFF  }
0xab: {  	s26 =	simm.s32 $execute0_lowered;
	[smem:$0x3FD2] =	sst s25  }
0xac: {  	s5 =	sshll.u32 s26, $0x1;
	_ =	strace $0x80000049;
	[dreg:$0x1] =	wrdreg $0xFFFFFFFF  }
0xad: {  	s28 =	simm.s32 $_size_execute0_lowered;
	s3 =	sadd.s32 s3, s5;
	[dreg:$0x0] =	wrdreg $0x0  }
0xae: {  	s5 =	sshll.u32 s28, $0x1;
	[dreg:$0x2] =	wrdreg s3  }
0xaf: {  	[dreg:$0x3] =	wrdreg s5  }
0xb0: {  	[dreg:$0x4] =	wrdreg $0xC0  }
0xb1: {  	_ =	task [dreg:s7], $0x5FFFF  }
0xb2: {  	[dreg:$0x1] =	wrdreg $0xFFFFFFFF  }
0xb3: {  	[dreg:$0x0] =	wrdreg $0x60  }
0xb4: {  	[dreg:$0x2] =	wrdreg s24  }
0xb5: {  	[dreg:$0x3] =	wrdreg s16  }
0xb6: {  	[dreg:$0x4] =	wrdreg $0x0  }
0xb7: {  	[dreg:$0x5] =	wrdreg $0x4E200  }
0xb8: {  	[dreg:$0x6] =	wrdreg $0x9  }
0xb9: {  	_ =	task.clear_ibuf [dreg:s7], $0x7FFFF;
	_ =	strace $0x90000049  }
0xba: {  	s29 =	simm.s32 $0x9;
	_ =	strace $0x8000004B  }
0xbb: {  	_ =	swait.ge [sflag:s29], $0x1  }
0xbc: {  	[sflag:s29] =	ssyncadd.s32 $0xFFFFFFFF  }
0xbd: {  	_ =	strace $0x9000004B  }
0xbe: {  	_ =	sfence  }
0xbf: {  	s30 =	sld [smem:$0x0];
	_ =	sdelay $0x2  }
0xc0: {  	s31 =	sshll.u32 s1, $0xD;
	s1 =	sshrl.u32 s1, $0x2  }
0xc1: {  	s3 =	sand.u32 $0x4000, s31;
	s1 =	sadd.s32 s1, s30  }
0xc2: {  	s0 =	sor.u32 s3, s0;
	s1 =	sshll.u32 s1, $0x11  }
0xc3: {  	s0 =	sor.u32 s1, s0  }
0xc4: {  	s0 =	sadd.s32 $0x8F2B, s0  }
0xc5: {  	[sflag:s0] =	ssyncadd.remote.s32 $0x1  }
0xc6: {  	_ =	sfence.sel $0xFFFF  }
0xc7: {  	[dreg:$0x0] =	wrdreg $0xFFFFFFFF;
	(pc) =	sbr.abs _section_cstart, $3  }
0xc8: {  	[dreg:$0x1] =	wrdreg $0xFFFFFFFF  }
0xc9: {  	_ =	task.clear_ibuf [dreg:s7], $0x2FFFF;
	_ =	strace $0x9FFFFFFF  }
0xca: {  	(tm) =	ssettm $0x7FFFFFFF  }
0xcb: {  	_ =	shalt  }
tec
execute0_lowered:
.L_overlay_start_1:
0x0: {  	(tag) =	ssettag $0x1  }
0x1: {  	s3 =	rddreg [dreg:$0x0]  }
0x2: {  	s2 =	simm.s32 $0x0;
	s0 =	srdreg.scid;
	s22 =	stileid.u32  }
0x3: {  	s31 =	simm.s32 $0xFD30;
	s30 =	simm.s32 $0xFF30;
	[smem:$0x7FF] =	sst s2  }
0x4: {  	s0 =	sand.u32 $0x1, s0;
	s4 =	sadd.s32 $0x189600, s3;
	s5 =	smul.u32 $0x271, s22  }
0x5: {  	s6 =	sadd.s32 $0x2BA00, s3;
	s8 =	smul.u32 $0x4E20, s22;
	s1 =	ssub.s32 $0x2, s0  }
0x6: {  	s14 =	smul.u32 $0x4E200, s0;
	s7 =	sshrl.u32 s1, $0x1;
	s9 =	sadd.s32 $0x7D, s5  }
0x7: {  	s11 =	sadd.s32 $0xFA, s5;
	s13 =	sadd.s32 $0x177, s5;
	s5 =	sadd.s32 $0x1F4, s5  }
0x8: {  	s1 =	ssub.s32 s1, s7;
	s7 =	smul.u32 $0x2710, s22;
	s10 =	sshll.u32 s9, $0x5  }
0x9: {  	s9 =	sshll.u32 s9, $0x4;
	s12 =	sshll.u32 s11, $0x5;
	s15 =	sshll.u32 s11, $0x4  }
0xa: {  	s18 =	sshll.u32 s13, $0x5;
	s19 =	sshll.u32 s13, $0x4;
	s21 =	sadd.s32 s8, s14  }
0xb: {  	s13 =	smul.u32 $0x27100, s0;
	s20 =	sshll.u32 s5, $0x5;
	s5 =	sshll.u32 s5, $0x4  }
0xc: {  	s11 =	sshrl.u32 s21, $0x3;
	s16 =	sadd.s32 s14, s10;
	s25 =	sadd.s32 s14, s12  }
0xd: {  	s21 =	sadd.s32 s14, s18;
	s11 =	sadd.s32 s4, s11;
	s23 =	sadd.s32 s7, s13  }
0xe: {  	s16 =	sshrl.u32 s16, $0x3;
	s17 =	sadd.s32 s13, s9;
	s26 =	sshrl.u32 s21, $0x3  }
0xf: {  	s21 =	sadd.s32 s13, s15;
	[dreg:$0x5] =	wrdreg s11;
	s11 =	sshrl.u32 s23, $0x3  }
0x10: {  	s16 =	sadd.s32 s4, s16;
	s24 =	sshrl.u32 s17, $0x3;
	s17 =	sshrl.u32 s25, $0x3  }
0x11: {  	s25 =	sadd.s32 s13, s5;
	[dreg:$0x6] =	wrdreg s16;
	s17 =	sadd.s32 s4, s17  }
0x12: {  	s23 =	sadd.s32 s6, s24;
	s24 =	sadd.s32 s13, s19;
	s13 =	rddreg [dreg:$0x3]  }
0x13: {  	s0 =	sshll.u32 s0, $0x4;
	s11 =	sadd.s32 s6, s11;
	[dreg:$0x7] =	wrdreg s17  }
0x14: {  	s14 =	sadd.s32 s14, s20;
	s0 =	sor.u32 s22, s0;
	[dreg:$0xa] =	wrdreg s11  }
0x15: {  	s14 =	sshrl.u32 s14, $0x3;
	s29 =	smul.u32 $0x50, s0;
	[dreg:$0xb] =	wrdreg s23  }
0x16: {  	s17 =	sadd.s32 s4, s26;
	s4 =	sadd.s32 s4, s14;
	s11 =	rddreg [dreg:$0x2]  }
0x17: {  	s16 =	sadd.s32 $0x49600, s3;
	[dreg:$0x9] =	wrdreg s4;
	s4 =	sshrl.u32 s21, $0x3  }
0x18: {  	s26 =	sshrl.u32 s25, $0x3;
	s28 =	sadd.s32 s7, s13;
	s4 =	sadd.s32 s6, s4  }
0x19: {  	s15 =	sadd.s32 s15, s13;
	[dreg:$0xc] =	wrdreg s4;
	s4 =	sshrl.u32 s24, $0x3  }
0x1a: {  	s25 =	smax.u32 s1, $0x1;
	[dreg:$0x8] =	wrdreg s17;
	s4 =	sadd.s32 s6, s4  }
0x1b: {  	s1 =	simm.s32 $0x11110;
	[dreg:$0xd] =	wrdreg s4;
	s4 =	sadd.s32 s6, s26  }
0x1c: {  	s26 =	sadd.s32 s8, s11;
	s8 =	sadd.s32 s10, s11;
	[dreg:$0xe] =	wrdreg s4  }
0x1d: {  	s10 =	sadd.s32 s9, s13;
	_ =	strace $0x8000004A;
	[dreg:$0x11] =	wrdreg s8  }
0x1e: {  	s7 =	simm.s32 $0xFDB0;
	s14 =	sadd.s32 s12, s11;
	[dreg:$0x12] =	wrdreg s10  }
0x1f: {  	s17 =	sadd.s32 $0x3F600, s3;
	s18 =	sadd.s32 s18, s11;
	[dreg:$0x13] =	wrdreg s14  }
0x20: {  	s21 =	sadd.s32 s19, s13;
	s23 =	sadd.s32 s20, s11;
	[dreg:$0x14] =	wrdreg s15  }
0x21: {  	s12 =	simm.s32 $0x1;
	s3 =	simm.s32 $0x2;
	[dreg:$0x15] =	wrdreg s18  }
0x22: {  	s19 =	simm.s32 $0xFFB0;
	s24 =	sadd.s32 s5, s13;
	[dreg:$0x16] =	wrdreg s21  }
0x23: {  	s5 =	simm.s32 $0x80;
	s6 =	simm.s32 $0xF530;
	[dreg:$0x17] =	wrdreg s23  }
.Ltmp0:
0x24: {  	s9 =	simm.s32 $0xFE30;
	[dreg:$0x18] =	wrdreg s24;
	(pc) =	sbr.rel .LBB2_1-.Ltmp0, $4  }
0x25: {  	s4 =	simm.s32 $0x7530;
	[dreg:$0x19] =	wrdreg s25;
	s8 =	simm.s32 $0x8530  }
0x26: {  	s10 =	simm.s32 $0x9530;
	s14 =	simm.s32 $0xFEB0;
	s15 =	simm.s32 $0xA530  }
0x27: {  	s21 =	simm.s32 $0x10030;
	s23 =	simm.s32 $0x100B0;
	[dreg:$0xf] =	wrdreg s26  }
0x28: {  	v0 =	vimm.f32 $0.0e+00;
	v1 =	vimm.f32 $1.000000000e+00;
	s24 =	simm.s32 $0xE530;
	s25 =	simm.s32 $0x0;
	[dreg:$0x10] =	wrdreg s28  }
.LBB2_26:
0x29: {  	[bflag:$0x0] =	sbarrier.arrive $0xFFFF  }
0x2a: {  	s26 =	rddreg [dreg:$0xf]  }
0x2b: {  	[tilespmem:s4], [sflag:$0x1] =	stream.linear.gather [spmem:s26], $0xFA0, $0x38;
	[tilespmem:$0x118E0] =	vst v63  }
0x2c: {  	_ =	swait.ge [sflag:s12], $0xFA0  }
0x2d: {  	[sflag:s12] =	ssyncset.done $0x0  }
0x2e: {  	s0 =	rddreg [dreg:$0x5];
	[sflag:s12] =	ssyncadd.s32 $0xFFFFF060  }
0x2f: {  	[hbm4b:s0+s2] =	stream.linear.scatter [tilespmem:s4], [sflag:$0x1], $0xFA0, $0x38;
	[tilespmem:$0x118E0] =	vst v63  }
0x30: {  	_ =	swait.ge [sflag:s12], $0xFA0  }
0x31: {  	[sflag:s12] =	ssyncset.done $0x0  }
0x32: {  	s28 =	rddreg [dreg:$0x10];
	[sflag:s12] =	ssyncadd.s32 $0xFFFFF060  }
0x33: {  	[tilespmem:s1], [sflag:$0x1] =	stream.linear.gather [spmem:s28], $0x7D0, $0x38;
	[tilespmem:$0x118E0] =	vst v63  }
0x34: {  	_ =	swait.ge [sflag:s12], $0x7D0  }
0x35: {  	[sflag:s12] =	ssyncset.done $0x0  }
0x36: {  	s18 =	rddreg [dreg:$0xa];
	[sflag:s12] =	ssyncadd.s32 $0xFFFFF830  }
0x37: {  	[hbm4b:s18+s2] =	stream.linear.scatter [tilespmem:s1], [sflag:$0x1], $0x7D0, $0x38;
	[tilespmem:$0x118E0] =	vst v63  }
0x38: {  	_ =	swait.ge [sflag:s12], $0x7D0  }
0x39: {  	[sflag:s12] =	ssyncset.done $0x0  }
0x3a: {  	s20 =	rddreg [dreg:$0x11];
	[sflag:s12] =	ssyncadd.s32 $0xFFFFF830  }
0x3b: {  	[tilespmem:s4], [sflag:$0x1] =	stream.linear.gather [spmem:s20], $0xFA0, $0x38;
	[tilespmem:$0x118E0] =	vst v63  }
0x3c: {  	_ =	swait.ge [sflag:s12], $0xFA0  }
0x3d: {  	[sflag:s12] =	ssyncset.done $0x0  }
0x3e: {  	s22 =	rddreg [dreg:$0x6];
	[sflag:s12] =	ssyncadd.s32 $0xFFFFF060  }
0x3f: {  	[hbm4b:s22+s2] =	stream.linear.scatter [tilespmem:s4], [sflag:$0x1], $0xFA0, $0x38;
	[tilespmem:$0x118E0] =	vst v63  }
0x40: {  	_ =	swait.ge [sflag:s12], $0xFA0  }
0x41: {  	[sflag:s12] =	ssyncset.done $0x0  }
0x42: {  	s18 =	rddreg [dreg:$0x12];
	[sflag:s12] =	ssyncadd.s32 $0xFFFFF060  }
0x43: {  	[tilespmem:s1], [sflag:$0x1] =	stream.linear.gather [spmem:s18], $0x7D0, $0x38;
	[tilespmem:$0x118E0] =	vst v63  }
0x44: {  	_ =	swait.ge [sflag:s12], $0x7D0  }
0x45: {  	[sflag:s12] =	ssyncset.done $0x0  }
0x46: {  	s20 =	rddreg [dreg:$0xb];
	[sflag:s12] =	ssyncadd.s32 $0xFFFFF830  }
0x47: {  	[hbm4b:s20+s2] =	stream.linear.scatter [tilespmem:s1], [sflag:$0x1], $0x7D0, $0x38;
	[tilespmem:$0x118E0] =	vst v63  }
0x48: {  	_ =	swait.ge [sflag:s12], $0x7D0  }
0x49: {  	[sflag:s12] =	ssyncset.done $0x0  }
0x4a: {  	s22 =	rddreg [dreg:$0x13];
	[sflag:s12] =	ssyncadd.s32 $0xFFFFF830  }
0x4b: {  	[tilespmem:s4], [sflag:$0x1] =	stream.linear.gather [spmem:s22], $0xFA0, $0x38;
	[tilespmem:$0x118E0] =	vst v63  }
0x4c: {  	_ =	swait.ge [sflag:s12], $0xFA0  }
0x4d: {  	[sflag:s12] =	ssyncset.done $0x0  }
0x4e: {  	s18 =	rddreg [dreg:$0x7];
	[sflag:s12] =	ssyncadd.s32 $0xFFFFF060  }
0x4f: {  	[hbm4b:s18+s2] =	stream.linear.scatter [tilespmem:s4], [sflag:$0x1], $0xFA0, $0x38;
	[tilespmem:$0x118E0] =	vst v63  }
0x50: {  	_ =	swait.ge [sflag:s12], $0xFA0  }
0x51: {  	[sflag:s12] =	ssyncset.done $0x0  }
0x52: {  	s20 =	rddreg [dreg:$0x14];
	[sflag:s12] =	ssyncadd.s32 $0xFFFFF060  }
0x53: {  	[tilespmem:s1], [sflag:$0x1] =	stream.linear.gather [spmem:s20], $0x7D0, $0x38;
	[tilespmem:$0x118E0] =	vst v63  }
0x54: {  	_ =	swait.ge [sflag:s12], $0x7D0  }
0x55: {  	[sflag:s12] =	ssyncset.done $0x0  }
0x56: {  	s22 =	rddreg [dreg:$0xc];
	[sflag:s12] =	ssyncadd.s32 $0xFFFFF830  }
0x57: {  	[hbm4b:s22+s2] =	stream.linear.scatter [tilespmem:s1], [sflag:$0x1], $0x7D0, $0x38;
	[tilespmem:$0x118E0] =	vst v63  }
0x58: {  	_ =	swait.ge [sflag:s12], $0x7D0  }
0x59: {  	[sflag:s12] =	ssyncset.done $0x0  }
0x5a: {  	s18 =	rddreg [dreg:$0x15];
	[sflag:s12] =	ssyncadd.s32 $0xFFFFF830  }
0x5b: {  	[tilespmem:s4], [sflag:$0x1] =	stream.linear.gather [spmem:s18], $0xFA0, $0x38;
	[tilespmem:$0x118E0] =	vst v63  }
0x5c: {  	_ =	swait.ge [sflag:s12], $0xFA0  }
0x5d: {  	[sflag:s12] =	ssyncset.done $0x0  }
0x5e: {  	s20 =	rddreg [dreg:$0x8];
	[sflag:s12] =	ssyncadd.s32 $0xFFFFF060  }
0x5f: {  	[hbm4b:s20+s2] =	stream.linear.scatter [tilespmem:s4], [sflag:$0x1], $0xFA0, $0x38;
	[tilespmem:$0x118E0] =	vst v63  }
0x60: {  	_ =	swait.ge [sflag:s12], $0xFA0  }
0x61: {  	[sflag:s12] =	ssyncset.done $0x0  }
0x62: {  	s22 =	rddreg [dreg:$0x16];
	[sflag:s12] =	ssyncadd.s32 $0xFFFFF060  }
0x63: {  	[tilespmem:s1], [sflag:$0x1] =	stream.linear.gather [spmem:s22], $0x7D0, $0x38;
	[tilespmem:$0x118E0] =	vst v63  }
0x64: {  	_ =	swait.ge [sflag:s12], $0x7D0  }
0x65: {  	[sflag:s12] =	ssyncset.done $0x0  }
0x66: {  	s18 =	rddreg [dreg:$0xd];
	[sflag:s12] =	ssyncadd.s32 $0xFFFFF830  }
0x67: {  	[hbm4b:s18+s2] =	stream.linear.scatter [tilespmem:s1], [sflag:$0x1], $0x7D0, $0x38;
	[tilespmem:$0x118E0] =	vst v63  }
0x68: {  	_ =	swait.ge [sflag:s12], $0x7D0  }
0x69: {  	[sflag:s12] =	ssyncset.done $0x0  }
0x6a: {  	s20 =	rddreg [dreg:$0x17];
	[sflag:s12] =	ssyncadd.s32 $0xFFFFF830  }
0x6b: {  	[tilespmem:s4], [sflag:$0x1] =	stream.linear.gather [spmem:s20], $0xFA0, $0x38;
	[tilespmem:$0x118E0] =	vst v63  }
0x6c: {  	_ =	swait.ge [sflag:s12], $0xFA0  }
0x6d: {  	[sflag:s12] =	ssyncset.done $0x0  }
0x6e: {  	s22 =	rddreg [dreg:$0x9];
	[sflag:s12] =	ssyncadd.s32 $0xFFFFF060  }
0x6f: {  	[hbm4b:s22+s2] =	stream.linear.scatter [tilespmem:s4], [sflag:$0x1], $0xFA0, $0x38;
	[tilespmem:$0x118E0] =	vst v63  }
0x70: {  	_ =	swait.ge [sflag:s12], $0xFA0  }
0x71: {  	[sflag:s12] =	ssyncset.done $0x0  }
0x72: {  	s18 =	rddreg [dreg:$0x18];
	[sflag:s12] =	ssyncadd.s32 $0xFFFFF060  }
0x73: {  	[tilespmem:s1], [sflag:$0x1] =	stream.linear.gather [spmem:s18], $0x7D0, $0x38;
	[tilespmem:$0x118E0] =	vst v63  }
0x74: {  	_ =	swait.ge [sflag:s12], $0x7D0  }
0x75: {  	[sflag:s12] =	ssyncset.done $0x0  }
0x76: {  	s20 =	rddreg [dreg:$0xe];
	[sflag:s12] =	ssyncadd.s32 $0xFFFFF830  }
0x77: {  	[hbm4b:s20+s2] =	stream.linear.scatter [tilespmem:s1], [sflag:$0x1], $0x7D0, $0x38;
	[tilespmem:$0x118E0] =	vst v63  }
0x78: {  	_ =	swait.ge [sflag:s12], $0x7D0  }
0x79: {  	s25 =	sadd.s32 $0x1, s25;
	s22 =	rddreg [dreg:$0x19]  }
0x7a: {  	p0 =	sne.s32 s25, s22  }
.Ltmp1:
0x7b: {  	_ = 	snop;
	(pc) =	sbr.rel @!p0 .LBB2_27-.Ltmp1, $3  }
0x7c: {  	_ =	sdelay $0x1  }
0x7d: {  	[sflag:s12] =	ssyncset.done $0x0  }
0x7e: {  	[sflag:s12] =	ssyncadd.s32 $0xFFFFF830  }
.LBB2_1:
0x7f: {  	s0 =	rddreg [dreg:$0x1];
	s18 =	simm.s32 $0x10130  }
0x80: {  	[tilespmem:s18], [sflag:$0x1] =	stream.linear.gather [hbm4b:s0+s2], $0x40, $0x38;
	[tilespmem:$0x118E0] =	vst v63  }
0x81: {  	_ =	swait.ge [sflag:s12], $0x40  }
0x82: {  	[sflag:s12] =	ssyncset.done $0x0  }
0x83: {  	s0 =	simm.s32 $0x10180;
	s18 =	simm.s32 $0x0;
	[sflag:s12] =	ssyncadd.s32 $0xFFFFFFC0  }
.LBB2_2:
0x84: {  	p0 =	sne.s32 s18, $0x1F00  }
.Ltmp2:
0x85: {  	_ = 	snop;
	(pc) =	sbr.rel @p0 .LBB2_2-.Ltmp2, $4  }
0x86: {  	_ = 	snop  }
0x87: {  	[tilespmem:s0+$0xFFFFFFF0] =	vst v0  }
0x88: {  	[tilespmem:s0+$0x0] =	vst v0;
	s20 =	sshra.s32 s18, $0x2  }
0x89: {  	s0 =	sadd.s32 $0x20, s0;
	s18 =	sadd.s32 $0x40, s18;
	[tilespmem:s20+$0x11110] =	vst v0  }
0x8a: {  	s0 =	simm.s32 $0x40;
	s18 =	simm.s32 $0x0  }
.LBB2_4:
0x8b: {  	p0 =	sne.s32 s0, $0x1FC0;
	[tilespmem:s18+$0xF530] =	vst v1;
	s18 =	smov.u32 s0;
	s0 =	sadd.s32 $0x40, s0  }
.Ltmp3:
0x8c: {  	(pc) =	sbr.rel @p0 .LBB2_4-.Ltmp3, $2  }
0x8d: {  	_ =	sdelay $0x2  }
0x8e: {  	s18 =	sshra.s32 s18, $0x2  }
0x8f: {  	[tilespmem:s18+$0xF530] =	vst v1;
	s18 =	simm.s32 $0x10170  }
0x90: {  	[spmem:s26] =	stream.linear.scatter [tilespmem:s18], [sflag:$0x1], $0xFA0, $0x38;
	[tilespmem:$0x118E0] =	vst v63  }
0x91: {  	_ =	swait.ge [sflag:s12], $0xFA0  }
0x92: {  	[sflag:s12] =	ssyncset.done $0x0  }
0x93: {  	[sflag:s12] =	ssyncadd.s32 $0xFFFFF060  }
0x94: {  	[spmem:s28] =	stream.linear.scatter [tilespmem:s1], [sflag:$0x1], $0x7D0, $0x38;
	[tilespmem:$0x118E0] =	vst v63  }
0x95: {  	_ =	swait.ge [sflag:s12], $0x7D0  }
0x96: {  	[sflag:s12] =	ssyncset.done $0x0  }
0x97: {  	s0 =	rddreg [dreg:$0x11];
	[sflag:s12] =	ssyncadd.s32 $0xFFFFF830  }
0x98: {  	[spmem:s0] =	stream.linear.scatter [tilespmem:s18], [sflag:$0x1], $0xFA0, $0x38;
	[tilespmem:$0x118E0] =	vst v63  }
0x99: {  	_ =	swait.ge [sflag:s12], $0xFA0  }
0x9a: {  	[sflag:s12] =	ssyncset.done $0x0  }
0x9b: {  	s26 =	rddreg [dreg:$0x12];
	[sflag:s12] =	ssyncadd.s32 $0xFFFFF060  }
0x9c: {  	[spmem:s26] =	stream.linear.scatter [tilespmem:s1], [sflag:$0x1], $0x7D0, $0x38;
	[tilespmem:$0x118E0] =	vst v63  }
0x9d: {  	_ =	swait.ge [sflag:s12], $0x7D0  }
0x9e: {  	[sflag:s12] =	ssyncset.done $0x0  }
0x9f: {  	s20 =	rddreg [dreg:$0x13];
	[sflag:s12] =	ssyncadd.s32 $0xFFFFF830  }
0xa0: {  	[spmem:s20] =	stream.linear.scatter [tilespmem:s18], [sflag:$0x1], $0xFA0, $0x38;
	[tilespmem:$0x118E0] =	vst v63  }
0xa1: {  	_ =	swait.ge [sflag:s12], $0xFA0  }
0xa2: {  	[sflag:s12] =	ssyncset.done $0x0  }
0xa3: {  	s22 =	rddreg [dreg:$0x14];
	[sflag:s12] =	ssyncadd.s32 $0xFFFFF060  }
0xa4: {  	[spmem:s22] =	stream.linear.scatter [tilespmem:s1], [sflag:$0x1], $0x7D0, $0x38;
	[tilespmem:$0x118E0] =	vst v63  }
0xa5: {  	_ =	swait.ge [sflag:s12], $0x7D0  }
0xa6: {  	[sflag:s12] =	ssyncset.done $0x0  }
0xa7: {  	s26 =	rddreg [dreg:$0x15];
	[sflag:s12] =	ssyncadd.s32 $0xFFFFF830  }
0xa8: {  	[spmem:s26] =	stream.linear.scatter [tilespmem:s18], [sflag:$0x1], $0xFA0, $0x38;
	[tilespmem:$0x118E0] =	vst v63  }
0xa9: {  	_ =	swait.ge [sflag:s12], $0xFA0  }
0xaa: {  	[sflag:s12] =	ssyncset.done $0x0  }
0xab: {  	s20 =	rddreg [dreg:$0x16];
	[sflag:s12] =	ssyncadd.s32 $0xFFFFF060  }
0xac: {  	[spmem:s20] =	stream.linear.scatter [tilespmem:s1], [sflag:$0x1], $0x7D0, $0x38;
	[tilespmem:$0x118E0] =	vst v63  }
0xad: {  	_ =	swait.ge [sflag:s12], $0x7D0  }
0xae: {  	[sflag:s12] =	ssyncset.done $0x0  }
0xaf: {  	s22 =	rddreg [dreg:$0x17];
	[sflag:s12] =	ssyncadd.s32 $0xFFFFF830  }
0xb0: {  	[spmem:s22] =	stream.linear.scatter [tilespmem:s18], [sflag:$0x1], $0xFA0, $0x38;
	[tilespmem:$0x118E0] =	vst v63  }
0xb1: {  	_ =	swait.ge [sflag:s12], $0xFA0  }
0xb2: {  	[sflag:s12] =	ssyncset.done $0x0  }
0xb3: {  	s26 =	rddreg [dreg:$0x18];
	[sflag:s12] =	ssyncadd.s32 $0xFFFFF060  }
0xb4: {  	[spmem:s26] =	stream.linear.scatter [tilespmem:s1], [sflag:$0x1], $0x7D0, $0x38;
	[tilespmem:$0x118E0] =	vst v63  }
.Ltmp4:
0xb5: {  	_ =	swait.ge [sflag:s12], $0x7D0;
	(pc) =	sbr.rel .LBB2_6-.Ltmp4, $4  }
0xb6: {  	[sflag:s12] =	ssyncset.done $0x0  }
0xb7: {  	[sflag:s12] =	ssyncadd.s32 $0xFFFFF830  }
0xb8: {  	[bflag:$0x0] =	sbarrier.arrive $0xFFFF  }
0xb9: {  	s28 =	simm.s32 $0x0;
	s26 =	simm.s32 $0x0  }
.LBB2_25:
0xba: {  	s28 =	sadd.s32 $0x1, s28  }
0xbb: {  	p0 =	sne.s32 s28, $0xA  }
.Ltmp5:
0xbc: {  	_ = 	snop;
	(pc) =	sbr.rel @!p0 .LBB2_26-.Ltmp5, $1  }
0xbd: {  	_ =	sdelay $0x3  }
.LBB2_6:
0xbe: {  	s0 =	sshll.u32 s28, $0x3  }
0xbf: {  	s0 =	sadd.s32 s29, s0  }
0xc0: {  	s18 =	sshll.u32 s0, $0x4  }
0xc1: {  	s18 =	sadd.s32 s17, s18  }
0xc2: {  	[tilespmem:s31], [sflag:$0x2] =	stream.linear.gather [hbm4b:s18+s26], $0x400, $0x38;
	[tilespmem:$0x118E0] =	vst v63  }
0xc3: {  	_ =	swait.ge [sflag:s3], $0x400  }
0xc4: {  	s22 =	sshll.u32 s0, $0x9;
	p0 =	sgt.u32 s0, $0x9C3;
	[sflag:s3] =	ssyncset.done $0x0  }
.Ltmp6:
0xc5: {  	s18 =	sadd.s32 s16, s22;
	[sflag:s3] =	ssyncadd.s32 $0xFFFFFC00;
	(pc) =	sbr.rel @p0 .LBB2_25-.Ltmp6, $4  }
0xc6: {  	[tilespmem:s4], [sflag:$0x2] =	stream.linear.gather [hbm4b:s18+s26], $0x8000, $0x38;
	[tilespmem:$0x118E0] =	vst v63  }
0xc7: {  	_ =	swait.ge [sflag:s3], $0x8000  }
0xc8: {  	[sflag:s3] =	ssyncset.done $0x0  }
0xc9: {  	[sflag:s3] =	ssyncadd.s32 $0xFFFF8000  }
0xca: {  	s18 =	simm.s32 $0x0  }
0xcb: {  	s20 =	simm.s32 $0x80;
	v2 =	vld [tilespmem:s18+$0x7530]  }
.LBB2_8:
0xcc: {  	p0 =	sne.s32 s20, $0x3F80;
	v3 =	vld [tilespmem:$0x10130]  }
0xcd: {  	v4 =	vld [tilespmem:$0x10150];
	_ =	sdelay $0x3  }
0xce: {  	v2 =	vmul.f32 v2, v3;
	_ =	sdelay $0x1  }
0xcf: {  	v2 =	vadd.f32 v2, v4;
	_ =	sdelay $0x1  }
0xd0: {  	v2 =	vmax.f32 v2, $0.0e+00  }
0xd1: {  	[tilespmem:s18+$0x7530] =	vst v2;
	v2 =	vld [tilespmem:s18+$0x7540]  }
0xd2: {  	v3 =	vld [tilespmem:$0x10140]  }
0xd3: {  	v4 =	vld [tilespmem:$0x10160];
	_ =	sdelay $0x3  }
0xd4: {  	v2 =	vmul.f32 v2, v3  }
.Ltmp7:
0xd5: {  	(pc) =	sbr.rel @p0 .LBB2_8-.Ltmp7, $3  }
0xd6: {  	v2 =	vadd.f32 v2, v4;
	_ =	sdelay $0x1  }
0xd7: {  	s22 =	sshra.s32 s20, $0x2;
	v3 =	vmax.f32 v2, $0.0e+00  }
0xd8: {  	s20 =	sadd.s32 $0x80, s20;
	v2 =	vld [tilespmem:s22+$0x7530];
	[tilespmem:s18+$0x7540] =	vst v3;
	s18 =	smov.u32 s22  }
0xd9: {  	v3 =	vld [tilespmem:$0x10130];
	_ =	sdelay $0x1  }
0xda: {  	v4 =	vld [tilespmem:$0x10150];
	_ =	sdelay $0x2  }
0xdb: {  	v2 =	vmul.f32 v2, v3;
	_ =	sdelay $0x1  }
0xdc: {  	v2 =	vadd.f32 v2, v4;
	_ =	sdelay $0x1  }
0xdd: {  	v2 =	vmax.f32 v2, $0.0e+00  }
0xde: {  	[tilespmem:s18+$0x7530] =	vst v2;
	v2 =	vld [tilespmem:s18+$0x7540]  }
0xdf: {  	v3 =	vld [tilespmem:$0x10140];
	_ =	sdelay $0x1  }
0xe0: {  	v63 =	vld [tilespmem:$0x10160];
	_ =	sdelay $0x2  }
0xe1: {  	v2 =	vmul.f32 v2, v3;
	_ =	sdelay $0x1  }
0xe2: {  	v2 =	vadd.f32 v2, v63;
	_ =	sdelay $0x1  }
0xe3: {  	v2 =	vmax.f32 v2, $0.0e+00  }
0xe4: {  	[tilespmem:s18+$0x7540] =	vst v2  }
0xe5: {  	[spmem:s11] =	stream.indirect.scatter.add.f32 [tilespmem:s4], [sflag:$0x2], $0x20, s31, s5, $0xb8;
	[tilespmem:$0x118E0] =	vst v63  }
0xe6: {  	_ =	swait.ge [sflag:s3], $0x1000  }
0xe7: {  	[sflag:s3] =	ssyncset.done $0x0  }
0xe8: {  	[sflag:s3] =	ssyncadd.s32 $0xFFFFF000  }
0xe9: {  	[spmem:s13] =	stream.indirect.scatter.add.f32 [tilespmem:s6], [sflag:$0x2], $0x10, s31, s5, $0xb8;
	[tilespmem:$0x118E0] =	vst v63  }
0xea: {  	_ =	swait.ge [sflag:s3], $0x800  }
0xeb: {  	[sflag:s3] =	ssyncset.done $0x0  }
0xec: {  	s18 =	simm.s32 $0x0;
	[sflag:s3] =	ssyncadd.s32 $0xFFFFF800  }
0xed: {  	s20 =	simm.s32 $0x80;
	v2 =	vld [tilespmem:s18+$0x8530]  }
.LBB2_10:
0xee: {  	p0 =	sne.s32 s20, $0x3F80;
	v3 =	vld [tilespmem:$0x10130]  }
0xef: {  	v4 =	vld [tilespmem:$0x10150];
	_ =	sdelay $0x3  }
0xf0: {  	v2 =	vmul.f32 v2, v3;
	_ =	sdelay $0x1  }
0xf1: {  	v2 =	vadd.f32 v2, v4;
	_ =	sdelay $0x1  }
0xf2: {  	v2 =	vmax.f32 v2, $0.0e+00  }
0xf3: {  	[tilespmem:s18+$0x8530] =	vst v2;
	v2 =	vld [tilespmem:s18+$0x8540]  }
0xf4: {  	v3 =	vld [tilespmem:$0x10140]  }
0xf5: {  	v4 =	vld [tilespmem:$0x10160];
	_ =	sdelay $0x3  }
0xf6: {  	v2 =	vmul.f32 v2, v3  }
.Ltmp8:
0xf7: {  	(pc) =	sbr.rel @p0 .LBB2_10-.Ltmp8, $3  }
0xf8: {  	v2 =	vadd.f32 v2, v4;
	_ =	sdelay $0x1  }
0xf9: {  	s22 =	sshra.s32 s20, $0x2;
	v3 =	vmax.f32 v2, $0.0e+00  }
0xfa: {  	s20 =	sadd.s32 $0x80, s20;
	v2 =	vld [tilespmem:s22+$0x8530];
	[tilespmem:s18+$0x8540] =	vst v3;
	s18 =	smov.u32 s22  }
0xfb: {  	v3 =	vld [tilespmem:$0x10130];
	_ =	sdelay $0x1  }
0xfc: {  	v4 =	vld [tilespmem:$0x10150];
	_ =	sdelay $0x2  }
0xfd: {  	v2 =	vmul.f32 v2, v3;
	_ =	sdelay $0x1  }
0xfe: {  	v2 =	vadd.f32 v2, v4;
	_ =	sdelay $0x1  }
0xff: {  	v2 =	vmax.f32 v2, $0.0e+00  }
0x100: {  	[tilespmem:s18+$0x8530] =	vst v2;
	v2 =	vld [tilespmem:s18+$0x8540]  }
0x101: {  	v3 =	vld [tilespmem:$0x10140];
	_ =	sdelay $0x1  }
0x102: {  	v63 =	vld [tilespmem:$0x10160];
	_ =	sdelay $0x2  }
0x103: {  	v2 =	vmul.f32 v2, v3;
	_ =	sdelay $0x1  }
0x104: {  	v2 =	vadd.f32 v2, v63;
	_ =	sdelay $0x1  }
0x105: {  	v2 =	vmax.f32 v2, $0.0e+00  }
0x106: {  	[tilespmem:s18+$0x8540] =	vst v2  }
0x107: {  	[spmem:s11] =	stream.indirect.scatter.add.f32 [tilespmem:s8], [sflag:$0x2], $0x20, s7, s5, $0xb8;
	[tilespmem:$0x118E0] =	vst v63  }
0x108: {  	_ =	swait.ge [sflag:s3], $0x1000  }
0x109: {  	[sflag:s3] =	ssyncset.done $0x0  }
0x10a: {  	[sflag:s3] =	ssyncadd.s32 $0xFFFFF000  }
0x10b: {  	[spmem:s13] =	stream.indirect.scatter.add.f32 [tilespmem:s6], [sflag:$0x2], $0x10, s7, s5, $0xb8;
	[tilespmem:$0x118E0] =	vst v63  }
0x10c: {  	_ =	swait.ge [sflag:s3], $0x800  }
0x10d: {  	[sflag:s3] =	ssyncset.done $0x0  }
0x10e: {  	s18 =	simm.s32 $0x0;
	[sflag:s3] =	ssyncadd.s32 $0xFFFFF800  }
0x10f: {  	s20 =	simm.s32 $0x80;
	v2 =	vld [tilespmem:s18+$0x9530]  }
.LBB2_12:
0x110: {  	p0 =	sne.s32 s20, $0x3F80;
	v3 =	vld [tilespmem:$0x10130]  }
0x111: {  	v4 =	vld [tilespmem:$0x10150];
	_ =	sdelay $0x3  }
0x112: {  	v2 =	vmul.f32 v2, v3;
	_ =	sdelay $0x1  }
0x113: {  	v2 =	vadd.f32 v2, v4;
	_ =	sdelay $0x1  }
0x114: {  	v2 =	vmax.f32 v2, $0.0e+00  }
0x115: {  	[tilespmem:s18+$0x9530] =	vst v2;
	v2 =	vld [tilespmem:s18+$0x9540]  }
0x116: {  	v3 =	vld [tilespmem:$0x10140]  }
0x117: {  	v4 =	vld [tilespmem:$0x10160];
	_ =	sdelay $0x3  }
0x118: {  	v2 =	vmul.f32 v2, v3  }
.Ltmp9:
0x119: {  	(pc) =	sbr.rel @p0 .LBB2_12-.Ltmp9, $3  }
0x11a: {  	v2 =	vadd.f32 v2, v4;
	_ =	sdelay $0x1  }
0x11b: {  	s22 =	sshra.s32 s20, $0x2;
	v3 =	vmax.f32 v2, $0.0e+00  }
0x11c: {  	s20 =	sadd.s32 $0x80, s20;
	v2 =	vld [tilespmem:s22+$0x9530];
	[tilespmem:s18+$0x9540] =	vst v3;
	s18 =	smov.u32 s22  }
0x11d: {  	v3 =	vld [tilespmem:$0x10130];
	_ =	sdelay $0x1  }
0x11e: {  	v4 =	vld [tilespmem:$0x10150];
	_ =	sdelay $0x2  }
0x11f: {  	v2 =	vmul.f32 v2, v3;
	_ =	sdelay $0x1  }
0x120: {  	v2 =	vadd.f32 v2, v4;
	_ =	sdelay $0x1  }
0x121: {  	v2 =	vmax.f32 v2, $0.0e+00  }
0x122: {  	[tilespmem:s18+$0x9530] =	vst v2;
	v2 =	vld [tilespmem:s18+$0x9540]  }
0x123: {  	v3 =	vld [tilespmem:$0x10140];
	_ =	sdelay $0x1  }
0x124: {  	v63 =	vld [tilespmem:$0x10160];
	_ =	sdelay $0x2  }
0x125: {  	v2 =	vmul.f32 v2, v3;
	_ =	sdelay $0x1  }
0x126: {  	v2 =	vadd.f32 v2, v63;
	_ =	sdelay $0x1  }
0x127: {  	v2 =	vmax.f32 v2, $0.0e+00  }
0x128: {  	[tilespmem:s18+$0x9540] =	vst v2  }
0x129: {  	[spmem:s11] =	stream.indirect.scatter.add.f32 [tilespmem:s10], [sflag:$0x2], $0x20, s9, s5, $0xb8;
	[tilespmem:$0x118E0] =	vst v63  }
0x12a: {  	_ =	swait.ge [sflag:s3], $0x1000  }
0x12b: {  	[sflag:s3] =	ssyncset.done $0x0  }
0x12c: {  	[sflag:s3] =	ssyncadd.s32 $0xFFFFF000  }
0x12d: {  	[spmem:s13] =	stream.indirect.scatter.add.f32 [tilespmem:s6], [sflag:$0x2], $0x10, s9, s5, $0xb8;
	[tilespmem:$0x118E0] =	vst v63  }
0x12e: {  	_ =	swait.ge [sflag:s3], $0x800  }
0x12f: {  	[sflag:s3] =	ssyncset.done $0x0  }
0x130: {  	s18 =	simm.s32 $0x0;
	[sflag:s3] =	ssyncadd.s32 $0xFFFFF800  }
0x131: {  	s20 =	simm.s32 $0x80;
	v2 =	vld [tilespmem:s18+$0xA530]  }
.LBB2_14:
0x132: {  	p0 =	sne.s32 s20, $0x3F80;
	v3 =	vld [tilespmem:$0x10130]  }
0x133: {  	v4 =	vld [tilespmem:$0x10150];
	_ =	sdelay $0x3  }
0x134: {  	v2 =	vmul.f32 v2, v3;
	_ =	sdelay $0x1  }
0x135: {  	v2 =	vadd.f32 v2, v4;
	_ =	sdelay $0x1  }
0x136: {  	v2 =	vmax.f32 v2, $0.0e+00  }
0x137: {  	[tilespmem:s18+$0xA530] =	vst v2;
	v2 =	vld [tilespmem:s18+$0xA540]  }
0x138: {  	v3 =	vld [tilespmem:$0x10140]  }
0x139: {  	v4 =	vld [tilespmem:$0x10160];
	_ =	sdelay $0x3  }
0x13a: {  	v2 =	vmul.f32 v2, v3  }
.Ltmp10:
0x13b: {  	(pc) =	sbr.rel @p0 .LBB2_14-.Ltmp10, $3  }
0x13c: {  	v2 =	vadd.f32 v2, v4;
	_ =	sdelay $0x1  }
0x13d: {  	s22 =	sshra.s32 s20, $0x2;
	v3 =	vmax.f32 v2, $0.0e+00  }
0x13e: {  	s20 =	sadd.s32 $0x80, s20;
	v2 =	vld [tilespmem:s22+$0xA530];
	[tilespmem:s18+$0xA540] =	vst v3;
	s18 =	smov.u32 s22  }
0x13f: {  	v3 =	vld [tilespmem:$0x10130];
	_ =	sdelay $0x1  }
0x140: {  	v4 =	vld [tilespmem:$0x10150];
	_ =	sdelay $0x2  }
0x141: {  	v2 =	vmul.f32 v2, v3;
	_ =	sdelay $0x1  }
0x142: {  	v2 =	vadd.f32 v2, v4;
	_ =	sdelay $0x1  }
0x143: {  	v2 =	vmax.f32 v2, $0.0e+00  }
0x144: {  	[tilespmem:s18+$0xA530] =	vst v2;
	v2 =	vld [tilespmem:s18+$0xA540]  }
0x145: {  	v3 =	vld [tilespmem:$0x10140];
	_ =	sdelay $0x1  }
0x146: {  	v63 =	vld [tilespmem:$0x10160];
	_ =	sdelay $0x2  }
0x147: {  	v2 =	vmul.f32 v2, v3;
	_ =	sdelay $0x1  }
0x148: {  	v2 =	vadd.f32 v2, v63;
	_ =	sdelay $0x1  }
0x149: {  	v2 =	vmax.f32 v2, $0.0e+00  }
0x14a: {  	[tilespmem:s18+$0xA540] =	vst v2  }
0x14b: {  	[spmem:s11] =	stream.indirect.scatter.add.f32 [tilespmem:s15], [sflag:$0x2], $0x20, s14, s5, $0xb8;
	[tilespmem:$0x118E0] =	vst v63  }
0x14c: {  	_ =	swait.ge [sflag:s3], $0x1000  }
0x14d: {  	p0 =	sgt.u32 s0, $0x9BF;
	[sflag:s3] =	ssyncset.done $0x0  }
.Ltmp11:
0x14e: {  	[sflag:s3] =	ssyncadd.s32 $0xFFFFF000;
	(pc) =	sbr.rel @p0 .LBB2_25-.Ltmp11, $4  }
0x14f: {  	[spmem:s13] =	stream.indirect.scatter.add.f32 [tilespmem:s6], [sflag:$0x2], $0x10, s14, s5, $0xb8;
	[tilespmem:$0x118E0] =	vst v63  }
0x150: {  	_ =	swait.ge [sflag:s3], $0x800  }
0x151: {  	[sflag:s3] =	ssyncset.done $0x0  }
0x152: {  	[sflag:s3] =	ssyncadd.s32 $0xFFFFF800  }
0x153: {  	s0 =	simm.s32 $0x0  }
0x154: {  	s18 =	simm.s32 $0x80;
	v2 =	vld [tilespmem:s0+$0xB530]  }
.LBB2_17:
0x155: {  	p0 =	sne.s32 s18, $0x3F80;
	v3 =	vld [tilespmem:$0x10130]  }
0x156: {  	v4 =	vld [tilespmem:$0x10150];
	_ =	sdelay $0x3  }
0x157: {  	v2 =	vmul.f32 v2, v3;
	_ =	sdelay $0x1  }
0x158: {  	v2 =	vadd.f32 v2, v4;
	_ =	sdelay $0x1  }
0x159: {  	v2 =	vmax.f32 v2, $0.0e+00  }
0x15a: {  	[tilespmem:s0+$0xB530] =	vst v2;
	v2 =	vld [tilespmem:s0+$0xB540]  }
0x15b: {  	v3 =	vld [tilespmem:$0x10140]  }
0x15c: {  	v4 =	vld [tilespmem:$0x10160];
	_ =	sdelay $0x3  }
0x15d: {  	v2 =	vmul.f32 v2, v3  }
.Ltmp12:
0x15e: {  	(pc) =	sbr.rel @p0 .LBB2_17-.Ltmp12, $3  }
0x15f: {  	v2 =	vadd.f32 v2, v4;
	_ =	sdelay $0x1  }
0x160: {  	s20 =	sshra.s32 s18, $0x2;
	v3 =	vmax.f32 v2, $0.0e+00  }
0x161: {  	s18 =	sadd.s32 $0x80, s18;
	v2 =	vld [tilespmem:s20+$0xB530];
	[tilespmem:s0+$0xB540] =	vst v3;
	s0 =	smov.u32 s20  }
0x162: {  	v3 =	vld [tilespmem:$0x10130];
	_ =	sdelay $0x1  }
0x163: {  	v4 =	vld [tilespmem:$0x10150];
	_ =	sdelay $0x2  }
0x164: {  	v2 =	vmul.f32 v2, v3;
	_ =	sdelay $0x1  }
0x165: {  	v2 =	vadd.f32 v2, v4;
	_ =	sdelay $0x1  }
0x166: {  	v2 =	vmax.f32 v2, $0.0e+00  }
0x167: {  	[tilespmem:s0+$0xB530] =	vst v2;
	v2 =	vld [tilespmem:s0+$0xB540]  }
0x168: {  	v3 =	vld [tilespmem:$0x10140];
	_ =	sdelay $0x1  }
0x169: {  	v63 =	vld [tilespmem:$0x10160];
	_ =	sdelay $0x2  }
0x16a: {  	v2 =	vmul.f32 v2, v3;
	_ =	sdelay $0x1  }
0x16b: {  	v2 =	vadd.f32 v2, v63;
	_ =	sdelay $0x1  }
0x16c: {  	v2 =	vmax.f32 v2, $0.0e+00  }
0x16d: {  	s22 =	simm.s32 $0xB530;
	[tilespmem:s0+$0xB540] =	vst v2  }
0x16e: {  	[spmem:s11] =	stream.indirect.scatter.add.f32 [tilespmem:s22], [sflag:$0x2], $0x20, s30, s5, $0xb8;
	[tilespmem:$0x118E0] =	vst v63  }
0x16f: {  	_ =	swait.ge [sflag:s3], $0x1000  }
0x170: {  	[sflag:s3] =	ssyncset.done $0x0  }
0x171: {  	[sflag:s3] =	ssyncadd.s32 $0xFFFFF000  }
0x172: {  	[spmem:s13] =	stream.indirect.scatter.add.f32 [tilespmem:s6], [sflag:$0x2], $0x10, s30, s5, $0xb8;
	[tilespmem:$0x118E0] =	vst v63  }
0x173: {  	_ =	swait.ge [sflag:s3], $0x800  }
0x174: {  	[sflag:s3] =	ssyncset.done $0x0  }
0x175: {  	s0 =	simm.s32 $0x0;
	[sflag:s3] =	ssyncadd.s32 $0xFFFFF800  }
0x176: {  	s18 =	simm.s32 $0x80;
	v2 =	vld [tilespmem:s0+$0xC530]  }
.LBB2_19:
0x177: {  	p0 =	sne.s32 s18, $0x3F80;
	v3 =	vld [tilespmem:$0x10130]  }
0x178: {  	v4 =	vld [tilespmem:$0x10150];
	_ =	sdelay $0x3  }
0x179: {  	v2 =	vmul.f32 v2, v3;
	_ =	sdelay $0x1  }
0x17a: {  	v2 =	vadd.f32 v2, v4;
	_ =	sdelay $0x1  }
0x17b: {  	v2 =	vmax.f32 v2, $0.0e+00  }
0x17c: {  	[tilespmem:s0+$0xC530] =	vst v2;
	v2 =	vld [tilespmem:s0+$0xC540]  }
0x17d: {  	v3 =	vld [tilespmem:$0x10140]  }
0x17e: {  	v4 =	vld [tilespmem:$0x10160];
	_ =	sdelay $0x3  }
0x17f: {  	v2 =	vmul.f32 v2, v3  }
.Ltmp13:
0x180: {  	(pc) =	sbr.rel @p0 .LBB2_19-.Ltmp13, $3  }
0x181: {  	v2 =	vadd.f32 v2, v4;
	_ =	sdelay $0x1  }
0x182: {  	s20 =	sshra.s32 s18, $0x2;
	v3 =	vmax.f32 v2, $0.0e+00  }
0x183: {  	s18 =	sadd.s32 $0x80, s18;
	v2 =	vld [tilespmem:s20+$0xC530];
	[tilespmem:s0+$0xC540] =	vst v3;
	s0 =	smov.u32 s20  }
0x184: {  	v3 =	vld [tilespmem:$0x10130];
	_ =	sdelay $0x1  }
0x185: {  	v4 =	vld [tilespmem:$0x10150];
	_ =	sdelay $0x2  }
0x186: {  	v2 =	vmul.f32 v2, v3;
	_ =	sdelay $0x1  }
0x187: {  	v2 =	vadd.f32 v2, v4;
	_ =	sdelay $0x1  }
0x188: {  	v2 =	vmax.f32 v2, $0.0e+00  }
0x189: {  	[tilespmem:s0+$0xC530] =	vst v2;
	v2 =	vld [tilespmem:s0+$0xC540]  }
0x18a: {  	v3 =	vld [tilespmem:$0x10140];
	_ =	sdelay $0x1  }
0x18b: {  	v63 =	vld [tilespmem:$0x10160];
	_ =	sdelay $0x2  }
0x18c: {  	v2 =	vmul.f32 v2, v3;
	_ =	sdelay $0x1  }
0x18d: {  	v2 =	vadd.f32 v2, v63;
	_ =	sdelay $0x1  }
0x18e: {  	v2 =	vmax.f32 v2, $0.0e+00  }
0x18f: {  	s22 =	simm.s32 $0xC530;
	[tilespmem:s0+$0xC540] =	vst v2  }
0x190: {  	[spmem:s11] =	stream.indirect.scatter.add.f32 [tilespmem:s22], [sflag:$0x2], $0x20, s19, s5, $0xb8;
	[tilespmem:$0x118E0] =	vst v63  }
0x191: {  	_ =	swait.ge [sflag:s3], $0x1000  }
0x192: {  	[sflag:s3] =	ssyncset.done $0x0  }
0x193: {  	[sflag:s3] =	ssyncadd.s32 $0xFFFFF000  }
0x194: {  	[spmem:s13] =	stream.indirect.scatter.add.f32 [tilespmem:s6], [sflag:$0x2], $0x10, s19, s5, $0xb8;
	[tilespmem:$0x118E0] =	vst v63  }
0x195: {  	_ =	swait.ge [sflag:s3], $0x800  }
0x196: {  	[sflag:s3] =	ssyncset.done $0x0  }
0x197: {  	s0 =	simm.s32 $0x0;
	[sflag:s3] =	ssyncadd.s32 $0xFFFFF800  }
0x198: {  	s18 =	simm.s32 $0x80;
	v2 =	vld [tilespmem:s0+$0xD530]  }
.LBB2_21:
0x199: {  	p0 =	sne.s32 s18, $0x3F80;
	v3 =	vld [tilespmem:$0x10130]  }
0x19a: {  	v4 =	vld [tilespmem:$0x10150];
	_ =	sdelay $0x3  }
0x19b: {  	v2 =	vmul.f32 v2, v3;
	_ =	sdelay $0x1  }
0x19c: {  	v2 =	vadd.f32 v2, v4;
	_ =	sdelay $0x1  }
0x19d: {  	v2 =	vmax.f32 v2, $0.0e+00  }
0x19e: {  	[tilespmem:s0+$0xD530] =	vst v2;
	v2 =	vld [tilespmem:s0+$0xD540]  }
0x19f: {  	v3 =	vld [tilespmem:$0x10140]  }
0x1a0: {  	v4 =	vld [tilespmem:$0x10160];
	_ =	sdelay $0x3  }
0x1a1: {  	v2 =	vmul.f32 v2, v3  }
.Ltmp14:
0x1a2: {  	(pc) =	sbr.rel @p0 .LBB2_21-.Ltmp14, $3  }
0x1a3: {  	v2 =	vadd.f32 v2, v4;
	_ =	sdelay $0x1  }
0x1a4: {  	s20 =	sshra.s32 s18, $0x2;
	v3 =	vmax.f32 v2, $0.0e+00  }
0x1a5: {  	s18 =	sadd.s32 $0x80, s18;
	v2 =	vld [tilespmem:s20+$0xD530];
	[tilespmem:s0+$0xD540] =	vst v3;
	s0 =	smov.u32 s20  }
0x1a6: {  	v3 =	vld [tilespmem:$0x10130];
	_ =	sdelay $0x1  }
0x1a7: {  	v4 =	vld [tilespmem:$0x10150];
	_ =	sdelay $0x2  }
0x1a8: {  	v2 =	vmul.f32 v2, v3;
	_ =	sdelay $0x1  }
0x1a9: {  	v2 =	vadd.f32 v2, v4;
	_ =	sdelay $0x1  }
0x1aa: {  	v2 =	vmax.f32 v2, $0.0e+00  }
0x1ab: {  	[tilespmem:s0+$0xD530] =	vst v2;
	v2 =	vld [tilespmem:s0+$0xD540]  }
0x1ac: {  	v3 =	vld [tilespmem:$0x10140];
	_ =	sdelay $0x1  }
0x1ad: {  	v63 =	vld [tilespmem:$0x10160];
	_ =	sdelay $0x2  }
0x1ae: {  	v2 =	vmul.f32 v2, v3;
	_ =	sdelay $0x1  }
0x1af: {  	v2 =	vadd.f32 v2, v63;
	_ =	sdelay $0x1  }
0x1b0: {  	v2 =	vmax.f32 v2, $0.0e+00  }
0x1b1: {  	s22 =	simm.s32 $0xD530;
	[tilespmem:s0+$0xD540] =	vst v2  }
0x1b2: {  	[spmem:s11] =	stream.indirect.scatter.add.f32 [tilespmem:s22], [sflag:$0x2], $0x20, s21, s5, $0xb8;
	[tilespmem:$0x118E0] =	vst v63  }
0x1b3: {  	_ =	swait.ge [sflag:s3], $0x1000  }
0x1b4: {  	[sflag:s3] =	ssyncset.done $0x0  }
0x1b5: {  	[sflag:s3] =	ssyncadd.s32 $0xFFFFF000  }
0x1b6: {  	[spmem:s13] =	stream.indirect.scatter.add.f32 [tilespmem:s6], [sflag:$0x2], $0x10, s21, s5, $0xb8;
	[tilespmem:$0x118E0] =	vst v63  }
0x1b7: {  	_ =	swait.ge [sflag:s3], $0x800  }
0x1b8: {  	[sflag:s3] =	ssyncset.done $0x0  }
0x1b9: {  	s0 =	simm.s32 $0x0;
	[sflag:s3] =	ssyncadd.s32 $0xFFFFF800  }
0x1ba: {  	s18 =	simm.s32 $0x80;
	v2 =	vld [tilespmem:s0+$0xE530]  }
.LBB2_23:
0x1bb: {  	p0 =	sne.s32 s18, $0x3F80;
	v3 =	vld [tilespmem:$0x10130]  }
0x1bc: {  	v4 =	vld [tilespmem:$0x10150];
	_ =	sdelay $0x3  }
0x1bd: {  	v2 =	vmul.f32 v2, v3;
	_ =	sdelay $0x1  }
0x1be: {  	v2 =	vadd.f32 v2, v4;
	_ =	sdelay $0x1  }
0x1bf: {  	v2 =	vmax.f32 v2, $0.0e+00  }
0x1c0: {  	[tilespmem:s0+$0xE530] =	vst v2;
	v2 =	vld [tilespmem:s0+$0xE540]  }
0x1c1: {  	v3 =	vld [tilespmem:$0x10140]  }
0x1c2: {  	v4 =	vld [tilespmem:$0x10160];
	_ =	sdelay $0x3  }
0x1c3: {  	v2 =	vmul.f32 v2, v3  }
.Ltmp15:
0x1c4: {  	(pc) =	sbr.rel @p0 .LBB2_23-.Ltmp15, $3  }
0x1c5: {  	v2 =	vadd.f32 v2, v4;
	_ =	sdelay $0x1  }
0x1c6: {  	s20 =	sshra.s32 s18, $0x2;
	v3 =	vmax.f32 v2, $0.0e+00  }
0x1c7: {  	s18 =	sadd.s32 $0x80, s18;
	v2 =	vld [tilespmem:s20+$0xE530];
	[tilespmem:s0+$0xE540] =	vst v3;
	s0 =	smov.u32 s20  }
0x1c8: {  	v3 =	vld [tilespmem:$0x10130];
	_ =	sdelay $0x1  }
0x1c9: {  	v4 =	vld [tilespmem:$0x10150];
	_ =	sdelay $0x2  }
0x1ca: {  	v2 =	vmul.f32 v2, v3;
	_ =	sdelay $0x1  }
0x1cb: {  	v2 =	vadd.f32 v2, v4;
	_ =	sdelay $0x1  }
0x1cc: {  	v2 =	vmax.f32 v2, $0.0e+00  }
0x1cd: {  	[tilespmem:s0+$0xE530] =	vst v2;
	v2 =	vld [tilespmem:s0+$0xE540]  }
0x1ce: {  	v3 =	vld [tilespmem:$0x10140];
	_ =	sdelay $0x1  }
0x1cf: {  	v63 =	vld [tilespmem:$0x10160];
	_ =	sdelay $0x2  }
0x1d0: {  	v2 =	vmul.f32 v2, v3;
	_ =	sdelay $0x1  }
0x1d1: {  	v2 =	vadd.f32 v2, v63;
	_ =	sdelay $0x1  }
0x1d2: {  	v2 =	vmax.f32 v2, $0.0e+00  }
0x1d3: {  	[tilespmem:s0+$0xE540] =	vst v2  }
0x1d4: {  	[spmem:s11] =	stream.indirect.scatter.add.f32 [tilespmem:s24], [sflag:$0x2], $0x20, s23, s5, $0xb8;
	[tilespmem:$0x118E0] =	vst v63  }
0x1d5: {  	_ =	swait.ge [sflag:s3], $0x1000  }
0x1d6: {  	[sflag:s3] =	ssyncset.done $0x0  }
.Ltmp16:
0x1d7: {  	[sflag:s3] =	ssyncadd.s32 $0xFFFFF000;
	(pc) =	sbr.rel .LBB2_25-.Ltmp16, $4  }
0x1d8: {  	[spmem:s13] =	stream.indirect.scatter.add.f32 [tilespmem:s6], [sflag:$0x1], $0x10, s23, s5, $0xb8;
	[tilespmem:$0x118E0] =	vst v63  }
0x1d9: {  	_ =	swait.ge [sflag:s12], $0x800  }
0x1da: {  	[sflag:s12] =	ssyncset.done $0x0  }
0x1db: {  	[sflag:s12] =	ssyncadd.s32 $0xFFFFF800  }
.LBB2_27:
0x1dc: {  	_ =	sfence.sel $0x180000  }
0x1dd: {  	[bflag:$0x0] =	sbarrier.arrive $0xFFFF  }
0x1de: {  	_ =	strace $0x9000004A  }
0x1df: {  	s0 =	stileid.u32;
	[bflag:$0x2] =	sbarrier.arrive $0xFFFF  }
0x1e0: {  	p0 =	sne.s32 s0, $0x0;
	s0 =	rddreg [dreg:$0x4]  }
0x1e1: {  	s0 =	sadd.s32 @!p0 $0x100000, s0  }
0x1e2: {  	[sflag:s0] =	ssyncadd.tile.s32 @!p0 $0x1;
	_ =	shalt  }
.Lfunc_end2:
_tile_overlayer_lowered:
.L_overlay_start_2:
0x1e3: {  	(tag) =	ssettag $0x2  }
0x1e4: {  	s0 =	rddreg [dreg:$0x0];
	s2 =	stileid.u32  }
0x1e5: {  	s1 =	rddreg [dreg:$0x1];
	p0 =	sne.s32 s2, $0x0  }
0x1e6: {  	s3 =	rddreg [dreg:$0x2];
	[bflag:$0x3] =	sbarrier.arrive $0xFFFF;
	s2 =	simm.s32 @!p0 $0x1C01  }
0x1e7: {  	[timem:s3], [sflag:s2] =	dma.local @!p0 [hbm:s0], s1  }
0x1e8: {  	s0 =	simm.s32 @!p0 $0x1  }
0x1e9: {  	_ =	swait.ge @!p0 [sflag:s0], s1  }
0x1ea: {  	s1 =	ssub.s32 @!p0 $0x0, s1;
	[sflag:s0] =	ssyncset.done @!p0 $0x0  }
0x1eb: {  	[sflag:s0] =	ssyncadd.s32 @!p0 s1  }
0x1ec: {  	[bflag:$0x3] =	sbarrier.arrive $0xFFFF  }
0x1ed: {  	_ =	shalt  }

// kernel: kernel.7.cloned.1.call-start
scs
__scs_entry_jumppad:
0x0: {  	(pc) =	sbr.rel $0x88, $3  }
0x1: {  	(tag) =	ssettag $0x0;
	lr =	simm.s32 $0x1  }
0x2: {  	[smem:$0x3F8E] =	sst lr;
	_ =	strace $0xD0000000  }
0x3: {  	_ = 	snop  }
0x4: {  	_ = 	snop  }
0x5: {  	_ = 	snop  }
0x6: {  	_ = 	snop  }
0x7: {  	_ = 	snop  }
__scs_overlays_trampoline_lowered:
0x8: {  	[smem:$0x3F9D] =	sst s0  }
0x9: {  	[smem:$0x3F9E] =	sst s1  }
0xa: {  	[smem:$0x3F9F] =	sst s2  }
0xb: {  	[smem:$0x3FA0] =	sst s3  }
0xc: {  	[smem:$0x3FA1] =	sst s4  }
0xd: {  	[smem:$0x3FA2] =	sst s5  }
0xe: {  	[smem:$0x3FA3] =	sst s6  }
0xf: {  	[smem:$0x3FA4] =	sst s7  }
0x10: {  	[smem:$0x3FA5] =	sst s8  }
0x11: {  	[smem:$0x3FA6] =	sst s9;
	s0 =	simm.s32 @!p0 $0x0  }
0x12: {  	s1 =	sld [smem:$0x3F8C];
	s0 =	simm.s32 @p0 $0x1  }
0x13: {  	[smem:$0x3FA7] =	sst s0;
	s0 =	simm.s32 @!p1 $0x0  }
0x14: {  	s2 =	sld [smem:$0x3F8B];
	s0 =	simm.s32 @p1 $0x1  }
0x15: {  	[smem:$0x3FA8] =	sst s0;
	s0 =	simm.s32 @!p2 $0x0  }
0x16: {  	s3 =	sld [smem:$0x3FDB];
	s0 =	simm.s32 @p2 $0x1  }
0x17: {  	s4 =	simm.s32 $0x1BF5;
	[smem:$0x3FAA] =	sst s0  }
0x18: {  	s0 =	sld [smem:$0x3F8D];
	_ =	swait.ge [sflag:s4], $0x0  }
0x19: {  	s7 =	sld [smem:$0x3F8E]  }
0x1a: {  	s8 =	sadd.s32 $0xFFFFE003, lr  }
0x1b: {  	s9 =	sadd.s32 $0xFFFFFEF7, lr;
	s5 =	simm.s32 $0xFFFFFFFF;
	p2 =	slt.u32 s8, $0xFFFFF086  }
0x1c: {  	p1 =	slt.u32 s9, $0xF7A;
	s5 =	simm.s32 @!p2 $0x0  }
0x1d: {  	s5 =	simm.s32 @p1 $0x1;
	p0 =	seq.s32 s7, s2  }
0x1e: {  	s7 =	smul.u32 @!p0 $0xF7A, s2;
	p2 =	seq.s32 @!p0 s5, $0x0  }
0x1f: {  	s9 =	smul.u32 $0xF7A, s1;
	s8 =	simm.s32 @!p0 $0x1BF5;
	p2 =	por !p2, p0  }
0x20: {  	[sflag:s8] =	ssyncset.s32 @!p0 $0xFFFFF086;
	s6 =	sadd.s32 @!p0 s3, s7;
	s7 =	simm.s32 @!p0 $0x108  }
0x21: {  	s3 =	sadd.s32 s3, s9;
	s6 =	sadd.s32 @!p0 $0x88, s6;
	s7 =	simm.s32 @p2 $0x1082  }
0x22: {  	[simem:s7], [sflag:s8] =	dma.local @!p0 [hbm:s6], $0xF7A  }
0x23: {  	s9 =	sor.u32 $0xD0000000, s2;
	s6 =	simm.s32 $0x108;
	_ =	swait.ge @!p0 [sflag:s8], $0x0  }
0x24: {  	s3 =	sadd.s32 $0x88, s3;
	s6 =	simm.s32 @!p1 $0x1082;
	[sflag:s4] =	ssyncset.s32 $0xFFFFF086  }
0x25: {  	[simem:s6], [sflag:s4] =	dma.local [hbm:s3], $0xF7A  }
0x26: {  	[smem:$0x3F8E] =	sst s1;
	(tag) =	ssettag s2;
	_ =	strace s9  }
0x27: {  	s1 =	sld [smem:$0x3F9E]  }
0x28: {  	s2 =	sld [smem:$0x3F9F]  }
0x29: {  	s4 =	sld [smem:$0x3FA1]  }
0x2a: {  	p0 =	seq.s32 s5, $0x0;
	s5 =	sld [smem:$0x3FA2]  }
0x2b: {  	s6 =	sld [smem:$0x3FA3]  }
0x2c: {  	s7 =	sld [smem:$0x3FA4]  }
0x2d: {  	s3 =	simm.s32 $0x108;
	s8 =	sld [smem:$0x3FA5]  }
0x2e: {  	s3 =	simm.s32 @!p0 $0x1082;
	s9 =	sld [smem:$0x3FA6]  }
0x2f: {  	lr =	sadd.s32 s0, s3;
	s0 =	sld [smem:$0x3F9D]  }
0x30: {  	s3 =	sld [smem:$0x3FA0]  }
0x31: {  	[smem:$0x3FA9] =	sst s10  }
0x32: {  	s10 =	sld [smem:$0x3FA7];
	_ =	sdelay $0x3  }
0x33: {  	p0 =	seq.s32 s10, $0x1;
	s10 =	sld [smem:$0x3FA9];
	_ =	sdelay $0x3  }
0x34: {  	[smem:$0x3FA9] =	sst s10  }
0x35: {  	s10 =	sld [smem:$0x3FA8];
	_ =	sdelay $0x3  }
0x36: {  	p1 =	seq.s32 s10, $0x1;
	s10 =	sld [smem:$0x3FA9];
	_ =	sdelay $0x3  }
0x37: {  	[smem:$0x3FA9] =	sst s10  }
0x38: {  	s10 =	sld [smem:$0x3FAA]  }
0x39: {  	_ = 	snop;
	(pc) =	sbr.ind lr, $3  }
0x3a: {  	_ = 	snop  }
0x3b: {  	_ = 	snop  }
0x3c: {  	p2 =	seq.s32 s10, $0x1;
	s10 =	sld [smem:$0x3FA9]  }
0x3d: {  	_ =	shalt  }
0x3e: {  	_ =	shalt  }
0x3f: {  	_ =	shalt  }
0x40: {  	_ =	shalt  }
0x41: {  	_ =	shalt  }
0x42: {  	_ =	shalt  }
0x43: {  	_ =	shalt  }
0x44: {  	_ =	shalt  }
0x45: {  	_ =	shalt  }
0x46: {  	_ =	shalt  }
0x47: {  	_ =	shalt  }
0x48: {  	_ =	shalt  }
0x49: {  	_ =	shalt  }
0x4a: {  	_ =	shalt  }
0x4b: {  	_ =	shalt  }
0x4c: {  	_ =	shalt  }
0x4d: {  	_ =	shalt  }
0x4e: {  	_ =	shalt  }
0x4f: {  	_ =	shalt  }
0x50: {  	_ =	shalt  }
0x51: {  	_ =	shalt  }
0x52: {  	_ =	shalt  }
0x53: {  	_ =	shalt  }
0x54: {  	_ =	shalt  }
0x55: {  	_ =	shalt  }
0x56: {  	_ =	shalt  }
0x57: {  	_ =	shalt  }
0x58: {  	_ =	shalt  }
0x59: {  	_ =	shalt  }
0x5a: {  	_ =	shalt  }
0x5b: {  	_ =	shalt  }
0x5c: {  	_ =	shalt  }
0x5d: {  	_ =	shalt  }
0x5e: {  	_ =	shalt  }
0x5f: {  	_ =	shalt  }
0x60: {  	_ =	shalt  }
0x61: {  	_ =	shalt  }
0x62: {  	_ =	shalt  }
0x63: {  	_ =	shalt  }
0x64: {  	_ =	shalt  }
0x65: {  	_ =	shalt  }
0x66: {  	_ =	shalt  }
0x67: {  	_ =	shalt  }
0x68: {  	_ =	shalt  }
0x69: {  	_ =	shalt  }
0x6a: {  	_ =	shalt  }
0x6b: {  	_ =	shalt  }
0x6c: {  	_ =	shalt  }
0x6d: {  	_ =	shalt  }
0x6e: {  	_ =	shalt  }
0x6f: {  	_ =	shalt  }
0x70: {  	_ =	shalt  }
0x71: {  	_ =	shalt  }
0x72: {  	_ =	shalt  }
0x73: {  	_ =	shalt  }
0x74: {  	_ =	shalt  }
0x75: {  	_ =	shalt  }
0x76: {  	_ =	shalt  }
0x77: {  	_ =	shalt  }
0x78: {  	_ =	shalt  }
0x79: {  	_ =	shalt  }
0x7a: {  	_ =	shalt  }
0x7b: {  	_ =	shalt  }
0x7c: {  	_ =	shalt  }
0x7d: {  	_ =	shalt  }
0x7e: {  	_ =	shalt  }
0x7f: {  	_ =	shalt  }
0x80: {  	_ =	shalt  }
0x81: {  	_ =	shalt  }
0x82: {  	_ =	shalt  }
0x83: {  	_ =	shalt  }
0x84: {  	_ =	shalt  }
0x85: {  	_ =	shalt  }
0x86: {  	_ =	shalt  }
0x87: {  	_ =	shalt  }
.Lfunc_end0:
.L_simem_size_0:
called_computation_lowered:
.L_overlay_start_0:
0x88: {  	s2 =	sld [smem:$0x3FD9]  }
0x89: {  	s3 =	sld [smem:$0x3FFE];
	_ =	sdelay $0x1  }
0x8a: {  	s1 =	srdreg.scid  }
0x8b: {  	s0 =	sand.u32 $0x1, s1  }
0x8c: {  	s14 =	sshll.u32 s0, $0xA;
	s2 =	sadd.s32 s3, s2  }
0x8d: {  	s2 =	sadd.s32 s2, s14  }
0x8e: {  	[smem:$0x3FB5] =	sst s2  }
0x8f: {  	_ = 	snop  }
0x90: {  	s2 =	sld [smem:$0x3FD0];
	_ =	sdelay $0x2  }
0x91: {  	s15 =	simm.s32 $0xA;
	s4 =	simm.s32 $0x10  }
0x92: {  	[smem:s4], [sflag:s15] =	dma.local [hbm:s2], $0x1  }
0x93: {  	_ =	swait.eq [sflag:s15], $0x1  }
0x94: {  	[sflag:s15] =	ssyncset.done $0x0  }
0x95: {  	[sflag:s15] =	ssyncadd.s32 $0xFFFFFFFF  }
0x96: {  	s16 =	sld [smem:$0x10];
	(tm) =	ssettm $0x1  }
0x97: {  	s17 =	sld [smem:$0x3FFB];
	_ =	sdelay $0x3  }
0x98: {  	_ =	strace s17  }
0x99: {  	s3 =	sld [smem:$0x3FFC];
	_ =	sdelay $0x3  }
0x9a: {  	_ =	strace s3  }
0x9b: {  	s3 =	sld [smem:$0x3FFD];
	_ =	sdelay $0x3  }
0x9c: {  	_ =	strace s3  }
0x9d: {  	_ =	strace $0x8FFFFFFF  }
0x9e: {  	s18 =	sld [smem:$0x3FDB];
	_ =	sdelay $0x1  }
0x9f: {  	s19 =	simm.s32 $_scs_section_size  }
0xa0: {  	s5 =	simm.s32 $_size__tile_overlayer_lowered;
	s6 =	simm.s32 $_tile_overlayer_lowered  }
0xa1: {  	s22 =	simm.s32 $0x1BFF;
	s21 =	sshll.u32 s6, $0x1;
	s3 =	sadd.s32 s19, s18  }
0xa2: {  	s7 =	simm.s32 $0x0;
	s20 =	sshll.u32 s5, $0x1;
	s5 =	sadd.s32 s21, s3  }
0xa3: {  	[timem:s7], [sflag:s22] =	dma.local [hbm:s5], s20  }
0xa4: {  	_ =	swait.ge [sflag:s22], s20  }
0xa5: {  	s4 =	ssub.s32 $0x0, s20;
	[sflag:s22] =	ssyncset.done $0x0  }
0xa6: {  	[sflag:s22] =	ssyncadd.s32 s4;
	_ =	sdelay $0x1  }
0xa7: {  	s23 =	simm.s32 $0x1B8B  }
0xa8: {  	_ =	swait.ge [sflag:s23], $0x1  }
0xa9: {  	[sflag:s23] =	ssyncset.done $0x0  }
0xaa: {  	s25 =	simm.s32 $0x1B8E;
	s24 =	sld [smem:$0x3FFE];
	[sflag:s23] =	ssyncadd.s32 $0xFFFFFFFF  }
0xab: {  	s26 =	simm.s32 $execute0_lowered;
	[smem:$0x3FD2] =	sst s25  }
0xac: {  	s5 =	sshll.u32 s26, $0x1;
	_ =	strace $0x80000046;
	[dreg:$0x1] =	wrdreg $0xFFFFFFFF  }
0xad: {  	s28 =	simm.s32 $_size_execute0_lowered;
	s3 =	sadd.s32 s3, s5;
	[dreg:$0x0] =	wrdreg $0x0  }
0xae: {  	s5 =	sshll.u32 s28, $0x1;
	[dreg:$0x2] =	wrdreg s3  }
0xaf: {  	[dreg:$0x3] =	wrdreg s5  }
0xb0: {  	[dreg:$0x4] =	wrdreg $0xC0  }
0xb1: {  	_ =	task [dreg:s7], $0x5FFFF  }
0xb2: {  	[dreg:$0x1] =	wrdreg $0xFFFFFFFF  }
0xb3: {  	[dreg:$0x0] =	wrdreg $0x60  }
0xb4: {  	[dreg:$0x2] =	wrdreg s24  }
0xb5: {  	[dreg:$0x3] =	wrdreg s16  }
0xb6: {  	[dreg:$0x4] =	wrdreg $0x9  }
0xb7: {  	_ =	task.clear_ibuf [dreg:s7], $0x5FFFF;
	_ =	strace $0x90000046  }
0xb8: {  	s29 =	simm.s32 $0x9;
	_ =	strace $0x80000048  }
0xb9: {  	_ =	swait.ge [sflag:s29], $0x1  }
0xba: {  	[sflag:s29] =	ssyncadd.s32 $0xFFFFFFFF  }
0xbb: {  	_ =	strace $0x90000048  }
0xbc: {  	_ =	sfence  }
0xbd: {  	s30 =	sld [smem:$0x0];
	_ =	sdelay $0x2  }
0xbe: {  	s31 =	sshll.u32 s1, $0xD;
	s1 =	sshrl.u32 s1, $0x2  }
0xbf: {  	s3 =	sand.u32 $0x4000, s31;
	s1 =	sadd.s32 s1, s30  }
0xc0: {  	s0 =	sor.u32 s3, s0;
	s1 =	sshll.u32 s1, $0x11  }
0xc1: {  	s0 =	sor.u32 s1, s0  }
0xc2: {  	s0 =	sadd.s32 $0x8F2B, s0  }
0xc3: {  	[sflag:s0] =	ssyncadd.remote.s32 $0x1  }
0xc4: {  	_ =	sfence.sel $0xFFFF  }
0xc5: {  	[dreg:$0x0] =	wrdreg $0xFFFFFFFF;
	(pc) =	sbr.abs _section_cstart, $3  }
0xc6: {  	[dreg:$0x1] =	wrdreg $0xFFFFFFFF  }
0xc7: {  	_ =	task.clear_ibuf [dreg:s7], $0x2FFFF;
	_ =	strace $0x9FFFFFFF  }
0xc8: {  	(tm) =	ssettm $0x7FFFFFFF  }
0xc9: {  	_ =	shalt  }
tec
execute0_lowered:
.L_overlay_start_1:
0x0: {  	(tag) =	ssettag $0x1  }
0x1: {  	s0 =	rddreg [dreg:$0x0]  }
0x2: {  	s1 =	rddreg [dreg:$0x1];
	s2 =	simm.s32 $0x0;
	s30 =	srdreg.scid  }
0x3: {  	s8 =	stileid.u32;
	s11 =	simm.s32 $0x2;
	s12 =	simm.s32 $0x400  }
0x4: {  	s13 =	simm.s32 $0x80;
	s14 =	simm.s32 $0x800;
	s10 =	simm.s32 $0xD800  }
0x5: {  	s15 =	simm.s32 $0x6800;
	s16 =	simm.s32 $0x700;
	s17 =	simm.s32 $0xE800  }
0x6: {  	s18 =	simm.s32 $0x380;
	s19 =	simm.s32 $0x7800;
	s20 =	simm.s32 $0x780  }
0x7: {  	s21 =	simm.s32 $0xF800;
	s22 =	simm.s32 $0x1;
	s23 =	simm.s32 $0x10800  }
0x8: {  	s24 =	simm.s32 $0x10820;
	s25 =	simm.s32 $0x10810;
	s26 =	simm.s32 $0x10830  }
0x9: {  	s28 =	simm.s32 $0x0;
	[smem:$0x7FF] =	sst s2;
	s3 =	sadd.s32 $0x2BA00, s0  }
0xa: {  	s4 =	sadd.s32 $0x35800, s0;
	s2 =	sand.u32 $0x1, s30;
	s5 =	sadd.s32 $0x3F600, s0  }
0xb: {  	s6 =	sadd.s32 $0x49600, s0;
	_ =	strace $0x80000047;
	s7 =	sshll.u32 s2, $0x4  }
.Ltmp0:
0xc: {  	s2 =	ssub.s32 $0x2, s2;
	s8 =	sor.u32 s8, s7;
	(pc) =	sbr.rel .LBB2_1-.Ltmp0, $4  }
0xd: {  	s7 =	sadd.s32 $0x53600, s0;
	s31 =	sshrl.u32 s2, $0x1;
	s9 =	sshll.u32 s8, $0x3  }
0xe: {  	s0 =	ssub.s32 s2, s31;
	s8 =	smul.u32 $0x50, s8;
	s1 =	sadd.s32 s1, s9  }
0xf: {  	s2 =	simm.s32 $0x5800;
	s0 =	smax.u32 s0, $0x1;
	[dreg:$0x3] =	wrdreg s1  }
0x10: {  	v0 =	vimm.f32 $0.0e+00;
	s9 =	simm.s32 $0x680;
	[dreg:$0x4] =	wrdreg s0;
	s1 =	simm.s32 $0x300  }
.LBB2_22:
0x11: {  	s0 =	simm.s32 $0x0;
	s28 =	rddreg [dreg:$0x3]  }
0x12: {  	[hbm4b:s28+s0] =	stream.linear.scatter [tilespmem:s23], [sflag:$0x2], $0x40, $0x38;
	[tilespmem:$0x10840] =	vst v63  }
0x13: {  	_ =	swait.ge [sflag:s11], $0x40  }
0x14: {  	s28 =	rddreg [dreg:$0x5]  }
0x15: {  	s31 =	rddreg [dreg:$0x4];
	s28 =	sadd.s32 $0x1, s28  }
0x16: {  	p0 =	sne.s32 s28, s31  }
.Ltmp1:
0x17: {  	_ = 	snop;
	(pc) =	sbr.rel @!p0 .LBB2_23-.Ltmp1, $3  }
0x18: {  	_ =	sdelay $0x1  }
0x19: {  	[sflag:s11] =	ssyncset.done $0x0  }
0x1a: {  	[sflag:s11] =	ssyncadd.s32 $0xFFFFFFC0  }
.LBB2_1:
.Ltmp2:
0x1b: {  	(pc) =	sbr.rel .LBB2_2-.Ltmp2, $4  }
0x1c: {  	[tilespmem:$0x10800] =	vst v0  }
0x1d: {  	[tilespmem:$0x10810] =	vst v0  }
0x1e: {  	[tilespmem:$0x10820] =	vst v0  }
0x1f: {  	[dreg:$0x5] =	wrdreg s28;
	[tilespmem:$0x10830] =	vst v0;
	s28 =	simm.s32 $0x0  }
.LBB2_21:
0x20: {  	s28 =	sadd.s32 $0x1, s28  }
0x21: {  	s0 =	sshll.u32 s29, $0x9;
	p0 =	sne.s32 s28, $0xA  }
.Ltmp3:
0x22: {  	s31 =	simm.s32 $0x0;
	s0 =	sadd.s32 s7, s0;
	(pc) =	sbr.rel @!p0 .LBB2_22-.Ltmp3, $4  }
0x23: {  	[hbm4b:s0+s31] =	stream.linear.scatter [tilespmem:s14], [sflag:$0x2], $0x8000, $0x38;
	[tilespmem:$0x10840] =	vst v63  }
0x24: {  	_ =	swait.ge [sflag:s11], $0x8000  }
0x25: {  	[sflag:s11] =	ssyncset.done $0x0  }
0x26: {  	[sflag:s11] =	ssyncadd.s32 $0xFFFF8000  }
.LBB2_2:
0x27: {  	s29 =	sshll.u32 s28, $0x3  }
0x28: {  	s29 =	sadd.s32 s8, s29  }
0x29: {  	s31 =	sshll.u32 s29, $0x4  }
0x2a: {  	s30 =	simm.s32 $0x0;
	s0 =	sadd.s32 s5, s31  }
0x2b: {  	[tilespmem:s30], [sflag:$0x2] =	stream.linear.gather [hbm4b:s0+s30], $0x400, $0x38;
	[tilespmem:$0x10840] =	vst v63  }
0x2c: {  	_ =	swait.ge [sflag:s11], $0x400  }
0x2d: {  	[sflag:s11] =	ssyncset.done $0x0  }
0x2e: {  	s31 =	sadd.s32 s6, s31;
	[sflag:s11] =	ssyncadd.s32 $0xFFFFFC00  }
0x2f: {  	[tilespmem:s12], [sflag:$0x2] =	stream.linear.gather [hbm4b:s31+s30], $0x400, $0x38;
	[tilespmem:$0x10840] =	vst v63  }
0x30: {  	_ =	swait.ge [sflag:s11], $0x400  }
0x31: {  	[sflag:s11] =	ssyncset.done $0x0  }
0x32: {  	[sflag:s11] =	ssyncadd.s32 $0xFFFFFC00  }
0x33: {  	[tilespmem:s14], [sflag:$0x1] =	stream.indirect.gather [hbm4b:s3+s13], $0x20, s30, s13, $0xb8;
	[tilespmem:$0x10840] =	vst v63  }
0x34: {  	s31 =	simm.s32 $0x8800  }
0x35: {  	[tilespmem:s31], [sflag:$0x1] =	stream.indirect.gather [hbm4b:s4+s13], $0x20, s12, s13, $0xb8;
	[tilespmem:$0x10840] =	vst v63  }
0x36: {  	s31 =	simm.s32 $0x1800  }
0x37: {  	[tilespmem:s31], [sflag:$0x1] =	stream.indirect.gather [hbm4b:s3+s13], $0x20, s13, s13, $0xb8;
	[tilespmem:$0x10840] =	vst v63  }
0x38: {  	s0 =	simm.s32 $0x480;
	s31 =	simm.s32 $0x9800  }
0x39: {  	[tilespmem:s31], [sflag:$0x1] =	stream.indirect.gather [hbm4b:s4+s13], $0x20, s0, s13, $0xb8;
	[tilespmem:$0x10840] =	vst v63  }
0x3a: {  	s0 =	simm.s32 $0x100;
	s31 =	simm.s32 $0x2800  }
0x3b: {  	[tilespmem:s31], [sflag:$0x1] =	stream.indirect.gather [hbm4b:s3+s13], $0x20, s0, s13, $0xb8;
	[tilespmem:$0x10840] =	vst v63  }
0x3c: {  	s0 =	simm.s32 $0x500;
	s31 =	simm.s32 $0xA800  }
0x3d: {  	[tilespmem:s31], [sflag:$0x1] =	stream.indirect.gather [hbm4b:s4+s13], $0x20, s0, s13, $0xb8;
	[tilespmem:$0x10840] =	vst v63  }
0x3e: {  	s0 =	simm.s32 $0x180;
	s31 =	simm.s32 $0x3800  }
0x3f: {  	[tilespmem:s31], [sflag:$0x1] =	stream.indirect.gather [hbm4b:s3+s13], $0x20, s0, s13, $0xb8;
	[tilespmem:$0x10840] =	vst v63  }
0x40: {  	s0 =	simm.s32 $0x580;
	s31 =	simm.s32 $0xB800  }
0x41: {  	[tilespmem:s31], [sflag:$0x1] =	stream.indirect.gather [hbm4b:s4+s13], $0x20, s0, s13, $0xb8;
	[tilespmem:$0x10840] =	vst v63  }
0x42: {  	s0 =	simm.s32 $0x200;
	s31 =	simm.s32 $0x4800  }
0x43: {  	[tilespmem:s31], [sflag:$0x1] =	stream.indirect.gather [hbm4b:s3+s13], $0x20, s0, s13, $0xb8;
	[tilespmem:$0x10840] =	vst v63  }
0x44: {  	s0 =	simm.s32 $0x600;
	s31 =	simm.s32 $0xC800  }
0x45: {  	[tilespmem:s31], [sflag:$0x1] =	stream.indirect.gather [hbm4b:s4+s13], $0x20, s0, s13, $0xb8;
	[tilespmem:$0x10840] =	vst v63  }
0x46: {  	s31 =	simm.s32 $0x280  }
0x47: {  	[tilespmem:s2], [sflag:$0x1] =	stream.indirect.gather [hbm4b:s3+s13], $0x20, s31, s13, $0xb8;
	[tilespmem:$0x10840] =	vst v63  }
0x48: {  	_ = 	snop  }
0x49: {  	[tilespmem:s10], [sflag:$0x1] =	stream.indirect.gather [hbm4b:s4+s13], $0x20, s9, s13, $0xb8;
	[tilespmem:$0x10840] =	vst v63  }
0x4a: {  	_ = 	snop  }
0x4b: {  	[tilespmem:s15], [sflag:$0x1] =	stream.indirect.gather [hbm4b:s3+s13], $0x20, s1, s13, $0xb8;
	[tilespmem:$0x10840] =	vst v63  }
0x4c: {  	_ = 	snop  }
0x4d: {  	[tilespmem:s17], [sflag:$0x1] =	stream.indirect.gather [hbm4b:s4+s13], $0x20, s16, s13, $0xb8;
	[tilespmem:$0x10840] =	vst v63  }
0x4e: {  	_ = 	snop  }
0x4f: {  	[tilespmem:s19], [sflag:$0x1] =	stream.indirect.gather [hbm4b:s3+s13], $0x20, s18, s13, $0xb8;
	[tilespmem:$0x10840] =	vst v63  }
0x50: {  	_ = 	snop  }
0x51: {  	[tilespmem:s21], [sflag:$0x1] =	stream.indirect.gather [hbm4b:s4+s13], $0x20, s20, s13, $0xb8;
	[tilespmem:$0x10840] =	vst v63  }
0x52: {  	_ =	swait.ge [sflag:s22], $0x1000  }
0x53: {  	[sflag:s22] =	ssyncset.done $0x0  }
0x54: {  	[sflag:s22] =	ssyncadd.s32 $0xFFFFF000  }
0x55: {  	_ =	swait.ge [sflag:s22], $0x1000  }
0x56: {  	[sflag:s22] =	ssyncset.done $0x0  }
0x57: {  	[sflag:s22] =	ssyncadd.s32 $0xFFFFF000  }
0x58: {  	_ =	swait.ge [sflag:s22], $0x1000  }
0x59: {  	[sflag:s22] =	ssyncset.done $0x0  }
0x5a: {  	[sflag:s22] =	ssyncadd.s32 $0xFFFFF000  }
0x5b: {  	_ =	swait.ge [sflag:s22], $0x1000  }
0x5c: {  	[sflag:s22] =	ssyncset.done $0x0  }
0x5d: {  	[sflag:s22] =	ssyncadd.s32 $0xFFFFF000  }
0x5e: {  	_ =	swait.ge [sflag:s22], $0x1000  }
0x5f: {  	[sflag:s22] =	ssyncset.done $0x0  }
0x60: {  	[sflag:s22] =	ssyncadd.s32 $0xFFFFF000  }
0x61: {  	_ =	swait.ge [sflag:s22], $0x1000  }
0x62: {  	[sflag:s22] =	ssyncset.done $0x0  }
0x63: {  	[sflag:s22] =	ssyncadd.s32 $0xFFFFF000  }
0x64: {  	_ =	swait.ge [sflag:s22], $0x1000  }
0x65: {  	[sflag:s22] =	ssyncset.done $0x0  }
0x66: {  	[sflag:s22] =	ssyncadd.s32 $0xFFFFF000  }
0x67: {  	_ =	swait.ge [sflag:s22], $0x1000  }
0x68: {  	[sflag:s22] =	ssyncset.done $0x0  }
0x69: {  	[sflag:s22] =	ssyncadd.s32 $0xFFFFF000  }
0x6a: {  	_ =	swait.ge [sflag:s22], $0x1000  }
0x6b: {  	[sflag:s22] =	ssyncset.done $0x0  }
0x6c: {  	[sflag:s22] =	ssyncadd.s32 $0xFFFFF000  }
0x6d: {  	_ =	swait.ge [sflag:s22], $0x1000  }
0x6e: {  	[sflag:s22] =	ssyncset.done $0x0  }
0x6f: {  	[sflag:s22] =	ssyncadd.s32 $0xFFFFF000  }
0x70: {  	_ =	swait.ge [sflag:s22], $0x1000  }
0x71: {  	[sflag:s22] =	ssyncset.done $0x0  }
0x72: {  	[sflag:s22] =	ssyncadd.s32 $0xFFFFF000  }
0x73: {  	_ =	swait.ge [sflag:s22], $0x1000  }
0x74: {  	[sflag:s22] =	ssyncset.done $0x0  }
0x75: {  	[sflag:s22] =	ssyncadd.s32 $0xFFFFF000  }
0x76: {  	_ =	swait.ge [sflag:s22], $0x1000  }
0x77: {  	[sflag:s22] =	ssyncset.done $0x0  }
0x78: {  	[sflag:s22] =	ssyncadd.s32 $0xFFFFF000  }
0x79: {  	_ =	swait.ge [sflag:s22], $0x1000  }
0x7a: {  	[sflag:s22] =	ssyncset.done $0x0  }
0x7b: {  	[sflag:s22] =	ssyncadd.s32 $0xFFFFF000  }
0x7c: {  	p0 =	sgt.u32 s29, $0x9C3;
	_ =	swait.ge [sflag:s22], $0x1000  }
.Ltmp4:
0x7d: {  	[sflag:s22] =	ssyncset.done $0x0;
	(pc) =	sbr.rel @p0 .LBB2_21-.Ltmp4, $4  }
0x7e: {  	[sflag:s22] =	ssyncadd.s32 $0xFFFFF000  }
0x7f: {  	_ =	swait.ge [sflag:s22], $0x1000  }
0x80: {  	[sflag:s22] =	ssyncset.done $0x0  }
0x81: {  	[sflag:s22] =	ssyncadd.s32 $0xFFFFF000  }
0x82: {  	s31 =	sshra.s32 s30, $0x2  }
0x83: {  	v1 =	vld [tilespmem:s31+$0x8800]  }
0x84: {  	s30 =	sadd.s32 $0x80, s30;
	v2 =	vld [tilespmem:s31+$0x800]  }
.LBB2_4:
0x85: {  	p0 =	sne.s32 s30, $0x3F80;
	_ =	sdelay $0x3  }
0x86: {  	v1 =	vadd.f32 v1, v2;
	_ =	sdelay $0x1  }
0x87: {  	[tilespmem:s31+$0x800] =	vst v1;
	v2 =	vmul.f32 v1, v1  }
0x88: {  	[tilespmem:s23+$0x0] =	vst.add.f32.msk $0xffff, v1  }
0x89: {  	[tilespmem:s24+$0x0] =	vst.add.f32.msk $0xffff, v2  }
0x8a: {  	v1 =	vld [tilespmem:s31+$0x810]  }
0x8b: {  	v2 =	vld [tilespmem:s31+$0x8810];
	_ =	sdelay $0x4  }
0x8c: {  	v1 =	vadd.f32 v2, v1;
	_ =	sdelay $0x1  }
.Ltmp5:
0x8d: {  	[tilespmem:s31+$0x810] =	vst v1;
	v2 =	vmul.f32 v1, v1;
	(pc) =	sbr.rel @p0 .LBB2_4-.Ltmp5, $4  }
0x8e: {  	[tilespmem:s25+$0x0] =	vst.add.f32.msk $0xffff, v1  }
0x8f: {  	s31 =	sshra.s32 s30, $0x2;
	[tilespmem:s26+$0x0] =	vst.add.f32.msk $0xffff, v2  }
0x90: {  	v1 =	vld [tilespmem:s31+$0x8800]  }
0x91: {  	s30 =	sadd.s32 $0x80, s30;
	v2 =	vld [tilespmem:s31+$0x800]  }
0x92: {  	_ =	sdelay $0x3  }
0x93: {  	v1 =	vadd.f32 v1, v2;
	_ =	sdelay $0x1  }
0x94: {  	[tilespmem:s31+$0x800] =	vst v1;
	v2 =	vmul.f32 v1, v1  }
0x95: {  	[tilespmem:s23+$0x0] =	vst.add.f32.msk $0xffff, v1  }
0x96: {  	[tilespmem:s24+$0x0] =	vst.add.f32.msk $0xffff, v2  }
0x97: {  	v1 =	vld [tilespmem:s31+$0x810]  }
0x98: {  	v2 =	vld [tilespmem:s31+$0x8810];
	_ =	sdelay $0x4  }
0x99: {  	v1 =	vadd.f32 v2, v1;
	_ =	sdelay $0x1  }
0x9a: {  	[tilespmem:s31+$0x810] =	vst v1;
	v2 =	vmul.f32 v1, v1  }
0x9b: {  	[tilespmem:s25+$0x0] =	vst.add.f32.msk $0xffff, v1  }
0x9c: {  	s30 =	simm.s32 $0x0;
	[tilespmem:s26+$0x0] =	vst.add.f32.msk $0xffff, v2  }
0x9d: {  	v1 =	vld [tilespmem:s30+$0x9800]  }
0x9e: {  	s31 =	simm.s32 $0x80;
	v2 =	vld [tilespmem:s30+$0x1800]  }
.LBB2_6:
0x9f: {  	p0 =	sne.s32 s31, $0x3F80;
	_ =	sdelay $0x3  }
0xa0: {  	v1 =	vadd.f32 v1, v2;
	_ =	sdelay $0x1  }
0xa1: {  	[tilespmem:s30+$0x1800] =	vst v1;
	v2 =	vmul.f32 v1, v1  }
0xa2: {  	[tilespmem:s23+$0x0] =	vst.add.f32.msk $0xffff, v1  }
0xa3: {  	[tilespmem:s24+$0x0] =	vst.add.f32.msk $0xffff, v2  }
0xa4: {  	v1 =	vld [tilespmem:s30+$0x1810]  }
0xa5: {  	v2 =	vld [tilespmem:s30+$0x9810];
	_ =	sdelay $0x4  }
0xa6: {  	v1 =	vadd.f32 v2, v1;
	_ =	sdelay $0x1  }
.Ltmp6:
0xa7: {  	[tilespmem:s30+$0x1810] =	vst v1;
	v2 =	vmul.f32 v1, v1;
	(pc) =	sbr.rel @p0 .LBB2_6-.Ltmp6, $4  }
0xa8: {  	[tilespmem:s25+$0x0] =	vst.add.f32.msk $0xffff, v1  }
0xa9: {  	s30 =	sshra.s32 s31, $0x2;
	[tilespmem:s26+$0x0] =	vst.add.f32.msk $0xffff, v2  }
0xaa: {  	v1 =	vld [tilespmem:s30+$0x9800]  }
0xab: {  	s31 =	sadd.s32 $0x80, s31;
	v2 =	vld [tilespmem:s30+$0x1800]  }
0xac: {  	_ =	sdelay $0x3  }
0xad: {  	v1 =	vadd.f32 v1, v2;
	_ =	sdelay $0x1  }
0xae: {  	[tilespmem:s30+$0x1800] =	vst v1;
	v2 =	vmul.f32 v1, v1  }
0xaf: {  	[tilespmem:s23+$0x0] =	vst.add.f32.msk $0xffff, v1  }
0xb0: {  	[tilespmem:s24+$0x0] =	vst.add.f32.msk $0xffff, v2  }
0xb1: {  	v1 =	vld [tilespmem:s30+$0x1810]  }
0xb2: {  	v2 =	vld [tilespmem:s30+$0x9810];
	_ =	sdelay $0x4  }
0xb3: {  	v1 =	vadd.f32 v2, v1;
	_ =	sdelay $0x1  }
0xb4: {  	[tilespmem:s30+$0x1810] =	vst v1;
	v2 =	vmul.f32 v1, v1  }
0xb5: {  	[tilespmem:s25+$0x0] =	vst.add.f32.msk $0xffff, v1  }
0xb6: {  	s30 =	simm.s32 $0x0;
	[tilespmem:s26+$0x0] =	vst.add.f32.msk $0xffff, v2  }
0xb7: {  	v1 =	vld [tilespmem:s30+$0xA800]  }
0xb8: {  	s31 =	simm.s32 $0x80;
	v2 =	vld [tilespmem:s30+$0x2800]  }
.LBB2_8:
0xb9: {  	p0 =	sne.s32 s31, $0x3F80;
	_ =	sdelay $0x3  }
0xba: {  	v1 =	vadd.f32 v1, v2;
	_ =	sdelay $0x1  }
0xbb: {  	[tilespmem:s30+$0x2800] =	vst v1;
	v2 =	vmul.f32 v1, v1  }
0xbc: {  	[tilespmem:s23+$0x0] =	vst.add.f32.msk $0xffff, v1  }
0xbd: {  	[tilespmem:s24+$0x0] =	vst.add.f32.msk $0xffff, v2  }
0xbe: {  	v1 =	vld [tilespmem:s30+$0x2810]  }
0xbf: {  	v2 =	vld [tilespmem:s30+$0xA810];
	_ =	sdelay $0x4  }
0xc0: {  	v1 =	vadd.f32 v2, v1;
	_ =	sdelay $0x1  }
.Ltmp7:
0xc1: {  	[tilespmem:s30+$0x2810] =	vst v1;
	v2 =	vmul.f32 v1, v1;
	(pc) =	sbr.rel @p0 .LBB2_8-.Ltmp7, $4  }
0xc2: {  	[tilespmem:s25+$0x0] =	vst.add.f32.msk $0xffff, v1  }
0xc3: {  	s30 =	sshra.s32 s31, $0x2;
	[tilespmem:s26+$0x0] =	vst.add.f32.msk $0xffff, v2  }
0xc4: {  	v1 =	vld [tilespmem:s30+$0xA800]  }
0xc5: {  	s31 =	sadd.s32 $0x80, s31;
	v2 =	vld [tilespmem:s30+$0x2800]  }
0xc6: {  	_ =	sdelay $0x3  }
0xc7: {  	v1 =	vadd.f32 v1, v2;
	_ =	sdelay $0x1  }
0xc8: {  	[tilespmem:s30+$0x2800] =	vst v1;
	v2 =	vmul.f32 v1, v1  }
0xc9: {  	[tilespmem:s23+$0x0] =	vst.add.f32.msk $0xffff, v1  }
0xca: {  	[tilespmem:s24+$0x0] =	vst.add.f32.msk $0xffff, v2  }
0xcb: {  	v1 =	vld [tilespmem:s30+$0x2810]  }
0xcc: {  	v2 =	vld [tilespmem:s30+$0xA810];
	_ =	sdelay $0x4  }
0xcd: {  	v1 =	vadd.f32 v2, v1;
	_ =	sdelay $0x1  }
0xce: {  	[tilespmem:s30+$0x2810] =	vst v1;
	v2 =	vmul.f32 v1, v1  }
0xcf: {  	[tilespmem:s25+$0x0] =	vst.add.f32.msk $0xffff, v1  }
0xd0: {  	s30 =	simm.s32 $0x0;
	[tilespmem:s26+$0x0] =	vst.add.f32.msk $0xffff, v2  }
0xd1: {  	v1 =	vld [tilespmem:s30+$0xB800]  }
0xd2: {  	s31 =	simm.s32 $0x80;
	v2 =	vld [tilespmem:s30+$0x3800]  }
.LBB2_10:
0xd3: {  	p0 =	sne.s32 s31, $0x3F80;
	_ =	sdelay $0x3  }
0xd4: {  	v1 =	vadd.f32 v1, v2;
	_ =	sdelay $0x1  }
0xd5: {  	[tilespmem:s30+$0x3800] =	vst v1;
	v2 =	vmul.f32 v1, v1  }
0xd6: {  	[tilespmem:s23+$0x0] =	vst.add.f32.msk $0xffff, v1  }
0xd7: {  	[tilespmem:s24+$0x0] =	vst.add.f32.msk $0xffff, v2  }
0xd8: {  	v1 =	vld [tilespmem:s30+$0x3810]  }
0xd9: {  	v2 =	vld [tilespmem:s30+$0xB810];
	_ =	sdelay $0x4  }
0xda: {  	v1 =	vadd.f32 v2, v1;
	_ =	sdelay $0x1  }
.Ltmp8:
0xdb: {  	[tilespmem:s30+$0x3810] =	vst v1;
	v2 =	vmul.f32 v1, v1;
	(pc) =	sbr.rel @p0 .LBB2_10-.Ltmp8, $4  }
0xdc: {  	[tilespmem:s25+$0x0] =	vst.add.f32.msk $0xffff, v1  }
0xdd: {  	s30 =	sshra.s32 s31, $0x2;
	[tilespmem:s26+$0x0] =	vst.add.f32.msk $0xffff, v2  }
0xde: {  	v1 =	vld [tilespmem:s30+$0xB800]  }
0xdf: {  	s31 =	sadd.s32 $0x80, s31;
	v2 =	vld [tilespmem:s30+$0x3800]  }
0xe0: {  	_ =	sdelay $0x3  }
0xe1: {  	v1 =	vadd.f32 v1, v2;
	_ =	sdelay $0x1  }
0xe2: {  	[tilespmem:s30+$0x3800] =	vst v1;
	v2 =	vmul.f32 v1, v1  }
0xe3: {  	[tilespmem:s23+$0x0] =	vst.add.f32.msk $0xffff, v1  }
0xe4: {  	[tilespmem:s24+$0x0] =	vst.add.f32.msk $0xffff, v2  }
0xe5: {  	v1 =	vld [tilespmem:s30+$0x3810]  }
0xe6: {  	v2 =	vld [tilespmem:s30+$0xB810];
	_ =	sdelay $0x3  }
0xe7: {  	p0 =	sgt.u32 s29, $0x9BF  }
.Ltmp9:
0xe8: {  	v1 =	vadd.f32 v2, v1;
	(pc) =	sbr.rel @p0 .LBB2_21-.Ltmp9, $4  }
0xe9: {  	_ = 	snop  }
0xea: {  	[tilespmem:s30+$0x3810] =	vst v1;
	v2 =	vmul.f32 v1, v1  }
0xeb: {  	[tilespmem:s25+$0x0] =	vst.add.f32.msk $0xffff, v1  }
0xec: {  	s31 =	simm.s32 $0x0;
	[tilespmem:s26+$0x0] =	vst.add.f32.msk $0xffff, v2  }
0xed: {  	s30 =	sshra.s32 s31, $0x2  }
0xee: {  	v1 =	vld [tilespmem:s30+$0xC800]  }
0xef: {  	s31 =	sadd.s32 $0x80, s31;
	v2 =	vld [tilespmem:s30+$0x4800]  }
.LBB2_13:
0xf0: {  	p0 =	sne.s32 s31, $0x3F80;
	_ =	sdelay $0x3  }
0xf1: {  	v1 =	vadd.f32 v1, v2;
	_ =	sdelay $0x1  }
0xf2: {  	[tilespmem:s30+$0x4800] =	vst v1;
	v2 =	vmul.f32 v1, v1  }
0xf3: {  	[tilespmem:s23+$0x0] =	vst.add.f32.msk $0xffff, v1  }
0xf4: {  	[tilespmem:s24+$0x0] =	vst.add.f32.msk $0xffff, v2  }
0xf5: {  	v1 =	vld [tilespmem:s30+$0x4810]  }
0xf6: {  	v2 =	vld [tilespmem:s30+$0xC810];
	_ =	sdelay $0x4  }
0xf7: {  	v1 =	vadd.f32 v2, v1;
	_ =	sdelay $0x1  }
.Ltmp10:
0xf8: {  	[tilespmem:s30+$0x4810] =	vst v1;
	v2 =	vmul.f32 v1, v1;
	(pc) =	sbr.rel @p0 .LBB2_13-.Ltmp10, $4  }
0xf9: {  	[tilespmem:s25+$0x0] =	vst.add.f32.msk $0xffff, v1  }
0xfa: {  	s30 =	sshra.s32 s31, $0x2;
	[tilespmem:s26+$0x0] =	vst.add.f32.msk $0xffff, v2  }
0xfb: {  	v1 =	vld [tilespmem:s30+$0xC800]  }
0xfc: {  	s31 =	sadd.s32 $0x80, s31;
	v2 =	vld [tilespmem:s30+$0x4800]  }
0xfd: {  	_ =	sdelay $0x3  }
0xfe: {  	v1 =	vadd.f32 v1, v2;
	_ =	sdelay $0x1  }
0xff: {  	[tilespmem:s30+$0x4800] =	vst v1;
	v2 =	vmul.f32 v1, v1  }
0x100: {  	[tilespmem:s23+$0x0] =	vst.add.f32.msk $0xffff, v1  }
0x101: {  	[tilespmem:s24+$0x0] =	vst.add.f32.msk $0xffff, v2  }
0x102: {  	v1 =	vld [tilespmem:s30+$0x4810]  }
0x103: {  	v2 =	vld [tilespmem:s30+$0xC810];
	_ =	sdelay $0x4  }
0x104: {  	v1 =	vadd.f32 v2, v1;
	_ =	sdelay $0x1  }
0x105: {  	[tilespmem:s30+$0x4810] =	vst v1;
	v2 =	vmul.f32 v1, v1  }
0x106: {  	[tilespmem:s25+$0x0] =	vst.add.f32.msk $0xffff, v1  }
0x107: {  	s30 =	simm.s32 $0x0;
	[tilespmem:s26+$0x0] =	vst.add.f32.msk $0xffff, v2  }
0x108: {  	v1 =	vld [tilespmem:s30+$0xD800]  }
0x109: {  	s31 =	simm.s32 $0x80;
	v2 =	vld [tilespmem:s30+$0x5800]  }
.LBB2_15:
0x10a: {  	p0 =	sne.s32 s31, $0x3F80;
	_ =	sdelay $0x3  }
0x10b: {  	v1 =	vadd.f32 v1, v2;
	_ =	sdelay $0x1  }
0x10c: {  	[tilespmem:s30+$0x5800] =	vst v1;
	v2 =	vmul.f32 v1, v1  }
0x10d: {  	[tilespmem:s23+$0x0] =	vst.add.f32.msk $0xffff, v1  }
0x10e: {  	[tilespmem:s24+$0x0] =	vst.add.f32.msk $0xffff, v2  }
0x10f: {  	v1 =	vld [tilespmem:s30+$0x5810]  }
0x110: {  	v2 =	vld [tilespmem:s30+$0xD810];
	_ =	sdelay $0x4  }
0x111: {  	v1 =	vadd.f32 v2, v1;
	_ =	sdelay $0x1  }
.Ltmp11:
0x112: {  	[tilespmem:s30+$0x5810] =	vst v1;
	v2 =	vmul.f32 v1, v1;
	(pc) =	sbr.rel @p0 .LBB2_15-.Ltmp11, $4  }
0x113: {  	[tilespmem:s25+$0x0] =	vst.add.f32.msk $0xffff, v1  }
0x114: {  	s30 =	sshra.s32 s31, $0x2;
	[tilespmem:s26+$0x0] =	vst.add.f32.msk $0xffff, v2  }
0x115: {  	v1 =	vld [tilespmem:s30+$0xD800]  }
0x116: {  	s31 =	sadd.s32 $0x80, s31;
	v2 =	vld [tilespmem:s30+$0x5800]  }
0x117: {  	_ =	sdelay $0x3  }
0x118: {  	v1 =	vadd.f32 v1, v2;
	_ =	sdelay $0x1  }
0x119: {  	[tilespmem:s30+$0x5800] =	vst v1;
	v2 =	vmul.f32 v1, v1  }
0x11a: {  	[tilespmem:s23+$0x0] =	vst.add.f32.msk $0xffff, v1  }
0x11b: {  	[tilespmem:s24+$0x0] =	vst.add.f32.msk $0xffff, v2  }
0x11c: {  	v1 =	vld [tilespmem:s30+$0x5810]  }
0x11d: {  	v2 =	vld [tilespmem:s30+$0xD810];
	_ =	sdelay $0x4  }
0x11e: {  	v1 =	vadd.f32 v2, v1;
	_ =	sdelay $0x1  }
0x11f: {  	[tilespmem:s30+$0x5810] =	vst v1;
	v2 =	vmul.f32 v1, v1  }
0x120: {  	[tilespmem:s25+$0x0] =	vst.add.f32.msk $0xffff, v1  }
0x121: {  	s30 =	simm.s32 $0x0;
	[tilespmem:s26+$0x0] =	vst.add.f32.msk $0xffff, v2  }
0x122: {  	v1 =	vld [tilespmem:s30+$0xE800]  }
0x123: {  	s31 =	simm.s32 $0x80;
	v2 =	vld [tilespmem:s30+$0x6800]  }
.LBB2_17:
0x124: {  	p0 =	sne.s32 s31, $0x3F80;
	_ =	sdelay $0x3  }
0x125: {  	v1 =	vadd.f32 v1, v2;
	_ =	sdelay $0x1  }
0x126: {  	[tilespmem:s30+$0x6800] =	vst v1;
	v2 =	vmul.f32 v1, v1  }
0x127: {  	[tilespmem:s23+$0x0] =	vst.add.f32.msk $0xffff, v1  }
0x128: {  	[tilespmem:s24+$0x0] =	vst.add.f32.msk $0xffff, v2  }
0x129: {  	v1 =	vld [tilespmem:s30+$0x6810]  }
0x12a: {  	v2 =	vld [tilespmem:s30+$0xE810];
	_ =	sdelay $0x4  }
0x12b: {  	v1 =	vadd.f32 v2, v1;
	_ =	sdelay $0x1  }
.Ltmp12:
0x12c: {  	[tilespmem:s30+$0x6810] =	vst v1;
	v2 =	vmul.f32 v1, v1;
	(pc) =	sbr.rel @p0 .LBB2_17-.Ltmp12, $4  }
0x12d: {  	[tilespmem:s25+$0x0] =	vst.add.f32.msk $0xffff, v1  }
0x12e: {  	s30 =	sshra.s32 s31, $0x2;
	[tilespmem:s26+$0x0] =	vst.add.f32.msk $0xffff, v2  }
0x12f: {  	v1 =	vld [tilespmem:s30+$0xE800]  }
0x130: {  	s31 =	sadd.s32 $0x80, s31;
	v2 =	vld [tilespmem:s30+$0x6800]  }
0x131: {  	_ =	sdelay $0x3  }
0x132: {  	v1 =	vadd.f32 v1, v2;
	_ =	sdelay $0x1  }
0x133: {  	[tilespmem:s30+$0x6800] =	vst v1;
	v2 =	vmul.f32 v1, v1  }
0x134: {  	[tilespmem:s23+$0x0] =	vst.add.f32.msk $0xffff, v1  }
0x135: {  	[tilespmem:s24+$0x0] =	vst.add.f32.msk $0xffff, v2  }
0x136: {  	v1 =	vld [tilespmem:s30+$0x6810]  }
0x137: {  	v2 =	vld [tilespmem:s30+$0xE810];
	_ =	sdelay $0x4  }
0x138: {  	v1 =	vadd.f32 v2, v1;
	_ =	sdelay $0x1  }
0x139: {  	[tilespmem:s30+$0x6810] =	vst v1;
	v2 =	vmul.f32 v1, v1  }
0x13a: {  	[tilespmem:s25+$0x0] =	vst.add.f32.msk $0xffff, v1  }
0x13b: {  	s30 =	simm.s32 $0x0;
	[tilespmem:s26+$0x0] =	vst.add.f32.msk $0xffff, v2  }
0x13c: {  	v1 =	vld [tilespmem:s30+$0xF800]  }
0x13d: {  	s31 =	simm.s32 $0x80;
	v2 =	vld [tilespmem:s30+$0x7800]  }
.LBB2_19:
0x13e: {  	p0 =	sne.s32 s31, $0x3F80;
	_ =	sdelay $0x3  }
0x13f: {  	v1 =	vadd.f32 v1, v2;
	_ =	sdelay $0x1  }
0x140: {  	[tilespmem:s30+$0x7800] =	vst v1;
	v2 =	vmul.f32 v1, v1  }
0x141: {  	[tilespmem:s23+$0x0] =	vst.add.f32.msk $0xffff, v1  }
0x142: {  	[tilespmem:s24+$0x0] =	vst.add.f32.msk $0xffff, v2  }
0x143: {  	v1 =	vld [tilespmem:s30+$0x7810]  }
0x144: {  	v2 =	vld [tilespmem:s30+$0xF810];
	_ =	sdelay $0x4  }
0x145: {  	v1 =	vadd.f32 v2, v1;
	_ =	sdelay $0x1  }
.Ltmp13:
0x146: {  	[tilespmem:s30+$0x7810] =	vst v1;
	v2 =	vmul.f32 v1, v1;
	(pc) =	sbr.rel @p0 .LBB2_19-.Ltmp13, $4  }
0x147: {  	[tilespmem:s25+$0x0] =	vst.add.f32.msk $0xffff, v1  }
0x148: {  	s30 =	sshra.s32 s31, $0x2;
	[tilespmem:s26+$0x0] =	vst.add.f32.msk $0xffff, v2  }
0x149: {  	v1 =	vld [tilespmem:s30+$0xF800]  }
0x14a: {  	s31 =	sadd.s32 $0x80, s31;
	v2 =	vld [tilespmem:s30+$0x7800]  }
0x14b: {  	_ =	sdelay $0x3  }
0x14c: {  	v1 =	vadd.f32 v1, v2;
	_ =	sdelay $0x1  }
0x14d: {  	[tilespmem:s30+$0x7800] =	vst v1;
	v2 =	vmul.f32 v1, v1  }
0x14e: {  	[tilespmem:s23+$0x0] =	vst.add.f32.msk $0xffff, v1  }
0x14f: {  	[tilespmem:s24+$0x0] =	vst.add.f32.msk $0xffff, v2  }
0x150: {  	v1 =	vld [tilespmem:s30+$0x7810]  }
0x151: {  	v2 =	vld [tilespmem:s30+$0xF810];
	_ =	sdelay $0x4  }
.Ltmp14:
0x152: {  	v1 =	vadd.f32 v2, v1;
	(pc) =	sbr.rel .LBB2_21-.Ltmp14, $4  }
0x153: {  	_ = 	snop  }
0x154: {  	[tilespmem:s30+$0x7810] =	vst v1;
	v2 =	vmul.f32 v1, v1  }
0x155: {  	[tilespmem:s25+$0x0] =	vst.add.f32.msk $0xffff, v1  }
0x156: {  	[tilespmem:s26+$0x0] =	vst.add.f32.msk $0xffff, v2  }
.LBB2_23:
0x157: {  	_ =	sfence.sel $0x180000  }
0x158: {  	[bflag:$0x0] =	sbarrier.arrive $0xFFFF  }
0x159: {  	_ =	strace $0x90000047  }
0x15a: {  	s0 =	stileid.u32;
	[bflag:$0x2] =	sbarrier.arrive $0xFFFF  }
0x15b: {  	p0 =	sne.s32 s0, $0x0;
	s0 =	rddreg [dreg:$0x2]  }
0x15c: {  	s0 =	sadd.s32 @!p0 $0x100000, s0  }
0x15d: {  	[sflag:s0] =	ssyncadd.tile.s32 @!p0 $0x1;
	_ =	shalt  }
.Lfunc_end2:
_tile_overlayer_lowered:
.L_overlay_start_2:
0x15e: {  	(tag) =	ssettag $0x2  }
0x15f: {  	s0 =	rddreg [dreg:$0x0];
	s2 =	stileid.u32  }
0x160: {  	s1 =	rddreg [dreg:$0x1];
	p0 =	sne.s32 s2, $0x0  }
0x161: {  	s3 =	rddreg [dreg:$0x2];
	[bflag:$0x3] =	sbarrier.arrive $0xFFFF;
	s2 =	simm.s32 @!p0 $0x1C02  }
0x162: {  	[timem:s3], [sflag:s2] =	dma.local @!p0 [hbm:s0], s1  }
0x163: {  	s0 =	simm.s32 @!p0 $0x2  }
0x164: {  	_ =	swait.ge @!p0 [sflag:s0], s1  }
0x165: {  	s1 =	ssub.s32 @!p0 $0x0, s1;
	[sflag:s0] =	ssyncset.done @!p0 $0x0  }
0x166: {  	[sflag:s0] =	ssyncadd.s32 @!p0 s1  }
0x167: {  	[bflag:$0x3] =	sbarrier.arrive $0xFFFF  }
0x168: {  	_ =	shalt  }

</sc_bundles>
